<compile_context>
chip_gen: v7x
topology: tpu7x:2x2x1
jax: 0.10.2.dev20260603
libtpu: 0.0.44.dev20260713+nightly
codegen_flags: <defaults>
</compile_context>

<pallas_src>
import functools

import jax
import jax.numpy as jnp
from jax import lax
from jax.experimental import pallas as pl
from jax.experimental.pallas import tpu as pltpu
from jax.experimental.pallas import tpu_sc as plsc

N = 10000
E = 640000
D = 128
NUM_GRAPHS = 64

NC = 2
NS = 16
NW = NC * NS
CHUNK = 112
NCH0 = 300
NCH1 = 60
NCH_TOT = NCH0 + NCH1
E_PAD = NS * NCH_TOT * CHUNK
DEPTH = 3
E_ALLOC = E_PAD + 512
ROWS_PER_TILE = 640
N_PAD = NS * ROWS_PER_TILE
ACC_ROWS = N_PAD + 8



_sc_mesh = plsc.VectorSubcoreMesh(core_axis_name="c", subcore_axis_name="s")


@functools.partial(
    pl.kernel,
    out_type=jax.ShapeDtypeStruct((NC, N_PAD, D), jnp.float32),
    mesh=_sc_mesh,
    scratch_types=(
        [pltpu.VMEM((CHUNK,), jnp.int32)] * (2 * DEPTH)
        + [pltpu.VMEM((CHUNK, D), jnp.float32)] * DEPTH
        + [pltpu.VMEM_SHARED((ACC_ROWS, D), jnp.float32)]
        + [pltpu.SemaphoreType.DMA] * (2 * DEPTH)
    ),
)
def _sc_agg(h_hbm, src_hbm, dst_hbm, zeros_hbm, out_hbm, *scr):
    sidx = scr[:DEPTH]
    didx = scr[DEPTH:2 * DEPTH]
    rows = scr[2 * DEPTH:3 * DEPTH]
    acc = scr[3 * DEPTH]
    gsem = scr[3 * DEPTH + 1:3 * DEPTH + 1 + DEPTH]
    ssem = scr[3 * DEPTH + 1 + DEPTH:]
    c = lax.axis_index("c")
    s = lax.axis_index("s")
    base_chunk = jnp.where(c == 0, s * NCH0, NS * NCH0 + s * NCH1)
    n_outer = jnp.where(c == 0, NCH0 // DEPTH, NCH1 // DEPTH)
    base = base_chunk * CHUNK
    pltpu.sync_copy(zeros_hbm, acc.at[pl.ds(s * ROWS_PER_TILE, ROWS_PER_TILE)])
    plsc.subcore_barrier()

    def off(j):
        return pl.multiple_of(base + j * CHUNK, 8)

    for k in range(DEPTH):
        pltpu.sync_copy(src_hbm.at[pl.ds(off(k), CHUNK)], sidx[k])
        pltpu.async_copy(h_hbm.at[sidx[k]], rows[k], gsem[k])

    def body(o, carry):
        for p in range(DEPTH):
            j = o * DEPTH + p
            pltpu.make_async_copy(h_hbm.at[sidx[p]], rows[p], gsem[p]).wait()
            pltpu.sync_copy(dst_hbm.at[pl.ds(off(j), CHUNK)], didx[p])
            pltpu.async_copy(rows[p], acc.at[didx[p]], ssem[p], add=True)
            pltpu.sync_copy(src_hbm.at[pl.ds(off(j + DEPTH), CHUNK)], sidx[p])
            pltpu.make_async_copy(rows[p], acc.at[didx[p]], ssem[p]).wait()
            pltpu.async_copy(h_hbm.at[sidx[p]], rows[p], gsem[p])
        return carry

    lax.fori_loop(0, n_outer, body, 0)
    for p in range(DEPTH):
        pltpu.make_async_copy(h_hbm.at[sidx[p]], rows[p], gsem[p]).wait()
    plsc.subcore_barrier()
    pltpu.sync_copy(
        acc.at[pl.ds(s * ROWS_PER_TILE, ROWS_PER_TILE)],
        out_hbm.at[c, pl.ds(s * ROWS_PER_TILE, ROWS_PER_TILE)],
    )



BLK = 2000
GRID = N // BLK


def _mlp_body(h_ref, a0_ref, a1_ref, w1_ref, b1_ref, w2_ref, b2_ref,
              z_ref, sum_ref, sq_ref):
    zin = h_ref[...] + a0_ref[...] + a1_ref[...]
    z1 = jnp.maximum(
        jnp.dot(zin, w1_ref[...], preferred_element_type=jnp.float32)
        + b1_ref[0:1, :], 0.0)
    z2 = jnp.maximum(
        jnp.dot(z1, w2_ref[...], preferred_element_type=jnp.float32)
        + b2_ref[0:1, :], 0.0)
    z_ref[...] = z2

    @pl.when(pl.program_id(0) == 0)
    def _():
        sum_ref[...] = jnp.zeros_like(sum_ref)
        sq_ref[...] = jnp.zeros_like(sq_ref)

    sum_ref[...] += jnp.broadcast_to(jnp.sum(z2, axis=0, keepdims=True), (8, D))
    sq_ref[...] += jnp.broadcast_to(jnp.sum(z2 * z2, axis=0, keepdims=True), (8, D))


def _mlp(h, a0, a1, w1, b1, w2, b2):
    full = pl.BlockSpec((8, D), lambda i: (0, 0))
    wfull = pl.BlockSpec((D, D), lambda i: (0, 0))
    blk = pl.BlockSpec((BLK, D), lambda i: (i, 0))
    return pl.pallas_call(
        _mlp_body,
        grid=(GRID,),
        in_specs=[blk, blk, blk, wfull, full, wfull, full],
        out_specs=[blk, full, full],
        out_shape=[
            jax.ShapeDtypeStruct((N, D), jnp.float32),
            jax.ShapeDtypeStruct((8, D), jnp.float32),
            jax.ShapeDtypeStruct((8, D), jnp.float32),
        ],
    )(h, a0, a1, w1, b1, w2, b2)


def _norm_body(first, z_ref, sum_ref, sq_ref, g_ref, be_ref, hprev_ref, out_ref):
    mu = sum_ref[0:1, :] * (1.0 / N)
    var = sq_ref[0:1, :] * (1.0 / N) - mu * mu
    inv = lax.rsqrt(var + 1e-5)
    bn = (z_ref[...] - mu) * (inv * g_ref[0:1, :]) + be_ref[0:1, :]
    if first:
        out_ref[...] = bn
    else:
        out_ref[...] = hprev_ref[...] + bn


def _norm(z, ssum, ssq, gamma, beta, hprev, first):
    full = pl.BlockSpec((8, D), lambda i: (0, 0))
    blk = pl.BlockSpec((BLK, D), lambda i: (i, 0))
    return pl.pallas_call(
        functools.partial(_norm_body, first),
        grid=(GRID,),
        in_specs=[blk, full, full, full, full, blk],
        out_specs=blk,
        out_shape=jax.ShapeDtypeStruct((N, D), jnp.float32),
    )(z, ssum, ssq, gamma, beta, hprev)


def _pool_body(h_ref, b_ref, sum_ref, cnt_ref, max_ref):
    @pl.when(pl.program_id(0) == 0)
    def _():
        sum_ref[...] = jnp.zeros_like(sum_ref)
        cnt_ref[...] = jnp.zeros_like(cnt_ref)
        max_ref[...] = jnp.full_like(max_ref, -jnp.inf)

    hb = h_ref[...]
    bid = b_ref[0, 0, :]
    segs = lax.broadcasted_iota(jnp.int32, (BLK, NUM_GRAPHS), 1)
    onehot = (bid[:, None] == segs).astype(jnp.float32)
    sum_ref[...] += jnp.dot(onehot.T, hb, preferred_element_type=jnp.float32)
    cnt_ref[...] += jnp.dot(onehot.T, jnp.ones_like(hb),
                            preferred_element_type=jnp.float32)
    upd = []
    for sgi in range(NUM_GRAPHS):
        m = jnp.where(bid[:, None] == sgi, hb, -jnp.inf)
        upd.append(jnp.max(m, axis=0))
    max_ref[...] = jnp.maximum(max_ref[...], jnp.stack(upd, axis=0))


def _pool(h, batch):
    b3 = batch.reshape(GRID, 1, BLK)
    return pl.pallas_call(
        _pool_body,
        grid=(GRID,),
        in_specs=[
            pl.BlockSpec((BLK, D), lambda i: (i, 0)),
            pl.BlockSpec((1, 1, BLK), lambda i: (i, 0, 0)),
        ],
        out_specs=[
            pl.BlockSpec((NUM_GRAPHS, D), lambda i: (0, 0)),
            pl.BlockSpec((NUM_GRAPHS, D), lambda i: (0, 0)),
            pl.BlockSpec((NUM_GRAPHS, D), lambda i: (0, 0)),
        ],
        out_shape=[
            jax.ShapeDtypeStruct((NUM_GRAPHS, D), jnp.float32),
            jax.ShapeDtypeStruct((NUM_GRAPHS, D), jnp.float32),
            jax.ShapeDtypeStruct((NUM_GRAPHS, D), jnp.float32),
        ],
    )(h, b3)


def _final_body(sum_ref, cnt_ref, max_ref, wp_ref, bp_ref, out_ref):
    mean = sum_ref[...] / jnp.maximum(cnt_ref[...], 1.0)
    wp = wp_ref[...]
    out_ref[...] = (
        jnp.dot(mean, wp[:D, :], preferred_element_type=jnp.float32)
        + jnp.dot(max_ref[...], wp[D:, :], preferred_element_type=jnp.float32)
        + bp_ref[0:1, :]
    )


def _final(ssum, cnt, smax, wp, bp):
    return pl.pallas_call(
        _final_body,
        out_shape=jax.ShapeDtypeStruct((NUM_GRAPHS, D), jnp.float32),
    )(ssum, cnt, smax, wp, bp)



def kernel(x, edge_index, batch, W1, b1, W2, b2, bn_gamma, bn_beta, Wp, bp):
    src = edge_index[0].astype(jnp.int32)
    dst = edge_index[1].astype(jnp.int32)
    pad = E_ALLOC - E
    src_p = jnp.concatenate([src, jnp.zeros((pad,), jnp.int32)])
    dst_p = jnp.concatenate([dst, jnp.full((pad,), N_PAD, jnp.int32)])
    zeros = jnp.zeros((ROWS_PER_TILE, D), jnp.float32)

    def row8(v):
        return jnp.broadcast_to(v.reshape(1, D), (8, D))

    h = x
    for i in range(5):
        agg = _sc_agg(h, src_p, dst_p, zeros)
        z, ssum, ssq = _mlp(h, agg[0, :N], agg[1, :N], W1[i], row8(b1[i]), W2[i],
                            row8(b2[i]))
        h = _norm(z, ssum, ssq, row8(bn_gamma[i]), row8(bn_beta[i]), h, first=(i == 0))

    ssum, cnt, smax = _pool(h, batch.astype(jnp.int32))
    bp8 = jnp.broadcast_to(bp.reshape(1, D), (8, D))
    return _final(ssum, cnt, smax, Wp, bp8)

# --- scband reference (transcript-rebuilt; emitter-appended) ---
"""Pipeline reference for scband-gindrug-encoder-1812476199544 (READ-ONLY COPY).

The authoritative reference and input builder live on the scoring server;
editing this copy changes nothing except your own understanding.
"""

import jax, jax.numpy as jnp
import numpy as np

N_NODES = 10000
N_EDGES = 640000
D = 128
L = 5
NUM_GRAPHS = 64
OUT_DIM = 128


def setup_inputs(seed: int = 0) -> dict:
    key = jax.random.key(seed)
    ks = jax.random.split(key, 12)
    x = jax.random.normal(ks[0], (N_NODES, D), dtype=jnp.float32)
    edge_index = jax.random.randint(ks[1], (2, N_EDGES), 0, N_NODES, dtype=jnp.int64 if jax.config.jax_enable_x64 else jnp.int32)
    batch = jnp.sort(jax.random.randint(ks[2], (N_NODES,), 0, NUM_GRAPHS, dtype=jnp.int64 if jax.config.jax_enable_x64 else jnp.int32))
    s1 = 1.0 / np.sqrt(D)
    W1 = jax.random.uniform(ks[3], (L, D, D), minval=-s1, maxval=s1, dtype=jnp.float32)
    b1 = jax.random.uniform(ks[4], (L, D), minval=-s1, maxval=s1, dtype=jnp.float32)
    W2 = jax.random.uniform(ks[5], (L, D, D), minval=-s1, maxval=s1, dtype=jnp.float32)
    b2 = jax.random.uniform(ks[6], (L, D), minval=-s1, maxval=s1, dtype=jnp.float32)
    bn_gamma = jnp.ones((L, D), dtype=jnp.float32)
    bn_beta = jnp.zeros((L, D), dtype=jnp.float32)
    s2 = 1.0 / np.sqrt(2 * D)
    Wp = jax.random.uniform(ks[7], (2 * D, OUT_DIM), minval=-s2, maxval=s2, dtype=jnp.float32)
    bp = jax.random.uniform(ks[8], (OUT_DIM,), minval=-s2, maxval=s2, dtype=jnp.float32)
    return {"x": x, "edge_index": edge_index, "batch": batch, "W1": W1, "b1": b1, "W2": W2, "b2": b2, "bn_gamma": bn_gamma, "bn_beta": bn_beta, "Wp": Wp, "bp": bp}


def reference(x, edge_index, batch, W1, b1, W2, b2, bn_gamma, bn_beta, Wp, bp):
    src = edge_index[0]
    dst = edge_index[1]
    h = x
    for i in range(L):
        # GINConv: mlp((1+eps)*x + sum_{j in N(i)} x_j), eps=0
        agg = jnp.zeros_like(h).at[dst].add(h[src])
        z = h + agg
        z = jnp.maximum(z @ W1[i] + b1[i], 0.0)
        z = z @ W2[i] + b2[i]
        z = jnp.maximum(z, 0.0)  # F.relu(gin_layer(...))
        # BatchNorm1d (train-mode batch statistics, biased var, eps=1e-5)
        mu = jnp.mean(z, axis=0)
        var = jnp.var(z, axis=0)
        z = (z - mu) / jnp.sqrt(var + 1e-5) * bn_gamma[i] + bn_beta[i]
        # dropout p=0.0 -> identity
        if i > 0 and h.shape[-1] == z.shape[-1]:
            h = h + z
        else:
            h = z
    seg_sum = jax.ops.segment_sum(h, batch, num_segments=NUM_GRAPHS)
    counts = jax.ops.segment_sum(jnp.ones((h.shape[0],), dtype=h.dtype), batch, num_segments=NUM_GRAPHS)
    mean_pool = seg_sum / jnp.maximum(counts, 1.0)[:, None]
    max_pool = jax.ops.segment_max(h, batch, num_segments=NUM_GRAPHS)
    combined = jnp.concatenate([mean_pool, max_pool], axis=1)
    return combined @ Wp + bp

if __name__ == "__main__":
    import jax
    _d = setup_inputs()
    print(jax.jit(kernel)(*tuple(_d.values())))

</pallas_src>

<mosaic_0001>
#map = affine_map<(d0, d1) -> (0, 0)>
#map1 = affine_map<(d0, d1) -> (0)>
#map2 = affine_map<(d0, d1) -> (0, 0, 0)>
module attributes {stable_mosaic.version = 14 : i64} {
  func.func @_sc_agg(%arg0: i32, %arg1: i32, %arg2: memref<10000x128xf32, #tpu.memory_space<hbm>>, %arg3: memref<645632xi32, #tpu.memory_space<hbm>>, %arg4: memref<645632xi32, #tpu.memory_space<hbm>>, %arg5: memref<640x128xf32, #tpu.memory_space<hbm>>, %arg6: memref<2x10240x128xf32, #tpu.memory_space<hbm>>, %arg7: memref<112xi32, #tpu.memory_space<vmem>>, %arg8: memref<112xi32, #tpu.memory_space<vmem>>, %arg9: memref<112xi32, #tpu.memory_space<vmem>>, %arg10: memref<112xi32, #tpu.memory_space<vmem>>, %arg11: memref<112xi32, #tpu.memory_space<vmem>>, %arg12: memref<112xi32, #tpu.memory_space<vmem>>, %arg13: memref<112x128xf32, #tpu.memory_space<vmem>>, %arg14: memref<112x128xf32, #tpu.memory_space<vmem>>, %arg15: memref<112x128xf32, #tpu.memory_space<vmem>>, %arg16: memref<10248x128xf32, #tpu.memory_space<vmem_shared>>, %arg17: memref<!tpu.dma_semaphore, #tpu.memory_space<semaphore_mem>>, %arg18: memref<!tpu.dma_semaphore, #tpu.memory_space<semaphore_mem>>, %arg19: memref<!tpu.dma_semaphore, #tpu.memory_space<semaphore_mem>>, %arg20: memref<!tpu.dma_semaphore, #tpu.memory_space<semaphore_mem>>, %arg21: memref<!tpu.dma_semaphore, #tpu.memory_space<semaphore_mem>>, %arg22: memref<!tpu.dma_semaphore, #tpu.memory_space<semaphore_mem>>) attributes {dimension_semantics = [#tpu.dimension_semantics<core_parallel>, #tpu.dimension_semantics<subcore_parallel>], iteration_bounds = array<i64: 2, 16>, scalar_prefetch = 0 : i64, scratch_operands = 16 : i64, tpu.core_type = #tpu.core_type<sc_vector_subcore>, window_params = [{transform_indices = #map}, {transform_indices = #map1}, {transform_indices = #map1}, {transform_indices = #map}, {transform_indices = #map2}]} {
    %eq3A = arith.constant 0 : i32
    %eq3A_0 = arith.cmpi eq, %arg0, %eq3A : i32
    %mul3A = arith.constant 300 : i32
    %mul3A_1 = arith.muli %arg1, %mul3A : i32
    %mul3A_2 = arith.constant 60 : i32
    %mul3A_3 = arith.muli %arg1, %mul3A_2 : i32
    %add3A = arith.constant 4800 : i32
    %add3A_4 = arith.addi %add3A, %mul3A_3 : i32
    %select_n3A = arith.select %eq3A_0, %mul3A_1, %add3A_4 : i32
    %eq3A_5 = arith.constant 0 : i32
    %eq3A_6 = arith.cmpi eq, %arg0, %eq3A_5 : i32
    %jit3A = arith.constant 100 : i32
    %jit3A_7 = arith.constant 20 : i32
    %select_n3A_8 = arith.select %eq3A_6, %jit3A, %jit3A_7 : i32
    %mul3A_9 = arith.constant 112 : i32
    %mul3A_10 = arith.muli %select_n3A, %mul3A_9 : i32
    %mul3A_11 = arith.constant 640 : i32
    %mul3A_12 = arith.muli %arg1, %mul3A_11 : i32
    "tpu.region"() ({
      %run_scoped3A = tpu.sem_alloc : memref<!tpu.dma_semaphore, #tpu.memory_space<semaphore_mem>>
      %dma_start3A_51 = arith.constant 0 : i32
      %dma_start3A_52 = tpu.memref_slice %arg16[%mul3A_12, %dma_start3A_51] : memref<10248x128xf32, #tpu.memory_space<vmem_shared>> -> memref<640x128xf32, #tpu.memory_space<vmem_shared>>
      tpu.enqueue_dma source(%arg5 : memref<640x128xf32, #tpu.memory_space<hbm>>) target(%dma_start3A_52 : memref<640x128xf32, #tpu.memory_space<vmem_shared>>) target_semaphore(%run_scoped3A : memref<!tpu.dma_semaphore, #tpu.memory_space<semaphore_mem>>)
      %dma_wait3A_53 = arith.constant 0 : i32
      %dma_wait3A_54 = tpu.memref_slice %arg16[%mul3A_12, %dma_wait3A_53] : memref<10248x128xf32, #tpu.memory_space<vmem_shared>> -> memref<640x128xf32, #tpu.memory_space<vmem_shared>>
      tpu.wait_dma2 semaphore(%run_scoped3A : memref<!tpu.dma_semaphore, #tpu.memory_space<semaphore_mem>>) src(%arg5 : memref<640x128xf32, #tpu.memory_space<hbm>>) dst(%dma_wait3A_54 : memref<640x128xf32, #tpu.memory_space<vmem_shared>>)
      tpu.yield
    }) : () -> ()
    %barrier3A = arith.constant 0 : index
    tpu.barrier barrier_id(%barrier3A)
    %add3A_13 = arith.constant 0 : i32
    %add3A_14 = arith.addi %mul3A_10, %add3A_13 : i32
    %multiple_of3A = tpu.assume_multiple %add3A_14, 8 : i32
    "tpu.region"() ({
      %run_scoped3A = tpu.sem_alloc : memref<!tpu.dma_semaphore, #tpu.memory_space<semaphore_mem>>
      %dma_start3A_51 = tpu.memref_slice %arg3[%multiple_of3A] : memref<645632xi32, #tpu.memory_space<hbm>> -> memref<112xi32, #tpu.memory_space<hbm>>
      %dma_start3A_52 = tpu.memref_slice %arg3[%multiple_of3A] : memref<645632xi32, #tpu.memory_space<hbm>> -> memref<112xi32, #tpu.memory_space<hbm>>
      tpu.enqueue_dma source(%dma_start3A_52 : memref<112xi32, #tpu.memory_space<hbm>>) target(%arg7 : memref<112xi32, #tpu.memory_space<vmem>>) target_semaphore(%run_scoped3A : memref<!tpu.dma_semaphore, #tpu.memory_space<semaphore_mem>>)
      %dma_wait3A_53 = tpu.memref_slice %arg3[%multiple_of3A] : memref<645632xi32, #tpu.memory_space<hbm>> -> memref<112xi32, #tpu.memory_space<hbm>>
      %dma_wait3A_54 = tpu.memref_slice %arg3[%multiple_of3A] : memref<645632xi32, #tpu.memory_space<hbm>> -> memref<112xi32, #tpu.memory_space<hbm>>
      tpu.wait_dma2 semaphore(%run_scoped3A : memref<!tpu.dma_semaphore, #tpu.memory_space<semaphore_mem>>) src(%dma_wait3A_54 : memref<112xi32, #tpu.memory_space<hbm>>) dst(%arg7 : memref<112xi32, #tpu.memory_space<vmem>>)
      tpu.yield
    }) : () -> ()
    %dma_start3A = arith.constant 0 : i32
    %dma_start3A_15 = arith.constant 0 : i32
    %dma_start3A_16 = tpu.memref_slice %arg2[%dma_start3A, %dma_start3A_15] : memref<10000x128xf32, #tpu.memory_space<hbm>> -> memref<10000x128xf32, #tpu.memory_space<hbm>>
    tpu.enqueue_indirect_dma source(%dma_start3A_16 : memref<10000x128xf32, #tpu.memory_space<hbm>>) target(%arg13 : memref<112x128xf32, #tpu.memory_space<vmem>>) offsets(%arg7 : memref<112xi32, #tpu.memory_space<vmem>>) semaphore(%arg17 : memref<!tpu.dma_semaphore, #tpu.memory_space<semaphore_mem>>)
    %add3A_17 = arith.constant 112 : i32
    %add3A_18 = arith.addi %mul3A_10, %add3A_17 : i32
    %multiple_of3A_19 = tpu.assume_multiple %add3A_18, 8 : i32
    "tpu.region"() ({
      %run_scoped3A = tpu.sem_alloc : memref<!tpu.dma_semaphore, #tpu.memory_space<semaphore_mem>>
      %dma_start3A_51 = tpu.memref_slice %arg3[%multiple_of3A_19] : memref<645632xi32, #tpu.memory_space<hbm>> -> memref<112xi32, #tpu.memory_space<hbm>>
      %dma_start3A_52 = tpu.memref_slice %arg3[%multiple_of3A_19] : memref<645632xi32, #tpu.memory_space<hbm>> -> memref<112xi32, #tpu.memory_space<hbm>>
      tpu.enqueue_dma source(%dma_start3A_52 : memref<112xi32, #tpu.memory_space<hbm>>) target(%arg8 : memref<112xi32, #tpu.memory_space<vmem>>) target_semaphore(%run_scoped3A : memref<!tpu.dma_semaphore, #tpu.memory_space<semaphore_mem>>)
      %dma_wait3A_53 = tpu.memref_slice %arg3[%multiple_of3A_19] : memref<645632xi32, #tpu.memory_space<hbm>> -> memref<112xi32, #tpu.memory_space<hbm>>
      %dma_wait3A_54 = tpu.memref_slice %arg3[%multiple_of3A_19] : memref<645632xi32, #tpu.memory_space<hbm>> -> memref<112xi32, #tpu.memory_space<hbm>>
      tpu.wait_dma2 semaphore(%run_scoped3A : memref<!tpu.dma_semaphore, #tpu.memory_space<semaphore_mem>>) src(%dma_wait3A_54 : memref<112xi32, #tpu.memory_space<hbm>>) dst(%arg8 : memref<112xi32, #tpu.memory_space<vmem>>)
      tpu.yield
    }) : () -> ()
    %dma_start3A_20 = arith.constant 0 : i32
    %dma_start3A_21 = arith.constant 0 : i32
    %dma_start3A_22 = tpu.memref_slice %arg2[%dma_start3A_20, %dma_start3A_21] : memref<10000x128xf32, #tpu.memory_space<hbm>> -> memref<10000x128xf32, #tpu.memory_space<hbm>>
    tpu.enqueue_indirect_dma source(%dma_start3A_22 : memref<10000x128xf32, #tpu.memory_space<hbm>>) target(%arg14 : memref<112x128xf32, #tpu.memory_space<vmem>>) offsets(%arg8 : memref<112xi32, #tpu.memory_space<vmem>>) semaphore(%arg18 : memref<!tpu.dma_semaphore, #tpu.memory_space<semaphore_mem>>)
    %add3A_23 = arith.constant 224 : i32
    %add3A_24 = arith.addi %mul3A_10, %add3A_23 : i32
    %multiple_of3A_25 = tpu.assume_multiple %add3A_24, 8 : i32
    "tpu.region"() ({
      %run_scoped3A = tpu.sem_alloc : memref<!tpu.dma_semaphore, #tpu.memory_space<semaphore_mem>>
      %dma_start3A_51 = tpu.memref_slice %arg3[%multiple_of3A_25] : memref<645632xi32, #tpu.memory_space<hbm>> -> memref<112xi32, #tpu.memory_space<hbm>>
      %dma_start3A_52 = tpu.memref_slice %arg3[%multiple_of3A_25] : memref<645632xi32, #tpu.memory_space<hbm>> -> memref<112xi32, #tpu.memory_space<hbm>>
      tpu.enqueue_dma source(%dma_start3A_52 : memref<112xi32, #tpu.memory_space<hbm>>) target(%arg9 : memref<112xi32, #tpu.memory_space<vmem>>) target_semaphore(%run_scoped3A : memref<!tpu.dma_semaphore, #tpu.memory_space<semaphore_mem>>)
      %dma_wait3A_53 = tpu.memref_slice %arg3[%multiple_of3A_25] : memref<645632xi32, #tpu.memory_space<hbm>> -> memref<112xi32, #tpu.memory_space<hbm>>
      %dma_wait3A_54 = tpu.memref_slice %arg3[%multiple_of3A_25] : memref<645632xi32, #tpu.memory_space<hbm>> -> memref<112xi32, #tpu.memory_space<hbm>>
      tpu.wait_dma2 semaphore(%run_scoped3A : memref<!tpu.dma_semaphore, #tpu.memory_space<semaphore_mem>>) src(%dma_wait3A_54 : memref<112xi32, #tpu.memory_space<hbm>>) dst(%arg9 : memref<112xi32, #tpu.memory_space<vmem>>)
      tpu.yield
    }) : () -> ()
    %dma_start3A_26 = arith.constant 0 : i32
    %dma_start3A_27 = arith.constant 0 : i32
    %dma_start3A_28 = tpu.memref_slice %arg2[%dma_start3A_26, %dma_start3A_27] : memref<10000x128xf32, #tpu.memory_space<hbm>> -> memref<10000x128xf32, #tpu.memory_space<hbm>>
    tpu.enqueue_indirect_dma source(%dma_start3A_28 : memref<10000x128xf32, #tpu.memory_space<hbm>>) target(%arg15 : memref<112x128xf32, #tpu.memory_space<vmem>>) offsets(%arg9 : memref<112xi32, #tpu.memory_space<vmem>>) semaphore(%arg19 : memref<!tpu.dma_semaphore, #tpu.memory_space<semaphore_mem>>)
    %while3A = arith.constant 0 : i32
    %while3A_29 = arith.constant 0 : i32
    %while3A_30 = arith.subi %select_n3A_8, %while3A_29 : i32
    %while3A_31 = arith.addi %while3A_29, %while3A_30 : i32
    %while3A_32 = arith.constant 1 : i32
    %while3A_33 = arith.divsi %while3A_30, %while3A_32 : i32
    %while3A_34 = arith.muli %while3A_33, %while3A_32 : i32
    %while3A_35 = arith.addi %while3A_29, %while3A_34 : i32
    %while3A_36 = arith.constant 1 : i32
    scf.for %while3A_51 = %while3A_29 to %while3A_35 step %while3A_36  : i32 {
      %mul3A_52 = arith.constant 3 : i32
      %mul3A_53 = arith.muli %while3A_51, %mul3A_52 : i32
      %add3A_54 = arith.constant 0 : i32
      %add3A_55 = arith.addi %mul3A_53, %add3A_54 : i32
      %dma_wait3A_56 = arith.constant 0 : i32
      %dma_wait3A_57 = arith.constant 0 : i32
      %dma_wait3A_58 = tpu.memref_slice %arg2[%dma_wait3A_56, %dma_wait3A_57] : memref<10000x128xf32, #tpu.memory_space<hbm>> -> memref<10000x128xf32, #tpu.memory_space<hbm>>
      tpu.wait_indirect_dma semaphore(%arg17 : memref<!tpu.dma_semaphore, #tpu.memory_space<semaphore_mem>>) src(%dma_wait3A_58 : memref<10000x128xf32, #tpu.memory_space<hbm>>) dst(%arg13 : memref<112x128xf32, #tpu.memory_space<vmem>>)
      %mul3A_59 = arith.constant 112 : i32
      %mul3A_60 = arith.muli %add3A_55, %mul3A_59 : i32
      %add3A_61 = arith.addi %mul3A_10, %mul3A_60 : i32
      %multiple_of3A_62 = tpu.assume_multiple %add3A_61, 8 : i32
      "tpu.region"() ({
        %run_scoped3A = tpu.sem_alloc : memref<!tpu.dma_semaphore, #tpu.memory_space<semaphore_mem>>
        %dma_start3A_130 = tpu.memref_slice %arg4[%multiple_of3A_62] : memref<645632xi32, #tpu.memory_space<hbm>> -> memref<112xi32, #tpu.memory_space<hbm>>
        %dma_start3A_131 = tpu.memref_slice %arg4[%multiple_of3A_62] : memref<645632xi32, #tpu.memory_space<hbm>> -> memref<112xi32, #tpu.memory_space<hbm>>
        tpu.enqueue_dma source(%dma_start3A_131 : memref<112xi32, #tpu.memory_space<hbm>>) target(%arg10 : memref<112xi32, #tpu.memory_space<vmem>>) target_semaphore(%run_scoped3A : memref<!tpu.dma_semaphore, #tpu.memory_space<semaphore_mem>>)
        %dma_wait3A_132 = tpu.memref_slice %arg4[%multiple_of3A_62] : memref<645632xi32, #tpu.memory_space<hbm>> -> memref<112xi32, #tpu.memory_space<hbm>>
        %dma_wait3A_133 = tpu.memref_slice %arg4[%multiple_of3A_62] : memref<645632xi32, #tpu.memory_space<hbm>> -> memref<112xi32, #tpu.memory_space<hbm>>
        tpu.wait_dma2 semaphore(%run_scoped3A : memref<!tpu.dma_semaphore, #tpu.memory_space<semaphore_mem>>) src(%dma_wait3A_133 : memref<112xi32, #tpu.memory_space<hbm>>) dst(%arg10 : memref<112xi32, #tpu.memory_space<vmem>>)
        tpu.yield
      }) : () -> ()
      %dma_start3A_63 = arith.constant 0 : i32
      %dma_start3A_64 = arith.constant 0 : i32
      %dma_start3A_65 = tpu.memref_slice %arg16[%dma_start3A_63, %dma_start3A_64] : memref<10248x128xf32, #tpu.memory_space<vmem_shared>> -> memref<10248x128xf32, #tpu.memory_space<vmem_shared>>
      tpu.enqueue_indirect_dma source(%arg13 : memref<112x128xf32, #tpu.memory_space<vmem>>) target(%dma_start3A_65 : memref<10248x128xf32, #tpu.memory_space<vmem_shared>>) offsets(%arg10 : memref<112xi32, #tpu.memory_space<vmem>>) semaphore(%arg20 : memref<!tpu.dma_semaphore, #tpu.memory_space<semaphore_mem>>) {add = true}
      %add3A_66 = arith.constant 3 : i32
      %add3A_67 = arith.addi %add3A_55, %add3A_66 : i32
      %mul3A_68 = arith.constant 112 : i32
      %mul3A_69 = arith.muli %add3A_67, %mul3A_68 : i32
      %add3A_70 = arith.addi %mul3A_10, %mul3A_69 : i32
      %multiple_of3A_71 = tpu.assume_multiple %add3A_70, 8 : i32
      "tpu.region"() ({
        %run_scoped3A = tpu.sem_alloc : memref<!tpu.dma_semaphore, #tpu.memory_space<semaphore_mem>>
        %dma_start3A_130 = tpu.memref_slice %arg3[%multiple_of3A_71] : memref<645632xi32, #tpu.memory_space<hbm>> -> memref<112xi32, #tpu.memory_space<hbm>>
        %dma_start3A_131 = tpu.memref_slice %arg3[%multiple_of3A_71] : memref<645632xi32, #tpu.memory_space<hbm>> -> memref<112xi32, #tpu.memory_space<hbm>>
        tpu.enqueue_dma source(%dma_start3A_131 : memref<112xi32, #tpu.memory_space<hbm>>) target(%arg7 : memref<112xi32, #tpu.memory_space<vmem>>) target_semaphore(%run_scoped3A : memref<!tpu.dma_semaphore, #tpu.memory_space<semaphore_mem>>)
        %dma_wait3A_132 = tpu.memref_slice %arg3[%multiple_of3A_71] : memref<645632xi32, #tpu.memory_space<hbm>> -> memref<112xi32, #tpu.memory_space<hbm>>
        %dma_wait3A_133 = tpu.memref_slice %arg3[%multiple_of3A_71] : memref<645632xi32, #tpu.memory_space<hbm>> -> memref<112xi32, #tpu.memory_space<hbm>>
        tpu.wait_dma2 semaphore(%run_scoped3A : memref<!tpu.dma_semaphore, #tpu.memory_space<semaphore_mem>>) src(%dma_wait3A_133 : memref<112xi32, #tpu.memory_space<hbm>>) dst(%arg7 : memref<112xi32, #tpu.memory_space<vmem>>)
        tpu.yield
      }) : () -> ()
      %dma_wait3A_72 = arith.constant 0 : i32
      %dma_wait3A_73 = arith.constant 0 : i32
      %dma_wait3A_74 = tpu.memref_slice %arg16[%dma_wait3A_72, %dma_wait3A_73] : memref<10248x128xf32, #tpu.memory_space<vmem_shared>> -> memref<10248x128xf32, #tpu.memory_space<vmem_shared>>
      tpu.wait_indirect_dma semaphore(%arg20 : memref<!tpu.dma_semaphore, #tpu.memory_space<semaphore_mem>>) src(%arg13 : memref<112x128xf32, #tpu.memory_space<vmem>>) dst(%dma_wait3A_74 : memref<10248x128xf32, #tpu.memory_space<vmem_shared>>)
      %dma_start3A_75 = arith.constant 0 : i32
      %dma_start3A_76 = arith.constant 0 : i32
      %dma_start3A_77 = tpu.memref_slice %arg2[%dma_start3A_75, %dma_start3A_76] : memref<10000x128xf32, #tpu.memory_space<hbm>> -> memref<10000x128xf32, #tpu.memory_space<hbm>>
      tpu.enqueue_indirect_dma source(%dma_start3A_77 : memref<10000x128xf32, #tpu.memory_space<hbm>>) target(%arg13 : memref<112x128xf32, #tpu.memory_space<vmem>>) offsets(%arg7 : memref<112xi32, #tpu.memory_space<vmem>>) semaphore(%arg17 : memref<!tpu.dma_semaphore, #tpu.memory_space<semaphore_mem>>)
      %mul3A_78 = arith.constant 3 : i32
      %mul3A_79 = arith.muli %while3A_51, %mul3A_78 : i32
      %add3A_80 = arith.constant 1 : i32
      %add3A_81 = arith.addi %mul3A_79, %add3A_80 : i32
      %dma_wait3A_82 = arith.constant 0 : i32
      %dma_wait3A_83 = arith.constant 0 : i32
      %dma_wait3A_84 = tpu.memref_slice %arg2[%dma_wait3A_82, %dma_wait3A_83] : memref<10000x128xf32, #tpu.memory_space<hbm>> -> memref<10000x128xf32, #tpu.memory_space<hbm>>
      tpu.wait_indirect_dma semaphore(%arg18 : memref<!tpu.dma_semaphore, #tpu.memory_space<semaphore_mem>>) src(%dma_wait3A_84 : memref<10000x128xf32, #tpu.memory_space<hbm>>) dst(%arg14 : memref<112x128xf32, #tpu.memory_space<vmem>>)
      %mul3A_85 = arith.constant 112 : i32
      %mul3A_86 = arith.muli %add3A_81, %mul3A_85 : i32
      %add3A_87 = arith.addi %mul3A_10, %mul3A_86 : i32
      %multiple_of3A_88 = tpu.assume_multiple %add3A_87, 8 : i32
      "tpu.region"() ({
        %run_scoped3A = tpu.sem_alloc : memref<!tpu.dma_semaphore, #tpu.memory_space<semaphore_mem>>
        %dma_start3A_130 = tpu.memref_slice %arg4[%multiple_of3A_88] : memref<645632xi32, #tpu.memory_space<hbm>> -> memref<112xi32, #tpu.memory_space<hbm>>
        %dma_start3A_131 = tpu.memref_slice %arg4[%multiple_of3A_88] : memref<645632xi32, #tpu.memory_space<hbm>> -> memref<112xi32, #tpu.memory_space<hbm>>
        tpu.enqueue_dma source(%dma_start3A_131 : memref<112xi32, #tpu.memory_space<hbm>>) target(%arg11 : memref<112xi32, #tpu.memory_space<vmem>>) target_semaphore(%run_scoped3A : memref<!tpu.dma_semaphore, #tpu.memory_space<semaphore_mem>>)
        %dma_wait3A_132 = tpu.memref_slice %arg4[%multiple_of3A_88] : memref<645632xi32, #tpu.memory_space<hbm>> -> memref<112xi32, #tpu.memory_space<hbm>>
        %dma_wait3A_133 = tpu.memref_slice %arg4[%multiple_of3A_88] : memref<645632xi32, #tpu.memory_space<hbm>> -> memref<112xi32, #tpu.memory_space<hbm>>
        tpu.wait_dma2 semaphore(%run_scoped3A : memref<!tpu.dma_semaphore, #tpu.memory_space<semaphore_mem>>) src(%dma_wait3A_133 : memref<112xi32, #tpu.memory_space<hbm>>) dst(%arg11 : memref<112xi32, #tpu.memory_space<vmem>>)
        tpu.yield
      }) : () -> ()
      %dma_start3A_89 = arith.constant 0 : i32
      %dma_start3A_90 = arith.constant 0 : i32
      %dma_start3A_91 = tpu.memref_slice %arg16[%dma_start3A_89, %dma_start3A_90] : memref<10248x128xf32, #tpu.memory_space<vmem_shared>> -> memref<10248x128xf32, #tpu.memory_space<vmem_shared>>
      tpu.enqueue_indirect_dma source(%arg14 : memref<112x128xf32, #tpu.memory_space<vmem>>) target(%dma_start3A_91 : memref<10248x128xf32, #tpu.memory_space<vmem_shared>>) offsets(%arg11 : memref<112xi32, #tpu.memory_space<vmem>>) semaphore(%arg21 : memref<!tpu.dma_semaphore, #tpu.memory_space<semaphore_mem>>) {add = true}
      %add3A_92 = arith.constant 3 : i32
      %add3A_93 = arith.addi %add3A_81, %add3A_92 : i32
      %mul3A_94 = arith.constant 112 : i32
      %mul3A_95 = arith.muli %add3A_93, %mul3A_94 : i32
      %add3A_96 = arith.addi %mul3A_10, %mul3A_95 : i32
      %multiple_of3A_97 = tpu.assume_multiple %add3A_96, 8 : i32
      "tpu.region"() ({
        %run_scoped3A = tpu.sem_alloc : memref<!tpu.dma_semaphore, #tpu.memory_space<semaphore_mem>>
        %dma_start3A_130 = tpu.memref_slice %arg3[%multiple_of3A_97] : memref<645632xi32, #tpu.memory_space<hbm>> -> memref<112xi32, #tpu.memory_space<hbm>>
        %dma_start3A_131 = tpu.memref_slice %arg3[%multiple_of3A_97] : memref<645632xi32, #tpu.memory_space<hbm>> -> memref<112xi32, #tpu.memory_space<hbm>>
        tpu.enqueue_dma source(%dma_start3A_131 : memref<112xi32, #tpu.memory_space<hbm>>) target(%arg8 : memref<112xi32, #tpu.memory_space<vmem>>) target_semaphore(%run_scoped3A : memref<!tpu.dma_semaphore, #tpu.memory_space<semaphore_mem>>)
        %dma_wait3A_132 = tpu.memref_slice %arg3[%multiple_of3A_97] : memref<645632xi32, #tpu.memory_space<hbm>> -> memref<112xi32, #tpu.memory_space<hbm>>
        %dma_wait3A_133 = tpu.memref_slice %arg3[%multiple_of3A_97] : memref<645632xi32, #tpu.memory_space<hbm>> -> memref<112xi32, #tpu.memory_space<hbm>>
        tpu.wait_dma2 semaphore(%run_scoped3A : memref<!tpu.dma_semaphore, #tpu.memory_space<semaphore_mem>>) src(%dma_wait3A_133 : memref<112xi32, #tpu.memory_space<hbm>>) dst(%arg8 : memref<112xi32, #tpu.memory_space<vmem>>)
        tpu.yield
      }) : () -> ()
      %dma_wait3A_98 = arith.constant 0 : i32
      %dma_wait3A_99 = arith.constant 0 : i32
      %dma_wait3A_100 = tpu.memref_slice %arg16[%dma_wait3A_98, %dma_wait3A_99] : memref<10248x128xf32, #tpu.memory_space<vmem_shared>> -> memref<10248x128xf32, #tpu.memory_space<vmem_shared>>
      tpu.wait_indirect_dma semaphore(%arg21 : memref<!tpu.dma_semaphore, #tpu.memory_space<semaphore_mem>>) src(%arg14 : memref<112x128xf32, #tpu.memory_space<vmem>>) dst(%dma_wait3A_100 : memref<10248x128xf32, #tpu.memory_space<vmem_shared>>)
      %dma_start3A_101 = arith.constant 0 : i32
      %dma_start3A_102 = arith.constant 0 : i32
      %dma_start3A_103 = tpu.memref_slice %arg2[%dma_start3A_101, %dma_start3A_102] : memref<10000x128xf32, #tpu.memory_space<hbm>> -> memref<10000x128xf32, #tpu.memory_space<hbm>>
      tpu.enqueue_indirect_dma source(%dma_start3A_103 : memref<10000x128xf32, #tpu.memory_space<hbm>>) target(%arg14 : memref<112x128xf32, #tpu.memory_space<vmem>>) offsets(%arg8 : memref<112xi32, #tpu.memory_space<vmem>>) semaphore(%arg18 : memref<!tpu.dma_semaphore, #tpu.memory_space<semaphore_mem>>)
      %mul3A_104 = arith.constant 3 : i32
      %mul3A_105 = arith.muli %while3A_51, %mul3A_104 : i32
      %add3A_106 = arith.constant 2 : i32
      %add3A_107 = arith.addi %mul3A_105, %add3A_106 : i32
      %dma_wait3A_108 = arith.constant 0 : i32
      %dma_wait3A_109 = arith.constant 0 : i32
      %dma_wait3A_110 = tpu.memref_slice %arg2[%dma_wait3A_108, %dma_wait3A_109] : memref<10000x128xf32, #tpu.memory_space<hbm>> -> memref<10000x128xf32, #tpu.memory_space<hbm>>
      tpu.wait_indirect_dma semaphore(%arg19 : memref<!tpu.dma_semaphore, #tpu.memory_space<semaphore_mem>>) src(%dma_wait3A_110 : memref<10000x128xf32, #tpu.memory_space<hbm>>) dst(%arg15 : memref<112x128xf32, #tpu.memory_space<vmem>>)
      %mul3A_111 = arith.constant 112 : i32
      %mul3A_112 = arith.muli %add3A_107, %mul3A_111 : i32
      %add3A_113 = arith.addi %mul3A_10, %mul3A_112 : i32
      %multiple_of3A_114 = tpu.assume_multiple %add3A_113, 8 : i32
      "tpu.region"() ({
        %run_scoped3A = tpu.sem_alloc : memref<!tpu.dma_semaphore, #tpu.memory_space<semaphore_mem>>
        %dma_start3A_130 = tpu.memref_slice %arg4[%multiple_of3A_114] : memref<645632xi32, #tpu.memory_space<hbm>> -> memref<112xi32, #tpu.memory_space<hbm>>
        %dma_start3A_131 = tpu.memref_slice %arg4[%multiple_of3A_114] : memref<645632xi32, #tpu.memory_space<hbm>> -> memref<112xi32, #tpu.memory_space<hbm>>
        tpu.enqueue_dma source(%dma_start3A_131 : memref<112xi32, #tpu.memory_space<hbm>>) target(%arg12 : memref<112xi32, #tpu.memory_space<vmem>>) target_semaphore(%run_scoped3A : memref<!tpu.dma_semaphore, #tpu.memory_space<semaphore_mem>>)
        %dma_wait3A_132 = tpu.memref_slice %arg4[%multiple_of3A_114] : memref<645632xi32, #tpu.memory_space<hbm>> -> memref<112xi32, #tpu.memory_space<hbm>>
        %dma_wait3A_133 = tpu.memref_slice %arg4[%multiple_of3A_114] : memref<645632xi32, #tpu.memory_space<hbm>> -> memref<112xi32, #tpu.memory_space<hbm>>
        tpu.wait_dma2 semaphore(%run_scoped3A : memref<!tpu.dma_semaphore, #tpu.memory_space<semaphore_mem>>) src(%dma_wait3A_133 : memref<112xi32, #tpu.memory_space<hbm>>) dst(%arg12 : memref<112xi32, #tpu.memory_space<vmem>>)
        tpu.yield
      }) : () -> ()
      %dma_start3A_115 = arith.constant 0 : i32
      %dma_start3A_116 = arith.constant 0 : i32
      %dma_start3A_117 = tpu.memref_slice %arg16[%dma_start3A_115, %dma_start3A_116] : memref<10248x128xf32, #tpu.memory_space<vmem_shared>> -> memref<10248x128xf32, #tpu.memory_space<vmem_shared>>
      tpu.enqueue_indirect_dma source(%arg15 : memref<112x128xf32, #tpu.memory_space<vmem>>) target(%dma_start3A_117 : memref<10248x128xf32, #tpu.memory_space<vmem_shared>>) offsets(%arg12 : memref<112xi32, #tpu.memory_space<vmem>>) semaphore(%arg22 : memref<!tpu.dma_semaphore, #tpu.memory_space<semaphore_mem>>) {add = true}
      %add3A_118 = arith.constant 3 : i32
      %add3A_119 = arith.addi %add3A_107, %add3A_118 : i32
      %mul3A_120 = arith.constant 112 : i32
      %mul3A_121 = arith.muli %add3A_119, %mul3A_120 : i32
      %add3A_122 = arith.addi %mul3A_10, %mul3A_121 : i32
      %multiple_of3A_123 = tpu.assume_multiple %add3A_122, 8 : i32
      "tpu.region"() ({
        %run_scoped3A = tpu.sem_alloc : memref<!tpu.dma_semaphore, #tpu.memory_space<semaphore_mem>>
        %dma_start3A_130 = tpu.memref_slice %arg3[%multiple_of3A_123] : memref<645632xi32, #tpu.memory_space<hbm>> -> memref<112xi32, #tpu.memory_space<hbm>>
        %dma_start3A_131 = tpu.memref_slice %arg3[%multiple_of3A_123] : memref<645632xi32, #tpu.memory_space<hbm>> -> memref<112xi32, #tpu.memory_space<hbm>>
        tpu.enqueue_dma source(%dma_start3A_131 : memref<112xi32, #tpu.memory_space<hbm>>) target(%arg9 : memref<112xi32, #tpu.memory_space<vmem>>) target_semaphore(%run_scoped3A : memref<!tpu.dma_semaphore, #tpu.memory_space<semaphore_mem>>)
        %dma_wait3A_132 = tpu.memref_slice %arg3[%multiple_of3A_123] : memref<645632xi32, #tpu.memory_space<hbm>> -> memref<112xi32, #tpu.memory_space<hbm>>
        %dma_wait3A_133 = tpu.memref_slice %arg3[%multiple_of3A_123] : memref<645632xi32, #tpu.memory_space<hbm>> -> memref<112xi32, #tpu.memory_space<hbm>>
        tpu.wait_dma2 semaphore(%run_scoped3A : memref<!tpu.dma_semaphore, #tpu.memory_space<semaphore_mem>>) src(%dma_wait3A_133 : memref<112xi32, #tpu.memory_space<hbm>>) dst(%arg9 : memref<112xi32, #tpu.memory_space<vmem>>)
        tpu.yield
      }) : () -> ()
      %dma_wait3A_124 = arith.constant 0 : i32
      %dma_wait3A_125 = arith.constant 0 : i32
      %dma_wait3A_126 = tpu.memref_slice %arg16[%dma_wait3A_124, %dma_wait3A_125] : memref<10248x128xf32, #tpu.memory_space<vmem_shared>> -> memref<10248x128xf32, #tpu.memory_space<vmem_shared>>
      tpu.wait_indirect_dma semaphore(%arg22 : memref<!tpu.dma_semaphore, #tpu.memory_space<semaphore_mem>>) src(%arg15 : memref<112x128xf32, #tpu.memory_space<vmem>>) dst(%dma_wait3A_126 : memref<10248x128xf32, #tpu.memory_space<vmem_shared>>)
      %dma_start3A_127 = arith.constant 0 : i32
      %dma_start3A_128 = arith.constant 0 : i32
      %dma_start3A_129 = tpu.memref_slice %arg2[%dma_start3A_127, %dma_start3A_128] : memref<10000x128xf32, #tpu.memory_space<hbm>> -> memref<10000x128xf32, #tpu.memory_space<hbm>>
      tpu.enqueue_indirect_dma source(%dma_start3A_129 : memref<10000x128xf32, #tpu.memory_space<hbm>>) target(%arg15 : memref<112x128xf32, #tpu.memory_space<vmem>>) offsets(%arg9 : memref<112xi32, #tpu.memory_space<vmem>>) semaphore(%arg19 : memref<!tpu.dma_semaphore, #tpu.memory_space<semaphore_mem>>)
    }
    %while3A_37 = arith.constant 1 : i32
    scf.for %while3A_51 = %while3A_35 to %while3A_31 step %while3A_37  : i32 {
      %mul3A_52 = arith.constant 3 : i32
      %mul3A_53 = arith.muli %while3A_51, %mul3A_52 : i32
      %add3A_54 = arith.constant 0 : i32
      %add3A_55 = arith.addi %mul3A_53, %add3A_54 : i32
      %dma_wait3A_56 = arith.constant 0 : i32
      %dma_wait3A_57 = arith.constant 0 : i32
      %dma_wait3A_58 = tpu.memref_slice %arg2[%dma_wait3A_56, %dma_wait3A_57] : memref<10000x128xf32, #tpu.memory_space<hbm>> -> memref<10000x128xf32, #tpu.memory_space<hbm>>
      tpu.wait_indirect_dma semaphore(%arg17 : memref<!tpu.dma_semaphore, #tpu.memory_space<semaphore_mem>>) src(%dma_wait3A_58 : memref<10000x128xf32, #tpu.memory_space<hbm>>) dst(%arg13 : memref<112x128xf32, #tpu.memory_space<vmem>>)
      %mul3A_59 = arith.constant 112 : i32
      %mul3A_60 = arith.muli %add3A_55, %mul3A_59 : i32
      %add3A_61 = arith.addi %mul3A_10, %mul3A_60 : i32
      %multiple_of3A_62 = tpu.assume_multiple %add3A_61, 8 : i32
      "tpu.region"() ({
        %run_scoped3A = tpu.sem_alloc : memref<!tpu.dma_semaphore, #tpu.memory_space<semaphore_mem>>
        %dma_start3A_130 = tpu.memref_slice %arg4[%multiple_of3A_62] : memref<645632xi32, #tpu.memory_space<hbm>> -> memref<112xi32, #tpu.memory_space<hbm>>
        %dma_start3A_131 = tpu.memref_slice %arg4[%multiple_of3A_62] : memref<645632xi32, #tpu.memory_space<hbm>> -> memref<112xi32, #tpu.memory_space<hbm>>
        tpu.enqueue_dma source(%dma_start3A_131 : memref<112xi32, #tpu.memory_space<hbm>>) target(%arg10 : memref<112xi32, #tpu.memory_space<vmem>>) target_semaphore(%run_scoped3A : memref<!tpu.dma_semaphore, #tpu.memory_space<semaphore_mem>>)
        %dma_wait3A_132 = tpu.memref_slice %arg4[%multiple_of3A_62] : memref<645632xi32, #tpu.memory_space<hbm>> -> memref<112xi32, #tpu.memory_space<hbm>>
        %dma_wait3A_133 = tpu.memref_slice %arg4[%multiple_of3A_62] : memref<645632xi32, #tpu.memory_space<hbm>> -> memref<112xi32, #tpu.memory_space<hbm>>
        tpu.wait_dma2 semaphore(%run_scoped3A : memref<!tpu.dma_semaphore, #tpu.memory_space<semaphore_mem>>) src(%dma_wait3A_133 : memref<112xi32, #tpu.memory_space<hbm>>) dst(%arg10 : memref<112xi32, #tpu.memory_space<vmem>>)
        tpu.yield
      }) : () -> ()
      %dma_start3A_63 = arith.constant 0 : i32
      %dma_start3A_64 = arith.constant 0 : i32
      %dma_start3A_65 = tpu.memref_slice %arg16[%dma_start3A_63, %dma_start3A_64] : memref<10248x128xf32, #tpu.memory_space<vmem_shared>> -> memref<10248x128xf32, #tpu.memory_space<vmem_shared>>
      tpu.enqueue_indirect_dma source(%arg13 : memref<112x128xf32, #tpu.memory_space<vmem>>) target(%dma_start3A_65 : memref<10248x128xf32, #tpu.memory_space<vmem_shared>>) offsets(%arg10 : memref<112xi32, #tpu.memory_space<vmem>>) semaphore(%arg20 : memref<!tpu.dma_semaphore, #tpu.memory_space<semaphore_mem>>) {add = true}
      %add3A_66 = arith.constant 3 : i32
      %add3A_67 = arith.addi %add3A_55, %add3A_66 : i32
      %mul3A_68 = arith.constant 112 : i32
      %mul3A_69 = arith.muli %add3A_67, %mul3A_68 : i32
      %add3A_70 = arith.addi %mul3A_10, %mul3A_69 : i32
      %multiple_of3A_71 = tpu.assume_multiple %add3A_70, 8 : i32
      "tpu.region"() ({
        %run_scoped3A = tpu.sem_alloc : memref<!tpu.dma_semaphore, #tpu.memory_space<semaphore_mem>>
        %dma_start3A_130 = tpu.memref_slice %arg3[%multiple_of3A_71] : memref<645632xi32, #tpu.memory_space<hbm>> -> memref<112xi32, #tpu.memory_space<hbm>>
        %dma_start3A_131 = tpu.memref_slice %arg3[%multiple_of3A_71] : memref<645632xi32, #tpu.memory_space<hbm>> -> memref<112xi32, #tpu.memory_space<hbm>>
        tpu.enqueue_dma source(%dma_start3A_131 : memref<112xi32, #tpu.memory_space<hbm>>) target(%arg7 : memref<112xi32, #tpu.memory_space<vmem>>) target_semaphore(%run_scoped3A : memref<!tpu.dma_semaphore, #tpu.memory_space<semaphore_mem>>)
        %dma_wait3A_132 = tpu.memref_slice %arg3[%multiple_of3A_71] : memref<645632xi32, #tpu.memory_space<hbm>> -> memref<112xi32, #tpu.memory_space<hbm>>
        %dma_wait3A_133 = tpu.memref_slice %arg3[%multiple_of3A_71] : memref<645632xi32, #tpu.memory_space<hbm>> -> memref<112xi32, #tpu.memory_space<hbm>>
        tpu.wait_dma2 semaphore(%run_scoped3A : memref<!tpu.dma_semaphore, #tpu.memory_space<semaphore_mem>>) src(%dma_wait3A_133 : memref<112xi32, #tpu.memory_space<hbm>>) dst(%arg7 : memref<112xi32, #tpu.memory_space<vmem>>)
        tpu.yield
      }) : () -> ()
      %dma_wait3A_72 = arith.constant 0 : i32
      %dma_wait3A_73 = arith.constant 0 : i32
      %dma_wait3A_74 = tpu.memref_slice %arg16[%dma_wait3A_72, %dma_wait3A_73] : memref<10248x128xf32, #tpu.memory_space<vmem_shared>> -> memref<10248x128xf32, #tpu.memory_space<vmem_shared>>
      tpu.wait_indirect_dma semaphore(%arg20 : memref<!tpu.dma_semaphore, #tpu.memory_space<semaphore_mem>>) src(%arg13 : memref<112x128xf32, #tpu.memory_space<vmem>>) dst(%dma_wait3A_74 : memref<10248x128xf32, #tpu.memory_space<vmem_shared>>)
      %dma_start3A_75 = arith.constant 0 : i32
      %dma_start3A_76 = arith.constant 0 : i32
      %dma_start3A_77 = tpu.memref_slice %arg2[%dma_start3A_75, %dma_start3A_76] : memref<10000x128xf32, #tpu.memory_space<hbm>> -> memref<10000x128xf32, #tpu.memory_space<hbm>>
      tpu.enqueue_indirect_dma source(%dma_start3A_77 : memref<10000x128xf32, #tpu.memory_space<hbm>>) target(%arg13 : memref<112x128xf32, #tpu.memory_space<vmem>>) offsets(%arg7 : memref<112xi32, #tpu.memory_space<vmem>>) semaphore(%arg17 : memref<!tpu.dma_semaphore, #tpu.memory_space<semaphore_mem>>)
      %mul3A_78 = arith.constant 3 : i32
      %mul3A_79 = arith.muli %while3A_51, %mul3A_78 : i32
      %add3A_80 = arith.constant 1 : i32
      %add3A_81 = arith.addi %mul3A_79, %add3A_80 : i32
      %dma_wait3A_82 = arith.constant 0 : i32
      %dma_wait3A_83 = arith.constant 0 : i32
      %dma_wait3A_84 = tpu.memref_slice %arg2[%dma_wait3A_82, %dma_wait3A_83] : memref<10000x128xf32, #tpu.memory_space<hbm>> -> memref<10000x128xf32, #tpu.memory_space<hbm>>
      tpu.wait_indirect_dma semaphore(%arg18 : memref<!tpu.dma_semaphore, #tpu.memory_space<semaphore_mem>>) src(%dma_wait3A_84 : memref<10000x128xf32, #tpu.memory_space<hbm>>) dst(%arg14 : memref<112x128xf32, #tpu.memory_space<vmem>>)
      %mul3A_85 = arith.constant 112 : i32
      %mul3A_86 = arith.muli %add3A_81, %mul3A_85 : i32
      %add3A_87 = arith.addi %mul3A_10, %mul3A_86 : i32
      %multiple_of3A_88 = tpu.assume_multiple %add3A_87, 8 : i32
      "tpu.region"() ({
        %run_scoped3A = tpu.sem_alloc : memref<!tpu.dma_semaphore, #tpu.memory_space<semaphore_mem>>
        %dma_start3A_130 = tpu.memref_slice %arg4[%multiple_of3A_88] : memref<645632xi32, #tpu.memory_space<hbm>> -> memref<112xi32, #tpu.memory_space<hbm>>
        %dma_start3A_131 = tpu.memref_slice %arg4[%multiple_of3A_88] : memref<645632xi32, #tpu.memory_space<hbm>> -> memref<112xi32, #tpu.memory_space<hbm>>
        tpu.enqueue_dma source(%dma_start3A_131 : memref<112xi32, #tpu.memory_space<hbm>>) target(%arg11 : memref<112xi32, #tpu.memory_space<vmem>>) target_semaphore(%run_scoped3A : memref<!tpu.dma_semaphore, #tpu.memory_space<semaphore_mem>>)
        %dma_wait3A_132 = tpu.memref_slice %arg4[%multiple_of3A_88] : memref<645632xi32, #tpu.memory_space<hbm>> -> memref<112xi32, #tpu.memory_space<hbm>>
        %dma_wait3A_133 = tpu.memref_slice %arg4[%multiple_of3A_88] : memref<645632xi32, #tpu.memory_space<hbm>> -> memref<112xi32, #tpu.memory_space<hbm>>
        tpu.wait_dma2 semaphore(%run_scoped3A : memref<!tpu.dma_semaphore, #tpu.memory_space<semaphore_mem>>) src(%dma_wait3A_133 : memref<112xi32, #tpu.memory_space<hbm>>) dst(%arg11 : memref<112xi32, #tpu.memory_space<vmem>>)
        tpu.yield
      }) : () -> ()
      %dma_start3A_89 = arith.constant 0 : i32
      %dma_start3A_90 = arith.constant 0 : i32
      %dma_start3A_91 = tpu.memref_slice %arg16[%dma_start3A_89, %dma_start3A_90] : memref<10248x128xf32, #tpu.memory_space<vmem_shared>> -> memref<10248x128xf32, #tpu.memory_space<vmem_shared>>
      tpu.enqueue_indirect_dma source(%arg14 : memref<112x128xf32, #tpu.memory_space<vmem>>) target(%dma_start3A_91 : memref<10248x128xf32, #tpu.memory_space<vmem_shared>>) offsets(%arg11 : memref<112xi32, #tpu.memory_space<vmem>>) semaphore(%arg21 : memref<!tpu.dma_semaphore, #tpu.memory_space<semaphore_mem>>) {add = true}
      %add3A_92 = arith.constant 3 : i32
      %add3A_93 = arith.addi %add3A_81, %add3A_92 : i32
      %mul3A_94 = arith.constant 112 : i32
      %mul3A_95 = arith.muli %add3A_93, %mul3A_94 : i32
      %add3A_96 = arith.addi %mul3A_10, %mul3A_95 : i32
      %multiple_of3A_97 = tpu.assume_multiple %add3A_96, 8 : i32
      "tpu.region"() ({
        %run_scoped3A = tpu.sem_alloc : memref<!tpu.dma_semaphore, #tpu.memory_space<semaphore_mem>>
        %dma_start3A_130 = tpu.memref_slice %arg3[%multiple_of3A_97] : memref<645632xi32, #tpu.memory_space<hbm>> -> memref<112xi32, #tpu.memory_space<hbm>>
        %dma_start3A_131 = tpu.memref_slice %arg3[%multiple_of3A_97] : memref<645632xi32, #tpu.memory_space<hbm>> -> memref<112xi32, #tpu.memory_space<hbm>>
        tpu.enqueue_dma source(%dma_start3A_131 : memref<112xi32, #tpu.memory_space<hbm>>) target(%arg8 : memref<112xi32, #tpu.memory_space<vmem>>) target_semaphore(%run_scoped3A : memref<!tpu.dma_semaphore, #tpu.memory_space<semaphore_mem>>)
        %dma_wait3A_132 = tpu.memref_slice %arg3[%multiple_of3A_97] : memref<645632xi32, #tpu.memory_space<hbm>> -> memref<112xi32, #tpu.memory_space<hbm>>
        %dma_wait3A_133 = tpu.memref_slice %arg3[%multiple_of3A_97] : memref<645632xi32, #tpu.memory_space<hbm>> -> memref<112xi32, #tpu.memory_space<hbm>>
        tpu.wait_dma2 semaphore(%run_scoped3A : memref<!tpu.dma_semaphore, #tpu.memory_space<semaphore_mem>>) src(%dma_wait3A_133 : memref<112xi32, #tpu.memory_space<hbm>>) dst(%arg8 : memref<112xi32, #tpu.memory_space<vmem>>)
        tpu.yield
      }) : () -> ()
      %dma_wait3A_98 = arith.constant 0 : i32
      %dma_wait3A_99 = arith.constant 0 : i32
      %dma_wait3A_100 = tpu.memref_slice %arg16[%dma_wait3A_98, %dma_wait3A_99] : memref<10248x128xf32, #tpu.memory_space<vmem_shared>> -> memref<10248x128xf32, #tpu.memory_space<vmem_shared>>
      tpu.wait_indirect_dma semaphore(%arg21 : memref<!tpu.dma_semaphore, #tpu.memory_space<semaphore_mem>>) src(%arg14 : memref<112x128xf32, #tpu.memory_space<vmem>>) dst(%dma_wait3A_100 : memref<10248x128xf32, #tpu.memory_space<vmem_shared>>)
      %dma_start3A_101 = arith.constant 0 : i32
      %dma_start3A_102 = arith.constant 0 : i32
      %dma_start3A_103 = tpu.memref_slice %arg2[%dma_start3A_101, %dma_start3A_102] : memref<10000x128xf32, #tpu.memory_space<hbm>> -> memref<10000x128xf32, #tpu.memory_space<hbm>>
      tpu.enqueue_indirect_dma source(%dma_start3A_103 : memref<10000x128xf32, #tpu.memory_space<hbm>>) target(%arg14 : memref<112x128xf32, #tpu.memory_space<vmem>>) offsets(%arg8 : memref<112xi32, #tpu.memory_space<vmem>>) semaphore(%arg18 : memref<!tpu.dma_semaphore, #tpu.memory_space<semaphore_mem>>)
      %mul3A_104 = arith.constant 3 : i32
      %mul3A_105 = arith.muli %while3A_51, %mul3A_104 : i32
      %add3A_106 = arith.constant 2 : i32
      %add3A_107 = arith.addi %mul3A_105, %add3A_106 : i32
      %dma_wait3A_108 = arith.constant 0 : i32
      %dma_wait3A_109 = arith.constant 0 : i32
      %dma_wait3A_110 = tpu.memref_slice %arg2[%dma_wait3A_108, %dma_wait3A_109] : memref<10000x128xf32, #tpu.memory_space<hbm>> -> memref<10000x128xf32, #tpu.memory_space<hbm>>
      tpu.wait_indirect_dma semaphore(%arg19 : memref<!tpu.dma_semaphore, #tpu.memory_space<semaphore_mem>>) src(%dma_wait3A_110 : memref<10000x128xf32, #tpu.memory_space<hbm>>) dst(%arg15 : memref<112x128xf32, #tpu.memory_space<vmem>>)
      %mul3A_111 = arith.constant 112 : i32
      %mul3A_112 = arith.muli %add3A_107, %mul3A_111 : i32
      %add3A_113 = arith.addi %mul3A_10, %mul3A_112 : i32
      %multiple_of3A_114 = tpu.assume_multiple %add3A_113, 8 : i32
      "tpu.region"() ({
        %run_scoped3A = tpu.sem_alloc : memref<!tpu.dma_semaphore, #tpu.memory_space<semaphore_mem>>
        %dma_start3A_130 = tpu.memref_slice %arg4[%multiple_of3A_114] : memref<645632xi32, #tpu.memory_space<hbm>> -> memref<112xi32, #tpu.memory_space<hbm>>
        %dma_start3A_131 = tpu.memref_slice %arg4[%multiple_of3A_114] : memref<645632xi32, #tpu.memory_space<hbm>> -> memref<112xi32, #tpu.memory_space<hbm>>
        tpu.enqueue_dma source(%dma_start3A_131 : memref<112xi32, #tpu.memory_space<hbm>>) target(%arg12 : memref<112xi32, #tpu.memory_space<vmem>>) target_semaphore(%run_scoped3A : memref<!tpu.dma_semaphore, #tpu.memory_space<semaphore_mem>>)
        %dma_wait3A_132 = tpu.memref_slice %arg4[%multiple_of3A_114] : memref<645632xi32, #tpu.memory_space<hbm>> -> memref<112xi32, #tpu.memory_space<hbm>>
        %dma_wait3A_133 = tpu.memref_slice %arg4[%multiple_of3A_114] : memref<645632xi32, #tpu.memory_space<hbm>> -> memref<112xi32, #tpu.memory_space<hbm>>
        tpu.wait_dma2 semaphore(%run_scoped3A : memref<!tpu.dma_semaphore, #tpu.memory_space<semaphore_mem>>) src(%dma_wait3A_133 : memref<112xi32, #tpu.memory_space<hbm>>) dst(%arg12 : memref<112xi32, #tpu.memory_space<vmem>>)
        tpu.yield
      }) : () -> ()
      %dma_start3A_115 = arith.constant 0 : i32
      %dma_start3A_116 = arith.constant 0 : i32
      %dma_start3A_117 = tpu.memref_slice %arg16[%dma_start3A_115, %dma_start3A_116] : memref<10248x128xf32, #tpu.memory_space<vmem_shared>> -> memref<10248x128xf32, #tpu.memory_space<vmem_shared>>
      tpu.enqueue_indirect_dma source(%arg15 : memref<112x128xf32, #tpu.memory_space<vmem>>) target(%dma_start3A_117 : memref<10248x128xf32, #tpu.memory_space<vmem_shared>>) offsets(%arg12 : memref<112xi32, #tpu.memory_space<vmem>>) semaphore(%arg22 : memref<!tpu.dma_semaphore, #tpu.memory_space<semaphore_mem>>) {add = true}
      %add3A_118 = arith.constant 3 : i32
      %add3A_119 = arith.addi %add3A_107, %add3A_118 : i32
      %mul3A_120 = arith.constant 112 : i32
      %mul3A_121 = arith.muli %add3A_119, %mul3A_120 : i32
      %add3A_122 = arith.addi %mul3A_10, %mul3A_121 : i32
      %multiple_of3A_123 = tpu.assume_multiple %add3A_122, 8 : i32
      "tpu.region"() ({
        %run_scoped3A = tpu.sem_alloc : memref<!tpu.dma_semaphore, #tpu.memory_space<semaphore_mem>>
        %dma_start3A_130 = tpu.memref_slice %arg3[%multiple_of3A_123] : memref<645632xi32, #tpu.memory_space<hbm>> -> memref<112xi32, #tpu.memory_space<hbm>>
        %dma_start3A_131 = tpu.memref_slice %arg3[%multiple_of3A_123] : memref<645632xi32, #tpu.memory_space<hbm>> -> memref<112xi32, #tpu.memory_space<hbm>>
        tpu.enqueue_dma source(%dma_start3A_131 : memref<112xi32, #tpu.memory_space<hbm>>) target(%arg9 : memref<112xi32, #tpu.memory_space<vmem>>) target_semaphore(%run_scoped3A : memref<!tpu.dma_semaphore, #tpu.memory_space<semaphore_mem>>)
        %dma_wait3A_132 = tpu.memref_slice %arg3[%multiple_of3A_123] : memref<645632xi32, #tpu.memory_space<hbm>> -> memref<112xi32, #tpu.memory_space<hbm>>
        %dma_wait3A_133 = tpu.memref_slice %arg3[%multiple_of3A_123] : memref<645632xi32, #tpu.memory_space<hbm>> -> memref<112xi32, #tpu.memory_space<hbm>>
        tpu.wait_dma2 semaphore(%run_scoped3A : memref<!tpu.dma_semaphore, #tpu.memory_space<semaphore_mem>>) src(%dma_wait3A_133 : memref<112xi32, #tpu.memory_space<hbm>>) dst(%arg9 : memref<112xi32, #tpu.memory_space<vmem>>)
        tpu.yield
      }) : () -> ()
      %dma_wait3A_124 = arith.constant 0 : i32
      %dma_wait3A_125 = arith.constant 0 : i32
      %dma_wait3A_126 = tpu.memref_slice %arg16[%dma_wait3A_124, %dma_wait3A_125] : memref<10248x128xf32, #tpu.memory_space<vmem_shared>> -> memref<10248x128xf32, #tpu.memory_space<vmem_shared>>
      tpu.wait_indirect_dma semaphore(%arg22 : memref<!tpu.dma_semaphore, #tpu.memory_space<semaphore_mem>>) src(%arg15 : memref<112x128xf32, #tpu.memory_space<vmem>>) dst(%dma_wait3A_126 : memref<10248x128xf32, #tpu.memory_space<vmem_shared>>)
      %dma_start3A_127 = arith.constant 0 : i32
      %dma_start3A_128 = arith.constant 0 : i32
      %dma_start3A_129 = tpu.memref_slice %arg2[%dma_start3A_127, %dma_start3A_128] : memref<10000x128xf32, #tpu.memory_space<hbm>> -> memref<10000x128xf32, #tpu.memory_space<hbm>>
      tpu.enqueue_indirect_dma source(%dma_start3A_129 : memref<10000x128xf32, #tpu.memory_space<hbm>>) target(%arg15 : memref<112x128xf32, #tpu.memory_space<vmem>>) offsets(%arg9 : memref<112xi32, #tpu.memory_space<vmem>>) semaphore(%arg19 : memref<!tpu.dma_semaphore, #tpu.memory_space<semaphore_mem>>)
    }
    %dma_wait3A = arith.constant 0 : i32
    %dma_wait3A_38 = arith.constant 0 : i32
    %dma_wait3A_39 = tpu.memref_slice %arg2[%dma_wait3A, %dma_wait3A_38] : memref<10000x128xf32, #tpu.memory_space<hbm>> -> memref<10000x128xf32, #tpu.memory_space<hbm>>
    tpu.wait_indirect_dma semaphore(%arg17 : memref<!tpu.dma_semaphore, #tpu.memory_space<semaphore_mem>>) src(%dma_wait3A_39 : memref<10000x128xf32, #tpu.memory_space<hbm>>) dst(%arg13 : memref<112x128xf32, #tpu.memory_space<vmem>>)
    %dma_wait3A_40 = arith.constant 0 : i32
    %dma_wait3A_41 = arith.constant 0 : i32
    %dma_wait3A_42 = tpu.memref_slice %arg2[%dma_wait3A_40, %dma_wait3A_41] : memref<10000x128xf32, #tpu.memory_space<hbm>> -> memref<10000x128xf32, #tpu.memory_space<hbm>>
    tpu.wait_indirect_dma semaphore(%arg18 : memref<!tpu.dma_semaphore, #tpu.memory_space<semaphore_mem>>) src(%dma_wait3A_42 : memref<10000x128xf32, #tpu.memory_space<hbm>>) dst(%arg14 : memref<112x128xf32, #tpu.memory_space<vmem>>)
    %dma_wait3A_43 = arith.constant 0 : i32
    %dma_wait3A_44 = arith.constant 0 : i32
    %dma_wait3A_45 = tpu.memref_slice %arg2[%dma_wait3A_43, %dma_wait3A_44] : memref<10000x128xf32, #tpu.memory_space<hbm>> -> memref<10000x128xf32, #tpu.memory_space<hbm>>
    tpu.wait_indirect_dma semaphore(%arg19 : memref<!tpu.dma_semaphore, #tpu.memory_space<semaphore_mem>>) src(%dma_wait3A_45 : memref<10000x128xf32, #tpu.memory_space<hbm>>) dst(%arg15 : memref<112x128xf32, #tpu.memory_space<vmem>>)
    %barrier3A_46 = arith.constant 0 : index
    tpu.barrier barrier_id(%barrier3A_46)
    %mul3A_47 = arith.constant 640 : i32
    %mul3A_48 = arith.muli %arg1, %mul3A_47 : i32
    %mul3A_49 = arith.constant 640 : i32
    %mul3A_50 = arith.muli %arg1, %mul3A_49 : i32
    "tpu.region"() ({
      %run_scoped3A = tpu.sem_alloc : memref<!tpu.dma_semaphore, #tpu.memory_space<semaphore_mem>>
      %dma_start3A_51 = arith.constant 0 : i32
      %dma_start3A_52 = tpu.memref_slice %arg6[%arg0, %mul3A_50, %dma_start3A_51] : memref<2x10240x128xf32, #tpu.memory_space<hbm>> -> memref<1x640x128xf32, #tpu.memory_space<hbm>>
      %dma_start3A_53 = tpu.memref_squeeze %dma_start3A_52 : memref<1x640x128xf32, #tpu.memory_space<hbm>> -> memref<640x128xf32, #tpu.memory_space<hbm>>
      %dma_start3A_54 = arith.constant 0 : i32
      %dma_start3A_55 = tpu.memref_slice %arg16[%mul3A_48, %dma_start3A_54] : memref<10248x128xf32, #tpu.memory_space<vmem_shared>> -> memref<640x128xf32, #tpu.memory_space<vmem_shared>>
      tpu.enqueue_dma source(%dma_start3A_55 : memref<640x128xf32, #tpu.memory_space<vmem_shared>>) target(%dma_start3A_53 : memref<640x128xf32, #tpu.memory_space<hbm>>) target_semaphore(%run_scoped3A : memref<!tpu.dma_semaphore, #tpu.memory_space<semaphore_mem>>)
      %dma_wait3A_56 = arith.constant 0 : i32
      %dma_wait3A_57 = tpu.memref_slice %arg6[%arg0, %mul3A_50, %dma_wait3A_56] : memref<2x10240x128xf32, #tpu.memory_space<hbm>> -> memref<1x640x128xf32, #tpu.memory_space<hbm>>
      %dma_wait3A_58 = tpu.memref_squeeze %dma_wait3A_57 : memref<1x640x128xf32, #tpu.memory_space<hbm>> -> memref<640x128xf32, #tpu.memory_space<hbm>>
      %dma_wait3A_59 = arith.constant 0 : i32
      %dma_wait3A_60 = tpu.memref_slice %arg16[%mul3A_48, %dma_wait3A_59] : memref<10248x128xf32, #tpu.memory_space<vmem_shared>> -> memref<640x128xf32, #tpu.memory_space<vmem_shared>>
      tpu.wait_dma2 semaphore(%run_scoped3A : memref<!tpu.dma_semaphore, #tpu.memory_space<semaphore_mem>>) src(%dma_wait3A_60 : memref<640x128xf32, #tpu.memory_space<vmem_shared>>) dst(%dma_wait3A_58 : memref<640x128xf32, #tpu.memory_space<hbm>>)
      tpu.yield
    }) : () -> ()
    return
  }
}

#map = affine_map<(d0, d1) -> (0, 0)>
#map1 = affine_map<(d0, d1) -> (0)>
#map2 = affine_map<(d0, d1) -> (0, 0, 0)>
module attributes {stable_mosaic.version = 14 : i64} {
  func.func @_sc_agg(%arg0: i32, %arg1: i32, %arg2: memref<10000x128xf32, #tpu.memory_space<hbm>>, %arg3: memref<645632xi32, #tpu.memory_space<hbm>>, %arg4: memref<645632xi32, #tpu.memory_space<hbm>>, %arg5: memref<640x128xf32, #tpu.memory_space<hbm>>, %arg6: memref<2x10240x128xf32, #tpu.memory_space<hbm>>, %arg7: memref<112xi32, #tpu.memory_space<vmem>>, %arg8: memref<112xi32, #tpu.memory_space<vmem>>, %arg9: memref<112xi32, #tpu.memory_space<vmem>>, %arg10: memref<112xi32, #tpu.memory_space<vmem>>, %arg11: memref<112xi32, #tpu.memory_space<vmem>>, %arg12: memref<112xi32, #tpu.memory_space<vmem>>, %arg13: memref<112x128xf32, #tpu.memory_space<vmem>>, %arg14: memref<112x128xf32, #tpu.memory_space<vmem>>, %arg15: memref<112x128xf32, #tpu.memory_space<vmem>>, %arg16: memref<10248x128xf32, #tpu.memory_space<vmem_shared>>, %arg17: memref<!tpu.dma_semaphore, #tpu.memory_space<semaphore_mem>>, %arg18: memref<!tpu.dma_semaphore, #tpu.memory_space<semaphore_mem>>, %arg19: memref<!tpu.dma_semaphore, #tpu.memory_space<semaphore_mem>>, %arg20: memref<!tpu.dma_semaphore, #tpu.memory_space<semaphore_mem>>, %arg21: memref<!tpu.dma_semaphore, #tpu.memory_space<semaphore_mem>>, %arg22: memref<!tpu.dma_semaphore, #tpu.memory_space<semaphore_mem>>) attributes {dimension_semantics = [#tpu.dimension_semantics<core_parallel>, #tpu.dimension_semantics<subcore_parallel>], iteration_bounds = array<i64: 2, 16>, scalar_prefetch = 0 : i64, scratch_operands = 16 : i64, tpu.core_type = #tpu.core_type<sc_vector_subcore>, window_params = [{transform_indices = #map}, {transform_indices = #map1}, {transform_indices = #map1}, {transform_indices = #map}, {transform_indices = #map2}]} {
    %eq3A = arith.constant 0 : i32
    %eq3A_0 = arith.cmpi eq, %arg0, %eq3A : i32
    %mul3A = arith.constant 300 : i32
    %mul3A_1 = arith.muli %arg1, %mul3A : i32
    %mul3A_2 = arith.constant 60 : i32
    %mul3A_3 = arith.muli %arg1, %mul3A_2 : i32
    %add3A = arith.constant 4800 : i32
    %add3A_4 = arith.addi %add3A, %mul3A_3 : i32
    %select_n3A = arith.select %eq3A_0, %mul3A_1, %add3A_4 : i32
    %eq3A_5 = arith.constant 0 : i32
    %eq3A_6 = arith.cmpi eq, %arg0, %eq3A_5 : i32
    %jit3A = arith.constant 100 : i32
    %jit3A_7 = arith.constant 20 : i32
    %select_n3A_8 = arith.select %eq3A_6, %jit3A, %jit3A_7 : i32
    %mul3A_9 = arith.constant 112 : i32
    %mul3A_10 = arith.muli %select_n3A, %mul3A_9 : i32
    %mul3A_11 = arith.constant 640 : i32
    %mul3A_12 = arith.muli %arg1, %mul3A_11 : i32
    "tpu.region"() ({
      %run_scoped3A = tpu.sem_alloc : memref<!tpu.dma_semaphore, #tpu.memory_space<semaphore_mem>>
      %dma_start3A_51 = arith.constant 0 : i32
      %dma_start3A_52 = tpu.memref_slice %arg16[%mul3A_12, %dma_start3A_51] : memref<10248x128xf32, #tpu.memory_space<vmem_shared>> -> memref<640x128xf32, #tpu.memory_space<vmem_shared>>
      tpu.enqueue_dma source(%arg5 : memref<640x128xf32, #tpu.memory_space<hbm>>) target(%dma_start3A_52 : memref<640x128xf32, #tpu.memory_space<vmem_shared>>) target_semaphore(%run_scoped3A : memref<!tpu.dma_semaphore, #tpu.memory_space<semaphore_mem>>)
      %dma_wait3A_53 = arith.constant 0 : i32
      %dma_wait3A_54 = tpu.memref_slice %arg16[%mul3A_12, %dma_wait3A_53] : memref<10248x128xf32, #tpu.memory_space<vmem_shared>> -> memref<640x128xf32, #tpu.memory_space<vmem_shared>>
      tpu.wait_dma2 semaphore(%run_scoped3A : memref<!tpu.dma_semaphore, #tpu.memory_space<semaphore_mem>>) src(%arg5 : memref<640x128xf32, #tpu.memory_space<hbm>>) dst(%dma_wait3A_54 : memref<640x128xf32, #tpu.memory_space<vmem_shared>>)
      tpu.yield
    }) : () -> ()
    %barrier3A = arith.constant 0 : index
    tpu.barrier barrier_id(%barrier3A)
    %add3A_13 = arith.constant 0 : i32
    %add3A_14 = arith.addi %mul3A_10, %add3A_13 : i32
    %multiple_of3A = tpu.assume_multiple %add3A_14, 8 : i32
    "tpu.region"() ({
      %run_scoped3A = tpu.sem_alloc : memref<!tpu.dma_semaphore, #tpu.memory_space<semaphore_mem>>
      %dma_start3A_51 = tpu.memref_slice %arg3[%multiple_of3A] : memref<645632xi32, #tpu.memory_space<hbm>> -> memref<112xi32, #tpu.memory_space<hbm>>
      %dma_start3A_52 = tpu.memref_slice %arg3[%multiple_of3A] : memref<645632xi32, #tpu.memory_space<hbm>> -> memref<112xi32, #tpu.memory_space<hbm>>
      tpu.enqueue_dma source(%dma_start3A_52 : memref<112xi32, #tpu.memory_space<hbm>>) target(%arg7 : memref<112xi32, #tpu.memory_space<vmem>>) target_semaphore(%run_scoped3A : memref<!tpu.dma_semaphore, #tpu.memory_space<semaphore_mem>>)
      %dma_wait3A_53 = tpu.memref_slice %arg3[%multiple_of3A] : memref<645632xi32, #tpu.memory_space<hbm>> -> memref<112xi32, #tpu.memory_space<hbm>>
      %dma_wait3A_54 = tpu.memref_slice %arg3[%multiple_of3A] : memref<645632xi32, #tpu.memory_space<hbm>> -> memref<112xi32, #tpu.memory_space<hbm>>
      tpu.wait_dma2 semaphore(%run_scoped3A : memref<!tpu.dma_semaphore, #tpu.memory_space<semaphore_mem>>) src(%dma_wait3A_54 : memref<112xi32, #tpu.memory_space<hbm>>) dst(%arg7 : memref<112xi32, #tpu.memory_space<vmem>>)
      tpu.yield
    }) : () -> ()
    %dma_start3A = arith.constant 0 : i32
    %dma_start3A_15 = arith.constant 0 : i32
    %dma_start3A_16 = tpu.memref_slice %arg2[%dma_start3A, %dma_start3A_15] : memref<10000x128xf32, #tpu.memory_space<hbm>> -> memref<10000x128xf32, #tpu.memory_space<hbm>>
    tpu.enqueue_indirect_dma source(%dma_start3A_16 : memref<10000x128xf32, #tpu.memory_space<hbm>>) target(%arg13 : memref<112x128xf32, #tpu.memory_space<vmem>>) offsets(%arg7 : memref<112xi32, #tpu.memory_space<vmem>>) semaphore(%arg17 : memref<!tpu.dma_semaphore, #tpu.memory_space<semaphore_mem>>)
    %add3A_17 = arith.constant 112 : i32
    %add3A_18 = arith.addi %mul3A_10, %add3A_17 : i32
    %multiple_of3A_19 = tpu.assume_multiple %add3A_18, 8 : i32
    "tpu.region"() ({
      %run_scoped3A = tpu.sem_alloc : memref<!tpu.dma_semaphore, #tpu.memory_space<semaphore_mem>>
      %dma_start3A_51 = tpu.memref_slice %arg3[%multiple_of3A_19] : memref<645632xi32, #tpu.memory_space<hbm>> -> memref<112xi32, #tpu.memory_space<hbm>>
      %dma_start3A_52 = tpu.memref_slice %arg3[%multiple_of3A_19] : memref<645632xi32, #tpu.memory_space<hbm>> -> memref<112xi32, #tpu.memory_space<hbm>>
      tpu.enqueue_dma source(%dma_start3A_52 : memref<112xi32, #tpu.memory_space<hbm>>) target(%arg8 : memref<112xi32, #tpu.memory_space<vmem>>) target_semaphore(%run_scoped3A : memref<!tpu.dma_semaphore, #tpu.memory_space<semaphore_mem>>)
      %dma_wait3A_53 = tpu.memref_slice %arg3[%multiple_of3A_19] : memref<645632xi32, #tpu.memory_space<hbm>> -> memref<112xi32, #tpu.memory_space<hbm>>
      %dma_wait3A_54 = tpu.memref_slice %arg3[%multiple_of3A_19] : memref<645632xi32, #tpu.memory_space<hbm>> -> memref<112xi32, #tpu.memory_space<hbm>>
      tpu.wait_dma2 semaphore(%run_scoped3A : memref<!tpu.dma_semaphore, #tpu.memory_space<semaphore_mem>>) src(%dma_wait3A_54 : memref<112xi32, #tpu.memory_space<hbm>>) dst(%arg8 : memref<112xi32, #tpu.memory_space<vmem>>)
      tpu.yield
    }) : () -> ()
    %dma_start3A_20 = arith.constant 0 : i32
    %dma_start3A_21 = arith.constant 0 : i32
    %dma_start3A_22 = tpu.memref_slice %arg2[%dma_start3A_20, %dma_start3A_21] : memref<10000x128xf32, #tpu.memory_space<hbm>> -> memref<10000x128xf32, #tpu.memory_space<hbm>>
    tpu.enqueue_indirect_dma source(%dma_start3A_22 : memref<10000x128xf32, #tpu.memory_space<hbm>>) target(%arg14 : memref<112x128xf32, #tpu.memory_space<vmem>>) offsets(%arg8 : memref<112xi32, #tpu.memory_space<vmem>>) semaphore(%arg18 : memref<!tpu.dma_semaphore, #tpu.memory_space<semaphore_mem>>)
    %add3A_23 = arith.constant 224 : i32
    %add3A_24 = arith.addi %mul3A_10, %add3A_23 : i32
    %multiple_of3A_25 = tpu.assume_multiple %add3A_24, 8 : i32
    "tpu.region"() ({
      %run_scoped3A = tpu.sem_alloc : memref<!tpu.dma_semaphore, #tpu.memory_space<semaphore_mem>>
      %dma_start3A_51 = tpu.memref_slice %arg3[%multiple_of3A_25] : memref<645632xi32, #tpu.memory_space<hbm>> -> memref<112xi32, #tpu.memory_space<hbm>>
      %dma_start3A_52 = tpu.memref_slice %arg3[%multiple_of3A_25] : memref<645632xi32, #tpu.memory_space<hbm>> -> memref<112xi32, #tpu.memory_space<hbm>>
      tpu.enqueue_dma source(%dma_start3A_52 : memref<112xi32, #tpu.memory_space<hbm>>) target(%arg9 : memref<112xi32, #tpu.memory_space<vmem>>) target_semaphore(%run_scoped3A : memref<!tpu.dma_semaphore, #tpu.memory_space<semaphore_mem>>)
      %dma_wait3A_53 = tpu.memref_slice %arg3[%multiple_of3A_25] : memref<645632xi32, #tpu.memory_space<hbm>> -> memref<112xi32, #tpu.memory_space<hbm>>
      %dma_wait3A_54 = tpu.memref_slice %arg3[%multiple_of3A_25] : memref<645632xi32, #tpu.memory_space<hbm>> -> memref<112xi32, #tpu.memory_space<hbm>>
      tpu.wait_dma2 semaphore(%run_scoped3A : memref<!tpu.dma_semaphore, #tpu.memory_space<semaphore_mem>>) src(%dma_wait3A_54 : memref<112xi32, #tpu.memory_space<hbm>>) dst(%arg9 : memref<112xi32, #tpu.memory_space<vmem>>)
      tpu.yield
    }) : () -> ()
    %dma_start3A_26 = arith.constant 0 : i32
    %dma_start3A_27 = arith.constant 0 : i32
    %dma_start3A_28 = tpu.memref_slice %arg2[%dma_start3A_26, %dma_start3A_27] : memref<10000x128xf32, #tpu.memory_space<hbm>> -> memref<10000x128xf32, #tpu.memory_space<hbm>>
    tpu.enqueue_indirect_dma source(%dma_start3A_28 : memref<10000x128xf32, #tpu.memory_space<hbm>>) target(%arg15 : memref<112x128xf32, #tpu.memory_space<vmem>>) offsets(%arg9 : memref<112xi32, #tpu.memory_space<vmem>>) semaphore(%arg19 : memref<!tpu.dma_semaphore, #tpu.memory_space<semaphore_mem>>)
    %while3A = arith.constant 0 : i32
    %while3A_29 = arith.constant 0 : i32
    %while3A_30 = arith.subi %select_n3A_8, %while3A_29 : i32
    %while3A_31 = arith.addi %while3A_29, %while3A_30 : i32
    %while3A_32 = arith.constant 1 : i32
    %while3A_33 = arith.divsi %while3A_30, %while3A_32 : i32
    %while3A_34 = arith.muli %while3A_33, %while3A_32 : i32
    %while3A_35 = arith.addi %while3A_29, %while3A_34 : i32
    %while3A_36 = arith.constant 1 : i32
    scf.for %while3A_51 = %while3A_29 to %while3A_35 step %while3A_36  : i32 {
      %mul3A_52 = arith.constant 3 : i32
      %mul3A_53 = arith.muli %while3A_51, %mul3A_52 : i32
      %add3A_54 = arith.constant 0 : i32
      %add3A_55 = arith.addi %mul3A_53, %add3A_54 : i32
      %dma_wait3A_56 = arith.constant 0 : i32
      %dma_wait3A_57 = arith.constant 0 : i32
      %dma_wait3A_58 = tpu.memref_slice %arg2[%dma_wait3A_56, %dma_wait3A_57] : memref<10000x128xf32, #tpu.memory_space<hbm>> -> memref<10000x128xf32, #tpu.memory_space<hbm>>
      tpu.wait_indirect_dma semaphore(%arg17 : memref<!tpu.dma_semaphore, #tpu.memory_space<semaphore_mem>>) src(%dma_wait3A_58 : memref<10000x128xf32, #tpu.memory_space<hbm>>) dst(%arg13 : memref<112x128xf32, #tpu.memory_space<vmem>>)
      %mul3A_59 = arith.constant 112 : i32
      %mul3A_60 = arith.muli %add3A_55, %mul3A_59 : i32
      %add3A_61 = arith.addi %mul3A_10, %mul3A_60 : i32
      %multiple_of3A_62 = tpu.assume_multiple %add3A_61, 8 : i32
      "tpu.region"() ({
        %run_scoped3A = tpu.sem_alloc : memref<!tpu.dma_semaphore, #tpu.memory_space<semaphore_mem>>
        %dma_start3A_130 = tpu.memref_slice %arg4[%multiple_of3A_62] : memref<645632xi32, #tpu.memory_space<hbm>> -> memref<112xi32, #tpu.memory_space<hbm>>
        %dma_start3A_131 = tpu.memref_slice %arg4[%multiple_of3A_62] : memref<645632xi32, #tpu.memory_space<hbm>> -> memref<112xi32, #tpu.memory_space<hbm>>
        tpu.enqueue_dma source(%dma_start3A_131 : memref<112xi32, #tpu.memory_space<hbm>>) target(%arg10 : memref<112xi32, #tpu.memory_space<vmem>>) target_semaphore(%run_scoped3A : memref<!tpu.dma_semaphore, #tpu.memory_space<semaphore_mem>>)
        %dma_wait3A_132 = tpu.memref_slice %arg4[%multiple_of3A_62] : memref<645632xi32, #tpu.memory_space<hbm>> -> memref<112xi32, #tpu.memory_space<hbm>>
        %dma_wait3A_133 = tpu.memref_slice %arg4[%multiple_of3A_62] : memref<645632xi32, #tpu.memory_space<hbm>> -> memref<112xi32, #tpu.memory_space<hbm>>
        tpu.wait_dma2 semaphore(%run_scoped3A : memref<!tpu.dma_semaphore, #tpu.memory_space<semaphore_mem>>) src(%dma_wait3A_133 : memref<112xi32, #tpu.memory_space<hbm>>) dst(%arg10 : memref<112xi32, #tpu.memory_space<vmem>>)
        tpu.yield
      }) : () -> ()
      %dma_start3A_63 = arith.constant 0 : i32
      %dma_start3A_64 = arith.constant 0 : i32
      %dma_start3A_65 = tpu.memref_slice %arg16[%dma_start3A_63, %dma_start3A_64] : memref<10248x128xf32, #tpu.memory_space<vmem_shared>> -> memref<10248x128xf32, #tpu.memory_space<vmem_shared>>
      tpu.enqueue_indirect_dma source(%arg13 : memref<112x128xf32, #tpu.memory_space<vmem>>) target(%dma_start3A_65 : memref<10248x128xf32, #tpu.memory_space<vmem_shared>>) offsets(%arg10 : memref<112xi32, #tpu.memory_space<vmem>>) semaphore(%arg20 : memref<!tpu.dma_semaphore, #tpu.memory_space<semaphore_mem>>) {add = true}
      %add3A_66 = arith.constant 3 : i32
      %add3A_67 = arith.addi %add3A_55, %add3A_66 : i32
      %mul3A_68 = arith.constant 112 : i32
      %mul3A_69 = arith.muli %add3A_67, %mul3A_68 : i32
      %add3A_70 = arith.addi %mul3A_10, %mul3A_69 : i32
      %multiple_of3A_71 = tpu.assume_multiple %add3A_70, 8 : i32
      "tpu.region"() ({
        %run_scoped3A = tpu.sem_alloc : memref<!tpu.dma_semaphore, #tpu.memory_space<semaphore_mem>>
        %dma_start3A_130 = tpu.memref_slice %arg3[%multiple_of3A_71] : memref<645632xi32, #tpu.memory_space<hbm>> -> memref<112xi32, #tpu.memory_space<hbm>>
        %dma_start3A_131 = tpu.memref_slice %arg3[%multiple_of3A_71] : memref<645632xi32, #tpu.memory_space<hbm>> -> memref<112xi32, #tpu.memory_space<hbm>>
        tpu.enqueue_dma source(%dma_start3A_131 : memref<112xi32, #tpu.memory_space<hbm>>) target(%arg7 : memref<112xi32, #tpu.memory_space<vmem>>) target_semaphore(%run_scoped3A : memref<!tpu.dma_semaphore, #tpu.memory_space<semaphore_mem>>)
        %dma_wait3A_132 = tpu.memref_slice %arg3[%multiple_of3A_71] : memref<645632xi32, #tpu.memory_space<hbm>> -> memref<112xi32, #tpu.memory_space<hbm>>
        %dma_wait3A_133 = tpu.memref_slice %arg3[%multiple_of3A_71] : memref<645632xi32, #tpu.memory_space<hbm>> -> memref<112xi32, #tpu.memory_space<hbm>>
        tpu.wait_dma2 semaphore(%run_scoped3A : memref<!tpu.dma_semaphore, #tpu.memory_space<semaphore_mem>>) src(%dma_wait3A_133 : memref<112xi32, #tpu.memory_space<hbm>>) dst(%arg7 : memref<112xi32, #tpu.memory_space<vmem>>)
        tpu.yield
      }) : () -> ()
      %dma_wait3A_72 = arith.constant 0 : i32
      %dma_wait3A_73 = arith.constant 0 : i32
      %dma_wait3A_74 = tpu.memref_slice %arg16[%dma_wait3A_72, %dma_wait3A_73] : memref<10248x128xf32, #tpu.memory_space<vmem_shared>> -> memref<10248x128xf32, #tpu.memory_space<vmem_shared>>
      tpu.wait_indirect_dma semaphore(%arg20 : memref<!tpu.dma_semaphore, #tpu.memory_space<semaphore_mem>>) src(%arg13 : memref<112x128xf32, #tpu.memory_space<vmem>>) dst(%dma_wait3A_74 : memref<10248x128xf32, #tpu.memory_space<vmem_shared>>)
      %dma_start3A_75 = arith.constant 0 : i32
      %dma_start3A_76 = arith.constant 0 : i32
      %dma_start3A_77 = tpu.memref_slice %arg2[%dma_start3A_75, %dma_start3A_76] : memref<10000x128xf32, #tpu.memory_space<hbm>> -> memref<10000x128xf32, #tpu.memory_space<hbm>>
      tpu.enqueue_indirect_dma source(%dma_start3A_77 : memref<10000x128xf32, #tpu.memory_space<hbm>>) target(%arg13 : memref<112x128xf32, #tpu.memory_space<vmem>>) offsets(%arg7 : memref<112xi32, #tpu.memory_space<vmem>>) semaphore(%arg17 : memref<!tpu.dma_semaphore, #tpu.memory_space<semaphore_mem>>)
      %mul3A_78 = arith.constant 3 : i32
      %mul3A_79 = arith.muli %while3A_51, %mul3A_78 : i32
      %add3A_80 = arith.constant 1 : i32
      %add3A_81 = arith.addi %mul3A_79, %add3A_80 : i32
      %dma_wait3A_82 = arith.constant 0 : i32
      %dma_wait3A_83 = arith.constant 0 : i32
      %dma_wait3A_84 = tpu.memref_slice %arg2[%dma_wait3A_82, %dma_wait3A_83] : memref<10000x128xf32, #tpu.memory_space<hbm>> -> memref<10000x128xf32, #tpu.memory_space<hbm>>
      tpu.wait_indirect_dma semaphore(%arg18 : memref<!tpu.dma_semaphore, #tpu.memory_space<semaphore_mem>>) src(%dma_wait3A_84 : memref<10000x128xf32, #tpu.memory_space<hbm>>) dst(%arg14 : memref<112x128xf32, #tpu.memory_space<vmem>>)
      %mul3A_85 = arith.constant 112 : i32
      %mul3A_86 = arith.muli %add3A_81, %mul3A_85 : i32
      %add3A_87 = arith.addi %mul3A_10, %mul3A_86 : i32
      %multiple_of3A_88 = tpu.assume_multiple %add3A_87, 8 : i32
      "tpu.region"() ({
        %run_scoped3A = tpu.sem_alloc : memref<!tpu.dma_semaphore, #tpu.memory_space<semaphore_mem>>
        %dma_start3A_130 = tpu.memref_slice %arg4[%multiple_of3A_88] : memref<645632xi32, #tpu.memory_space<hbm>> -> memref<112xi32, #tpu.memory_space<hbm>>
        %dma_start3A_131 = tpu.memref_slice %arg4[%multiple_of3A_88] : memref<645632xi32, #tpu.memory_space<hbm>> -> memref<112xi32, #tpu.memory_space<hbm>>
        tpu.enqueue_dma source(%dma_start3A_131 : memref<112xi32, #tpu.memory_space<hbm>>) target(%arg11 : memref<112xi32, #tpu.memory_space<vmem>>) target_semaphore(%run_scoped3A : memref<!tpu.dma_semaphore, #tpu.memory_space<semaphore_mem>>)
        %dma_wait3A_132 = tpu.memref_slice %arg4[%multiple_of3A_88] : memref<645632xi32, #tpu.memory_space<hbm>> -> memref<112xi32, #tpu.memory_space<hbm>>
        %dma_wait3A_133 = tpu.memref_slice %arg4[%multiple_of3A_88] : memref<645632xi32, #tpu.memory_space<hbm>> -> memref<112xi32, #tpu.memory_space<hbm>>
        tpu.wait_dma2 semaphore(%run_scoped3A : memref<!tpu.dma_semaphore, #tpu.memory_space<semaphore_mem>>) src(%dma_wait3A_133 : memref<112xi32, #tpu.memory_space<hbm>>) dst(%arg11 : memref<112xi32, #tpu.memory_space<vmem>>)
        tpu.yield
      }) : () -> ()
      %dma_start3A_89 = arith.constant 0 : i32
      %dma_start3A_90 = arith.constant 0 : i32
      %dma_start3A_91 = tpu.memref_slice %arg16[%dma_start3A_89, %dma_start3A_90] : memref<10248x128xf32, #tpu.memory_space<vmem_shared>> -> memref<10248x128xf32, #tpu.memory_space<vmem_shared>>
      tpu.enqueue_indirect_dma source(%arg14 : memref<112x128xf32, #tpu.memory_space<vmem>>) target(%dma_start3A_91 : memref<10248x128xf32, #tpu.memory_space<vmem_shared>>) offsets(%arg11 : memref<112xi32, #tpu.memory_space<vmem>>) semaphore(%arg21 : memref<!tpu.dma_semaphore, #tpu.memory_space<semaphore_mem>>) {add = true}
      %add3A_92 = arith.constant 3 : i32
      %add3A_93 = arith.addi %add3A_81, %add3A_92 : i32
      %mul3A_94 = arith.constant 112 : i32
      %mul3A_95 = arith.muli %add3A_93, %mul3A_94 : i32
      %add3A_96 = arith.addi %mul3A_10, %mul3A_95 : i32
      %multiple_of3A_97 = tpu.assume_multiple %add3A_96, 8 : i32
      "tpu.region"() ({
        %run_scoped3A = tpu.sem_alloc : memref<!tpu.dma_semaphore, #tpu.memory_space<semaphore_mem>>
        %dma_start3A_130 = tpu.memref_slice %arg3[%multiple_of3A_97] : memref<645632xi32, #tpu.memory_space<hbm>> -> memref<112xi32, #tpu.memory_space<hbm>>
        %dma_start3A_131 = tpu.memref_slice %arg3[%multiple_of3A_97] : memref<645632xi32, #tpu.memory_space<hbm>> -> memref<112xi32, #tpu.memory_space<hbm>>
        tpu.enqueue_dma source(%dma_start3A_131 : memref<112xi32, #tpu.memory_space<hbm>>) target(%arg8 : memref<112xi32, #tpu.memory_space<vmem>>) target_semaphore(%run_scoped3A : memref<!tpu.dma_semaphore, #tpu.memory_space<semaphore_mem>>)
        %dma_wait3A_132 = tpu.memref_slice %arg3[%multiple_of3A_97] : memref<645632xi32, #tpu.memory_space<hbm>> -> memref<112xi32, #tpu.memory_space<hbm>>
        %dma_wait3A_133 = tpu.memref_slice %arg3[%multiple_of3A_97] : memref<645632xi32, #tpu.memory_space<hbm>> -> memref<112xi32, #tpu.memory_space<hbm>>
        tpu.wait_dma2 semaphore(%run_scoped3A : memref<!tpu.dma_semaphore, #tpu.memory_space<semaphore_mem>>) src(%dma_wait3A_133 : memref<112xi32, #tpu.memory_space<hbm>>) dst(%arg8 : memref<112xi32, #tpu.memory_space<vmem>>)
        tpu.yield
      }) : () -> ()
      %dma_wait3A_98 = arith.constant 0 : i32
      %dma_wait3A_99 = arith.constant 0 : i32
      %dma_wait3A_100 = tpu.memref_slice %arg16[%dma_wait3A_98, %dma_wait3A_99] : memref<10248x128xf32, #tpu.memory_space<vmem_shared>> -> memref<10248x128xf32, #tpu.memory_space<vmem_shared>>
      tpu.wait_indirect_dma semaphore(%arg21 : memref<!tpu.dma_semaphore, #tpu.memory_space<semaphore_mem>>) src(%arg14 : memref<112x128xf32, #tpu.memory_space<vmem>>) dst(%dma_wait3A_100 : memref<10248x128xf32, #tpu.memory_space<vmem_shared>>)
      %dma_start3A_101 = arith.constant 0 : i32
      %dma_start3A_102 = arith.constant 0 : i32
      %dma_start3A_103 = tpu.memref_slice %arg2[%dma_start3A_101, %dma_start3A_102] : memref<10000x128xf32, #tpu.memory_space<hbm>> -> memref<10000x128xf32, #tpu.memory_space<hbm>>
      tpu.enqueue_indirect_dma source(%dma_start3A_103 : memref<10000x128xf32, #tpu.memory_space<hbm>>) target(%arg14 : memref<112x128xf32, #tpu.memory_space<vmem>>) offsets(%arg8 : memref<112xi32, #tpu.memory_space<vmem>>) semaphore(%arg18 : memref<!tpu.dma_semaphore, #tpu.memory_space<semaphore_mem>>)
      %mul3A_104 = arith.constant 3 : i32
      %mul3A_105 = arith.muli %while3A_51, %mul3A_104 : i32
      %add3A_106 = arith.constant 2 : i32
      %add3A_107 = arith.addi %mul3A_105, %add3A_106 : i32
      %dma_wait3A_108 = arith.constant 0 : i32
      %dma_wait3A_109 = arith.constant 0 : i32
      %dma_wait3A_110 = tpu.memref_slice %arg2[%dma_wait3A_108, %dma_wait3A_109] : memref<10000x128xf32, #tpu.memory_space<hbm>> -> memref<10000x128xf32, #tpu.memory_space<hbm>>
      tpu.wait_indirect_dma semaphore(%arg19 : memref<!tpu.dma_semaphore, #tpu.memory_space<semaphore_mem>>) src(%dma_wait3A_110 : memref<10000x128xf32, #tpu.memory_space<hbm>>) dst(%arg15 : memref<112x128xf32, #tpu.memory_space<vmem>>)
      %mul3A_111 = arith.constant 112 : i32
      %mul3A_112 = arith.muli %add3A_107, %mul3A_111 : i32
      %add3A_113 = arith.addi %mul3A_10, %mul3A_112 : i32
      %multiple_of3A_114 = tpu.assume_multiple %add3A_113, 8 : i32
      "tpu.region"() ({
        %run_scoped3A = tpu.sem_alloc : memref<!tpu.dma_semaphore, #tpu.memory_space<semaphore_mem>>
        %dma_start3A_130 = tpu.memref_slice %arg4[%multiple_of3A_114] : memref<645632xi32, #tpu.memory_space<hbm>> -> memref<112xi32, #tpu.memory_space<hbm>>
        %dma_start3A_131 = tpu.memref_slice %arg4[%multiple_of3A_114] : memref<645632xi32, #tpu.memory_space<hbm>> -> memref<112xi32, #tpu.memory_space<hbm>>
        tpu.enqueue_dma source(%dma_start3A_131 : memref<112xi32, #tpu.memory_space<hbm>>) target(%arg12 : memref<112xi32, #tpu.memory_space<vmem>>) target_semaphore(%run_scoped3A : memref<!tpu.dma_semaphore, #tpu.memory_space<semaphore_mem>>)
        %dma_wait3A_132 = tpu.memref_slice %arg4[%multiple_of3A_114] : memref<645632xi32, #tpu.memory_space<hbm>> -> memref<112xi32, #tpu.memory_space<hbm>>
        %dma_wait3A_133 = tpu.memref_slice %arg4[%multiple_of3A_114] : memref<645632xi32, #tpu.memory_space<hbm>> -> memref<112xi32, #tpu.memory_space<hbm>>
        tpu.wait_dma2 semaphore(%run_scoped3A : memref<!tpu.dma_semaphore, #tpu.memory_space<semaphore_mem>>) src(%dma_wait3A_133 : memref<112xi32, #tpu.memory_space<hbm>>) dst(%arg12 : memref<112xi32, #tpu.memory_space<vmem>>)
        tpu.yield
      }) : () -> ()
      %dma_start3A_115 = arith.constant 0 : i32
      %dma_start3A_116 = arith.constant 0 : i32
      %dma_start3A_117 = tpu.memref_slice %arg16[%dma_start3A_115, %dma_start3A_116] : memref<10248x128xf32, #tpu.memory_space<vmem_shared>> -> memref<10248x128xf32, #tpu.memory_space<vmem_shared>>
      tpu.enqueue_indirect_dma source(%arg15 : memref<112x128xf32, #tpu.memory_space<vmem>>) target(%dma_start3A_117 : memref<10248x128xf32, #tpu.memory_space<vmem_shared>>) offsets(%arg12 : memref<112xi32, #tpu.memory_space<vmem>>) semaphore(%arg22 : memref<!tpu.dma_semaphore, #tpu.memory_space<semaphore_mem>>) {add = true}
      %add3A_118 = arith.constant 3 : i32
      %add3A_119 = arith.addi %add3A_107, %add3A_118 : i32
      %mul3A_120 = arith.constant 112 : i32
      %mul3A_121 = arith.muli %add3A_119, %mul3A_120 : i32
      %add3A_122 = arith.addi %mul3A_10, %mul3A_121 : i32
      %multiple_of3A_123 = tpu.assume_multiple %add3A_122, 8 : i32
      "tpu.region"() ({
        %run_scoped3A = tpu.sem_alloc : memref<!tpu.dma_semaphore, #tpu.memory_space<semaphore_mem>>
        %dma_start3A_130 = tpu.memref_slice %arg3[%multiple_of3A_123] : memref<645632xi32, #tpu.memory_space<hbm>> -> memref<112xi32, #tpu.memory_space<hbm>>
        %dma_start3A_131 = tpu.memref_slice %arg3[%multiple_of3A_123] : memref<645632xi32, #tpu.memory_space<hbm>> -> memref<112xi32, #tpu.memory_space<hbm>>
        tpu.enqueue_dma source(%dma_start3A_131 : memref<112xi32, #tpu.memory_space<hbm>>) target(%arg9 : memref<112xi32, #tpu.memory_space<vmem>>) target_semaphore(%run_scoped3A : memref<!tpu.dma_semaphore, #tpu.memory_space<semaphore_mem>>)
        %dma_wait3A_132 = tpu.memref_slice %arg3[%multiple_of3A_123] : memref<645632xi32, #tpu.memory_space<hbm>> -> memref<112xi32, #tpu.memory_space<hbm>>
        %dma_wait3A_133 = tpu.memref_slice %arg3[%multiple_of3A_123] : memref<645632xi32, #tpu.memory_space<hbm>> -> memref<112xi32, #tpu.memory_space<hbm>>
        tpu.wait_dma2 semaphore(%run_scoped3A : memref<!tpu.dma_semaphore, #tpu.memory_space<semaphore_mem>>) src(%dma_wait3A_133 : memref<112xi32, #tpu.memory_space<hbm>>) dst(%arg9 : memref<112xi32, #tpu.memory_space<vmem>>)
        tpu.yield
      }) : () -> ()
      %dma_wait3A_124 = arith.constant 0 : i32
      %dma_wait3A_125 = arith.constant 0 : i32
      %dma_wait3A_126 = tpu.memref_slice %arg16[%dma_wait3A_124, %dma_wait3A_125] : memref<10248x128xf32, #tpu.memory_space<vmem_shared>> -> memref<10248x128xf32, #tpu.memory_space<vmem_shared>>
      tpu.wait_indirect_dma semaphore(%arg22 : memref<!tpu.dma_semaphore, #tpu.memory_space<semaphore_mem>>) src(%arg15 : memref<112x128xf32, #tpu.memory_space<vmem>>) dst(%dma_wait3A_126 : memref<10248x128xf32, #tpu.memory_space<vmem_shared>>)
      %dma_start3A_127 = arith.constant 0 : i32
      %dma_start3A_128 = arith.constant 0 : i32
      %dma_start3A_129 = tpu.memref_slice %arg2[%dma_start3A_127, %dma_start3A_128] : memref<10000x128xf32, #tpu.memory_space<hbm>> -> memref<10000x128xf32, #tpu.memory_space<hbm>>
      tpu.enqueue_indirect_dma source(%dma_start3A_129 : memref<10000x128xf32, #tpu.memory_space<hbm>>) target(%arg15 : memref<112x128xf32, #tpu.memory_space<vmem>>) offsets(%arg9 : memref<112xi32, #tpu.memory_space<vmem>>) semaphore(%arg19 : memref<!tpu.dma_semaphore, #tpu.memory_space<semaphore_mem>>)
    }
    %while3A_37 = arith.constant 1 : i32
    scf.for %while3A_51 = %while3A_35 to %while3A_31 step %while3A_37  : i32 {
      %mul3A_52 = arith.constant 3 : i32
      %mul3A_53 = arith.muli %while3A_51, %mul3A_52 : i32
      %add3A_54 = arith.constant 0 : i32
      %add3A_55 = arith.addi %mul3A_53, %add3A_54 : i32
      %dma_wait3A_56 = arith.constant 0 : i32
      %dma_wait3A_57 = arith.constant 0 : i32
      %dma_wait3A_58 = tpu.memref_slice %arg2[%dma_wait3A_56, %dma_wait3A_57] : memref<10000x128xf32, #tpu.memory_space<hbm>> -> memref<10000x128xf32, #tpu.memory_space<hbm>>
      tpu.wait_indirect_dma semaphore(%arg17 : memref<!tpu.dma_semaphore, #tpu.memory_space<semaphore_mem>>) src(%dma_wait3A_58 : memref<10000x128xf32, #tpu.memory_space<hbm>>) dst(%arg13 : memref<112x128xf32, #tpu.memory_space<vmem>>)
      %mul3A_59 = arith.constant 112 : i32
      %mul3A_60 = arith.muli %add3A_55, %mul3A_59 : i32
      %add3A_61 = arith.addi %mul3A_10, %mul3A_60 : i32
      %multiple_of3A_62 = tpu.assume_multiple %add3A_61, 8 : i32
      "tpu.region"() ({
        %run_scoped3A = tpu.sem_alloc : memref<!tpu.dma_semaphore, #tpu.memory_space<semaphore_mem>>
        %dma_start3A_130 = tpu.memref_slice %arg4[%multiple_of3A_62] : memref<645632xi32, #tpu.memory_space<hbm>> -> memref<112xi32, #tpu.memory_space<hbm>>
        %dma_start3A_131 = tpu.memref_slice %arg4[%multiple_of3A_62] : memref<645632xi32, #tpu.memory_space<hbm>> -> memref<112xi32, #tpu.memory_space<hbm>>
        tpu.enqueue_dma source(%dma_start3A_131 : memref<112xi32, #tpu.memory_space<hbm>>) target(%arg10 : memref<112xi32, #tpu.memory_space<vmem>>) target_semaphore(%run_scoped3A : memref<!tpu.dma_semaphore, #tpu.memory_space<semaphore_mem>>)
        %dma_wait3A_132 = tpu.memref_slice %arg4[%multiple_of3A_62] : memref<645632xi32, #tpu.memory_space<hbm>> -> memref<112xi32, #tpu.memory_space<hbm>>
        %dma_wait3A_133 = tpu.memref_slice %arg4[%multiple_of3A_62] : memref<645632xi32, #tpu.memory_space<hbm>> -> memref<112xi32, #tpu.memory_space<hbm>>
        tpu.wait_dma2 semaphore(%run_scoped3A : memref<!tpu.dma_semaphore, #tpu.memory_space<semaphore_mem>>) src(%dma_wait3A_133 : memref<112xi32, #tpu.memory_space<hbm>>) dst(%arg10 : memref<112xi32, #tpu.memory_space<vmem>>)
        tpu.yield
      }) : () -> ()
      %dma_start3A_63 = arith.constant 0 : i32
      %dma_start3A_64 = arith.constant 0 : i32
      %dma_start3A_65 = tpu.memref_slice %arg16[%dma_start3A_63, %dma_start3A_64] : memref<10248x128xf32, #tpu.memory_space<vmem_shared>> -> memref<10248x128xf32, #tpu.memory_space<vmem_shared>>
      tpu.enqueue_indirect_dma source(%arg13 : memref<112x128xf32, #tpu.memory_space<vmem>>) target(%dma_start3A_65 : memref<10248x128xf32, #tpu.memory_space<vmem_shared>>) offsets(%arg10 : memref<112xi32, #tpu.memory_space<vmem>>) semaphore(%arg20 : memref<!tpu.dma_semaphore, #tpu.memory_space<semaphore_mem>>) {add = true}
      %add3A_66 = arith.constant 3 : i32
      %add3A_67 = arith.addi %add3A_55, %add3A_66 : i32
      %mul3A_68 = arith.constant 112 : i32
      %mul3A_69 = arith.muli %add3A_67, %mul3A_68 : i32
      %add3A_70 = arith.addi %mul3A_10, %mul3A_69 : i32
      %multiple_of3A_71 = tpu.assume_multiple %add3A_70, 8 : i32
      "tpu.region"() ({
        %run_scoped3A = tpu.sem_alloc : memref<!tpu.dma_semaphore, #tpu.memory_space<semaphore_mem>>
        %dma_start3A_130 = tpu.memref_slice %arg3[%multiple_of3A_71] : memref<645632xi32, #tpu.memory_space<hbm>> -> memref<112xi32, #tpu.memory_space<hbm>>
        %dma_start3A_131 = tpu.memref_slice %arg3[%multiple_of3A_71] : memref<645632xi32, #tpu.memory_space<hbm>> -> memref<112xi32, #tpu.memory_space<hbm>>
        tpu.enqueue_dma source(%dma_start3A_131 : memref<112xi32, #tpu.memory_space<hbm>>) target(%arg7 : memref<112xi32, #tpu.memory_space<vmem>>) target_semaphore(%run_scoped3A : memref<!tpu.dma_semaphore, #tpu.memory_space<semaphore_mem>>)
        %dma_wait3A_132 = tpu.memref_slice %arg3[%multiple_of3A_71] : memref<645632xi32, #tpu.memory_space<hbm>> -> memref<112xi32, #tpu.memory_space<hbm>>
        %dma_wait3A_133 = tpu.memref_slice %arg3[%multiple_of3A_71] : memref<645632xi32, #tpu.memory_space<hbm>> -> memref<112xi32, #tpu.memory_space<hbm>>
        tpu.wait_dma2 semaphore(%run_scoped3A : memref<!tpu.dma_semaphore, #tpu.memory_space<semaphore_mem>>) src(%dma_wait3A_133 : memref<112xi32, #tpu.memory_space<hbm>>) dst(%arg7 : memref<112xi32, #tpu.memory_space<vmem>>)
        tpu.yield
      }) : () -> ()
      %dma_wait3A_72 = arith.constant 0 : i32
      %dma_wait3A_73 = arith.constant 0 : i32
      %dma_wait3A_74 = tpu.memref_slice %arg16[%dma_wait3A_72, %dma_wait3A_73] : memref<10248x128xf32, #tpu.memory_space<vmem_shared>> -> memref<10248x128xf32, #tpu.memory_space<vmem_shared>>
      tpu.wait_indirect_dma semaphore(%arg20 : memref<!tpu.dma_semaphore, #tpu.memory_space<semaphore_mem>>) src(%arg13 : memref<112x128xf32, #tpu.memory_space<vmem>>) dst(%dma_wait3A_74 : memref<10248x128xf32, #tpu.memory_space<vmem_shared>>)
      %dma_start3A_75 = arith.constant 0 : i32
      %dma_start3A_76 = arith.constant 0 : i32
      %dma_start3A_77 = tpu.memref_slice %arg2[%dma_start3A_75, %dma_start3A_76] : memref<10000x128xf32, #tpu.memory_space<hbm>> -> memref<10000x128xf32, #tpu.memory_space<hbm>>
      tpu.enqueue_indirect_dma source(%dma_start3A_77 : memref<10000x128xf32, #tpu.memory_space<hbm>>) target(%arg13 : memref<112x128xf32, #tpu.memory_space<vmem>>) offsets(%arg7 : memref<112xi32, #tpu.memory_space<vmem>>) semaphore(%arg17 : memref<!tpu.dma_semaphore, #tpu.memory_space<semaphore_mem>>)
      %mul3A_78 = arith.constant 3 : i32
      %mul3A_79 = arith.muli %while3A_51, %mul3A_78 : i32
      %add3A_80 = arith.constant 1 : i32
      %add3A_81 = arith.addi %mul3A_79, %add3A_80 : i32
      %dma_wait3A_82 = arith.constant 0 : i32
      %dma_wait3A_83 = arith.constant 0 : i32
      %dma_wait3A_84 = tpu.memref_slice %arg2[%dma_wait3A_82, %dma_wait3A_83] : memref<10000x128xf32, #tpu.memory_space<hbm>> -> memref<10000x128xf32, #tpu.memory_space<hbm>>
      tpu.wait_indirect_dma semaphore(%arg18 : memref<!tpu.dma_semaphore, #tpu.memory_space<semaphore_mem>>) src(%dma_wait3A_84 : memref<10000x128xf32, #tpu.memory_space<hbm>>) dst(%arg14 : memref<112x128xf32, #tpu.memory_space<vmem>>)
      %mul3A_85 = arith.constant 112 : i32
      %mul3A_86 = arith.muli %add3A_81, %mul3A_85 : i32
      %add3A_87 = arith.addi %mul3A_10, %mul3A_86 : i32
      %multiple_of3A_88 = tpu.assume_multiple %add3A_87, 8 : i32
      "tpu.region"() ({
        %run_scoped3A = tpu.sem_alloc : memref<!tpu.dma_semaphore, #tpu.memory_space<semaphore_mem>>
        %dma_start3A_130 = tpu.memref_slice %arg4[%multiple_of3A_88] : memref<645632xi32, #tpu.memory_space<hbm>> -> memref<112xi32, #tpu.memory_space<hbm>>
        %dma_start3A_131 = tpu.memref_slice %arg4[%multiple_of3A_88] : memref<645632xi32, #tpu.memory_space<hbm>> -> memref<112xi32, #tpu.memory_space<hbm>>
        tpu.enqueue_dma source(%dma_start3A_131 : memref<112xi32, #tpu.memory_space<hbm>>) target(%arg11 : memref<112xi32, #tpu.memory_space<vmem>>) target_semaphore(%run_scoped3A : memref<!tpu.dma_semaphore, #tpu.memory_space<semaphore_mem>>)
        %dma_wait3A_132 = tpu.memref_slice %arg4[%multiple_of3A_88] : memref<645632xi32, #tpu.memory_space<hbm>> -> memref<112xi32, #tpu.memory_space<hbm>>
        %dma_wait3A_133 = tpu.memref_slice %arg4[%multiple_of3A_88] : memref<645632xi32, #tpu.memory_space<hbm>> -> memref<112xi32, #tpu.memory_space<hbm>>
        tpu.wait_dma2 semaphore(%run_scoped3A : memref<!tpu.dma_semaphore, #tpu.memory_space<semaphore_mem>>) src(%dma_wait3A_133 : memref<112xi32, #tpu.memory_space<hbm>>) dst(%arg11 : memref<112xi32, #tpu.memory_space<vmem>>)
        tpu.yield
      }) : () -> ()
      %dma_start3A_89 = arith.constant 0 : i32
      %dma_start3A_90 = arith.constant 0 : i32
      %dma_start3A_91 = tpu.memref_slice %arg16[%dma_start3A_89, %dma_start3A_90] : memref<10248x128xf32, #tpu.memory_space<vmem_shared>> -> memref<10248x128xf32, #tpu.memory_space<vmem_shared>>
      tpu.enqueue_indirect_dma source(%arg14 : memref<112x128xf32, #tpu.memory_space<vmem>>) target(%dma_start3A_91 : memref<10248x128xf32, #tpu.memory_space<vmem_shared>>) offsets(%arg11 : memref<112xi32, #tpu.memory_space<vmem>>) semaphore(%arg21 : memref<!tpu.dma_semaphore, #tpu.memory_space<semaphore_mem>>) {add = true}
      %add3A_92 = arith.constant 3 : i32
      %add3A_93 = arith.addi %add3A_81, %add3A_92 : i32
      %mul3A_94 = arith.constant 112 : i32
      %mul3A_95 = arith.muli %add3A_93, %mul3A_94 : i32
      %add3A_96 = arith.addi %mul3A_10, %mul3A_95 : i32
      %multiple_of3A_97 = tpu.assume_multiple %add3A_96, 8 : i32
      "tpu.region"() ({
        %run_scoped3A = tpu.sem_alloc : memref<!tpu.dma_semaphore, #tpu.memory_space<semaphore_mem>>
        %dma_start3A_130 = tpu.memref_slice %arg3[%multiple_of3A_97] : memref<645632xi32, #tpu.memory_space<hbm>> -> memref<112xi32, #tpu.memory_space<hbm>>
        %dma_start3A_131 = tpu.memref_slice %arg3[%multiple_of3A_97] : memref<645632xi32, #tpu.memory_space<hbm>> -> memref<112xi32, #tpu.memory_space<hbm>>
        tpu.enqueue_dma source(%dma_start3A_131 : memref<112xi32, #tpu.memory_space<hbm>>) target(%arg8 : memref<112xi32, #tpu.memory_space<vmem>>) target_semaphore(%run_scoped3A : memref<!tpu.dma_semaphore, #tpu.memory_space<semaphore_mem>>)
        %dma_wait3A_132 = tpu.memref_slice %arg3[%multiple_of3A_97] : memref<645632xi32, #tpu.memory_space<hbm>> -> memref<112xi32, #tpu.memory_space<hbm>>
        %dma_wait3A_133 = tpu.memref_slice %arg3[%multiple_of3A_97] : memref<645632xi32, #tpu.memory_space<hbm>> -> memref<112xi32, #tpu.memory_space<hbm>>
        tpu.wait_dma2 semaphore(%run_scoped3A : memref<!tpu.dma_semaphore, #tpu.memory_space<semaphore_mem>>) src(%dma_wait3A_133 : memref<112xi32, #tpu.memory_space<hbm>>) dst(%arg8 : memref<112xi32, #tpu.memory_space<vmem>>)
        tpu.yield
      }) : () -> ()
      %dma_wait3A_98 = arith.constant 0 : i32
      %dma_wait3A_99 = arith.constant 0 : i32
      %dma_wait3A_100 = tpu.memref_slice %arg16[%dma_wait3A_98, %dma_wait3A_99] : memref<10248x128xf32, #tpu.memory_space<vmem_shared>> -> memref<10248x128xf32, #tpu.memory_space<vmem_shared>>
      tpu.wait_indirect_dma semaphore(%arg21 : memref<!tpu.dma_semaphore, #tpu.memory_space<semaphore_mem>>) src(%arg14 : memref<112x128xf32, #tpu.memory_space<vmem>>) dst(%dma_wait3A_100 : memref<10248x128xf32, #tpu.memory_space<vmem_shared>>)
      %dma_start3A_101 = arith.constant 0 : i32
      %dma_start3A_102 = arith.constant 0 : i32
      %dma_start3A_103 = tpu.memref_slice %arg2[%dma_start3A_101, %dma_start3A_102] : memref<10000x128xf32, #tpu.memory_space<hbm>> -> memref<10000x128xf32, #tpu.memory_space<hbm>>
      tpu.enqueue_indirect_dma source(%dma_start3A_103 : memref<10000x128xf32, #tpu.memory_space<hbm>>) target(%arg14 : memref<112x128xf32, #tpu.memory_space<vmem>>) offsets(%arg8 : memref<112xi32, #tpu.memory_space<vmem>>) semaphore(%arg18 : memref<!tpu.dma_semaphore, #tpu.memory_space<semaphore_mem>>)
      %mul3A_104 = arith.constant 3 : i32
      %mul3A_105 = arith.muli %while3A_51, %mul3A_104 : i32
      %add3A_106 = arith.constant 2 : i32
      %add3A_107 = arith.addi %mul3A_105, %add3A_106 : i32
      %dma_wait3A_108 = arith.constant 0 : i32
      %dma_wait3A_109 = arith.constant 0 : i32
      %dma_wait3A_110 = tpu.memref_slice %arg2[%dma_wait3A_108, %dma_wait3A_109] : memref<10000x128xf32, #tpu.memory_space<hbm>> -> memref<10000x128xf32, #tpu.memory_space<hbm>>
      tpu.wait_indirect_dma semaphore(%arg19 : memref<!tpu.dma_semaphore, #tpu.memory_space<semaphore_mem>>) src(%dma_wait3A_110 : memref<10000x128xf32, #tpu.memory_space<hbm>>) dst(%arg15 : memref<112x128xf32, #tpu.memory_space<vmem>>)
      %mul3A_111 = arith.constant 112 : i32
      %mul3A_112 = arith.muli %add3A_107, %mul3A_111 : i32
      %add3A_113 = arith.addi %mul3A_10, %mul3A_112 : i32
      %multiple_of3A_114 = tpu.assume_multiple %add3A_113, 8 : i32
      "tpu.region"() ({
        %run_scoped3A = tpu.sem_alloc : memref<!tpu.dma_semaphore, #tpu.memory_space<semaphore_mem>>
        %dma_start3A_130 = tpu.memref_slice %arg4[%multiple_of3A_114] : memref<645632xi32, #tpu.memory_space<hbm>> -> memref<112xi32, #tpu.memory_space<hbm>>
        %dma_start3A_131 = tpu.memref_slice %arg4[%multiple_of3A_114] : memref<645632xi32, #tpu.memory_space<hbm>> -> memref<112xi32, #tpu.memory_space<hbm>>
        tpu.enqueue_dma source(%dma_start3A_131 : memref<112xi32, #tpu.memory_space<hbm>>) target(%arg12 : memref<112xi32, #tpu.memory_space<vmem>>) target_semaphore(%run_scoped3A : memref<!tpu.dma_semaphore, #tpu.memory_space<semaphore_mem>>)
        %dma_wait3A_132 = tpu.memref_slice %arg4[%multiple_of3A_114] : memref<645632xi32, #tpu.memory_space<hbm>> -> memref<112xi32, #tpu.memory_space<hbm>>
        %dma_wait3A_133 = tpu.memref_slice %arg4[%multiple_of3A_114] : memref<645632xi32, #tpu.memory_space<hbm>> -> memref<112xi32, #tpu.memory_space<hbm>>
        tpu.wait_dma2 semaphore(%run_scoped3A : memref<!tpu.dma_semaphore, #tpu.memory_space<semaphore_mem>>) src(%dma_wait3A_133 : memref<112xi32, #tpu.memory_space<hbm>>) dst(%arg12 : memref<112xi32, #tpu.memory_space<vmem>>)
        tpu.yield
      }) : () -> ()
      %dma_start3A_115 = arith.constant 0 : i32
      %dma_start3A_116 = arith.constant 0 : i32
      %dma_start3A_117 = tpu.memref_slice %arg16[%dma_start3A_115, %dma_start3A_116] : memref<10248x128xf32, #tpu.memory_space<vmem_shared>> -> memref<10248x128xf32, #tpu.memory_space<vmem_shared>>
      tpu.enqueue_indirect_dma source(%arg15 : memref<112x128xf32, #tpu.memory_space<vmem>>) target(%dma_start3A_117 : memref<10248x128xf32, #tpu.memory_space<vmem_shared>>) offsets(%arg12 : memref<112xi32, #tpu.memory_space<vmem>>) semaphore(%arg22 : memref<!tpu.dma_semaphore, #tpu.memory_space<semaphore_mem>>) {add = true}
      %add3A_118 = arith.constant 3 : i32
      %add3A_119 = arith.addi %add3A_107, %add3A_118 : i32
      %mul3A_120 = arith.constant 112 : i32
      %mul3A_121 = arith.muli %add3A_119, %mul3A_120 : i32
      %add3A_122 = arith.addi %mul3A_10, %mul3A_121 : i32
      %multiple_of3A_123 = tpu.assume_multiple %add3A_122, 8 : i32
      "tpu.region"() ({
        %run_scoped3A = tpu.sem_alloc : memref<!tpu.dma_semaphore, #tpu.memory_space<semaphore_mem>>
        %dma_start3A_130 = tpu.memref_slice %arg3[%multiple_of3A_123] : memref<645632xi32, #tpu.memory_space<hbm>> -> memref<112xi32, #tpu.memory_space<hbm>>
        %dma_start3A_131 = tpu.memref_slice %arg3[%multiple_of3A_123] : memref<645632xi32, #tpu.memory_space<hbm>> -> memref<112xi32, #tpu.memory_space<hbm>>
        tpu.enqueue_dma source(%dma_start3A_131 : memref<112xi32, #tpu.memory_space<hbm>>) target(%arg9 : memref<112xi32, #tpu.memory_space<vmem>>) target_semaphore(%run_scoped3A : memref<!tpu.dma_semaphore, #tpu.memory_space<semaphore_mem>>)
        %dma_wait3A_132 = tpu.memref_slice %arg3[%multiple_of3A_123] : memref<645632xi32, #tpu.memory_space<hbm>> -> memref<112xi32, #tpu.memory_space<hbm>>
        %dma_wait3A_133 = tpu.memref_slice %arg3[%multiple_of3A_123] : memref<645632xi32, #tpu.memory_space<hbm>> -> memref<112xi32, #tpu.memory_space<hbm>>
        tpu.wait_dma2 semaphore(%run_scoped3A : memref<!tpu.dma_semaphore, #tpu.memory_space<semaphore_mem>>) src(%dma_wait3A_133 : memref<112xi32, #tpu.memory_space<hbm>>) dst(%arg9 : memref<112xi32, #tpu.memory_space<vmem>>)
        tpu.yield
      }) : () -> ()
      %dma_wait3A_124 = arith.constant 0 : i32
      %dma_wait3A_125 = arith.constant 0 : i32
      %dma_wait3A_126 = tpu.memref_slice %arg16[%dma_wait3A_124, %dma_wait3A_125] : memref<10248x128xf32, #tpu.memory_space<vmem_shared>> -> memref<10248x128xf32, #tpu.memory_space<vmem_shared>>
      tpu.wait_indirect_dma semaphore(%arg22 : memref<!tpu.dma_semaphore, #tpu.memory_space<semaphore_mem>>) src(%arg15 : memref<112x128xf32, #tpu.memory_space<vmem>>) dst(%dma_wait3A_126 : memref<10248x128xf32, #tpu.memory_space<vmem_shared>>)
      %dma_start3A_127 = arith.constant 0 : i32
      %dma_start3A_128 = arith.constant 0 : i32
      %dma_start3A_129 = tpu.memref_slice %arg2[%dma_start3A_127, %dma_start3A_128] : memref<10000x128xf32, #tpu.memory_space<hbm>> -> memref<10000x128xf32, #tpu.memory_space<hbm>>
      tpu.enqueue_indirect_dma source(%dma_start3A_129 : memref<10000x128xf32, #tpu.memory_space<hbm>>) target(%arg15 : memref<112x128xf32, #tpu.memory_space<vmem>>) offsets(%arg9 : memref<112xi32, #tpu.memory_space<vmem>>) semaphore(%arg19 : memref<!tpu.dma_semaphore, #tpu.memory_space<semaphore_mem>>)
    }
    %dma_wait3A = arith.constant 0 : i32
    %dma_wait3A_38 = arith.constant 0 : i32
    %dma_wait3A_39 = tpu.memref_slice %arg2[%dma_wait3A, %dma_wait3A_38] : memref<10000x128xf32, #tpu.memory_space<hbm>> -> memref<10000x128xf32, #tpu.memory_space<hbm>>
    tpu.wait_indirect_dma semaphore(%arg17 : memref<!tpu.dma_semaphore, #tpu.memory_space<semaphore_mem>>) src(%dma_wait3A_39 : memref<10000x128xf32, #tpu.memory_space<hbm>>) dst(%arg13 : memref<112x128xf32, #tpu.memory_space<vmem>>)
    %dma_wait3A_40 = arith.constant 0 : i32
    %dma_wait3A_41 = arith.constant 0 : i32
    %dma_wait3A_42 = tpu.memref_slice %arg2[%dma_wait3A_40, %dma_wait3A_41] : memref<10000x128xf32, #tpu.memory_space<hbm>> -> memref<10000x128xf32, #tpu.memory_space<hbm>>
    tpu.wait_indirect_dma semaphore(%arg18 : memref<!tpu.dma_semaphore, #tpu.memory_space<semaphore_mem>>) src(%dma_wait3A_42 : memref<10000x128xf32, #tpu.memory_space<hbm>>) dst(%arg14 : memref<112x128xf32, #tpu.memory_space<vmem>>)
    %dma_wait3A_43 = arith.constant 0 : i32
    %dma_wait3A_44 = arith.constant 0 : i32
    %dma_wait3A_45 = tpu.memref_slice %arg2[%dma_wait3A_43, %dma_wait3A_44] : memref<10000x128xf32, #tpu.memory_space<hbm>> -> memref<10000x128xf32, #tpu.memory_space<hbm>>
    tpu.wait_indirect_dma semaphore(%arg19 : memref<!tpu.dma_semaphore, #tpu.memory_space<semaphore_mem>>) src(%dma_wait3A_45 : memref<10000x128xf32, #tpu.memory_space<hbm>>) dst(%arg15 : memref<112x128xf32, #tpu.memory_space<vmem>>)
    %barrier3A_46 = arith.constant 0 : index
    tpu.barrier barrier_id(%barrier3A_46)
    %mul3A_47 = arith.constant 640 : i32
    %mul3A_48 = arith.muli %arg1, %mul3A_47 : i32
    %mul3A_49 = arith.constant 640 : i32
    %mul3A_50 = arith.muli %arg1, %mul3A_49 : i32
    "tpu.region"() ({
      %run_scoped3A = tpu.sem_alloc : memref<!tpu.dma_semaphore, #tpu.memory_space<semaphore_mem>>
      %dma_start3A_51 = arith.constant 0 : i32
      %dma_start3A_52 = tpu.memref_slice %arg6[%arg0, %mul3A_50, %dma_start3A_51] : memref<2x10240x128xf32, #tpu.memory_space<hbm>> -> memref<1x640x128xf32, #tpu.memory_space<hbm>>
      %dma_start3A_53 = tpu.memref_squeeze %dma_start3A_52 : memref<1x640x128xf32, #tpu.memory_space<hbm>> -> memref<640x128xf32, #tpu.memory_space<hbm>>
      %dma_start3A_54 = arith.constant 0 : i32
      %dma_start3A_55 = tpu.memref_slice %arg16[%mul3A_48, %dma_start3A_54] : memref<10248x128xf32, #tpu.memory_space<vmem_shared>> -> memref<640x128xf32, #tpu.memory_space<vmem_shared>>
      tpu.enqueue_dma source(%dma_start3A_55 : memref<640x128xf32, #tpu.memory_space<vmem_shared>>) target(%dma_start3A_53 : memref<640x128xf32, #tpu.memory_space<hbm>>) target_semaphore(%run_scoped3A : memref<!tpu.dma_semaphore, #tpu.memory_space<semaphore_mem>>)
      %dma_wait3A_56 = arith.constant 0 : i32
      %dma_wait3A_57 = tpu.memref_slice %arg6[%arg0, %mul3A_50, %dma_wait3A_56] : memref<2x10240x128xf32, #tpu.memory_space<hbm>> -> memref<1x640x128xf32, #tpu.memory_space<hbm>>
      %dma_wait3A_58 = tpu.memref_squeeze %dma_wait3A_57 : memref<1x640x128xf32, #tpu.memory_space<hbm>> -> memref<640x128xf32, #tpu.memory_space<hbm>>
      %dma_wait3A_59 = arith.constant 0 : i32
      %dma_wait3A_60 = tpu.memref_slice %arg16[%mul3A_48, %dma_wait3A_59] : memref<10248x128xf32, #tpu.memory_space<vmem_shared>> -> memref<640x128xf32, #tpu.memory_space<vmem_shared>>
      tpu.wait_dma2 semaphore(%run_scoped3A : memref<!tpu.dma_semaphore, #tpu.memory_space<semaphore_mem>>) src(%dma_wait3A_60 : memref<640x128xf32, #tpu.memory_space<vmem_shared>>) dst(%dma_wait3A_58 : memref<640x128xf32, #tpu.memory_space<hbm>>)
      tpu.yield
    }) : () -> ()
    return
  }
}

#map = affine_map<(d0, d1) -> (0, 0)>
#map1 = affine_map<(d0, d1) -> (0)>
#map2 = affine_map<(d0, d1) -> (0, 0, 0)>
module attributes {stable_mosaic.version = 14 : i64} {
  func.func @_sc_agg(%arg0: i32, %arg1: i32, %arg2: memref<10000x128xf32, #tpu.memory_space<hbm>>, %arg3: memref<645632xi32, #tpu.memory_space<hbm>>, %arg4: memref<645632xi32, #tpu.memory_space<hbm>>, %arg5: memref<640x128xf32, #tpu.memory_space<hbm>>, %arg6: memref<2x10240x128xf32, #tpu.memory_space<hbm>>, %arg7: memref<112xi32, #tpu.memory_space<vmem>>, %arg8: memref<112xi32, #tpu.memory_space<vmem>>, %arg9: memref<112xi32, #tpu.memory_space<vmem>>, %arg10: memref<112xi32, #tpu.memory_space<vmem>>, %arg11: memref<112xi32, #tpu.memory_space<vmem>>, %arg12: memref<112xi32, #tpu.memory_space<vmem>>, %arg13: memref<112x128xf32, #tpu.memory_space<vmem>>, %arg14: memref<112x128xf32, #tpu.memory_space<vmem>>, %arg15: memref<112x128xf32, #tpu.memory_space<vmem>>, %arg16: memref<10248x128xf32, #tpu.memory_space<vmem_shared>>, %arg17: memref<!tpu.dma_semaphore, #tpu.memory_space<semaphore_mem>>, %arg18: memref<!tpu.dma_semaphore, #tpu.memory_space<semaphore_mem>>, %arg19: memref<!tpu.dma_semaphore, #tpu.memory_space<semaphore_mem>>, %arg20: memref<!tpu.dma_semaphore, #tpu.memory_space<semaphore_mem>>, %arg21: memref<!tpu.dma_semaphore, #tpu.memory_space<semaphore_mem>>, %arg22: memref<!tpu.dma_semaphore, #tpu.memory_space<semaphore_mem>>) attributes {dimension_semantics = [#tpu.dimension_semantics<core_parallel>, #tpu.dimension_semantics<subcore_parallel>], iteration_bounds = array<i64: 2, 16>, scalar_prefetch = 0 : i64, scratch_operands = 16 : i64, tpu.core_type = #tpu.core_type<sc_vector_subcore>, window_params = [{transform_indices = #map}, {transform_indices = #map1}, {transform_indices = #map1}, {transform_indices = #map}, {transform_indices = #map2}]} {
    %eq3A = arith.constant 0 : i32
    %eq3A_0 = arith.cmpi eq, %arg0, %eq3A : i32
    %mul3A = arith.constant 300 : i32
    %mul3A_1 = arith.muli %arg1, %mul3A : i32
    %mul3A_2 = arith.constant 60 : i32
    %mul3A_3 = arith.muli %arg1, %mul3A_2 : i32
    %add3A = arith.constant 4800 : i32
    %add3A_4 = arith.addi %add3A, %mul3A_3 : i32
    %select_n3A = arith.select %eq3A_0, %mul3A_1, %add3A_4 : i32
    %eq3A_5 = arith.constant 0 : i32
    %eq3A_6 = arith.cmpi eq, %arg0, %eq3A_5 : i32
    %jit3A = arith.constant 100 : i32
    %jit3A_7 = arith.constant 20 : i32
    %select_n3A_8 = arith.select %eq3A_6, %jit3A, %jit3A_7 : i32
    %mul3A_9 = arith.constant 112 : i32
    %mul3A_10 = arith.muli %select_n3A, %mul3A_9 : i32
    %mul3A_11 = arith.constant 640 : i32
    %mul3A_12 = arith.muli %arg1, %mul3A_11 : i32
    "tpu.region"() ({
      %run_scoped3A = tpu.sem_alloc : memref<!tpu.dma_semaphore, #tpu.memory_space<semaphore_mem>>
      %dma_start3A_51 = arith.constant 0 : i32
      %dma_start3A_52 = tpu.memref_slice %arg16[%mul3A_12, %dma_start3A_51] : memref<10248x128xf32, #tpu.memory_space<vmem_shared>> -> memref<640x128xf32, #tpu.memory_space<vmem_shared>>
      tpu.enqueue_dma source(%arg5 : memref<640x128xf32, #tpu.memory_space<hbm>>) target(%dma_start3A_52 : memref<640x128xf32, #tpu.memory_space<vmem_shared>>) target_semaphore(%run_scoped3A : memref<!tpu.dma_semaphore, #tpu.memory_space<semaphore_mem>>)
      %dma_wait3A_53 = arith.constant 0 : i32
      %dma_wait3A_54 = tpu.memref_slice %arg16[%mul3A_12, %dma_wait3A_53] : memref<10248x128xf32, #tpu.memory_space<vmem_shared>> -> memref<640x128xf32, #tpu.memory_space<vmem_shared>>
      tpu.wait_dma2 semaphore(%run_scoped3A : memref<!tpu.dma_semaphore, #tpu.memory_space<semaphore_mem>>) src(%arg5 : memref<640x128xf32, #tpu.memory_space<hbm>>) dst(%dma_wait3A_54 : memref<640x128xf32, #tpu.memory_space<vmem_shared>>)
      tpu.yield
    }) : () -> ()
    %barrier3A = arith.constant 0 : index
    tpu.barrier barrier_id(%barrier3A)
    %add3A_13 = arith.constant 0 : i32
    %add3A_14 = arith.addi %mul3A_10, %add3A_13 : i32
    %multiple_of3A = tpu.assume_multiple %add3A_14, 8 : i32
    "tpu.region"() ({
      %run_scoped3A = tpu.sem_alloc : memref<!tpu.dma_semaphore, #tpu.memory_space<semaphore_mem>>
      %dma_start3A_51 = tpu.memref_slice %arg3[%multiple_of3A] : memref<645632xi32, #tpu.memory_space<hbm>> -> memref<112xi32, #tpu.memory_space<hbm>>
      %dma_start3A_52 = tpu.memref_slice %arg3[%multiple_of3A] : memref<645632xi32, #tpu.memory_space<hbm>> -> memref<112xi32, #tpu.memory_space<hbm>>
      tpu.enqueue_dma source(%dma_start3A_52 : memref<112xi32, #tpu.memory_space<hbm>>) target(%arg7 : memref<112xi32, #tpu.memory_space<vmem>>) target_semaphore(%run_scoped3A : memref<!tpu.dma_semaphore, #tpu.memory_space<semaphore_mem>>)
      %dma_wait3A_53 = tpu.memref_slice %arg3[%multiple_of3A] : memref<645632xi32, #tpu.memory_space<hbm>> -> memref<112xi32, #tpu.memory_space<hbm>>
      %dma_wait3A_54 = tpu.memref_slice %arg3[%multiple_of3A] : memref<645632xi32, #tpu.memory_space<hbm>> -> memref<112xi32, #tpu.memory_space<hbm>>
      tpu.wait_dma2 semaphore(%run_scoped3A : memref<!tpu.dma_semaphore, #tpu.memory_space<semaphore_mem>>) src(%dma_wait3A_54 : memref<112xi32, #tpu.memory_space<hbm>>) dst(%arg7 : memref<112xi32, #tpu.memory_space<vmem>>)
      tpu.yield
    }) : () -> ()
    %dma_start3A = arith.constant 0 : i32
    %dma_start3A_15 = arith.constant 0 : i32
    %dma_start3A_16 = tpu.memref_slice %arg2[%dma_start3A, %dma_start3A_15] : memref<10000x128xf32, #tpu.memory_space<hbm>> -> memref<10000x128xf32, #tpu.memory_space<hbm>>
    tpu.enqueue_indirect_dma source(%dma_start3A_16 : memref<10000x128xf32, #tpu.memory_space<hbm>>) target(%arg13 : memref<112x128xf32, #tpu.memory_space<vmem>>) offsets(%arg7 : memref<112xi32, #tpu.memory_space<vmem>>) semaphore(%arg17 : memref<!tpu.dma_semaphore, #tpu.memory_space<semaphore_mem>>)
    %add3A_17 = arith.constant 112 : i32
    %add3A_18 = arith.addi %mul3A_10, %add3A_17 : i32
    %multiple_of3A_19 = tpu.assume_multiple %add3A_18, 8 : i32
    "tpu.region"() ({
      %run_scoped3A = tpu.sem_alloc : memref<!tpu.dma_semaphore, #tpu.memory_space<semaphore_mem>>
      %dma_start3A_51 = tpu.memref_slice %arg3[%multiple_of3A_19] : memref<645632xi32, #tpu.memory_space<hbm>> -> memref<112xi32, #tpu.memory_space<hbm>>
      %dma_start3A_52 = tpu.memref_slice %arg3[%multiple_of3A_19] : memref<645632xi32, #tpu.memory_space<hbm>> -> memref<112xi32, #tpu.memory_space<hbm>>
      tpu.enqueue_dma source(%dma_start3A_52 : memref<112xi32, #tpu.memory_space<hbm>>) target(%arg8 : memref<112xi32, #tpu.memory_space<vmem>>) target_semaphore(%run_scoped3A : memref<!tpu.dma_semaphore, #tpu.memory_space<semaphore_mem>>)
      %dma_wait3A_53 = tpu.memref_slice %arg3[%multiple_of3A_19] : memref<645632xi32, #tpu.memory_space<hbm>> -> memref<112xi32, #tpu.memory_space<hbm>>
      %dma_wait3A_54 = tpu.memref_slice %arg3[%multiple_of3A_19] : memref<645632xi32, #tpu.memory_space<hbm>> -> memref<112xi32, #tpu.memory_space<hbm>>
      tpu.wait_dma2 semaphore(%run_scoped3A : memref<!tpu.dma_semaphore, #tpu.memory_space<semaphore_mem>>) src(%dma_wait3A_54 : memref<112xi32, #tpu.memory_space<hbm>>) dst(%arg8 : memref<112xi32, #tpu.memory_space<vmem>>)
      tpu.yield
    }) : () -> ()
    %dma_start3A_20 = arith.constant 0 : i32
    %dma_start3A_21 = arith.constant 0 : i32
    %dma_start3A_22 = tpu.memref_slice %arg2[%dma_start3A_20, %dma_start3A_21] : memref<10000x128xf32, #tpu.memory_space<hbm>> -> memref<10000x128xf32, #tpu.memory_space<hbm>>
    tpu.enqueue_indirect_dma source(%dma_start3A_22 : memref<10000x128xf32, #tpu.memory_space<hbm>>) target(%arg14 : memref<112x128xf32, #tpu.memory_space<vmem>>) offsets(%arg8 : memref<112xi32, #tpu.memory_space<vmem>>) semaphore(%arg18 : memref<!tpu.dma_semaphore, #tpu.memory_space<semaphore_mem>>)
    %add3A_23 = arith.constant 224 : i32
    %add3A_24 = arith.addi %mul3A_10, %add3A_23 : i32
    %multiple_of3A_25 = tpu.assume_multiple %add3A_24, 8 : i32
    "tpu.region"() ({
      %run_scoped3A = tpu.sem_alloc : memref<!tpu.dma_semaphore, #tpu.memory_space<semaphore_mem>>
      %dma_start3A_51 = tpu.memref_slice %arg3[%multiple_of3A_25] : memref<645632xi32, #tpu.memory_space<hbm>> -> memref<112xi32, #tpu.memory_space<hbm>>
      %dma_start3A_52 = tpu.memref_slice %arg3[%multiple_of3A_25] : memref<645632xi32, #tpu.memory_space<hbm>> -> memref<112xi32, #tpu.memory_space<hbm>>
      tpu.enqueue_dma source(%dma_start3A_52 : memref<112xi32, #tpu.memory_space<hbm>>) target(%arg9 : memref<112xi32, #tpu.memory_space<vmem>>) target_semaphore(%run_scoped3A : memref<!tpu.dma_semaphore, #tpu.memory_space<semaphore_mem>>)
      %dma_wait3A_53 = tpu.memref_slice %arg3[%multiple_of3A_25] : memref<645632xi32, #tpu.memory_space<hbm>> -> memref<112xi32, #tpu.memory_space<hbm>>
      %dma_wait3A_54 = tpu.memref_slice %arg3[%multiple_of3A_25] : memref<645632xi32, #tpu.memory_space<hbm>> -> memref<112xi32, #tpu.memory_space<hbm>>
      tpu.wait_dma2 semaphore(%run_scoped3A : memref<!tpu.dma_semaphore, #tpu.memory_space<semaphore_mem>>) src(%dma_wait3A_54 : memref<112xi32, #tpu.memory_space<hbm>>) dst(%arg9 : memref<112xi32, #tpu.memory_space<vmem>>)
      tpu.yield
    }) : () -> ()
    %dma_start3A_26 = arith.constant 0 : i32
    %dma_start3A_27 = arith.constant 0 : i32
    %dma_start3A_28 = tpu.memref_slice %arg2[%dma_start3A_26, %dma_start3A_27] : memref<10000x128xf32, #tpu.memory_space<hbm>> -> memref<10000x128xf32, #tpu.memory_space<hbm>>
    tpu.enqueue_indirect_dma source(%dma_start3A_28 : memref<10000x128xf32, #tpu.memory_space<hbm>>) target(%arg15 : memref<112x128xf32, #tpu.memory_space<vmem>>) offsets(%arg9 : memref<112xi32, #tpu.memory_space<vmem>>) semaphore(%arg19 : memref<!tpu.dma_semaphore, #tpu.memory_space<semaphore_mem>>)
    %while3A = arith.constant 0 : i32
    %while3A_29 = arith.constant 0 : i32
    %while3A_30 = arith.subi %select_n3A_8, %while3A_29 : i32
    %while3A_31 = arith.addi %while3A_29, %while3A_30 : i32
    %while3A_32 = arith.constant 1 : i32
    %while3A_33 = arith.divsi %while3A_30, %while3A_32 : i32
    %while3A_34 = arith.muli %while3A_33, %while3A_32 : i32
    %while3A_35 = arith.addi %while3A_29, %while3A_34 : i32
    %while3A_36 = arith.constant 1 : i32
    scf.for %while3A_51 = %while3A_29 to %while3A_35 step %while3A_36  : i32 {
      %mul3A_52 = arith.constant 3 : i32
      %mul3A_53 = arith.muli %while3A_51, %mul3A_52 : i32
      %add3A_54 = arith.constant 0 : i32
      %add3A_55 = arith.addi %mul3A_53, %add3A_54 : i32
      %dma_wait3A_56 = arith.constant 0 : i32
      %dma_wait3A_57 = arith.constant 0 : i32
      %dma_wait3A_58 = tpu.memref_slice %arg2[%dma_wait3A_56, %dma_wait3A_57] : memref<10000x128xf32, #tpu.memory_space<hbm>> -> memref<10000x128xf32, #tpu.memory_space<hbm>>
      tpu.wait_indirect_dma semaphore(%arg17 : memref<!tpu.dma_semaphore, #tpu.memory_space<semaphore_mem>>) src(%dma_wait3A_58 : memref<10000x128xf32, #tpu.memory_space<hbm>>) dst(%arg13 : memref<112x128xf32, #tpu.memory_space<vmem>>)
      %mul3A_59 = arith.constant 112 : i32
      %mul3A_60 = arith.muli %add3A_55, %mul3A_59 : i32
      %add3A_61 = arith.addi %mul3A_10, %mul3A_60 : i32
      %multiple_of3A_62 = tpu.assume_multiple %add3A_61, 8 : i32
      "tpu.region"() ({
        %run_scoped3A = tpu.sem_alloc : memref<!tpu.dma_semaphore, #tpu.memory_space<semaphore_mem>>
        %dma_start3A_130 = tpu.memref_slice %arg4[%multiple_of3A_62] : memref<645632xi32, #tpu.memory_space<hbm>> -> memref<112xi32, #tpu.memory_space<hbm>>
        %dma_start3A_131 = tpu.memref_slice %arg4[%multiple_of3A_62] : memref<645632xi32, #tpu.memory_space<hbm>> -> memref<112xi32, #tpu.memory_space<hbm>>
        tpu.enqueue_dma source(%dma_start3A_131 : memref<112xi32, #tpu.memory_space<hbm>>) target(%arg10 : memref<112xi32, #tpu.memory_space<vmem>>) target_semaphore(%run_scoped3A : memref<!tpu.dma_semaphore, #tpu.memory_space<semaphore_mem>>)
        %dma_wait3A_132 = tpu.memref_slice %arg4[%multiple_of3A_62] : memref<645632xi32, #tpu.memory_space<hbm>> -> memref<112xi32, #tpu.memory_space<hbm>>
        %dma_wait3A_133 = tpu.memref_slice %arg4[%multiple_of3A_62] : memref<645632xi32, #tpu.memory_space<hbm>> -> memref<112xi32, #tpu.memory_space<hbm>>
        tpu.wait_dma2 semaphore(%run_scoped3A : memref<!tpu.dma_semaphore, #tpu.memory_space<semaphore_mem>>) src(%dma_wait3A_133 : memref<112xi32, #tpu.memory_space<hbm>>) dst(%arg10 : memref<112xi32, #tpu.memory_space<vmem>>)
        tpu.yield
      }) : () -> ()
      %dma_start3A_63 = arith.constant 0 : i32
      %dma_start3A_64 = arith.constant 0 : i32
      %dma_start3A_65 = tpu.memref_slice %arg16[%dma_start3A_63, %dma_start3A_64] : memref<10248x128xf32, #tpu.memory_space<vmem_shared>> -> memref<10248x128xf32, #tpu.memory_space<vmem_shared>>
      tpu.enqueue_indirect_dma source(%arg13 : memref<112x128xf32, #tpu.memory_space<vmem>>) target(%dma_start3A_65 : memref<10248x128xf32, #tpu.memory_space<vmem_shared>>) offsets(%arg10 : memref<112xi32, #tpu.memory_space<vmem>>) semaphore(%arg20 : memref<!tpu.dma_semaphore, #tpu.memory_space<semaphore_mem>>) {add = true}
      %add3A_66 = arith.constant 3 : i32
      %add3A_67 = arith.addi %add3A_55, %add3A_66 : i32
      %mul3A_68 = arith.constant 112 : i32
      %mul3A_69 = arith.muli %add3A_67, %mul3A_68 : i32
      %add3A_70 = arith.addi %mul3A_10, %mul3A_69 : i32
      %multiple_of3A_71 = tpu.assume_multiple %add3A_70, 8 : i32
      "tpu.region"() ({
        %run_scoped3A = tpu.sem_alloc : memref<!tpu.dma_semaphore, #tpu.memory_space<semaphore_mem>>
        %dma_start3A_130 = tpu.memref_slice %arg3[%multiple_of3A_71] : memref<645632xi32, #tpu.memory_space<hbm>> -> memref<112xi32, #tpu.memory_space<hbm>>
        %dma_start3A_131 = tpu.memref_slice %arg3[%multiple_of3A_71] : memref<645632xi32, #tpu.memory_space<hbm>> -> memref<112xi32, #tpu.memory_space<hbm>>
        tpu.enqueue_dma source(%dma_start3A_131 : memref<112xi32, #tpu.memory_space<hbm>>) target(%arg7 : memref<112xi32, #tpu.memory_space<vmem>>) target_semaphore(%run_scoped3A : memref<!tpu.dma_semaphore, #tpu.memory_space<semaphore_mem>>)
        %dma_wait3A_132 = tpu.memref_slice %arg3[%multiple_of3A_71] : memref<645632xi32, #tpu.memory_space<hbm>> -> memref<112xi32, #tpu.memory_space<hbm>>
        %dma_wait3A_133 = tpu.memref_slice %arg3[%multiple_of3A_71] : memref<645632xi32, #tpu.memory_space<hbm>> -> memref<112xi32, #tpu.memory_space<hbm>>
        tpu.wait_dma2 semaphore(%run_scoped3A : memref<!tpu.dma_semaphore, #tpu.memory_space<semaphore_mem>>) src(%dma_wait3A_133 : memref<112xi32, #tpu.memory_space<hbm>>) dst(%arg7 : memref<112xi32, #tpu.memory_space<vmem>>)
        tpu.yield
      }) : () -> ()
      %dma_wait3A_72 = arith.constant 0 : i32
      %dma_wait3A_73 = arith.constant 0 : i32
      %dma_wait3A_74 = tpu.memref_slice %arg16[%dma_wait3A_72, %dma_wait3A_73] : memref<10248x128xf32, #tpu.memory_space<vmem_shared>> -> memref<10248x128xf32, #tpu.memory_space<vmem_shared>>
      tpu.wait_indirect_dma semaphore(%arg20 : memref<!tpu.dma_semaphore, #tpu.memory_space<semaphore_mem>>) src(%arg13 : memref<112x128xf32, #tpu.memory_space<vmem>>) dst(%dma_wait3A_74 : memref<10248x128xf32, #tpu.memory_space<vmem_shared>>)
      %dma_start3A_75 = arith.constant 0 : i32
      %dma_start3A_76 = arith.constant 0 : i32
      %dma_start3A_77 = tpu.memref_slice %arg2[%dma_start3A_75, %dma_start3A_76] : memref<10000x128xf32, #tpu.memory_space<hbm>> -> memref<10000x128xf32, #tpu.memory_space<hbm>>
      tpu.enqueue_indirect_dma source(%dma_start3A_77 : memref<10000x128xf32, #tpu.memory_space<hbm>>) target(%arg13 : memref<112x128xf32, #tpu.memory_space<vmem>>) offsets(%arg7 : memref<112xi32, #tpu.memory_space<vmem>>) semaphore(%arg17 : memref<!tpu.dma_semaphore, #tpu.memory_space<semaphore_mem>>)
      %mul3A_78 = arith.constant 3 : i32
      %mul3A_79 = arith.muli %while3A_51, %mul3A_78 : i32
      %add3A_80 = arith.constant 1 : i32
      %add3A_81 = arith.addi %mul3A_79, %add3A_80 : i32
      %dma_wait3A_82 = arith.constant 0 : i32
      %dma_wait3A_83 = arith.constant 0 : i32
      %dma_wait3A_84 = tpu.memref_slice %arg2[%dma_wait3A_82, %dma_wait3A_83] : memref<10000x128xf32, #tpu.memory_space<hbm>> -> memref<10000x128xf32, #tpu.memory_space<hbm>>
      tpu.wait_indirect_dma semaphore(%arg18 : memref<!tpu.dma_semaphore, #tpu.memory_space<semaphore_mem>>) src(%dma_wait3A_84 : memref<10000x128xf32, #tpu.memory_space<hbm>>) dst(%arg14 : memref<112x128xf32, #tpu.memory_space<vmem>>)
      %mul3A_85 = arith.constant 112 : i32
      %mul3A_86 = arith.muli %add3A_81, %mul3A_85 : i32
      %add3A_87 = arith.addi %mul3A_10, %mul3A_86 : i32
      %multiple_of3A_88 = tpu.assume_multiple %add3A_87, 8 : i32
      "tpu.region"() ({
        %run_scoped3A = tpu.sem_alloc : memref<!tpu.dma_semaphore, #tpu.memory_space<semaphore_mem>>
        %dma_start3A_130 = tpu.memref_slice %arg4[%multiple_of3A_88] : memref<645632xi32, #tpu.memory_space<hbm>> -> memref<112xi32, #tpu.memory_space<hbm>>
        %dma_start3A_131 = tpu.memref_slice %arg4[%multiple_of3A_88] : memref<645632xi32, #tpu.memory_space<hbm>> -> memref<112xi32, #tpu.memory_space<hbm>>
        tpu.enqueue_dma source(%dma_start3A_131 : memref<112xi32, #tpu.memory_space<hbm>>) target(%arg11 : memref<112xi32, #tpu.memory_space<vmem>>) target_semaphore(%run_scoped3A : memref<!tpu.dma_semaphore, #tpu.memory_space<semaphore_mem>>)
        %dma_wait3A_132 = tpu.memref_slice %arg4[%multiple_of3A_88] : memref<645632xi32, #tpu.memory_space<hbm>> -> memref<112xi32, #tpu.memory_space<hbm>>
        %dma_wait3A_133 = tpu.memref_slice %arg4[%multiple_of3A_88] : memref<645632xi32, #tpu.memory_space<hbm>> -> memref<112xi32, #tpu.memory_space<hbm>>
        tpu.wait_dma2 semaphore(%run_scoped3A : memref<!tpu.dma_semaphore, #tpu.memory_space<semaphore_mem>>) src(%dma_wait3A_133 : memref<112xi32, #tpu.memory_space<hbm>>) dst(%arg11 : memref<112xi32, #tpu.memory_space<vmem>>)
        tpu.yield
      }) : () -> ()
      %dma_start3A_89 = arith.constant 0 : i32
      %dma_start3A_90 = arith.constant 0 : i32
      %dma_start3A_91 = tpu.memref_slice %arg16[%dma_start3A_89, %dma_start3A_90] : memref<10248x128xf32, #tpu.memory_space<vmem_shared>> -> memref<10248x128xf32, #tpu.memory_space<vmem_shared>>
      tpu.enqueue_indirect_dma source(%arg14 : memref<112x128xf32, #tpu.memory_space<vmem>>) target(%dma_start3A_91 : memref<10248x128xf32, #tpu.memory_space<vmem_shared>>) offsets(%arg11 : memref<112xi32, #tpu.memory_space<vmem>>) semaphore(%arg21 : memref<!tpu.dma_semaphore, #tpu.memory_space<semaphore_mem>>) {add = true}
      %add3A_92 = arith.constant 3 : i32
      %add3A_93 = arith.addi %add3A_81, %add3A_92 : i32
      %mul3A_94 = arith.constant 112 : i32
      %mul3A_95 = arith.muli %add3A_93, %mul3A_94 : i32
      %add3A_96 = arith.addi %mul3A_10, %mul3A_95 : i32
      %multiple_of3A_97 = tpu.assume_multiple %add3A_96, 8 : i32
      "tpu.region"() ({
        %run_scoped3A = tpu.sem_alloc : memref<!tpu.dma_semaphore, #tpu.memory_space<semaphore_mem>>
        %dma_start3A_130 = tpu.memref_slice %arg3[%multiple_of3A_97] : memref<645632xi32, #tpu.memory_space<hbm>> -> memref<112xi32, #tpu.memory_space<hbm>>
        %dma_start3A_131 = tpu.memref_slice %arg3[%multiple_of3A_97] : memref<645632xi32, #tpu.memory_space<hbm>> -> memref<112xi32, #tpu.memory_space<hbm>>
        tpu.enqueue_dma source(%dma_start3A_131 : memref<112xi32, #tpu.memory_space<hbm>>) target(%arg8 : memref<112xi32, #tpu.memory_space<vmem>>) target_semaphore(%run_scoped3A : memref<!tpu.dma_semaphore, #tpu.memory_space<semaphore_mem>>)
        %dma_wait3A_132 = tpu.memref_slice %arg3[%multiple_of3A_97] : memref<645632xi32, #tpu.memory_space<hbm>> -> memref<112xi32, #tpu.memory_space<hbm>>
        %dma_wait3A_133 = tpu.memref_slice %arg3[%multiple_of3A_97] : memref<645632xi32, #tpu.memory_space<hbm>> -> memref<112xi32, #tpu.memory_space<hbm>>
        tpu.wait_dma2 semaphore(%run_scoped3A : memref<!tpu.dma_semaphore, #tpu.memory_space<semaphore_mem>>) src(%dma_wait3A_133 : memref<112xi32, #tpu.memory_space<hbm>>) dst(%arg8 : memref<112xi32, #tpu.memory_space<vmem>>)
        tpu.yield
      }) : () -> ()
      %dma_wait3A_98 = arith.constant 0 : i32
      %dma_wait3A_99 = arith.constant 0 : i32
      %dma_wait3A_100 = tpu.memref_slice %arg16[%dma_wait3A_98, %dma_wait3A_99] : memref<10248x128xf32, #tpu.memory_space<vmem_shared>> -> memref<10248x128xf32, #tpu.memory_space<vmem_shared>>
      tpu.wait_indirect_dma semaphore(%arg21 : memref<!tpu.dma_semaphore, #tpu.memory_space<semaphore_mem>>) src(%arg14 : memref<112x128xf32, #tpu.memory_space<vmem>>) dst(%dma_wait3A_100 : memref<10248x128xf32, #tpu.memory_space<vmem_shared>>)
      %dma_start3A_101 = arith.constant 0 : i32
      %dma_start3A_102 = arith.constant 0 : i32
      %dma_start3A_103 = tpu.memref_slice %arg2[%dma_start3A_101, %dma_start3A_102] : memref<10000x128xf32, #tpu.memory_space<hbm>> -> memref<10000x128xf32, #tpu.memory_space<hbm>>
      tpu.enqueue_indirect_dma source(%dma_start3A_103 : memref<10000x128xf32, #tpu.memory_space<hbm>>) target(%arg14 : memref<112x128xf32, #tpu.memory_space<vmem>>) offsets(%arg8 : memref<112xi32, #tpu.memory_space<vmem>>) semaphore(%arg18 : memref<!tpu.dma_semaphore, #tpu.memory_space<semaphore_mem>>)
      %mul3A_104 = arith.constant 3 : i32
      %mul3A_105 = arith.muli %while3A_51, %mul3A_104 : i32
      %add3A_106 = arith.constant 2 : i32
      %add3A_107 = arith.addi %mul3A_105, %add3A_106 : i32
      %dma_wait3A_108 = arith.constant 0 : i32
      %dma_wait3A_109 = arith.constant 0 : i32
      %dma_wait3A_110 = tpu.memref_slice %arg2[%dma_wait3A_108, %dma_wait3A_109] : memref<10000x128xf32, #tpu.memory_space<hbm>> -> memref<10000x128xf32, #tpu.memory_space<hbm>>
      tpu.wait_indirect_dma semaphore(%arg19 : memref<!tpu.dma_semaphore, #tpu.memory_space<semaphore_mem>>) src(%dma_wait3A_110 : memref<10000x128xf32, #tpu.memory_space<hbm>>) dst(%arg15 : memref<112x128xf32, #tpu.memory_space<vmem>>)
      %mul3A_111 = arith.constant 112 : i32
      %mul3A_112 = arith.muli %add3A_107, %mul3A_111 : i32
      %add3A_113 = arith.addi %mul3A_10, %mul3A_112 : i32
      %multiple_of3A_114 = tpu.assume_multiple %add3A_113, 8 : i32
      "tpu.region"() ({
        %run_scoped3A = tpu.sem_alloc : memref<!tpu.dma_semaphore, #tpu.memory_space<semaphore_mem>>
        %dma_start3A_130 = tpu.memref_slice %arg4[%multiple_of3A_114] : memref<645632xi32, #tpu.memory_space<hbm>> -> memref<112xi32, #tpu.memory_space<hbm>>
        %dma_start3A_131 = tpu.memref_slice %arg4[%multiple_of3A_114] : memref<645632xi32, #tpu.memory_space<hbm>> -> memref<112xi32, #tpu.memory_space<hbm>>
        tpu.enqueue_dma source(%dma_start3A_131 : memref<112xi32, #tpu.memory_space<hbm>>) target(%arg12 : memref<112xi32, #tpu.memory_space<vmem>>) target_semaphore(%run_scoped3A : memref<!tpu.dma_semaphore, #tpu.memory_space<semaphore_mem>>)
        %dma_wait3A_132 = tpu.memref_slice %arg4[%multiple_of3A_114] : memref<645632xi32, #tpu.memory_space<hbm>> -> memref<112xi32, #tpu.memory_space<hbm>>
        %dma_wait3A_133 = tpu.memref_slice %arg4[%multiple_of3A_114] : memref<645632xi32, #tpu.memory_space<hbm>> -> memref<112xi32, #tpu.memory_space<hbm>>
        tpu.wait_dma2 semaphore(%run_scoped3A : memref<!tpu.dma_semaphore, #tpu.memory_space<semaphore_mem>>) src(%dma_wait3A_133 : memref<112xi32, #tpu.memory_space<hbm>>) dst(%arg12 : memref<112xi32, #tpu.memory_space<vmem>>)
        tpu.yield
      }) : () -> ()
      %dma_start3A_115 = arith.constant 0 : i32
      %dma_start3A_116 = arith.constant 0 : i32
      %dma_start3A_117 = tpu.memref_slice %arg16[%dma_start3A_115, %dma_start3A_116] : memref<10248x128xf32, #tpu.memory_space<vmem_shared>> -> memref<10248x128xf32, #tpu.memory_space<vmem_shared>>
      tpu.enqueue_indirect_dma source(%arg15 : memref<112x128xf32, #tpu.memory_space<vmem>>) target(%dma_start3A_117 : memref<10248x128xf32, #tpu.memory_space<vmem_shared>>) offsets(%arg12 : memref<112xi32, #tpu.memory_space<vmem>>) semaphore(%arg22 : memref<!tpu.dma_semaphore, #tpu.memory_space<semaphore_mem>>) {add = true}
      %add3A_118 = arith.constant 3 : i32
      %add3A_119 = arith.addi %add3A_107, %add3A_118 : i32
      %mul3A_120 = arith.constant 112 : i32
      %mul3A_121 = arith.muli %add3A_119, %mul3A_120 : i32
      %add3A_122 = arith.addi %mul3A_10, %mul3A_121 : i32
      %multiple_of3A_123 = tpu.assume_multiple %add3A_122, 8 : i32
      "tpu.region"() ({
        %run_scoped3A = tpu.sem_alloc : memref<!tpu.dma_semaphore, #tpu.memory_space<semaphore_mem>>
        %dma_start3A_130 = tpu.memref_slice %arg3[%multiple_of3A_123] : memref<645632xi32, #tpu.memory_space<hbm>> -> memref<112xi32, #tpu.memory_space<hbm>>
        %dma_start3A_131 = tpu.memref_slice %arg3[%multiple_of3A_123] : memref<645632xi32, #tpu.memory_space<hbm>> -> memref<112xi32, #tpu.memory_space<hbm>>
        tpu.enqueue_dma source(%dma_start3A_131 : memref<112xi32, #tpu.memory_space<hbm>>) target(%arg9 : memref<112xi32, #tpu.memory_space<vmem>>) target_semaphore(%run_scoped3A : memref<!tpu.dma_semaphore, #tpu.memory_space<semaphore_mem>>)
        %dma_wait3A_132 = tpu.memref_slice %arg3[%multiple_of3A_123] : memref<645632xi32, #tpu.memory_space<hbm>> -> memref<112xi32, #tpu.memory_space<hbm>>
        %dma_wait3A_133 = tpu.memref_slice %arg3[%multiple_of3A_123] : memref<645632xi32, #tpu.memory_space<hbm>> -> memref<112xi32, #tpu.memory_space<hbm>>
        tpu.wait_dma2 semaphore(%run_scoped3A : memref<!tpu.dma_semaphore, #tpu.memory_space<semaphore_mem>>) src(%dma_wait3A_133 : memref<112xi32, #tpu.memory_space<hbm>>) dst(%arg9 : memref<112xi32, #tpu.memory_space<vmem>>)
        tpu.yield
      }) : () -> ()
      %dma_wait3A_124 = arith.constant 0 : i32
      %dma_wait3A_125 = arith.constant 0 : i32
      %dma_wait3A_126 = tpu.memref_slice %arg16[%dma_wait3A_124, %dma_wait3A_125] : memref<10248x128xf32, #tpu.memory_space<vmem_shared>> -> memref<10248x128xf32, #tpu.memory_space<vmem_shared>>
      tpu.wait_indirect_dma semaphore(%arg22 : memref<!tpu.dma_semaphore, #tpu.memory_space<semaphore_mem>>) src(%arg15 : memref<112x128xf32, #tpu.memory_space<vmem>>) dst(%dma_wait3A_126 : memref<10248x128xf32, #tpu.memory_space<vmem_shared>>)
      %dma_start3A_127 = arith.constant 0 : i32
      %dma_start3A_128 = arith.constant 0 : i32
      %dma_start3A_129 = tpu.memref_slice %arg2[%dma_start3A_127, %dma_start3A_128] : memref<10000x128xf32, #tpu.memory_space<hbm>> -> memref<10000x128xf32, #tpu.memory_space<hbm>>
      tpu.enqueue_indirect_dma source(%dma_start3A_129 : memref<10000x128xf32, #tpu.memory_space<hbm>>) target(%arg15 : memref<112x128xf32, #tpu.memory_space<vmem>>) offsets(%arg9 : memref<112xi32, #tpu.memory_space<vmem>>) semaphore(%arg19 : memref<!tpu.dma_semaphore, #tpu.memory_space<semaphore_mem>>)
    }
    %while3A_37 = arith.constant 1 : i32
    scf.for %while3A_51 = %while3A_35 to %while3A_31 step %while3A_37  : i32 {
      %mul3A_52 = arith.constant 3 : i32
      %mul3A_53 = arith.muli %while3A_51, %mul3A_52 : i32
      %add3A_54 = arith.constant 0 : i32
      %add3A_55 = arith.addi %mul3A_53, %add3A_54 : i32
      %dma_wait3A_56 = arith.constant 0 : i32
      %dma_wait3A_57 = arith.constant 0 : i32
      %dma_wait3A_58 = tpu.memref_slice %arg2[%dma_wait3A_56, %dma_wait3A_57] : memref<10000x128xf32, #tpu.memory_space<hbm>> -> memref<10000x128xf32, #tpu.memory_space<hbm>>
      tpu.wait_indirect_dma semaphore(%arg17 : memref<!tpu.dma_semaphore, #tpu.memory_space<semaphore_mem>>) src(%dma_wait3A_58 : memref<10000x128xf32, #tpu.memory_space<hbm>>) dst(%arg13 : memref<112x128xf32, #tpu.memory_space<vmem>>)
      %mul3A_59 = arith.constant 112 : i32
      %mul3A_60 = arith.muli %add3A_55, %mul3A_59 : i32
      %add3A_61 = arith.addi %mul3A_10, %mul3A_60 : i32
      %multiple_of3A_62 = tpu.assume_multiple %add3A_61, 8 : i32
      "tpu.region"() ({
        %run_scoped3A = tpu.sem_alloc : memref<!tpu.dma_semaphore, #tpu.memory_space<semaphore_mem>>
        %dma_start3A_130 = tpu.memref_slice %arg4[%multiple_of3A_62] : memref<645632xi32, #tpu.memory_space<hbm>> -> memref<112xi32, #tpu.memory_space<hbm>>
        %dma_start3A_131 = tpu.memref_slice %arg4[%multiple_of3A_62] : memref<645632xi32, #tpu.memory_space<hbm>> -> memref<112xi32, #tpu.memory_space<hbm>>
        tpu.enqueue_dma source(%dma_start3A_131 : memref<112xi32, #tpu.memory_space<hbm>>) target(%arg10 : memref<112xi32, #tpu.memory_space<vmem>>) target_semaphore(%run_scoped3A : memref<!tpu.dma_semaphore, #tpu.memory_space<semaphore_mem>>)
        %dma_wait3A_132 = tpu.memref_slice %arg4[%multiple_of3A_62] : memref<645632xi32, #tpu.memory_space<hbm>> -> memref<112xi32, #tpu.memory_space<hbm>>
        %dma_wait3A_133 = tpu.memref_slice %arg4[%multiple_of3A_62] : memref<645632xi32, #tpu.memory_space<hbm>> -> memref<112xi32, #tpu.memory_space<hbm>>
        tpu.wait_dma2 semaphore(%run_scoped3A : memref<!tpu.dma_semaphore, #tpu.memory_space<semaphore_mem>>) src(%dma_wait3A_133 : memref<112xi32, #tpu.memory_space<hbm>>) dst(%arg10 : memref<112xi32, #tpu.memory_space<vmem>>)
        tpu.yield
      }) : () -> ()
      %dma_start3A_63 = arith.constant 0 : i32
      %dma_start3A_64 = arith.constant 0 : i32
      %dma_start3A_65 = tpu.memref_slice %arg16[%dma_start3A_63, %dma_start3A_64] : memref<10248x128xf32, #tpu.memory_space<vmem_shared>> -> memref<10248x128xf32, #tpu.memory_space<vmem_shared>>
      tpu.enqueue_indirect_dma source(%arg13 : memref<112x128xf32, #tpu.memory_space<vmem>>) target(%dma_start3A_65 : memref<10248x128xf32, #tpu.memory_space<vmem_shared>>) offsets(%arg10 : memref<112xi32, #tpu.memory_space<vmem>>) semaphore(%arg20 : memref<!tpu.dma_semaphore, #tpu.memory_space<semaphore_mem>>) {add = true}
      %add3A_66 = arith.constant 3 : i32
      %add3A_67 = arith.addi %add3A_55, %add3A_66 : i32
      %mul3A_68 = arith.constant 112 : i32
      %mul3A_69 = arith.muli %add3A_67, %mul3A_68 : i32
      %add3A_70 = arith.addi %mul3A_10, %mul3A_69 : i32
      %multiple_of3A_71 = tpu.assume_multiple %add3A_70, 8 : i32
      "tpu.region"() ({
        %run_scoped3A = tpu.sem_alloc : memref<!tpu.dma_semaphore, #tpu.memory_space<semaphore_mem>>
        %dma_start3A_130 = tpu.memref_slice %arg3[%multiple_of3A_71] : memref<645632xi32, #tpu.memory_space<hbm>> -> memref<112xi32, #tpu.memory_space<hbm>>
        %dma_start3A_131 = tpu.memref_slice %arg3[%multiple_of3A_71] : memref<645632xi32, #tpu.memory_space<hbm>> -> memref<112xi32, #tpu.memory_space<hbm>>
        tpu.enqueue_dma source(%dma_start3A_131 : memref<112xi32, #tpu.memory_space<hbm>>) target(%arg7 : memref<112xi32, #tpu.memory_space<vmem>>) target_semaphore(%run_scoped3A : memref<!tpu.dma_semaphore, #tpu.memory_space<semaphore_mem>>)
        %dma_wait3A_132 = tpu.memref_slice %arg3[%multiple_of3A_71] : memref<645632xi32, #tpu.memory_space<hbm>> -> memref<112xi32, #tpu.memory_space<hbm>>
        %dma_wait3A_133 = tpu.memref_slice %arg3[%multiple_of3A_71] : memref<645632xi32, #tpu.memory_space<hbm>> -> memref<112xi32, #tpu.memory_space<hbm>>
        tpu.wait_dma2 semaphore(%run_scoped3A : memref<!tpu.dma_semaphore, #tpu.memory_space<semaphore_mem>>) src(%dma_wait3A_133 : memref<112xi32, #tpu.memory_space<hbm>>) dst(%arg7 : memref<112xi32, #tpu.memory_space<vmem>>)
        tpu.yield
      }) : () -> ()
      %dma_wait3A_72 = arith.constant 0 : i32
      %dma_wait3A_73 = arith.constant 0 : i32
      %dma_wait3A_74 = tpu.memref_slice %arg16[%dma_wait3A_72, %dma_wait3A_73] : memref<10248x128xf32, #tpu.memory_space<vmem_shared>> -> memref<10248x128xf32, #tpu.memory_space<vmem_shared>>
      tpu.wait_indirect_dma semaphore(%arg20 : memref<!tpu.dma_semaphore, #tpu.memory_space<semaphore_mem>>) src(%arg13 : memref<112x128xf32, #tpu.memory_space<vmem>>) dst(%dma_wait3A_74 : memref<10248x128xf32, #tpu.memory_space<vmem_shared>>)
      %dma_start3A_75 = arith.constant 0 : i32
      %dma_start3A_76 = arith.constant 0 : i32
      %dma_start3A_77 = tpu.memref_slice %arg2[%dma_start3A_75, %dma_start3A_76] : memref<10000x128xf32, #tpu.memory_space<hbm>> -> memref<10000x128xf32, #tpu.memory_space<hbm>>
      tpu.enqueue_indirect_dma source(%dma_start3A_77 : memref<10000x128xf32, #tpu.memory_space<hbm>>) target(%arg13 : memref<112x128xf32, #tpu.memory_space<vmem>>) offsets(%arg7 : memref<112xi32, #tpu.memory_space<vmem>>) semaphore(%arg17 : memref<!tpu.dma_semaphore, #tpu.memory_space<semaphore_mem>>)
      %mul3A_78 = arith.constant 3 : i32
      %mul3A_79 = arith.muli %while3A_51, %mul3A_78 : i32
      %add3A_80 = arith.constant 1 : i32
      %add3A_81 = arith.addi %mul3A_79, %add3A_80 : i32
      %dma_wait3A_82 = arith.constant 0 : i32
      %dma_wait3A_83 = arith.constant 0 : i32
      %dma_wait3A_84 = tpu.memref_slice %arg2[%dma_wait3A_82, %dma_wait3A_83] : memref<10000x128xf32, #tpu.memory_space<hbm>> -> memref<10000x128xf32, #tpu.memory_space<hbm>>
      tpu.wait_indirect_dma semaphore(%arg18 : memref<!tpu.dma_semaphore, #tpu.memory_space<semaphore_mem>>) src(%dma_wait3A_84 : memref<10000x128xf32, #tpu.memory_space<hbm>>) dst(%arg14 : memref<112x128xf32, #tpu.memory_space<vmem>>)
      %mul3A_85 = arith.constant 112 : i32
      %mul3A_86 = arith.muli %add3A_81, %mul3A_85 : i32
      %add3A_87 = arith.addi %mul3A_10, %mul3A_86 : i32
      %multiple_of3A_88 = tpu.assume_multiple %add3A_87, 8 : i32
      "tpu.region"() ({
        %run_scoped3A = tpu.sem_alloc : memref<!tpu.dma_semaphore, #tpu.memory_space<semaphore_mem>>
        %dma_start3A_130 = tpu.memref_slice %arg4[%multiple_of3A_88] : memref<645632xi32, #tpu.memory_space<hbm>> -> memref<112xi32, #tpu.memory_space<hbm>>
        %dma_start3A_131 = tpu.memref_slice %arg4[%multiple_of3A_88] : memref<645632xi32, #tpu.memory_space<hbm>> -> memref<112xi32, #tpu.memory_space<hbm>>
        tpu.enqueue_dma source(%dma_start3A_131 : memref<112xi32, #tpu.memory_space<hbm>>) target(%arg11 : memref<112xi32, #tpu.memory_space<vmem>>) target_semaphore(%run_scoped3A : memref<!tpu.dma_semaphore, #tpu.memory_space<semaphore_mem>>)
        %dma_wait3A_132 = tpu.memref_slice %arg4[%multiple_of3A_88] : memref<645632xi32, #tpu.memory_space<hbm>> -> memref<112xi32, #tpu.memory_space<hbm>>
        %dma_wait3A_133 = tpu.memref_slice %arg4[%multiple_of3A_88] : memref<645632xi32, #tpu.memory_space<hbm>> -> memref<112xi32, #tpu.memory_space<hbm>>
        tpu.wait_dma2 semaphore(%run_scoped3A : memref<!tpu.dma_semaphore, #tpu.memory_space<semaphore_mem>>) src(%dma_wait3A_133 : memref<112xi32, #tpu.memory_space<hbm>>) dst(%arg11 : memref<112xi32, #tpu.memory_space<vmem>>)
        tpu.yield
      }) : () -> ()
      %dma_start3A_89 = arith.constant 0 : i32
      %dma_start3A_90 = arith.constant 0 : i32
      %dma_start3A_91 = tpu.memref_slice %arg16[%dma_start3A_89, %dma_start3A_90] : memref<10248x128xf32, #tpu.memory_space<vmem_shared>> -> memref<10248x128xf32, #tpu.memory_space<vmem_shared>>
      tpu.enqueue_indirect_dma source(%arg14 : memref<112x128xf32, #tpu.memory_space<vmem>>) target(%dma_start3A_91 : memref<10248x128xf32, #tpu.memory_space<vmem_shared>>) offsets(%arg11 : memref<112xi32, #tpu.memory_space<vmem>>) semaphore(%arg21 : memref<!tpu.dma_semaphore, #tpu.memory_space<semaphore_mem>>) {add = true}
      %add3A_92 = arith.constant 3 : i32
      %add3A_93 = arith.addi %add3A_81, %add3A_92 : i32
      %mul3A_94 = arith.constant 112 : i32
      %mul3A_95 = arith.muli %add3A_93, %mul3A_94 : i32
      %add3A_96 = arith.addi %mul3A_10, %mul3A_95 : i32
      %multiple_of3A_97 = tpu.assume_multiple %add3A_96, 8 : i32
      "tpu.region"() ({
        %run_scoped3A = tpu.sem_alloc : memref<!tpu.dma_semaphore, #tpu.memory_space<semaphore_mem>>
        %dma_start3A_130 = tpu.memref_slice %arg3[%multiple_of3A_97] : memref<645632xi32, #tpu.memory_space<hbm>> -> memref<112xi32, #tpu.memory_space<hbm>>
        %dma_start3A_131 = tpu.memref_slice %arg3[%multiple_of3A_97] : memref<645632xi32, #tpu.memory_space<hbm>> -> memref<112xi32, #tpu.memory_space<hbm>>
        tpu.enqueue_dma source(%dma_start3A_131 : memref<112xi32, #tpu.memory_space<hbm>>) target(%arg8 : memref<112xi32, #tpu.memory_space<vmem>>) target_semaphore(%run_scoped3A : memref<!tpu.dma_semaphore, #tpu.memory_space<semaphore_mem>>)
        %dma_wait3A_132 = tpu.memref_slice %arg3[%multiple_of3A_97] : memref<645632xi32, #tpu.memory_space<hbm>> -> memref<112xi32, #tpu.memory_space<hbm>>
        %dma_wait3A_133 = tpu.memref_slice %arg3[%multiple_of3A_97] : memref<645632xi32, #tpu.memory_space<hbm>> -> memref<112xi32, #tpu.memory_space<hbm>>
        tpu.wait_dma2 semaphore(%run_scoped3A : memref<!tpu.dma_semaphore, #tpu.memory_space<semaphore_mem>>) src(%dma_wait3A_133 : memref<112xi32, #tpu.memory_space<hbm>>) dst(%arg8 : memref<112xi32, #tpu.memory_space<vmem>>)
        tpu.yield
      }) : () -> ()
      %dma_wait3A_98 = arith.constant 0 : i32
      %dma_wait3A_99 = arith.constant 0 : i32
      %dma_wait3A_100 = tpu.memref_slice %arg16[%dma_wait3A_98, %dma_wait3A_99] : memref<10248x128xf32, #tpu.memory_space<vmem_shared>> -> memref<10248x128xf32, #tpu.memory_space<vmem_shared>>
      tpu.wait_indirect_dma semaphore(%arg21 : memref<!tpu.dma_semaphore, #tpu.memory_space<semaphore_mem>>) src(%arg14 : memref<112x128xf32, #tpu.memory_space<vmem>>) dst(%dma_wait3A_100 : memref<10248x128xf32, #tpu.memory_space<vmem_shared>>)
      %dma_start3A_101 = arith.constant 0 : i32
      %dma_start3A_102 = arith.constant 0 : i32
      %dma_start3A_103 = tpu.memref_slice %arg2[%dma_start3A_101, %dma_start3A_102] : memref<10000x128xf32, #tpu.memory_space<hbm>> -> memref<10000x128xf32, #tpu.memory_space<hbm>>
      tpu.enqueue_indirect_dma source(%dma_start3A_103 : memref<10000x128xf32, #tpu.memory_space<hbm>>) target(%arg14 : memref<112x128xf32, #tpu.memory_space<vmem>>) offsets(%arg8 : memref<112xi32, #tpu.memory_space<vmem>>) semaphore(%arg18 : memref<!tpu.dma_semaphore, #tpu.memory_space<semaphore_mem>>)
      %mul3A_104 = arith.constant 3 : i32
      %mul3A_105 = arith.muli %while3A_51, %mul3A_104 : i32
      %add3A_106 = arith.constant 2 : i32
      %add3A_107 = arith.addi %mul3A_105, %add3A_106 : i32
      %dma_wait3A_108 = arith.constant 0 : i32
      %dma_wait3A_109 = arith.constant 0 : i32
      %dma_wait3A_110 = tpu.memref_slice %arg2[%dma_wait3A_108, %dma_wait3A_109] : memref<10000x128xf32, #tpu.memory_space<hbm>> -> memref<10000x128xf32, #tpu.memory_space<hbm>>
      tpu.wait_indirect_dma semaphore(%arg19 : memref<!tpu.dma_semaphore, #tpu.memory_space<semaphore_mem>>) src(%dma_wait3A_110 : memref<10000x128xf32, #tpu.memory_space<hbm>>) dst(%arg15 : memref<112x128xf32, #tpu.memory_space<vmem>>)
      %mul3A_111 = arith.constant 112 : i32
      %mul3A_112 = arith.muli %add3A_107, %mul3A_111 : i32
      %add3A_113 = arith.addi %mul3A_10, %mul3A_112 : i32
      %multiple_of3A_114 = tpu.assume_multiple %add3A_113, 8 : i32
      "tpu.region"() ({
        %run_scoped3A = tpu.sem_alloc : memref<!tpu.dma_semaphore, #tpu.memory_space<semaphore_mem>>
        %dma_start3A_130 = tpu.memref_slice %arg4[%multiple_of3A_114] : memref<645632xi32, #tpu.memory_space<hbm>> -> memref<112xi32, #tpu.memory_space<hbm>>
        %dma_start3A_131 = tpu.memref_slice %arg4[%multiple_of3A_114] : memref<645632xi32, #tpu.memory_space<hbm>> -> memref<112xi32, #tpu.memory_space<hbm>>
        tpu.enqueue_dma source(%dma_start3A_131 : memref<112xi32, #tpu.memory_space<hbm>>) target(%arg12 : memref<112xi32, #tpu.memory_space<vmem>>) target_semaphore(%run_scoped3A : memref<!tpu.dma_semaphore, #tpu.memory_space<semaphore_mem>>)
        %dma_wait3A_132 = tpu.memref_slice %arg4[%multiple_of3A_114] : memref<645632xi32, #tpu.memory_space<hbm>> -> memref<112xi32, #tpu.memory_space<hbm>>
        %dma_wait3A_133 = tpu.memref_slice %arg4[%multiple_of3A_114] : memref<645632xi32, #tpu.memory_space<hbm>> -> memref<112xi32, #tpu.memory_space<hbm>>
        tpu.wait_dma2 semaphore(%run_scoped3A : memref<!tpu.dma_semaphore, #tpu.memory_space<semaphore_mem>>) src(%dma_wait3A_133 : memref<112xi32, #tpu.memory_space<hbm>>) dst(%arg12 : memref<112xi32, #tpu.memory_space<vmem>>)
        tpu.yield
      }) : () -> ()
      %dma_start3A_115 = arith.constant 0 : i32
      %dma_start3A_116 = arith.constant 0 : i32
      %dma_start3A_117 = tpu.memref_slice %arg16[%dma_start3A_115, %dma_start3A_116] : memref<10248x128xf32, #tpu.memory_space<vmem_shared>> -> memref<10248x128xf32, #tpu.memory_space<vmem_shared>>
      tpu.enqueue_indirect_dma source(%arg15 : memref<112x128xf32, #tpu.memory_space<vmem>>) target(%dma_start3A_117 : memref<10248x128xf32, #tpu.memory_space<vmem_shared>>) offsets(%arg12 : memref<112xi32, #tpu.memory_space<vmem>>) semaphore(%arg22 : memref<!tpu.dma_semaphore, #tpu.memory_space<semaphore_mem>>) {add = true}
      %add3A_118 = arith.constant 3 : i32
      %add3A_119 = arith.addi %add3A_107, %add3A_118 : i32
      %mul3A_120 = arith.constant 112 : i32
      %mul3A_121 = arith.muli %add3A_119, %mul3A_120 : i32
      %add3A_122 = arith.addi %mul3A_10, %mul3A_121 : i32
      %multiple_of3A_123 = tpu.assume_multiple %add3A_122, 8 : i32
      "tpu.region"() ({
        %run_scoped3A = tpu.sem_alloc : memref<!tpu.dma_semaphore, #tpu.memory_space<semaphore_mem>>
        %dma_start3A_130 = tpu.memref_slice %arg3[%multiple_of3A_123] : memref<645632xi32, #tpu.memory_space<hbm>> -> memref<112xi32, #tpu.memory_space<hbm>>
        %dma_start3A_131 = tpu.memref_slice %arg3[%multiple_of3A_123] : memref<645632xi32, #tpu.memory_space<hbm>> -> memref<112xi32, #tpu.memory_space<hbm>>
        tpu.enqueue_dma source(%dma_start3A_131 : memref<112xi32, #tpu.memory_space<hbm>>) target(%arg9 : memref<112xi32, #tpu.memory_space<vmem>>) target_semaphore(%run_scoped3A : memref<!tpu.dma_semaphore, #tpu.memory_space<semaphore_mem>>)
        %dma_wait3A_132 = tpu.memref_slice %arg3[%multiple_of3A_123] : memref<645632xi32, #tpu.memory_space<hbm>> -> memref<112xi32, #tpu.memory_space<hbm>>
        %dma_wait3A_133 = tpu.memref_slice %arg3[%multiple_of3A_123] : memref<645632xi32, #tpu.memory_space<hbm>> -> memref<112xi32, #tpu.memory_space<hbm>>
        tpu.wait_dma2 semaphore(%run_scoped3A : memref<!tpu.dma_semaphore, #tpu.memory_space<semaphore_mem>>) src(%dma_wait3A_133 : memref<112xi32, #tpu.memory_space<hbm>>) dst(%arg9 : memref<112xi32, #tpu.memory_space<vmem>>)
        tpu.yield
      }) : () -> ()
      %dma_wait3A_124 = arith.constant 0 : i32
      %dma_wait3A_125 = arith.constant 0 : i32
      %dma_wait3A_126 = tpu.memref_slice %arg16[%dma_wait3A_124, %dma_wait3A_125] : memref<10248x128xf32, #tpu.memory_space<vmem_shared>> -> memref<10248x128xf32, #tpu.memory_space<vmem_shared>>
      tpu.wait_indirect_dma semaphore(%arg22 : memref<!tpu.dma_semaphore, #tpu.memory_space<semaphore_mem>>) src(%arg15 : memref<112x128xf32, #tpu.memory_space<vmem>>) dst(%dma_wait3A_126 : memref<10248x128xf32, #tpu.memory_space<vmem_shared>>)
      %dma_start3A_127 = arith.constant 0 : i32
      %dma_start3A_128 = arith.constant 0 : i32
      %dma_start3A_129 = tpu.memref_slice %arg2[%dma_start3A_127, %dma_start3A_128] : memref<10000x128xf32, #tpu.memory_space<hbm>> -> memref<10000x128xf32, #tpu.memory_space<hbm>>
      tpu.enqueue_indirect_dma source(%dma_start3A_129 : memref<10000x128xf32, #tpu.memory_space<hbm>>) target(%arg15 : memref<112x128xf32, #tpu.memory_space<vmem>>) offsets(%arg9 : memref<112xi32, #tpu.memory_space<vmem>>) semaphore(%arg19 : memref<!tpu.dma_semaphore, #tpu.memory_space<semaphore_mem>>)
    }
    %dma_wait3A = arith.constant 0 : i32
    %dma_wait3A_38 = arith.constant 0 : i32
    %dma_wait3A_39 = tpu.memref_slice %arg2[%dma_wait3A, %dma_wait3A_38] : memref<10000x128xf32, #tpu.memory_space<hbm>> -> memref<10000x128xf32, #tpu.memory_space<hbm>>
    tpu.wait_indirect_dma semaphore(%arg17 : memref<!tpu.dma_semaphore, #tpu.memory_space<semaphore_mem>>) src(%dma_wait3A_39 : memref<10000x128xf32, #tpu.memory_space<hbm>>) dst(%arg13 : memref<112x128xf32, #tpu.memory_space<vmem>>)
    %dma_wait3A_40 = arith.constant 0 : i32
    %dma_wait3A_41 = arith.constant 0 : i32
    %dma_wait3A_42 = tpu.memref_slice %arg2[%dma_wait3A_40, %dma_wait3A_41] : memref<10000x128xf32, #tpu.memory_space<hbm>> -> memref<10000x128xf32, #tpu.memory_space<hbm>>
    tpu.wait_indirect_dma semaphore(%arg18 : memref<!tpu.dma_semaphore, #tpu.memory_space<semaphore_mem>>) src(%dma_wait3A_42 : memref<10000x128xf32, #tpu.memory_space<hbm>>) dst(%arg14 : memref<112x128xf32, #tpu.memory_space<vmem>>)
    %dma_wait3A_43 = arith.constant 0 : i32
    %dma_wait3A_44 = arith.constant 0 : i32
    %dma_wait3A_45 = tpu.memref_slice %arg2[%dma_wait3A_43, %dma_wait3A_44] : memref<10000x128xf32, #tpu.memory_space<hbm>> -> memref<10000x128xf32, #tpu.memory_space<hbm>>
    tpu.wait_indirect_dma semaphore(%arg19 : memref<!tpu.dma_semaphore, #tpu.memory_space<semaphore_mem>>) src(%dma_wait3A_45 : memref<10000x128xf32, #tpu.memory_space<hbm>>) dst(%arg15 : memref<112x128xf32, #tpu.memory_space<vmem>>)
    %barrier3A_46 = arith.constant 0 : index
    tpu.barrier barrier_id(%barrier3A_46)
    %mul3A_47 = arith.constant 640 : i32
    %mul3A_48 = arith.muli %arg1, %mul3A_47 : i32
    %mul3A_49 = arith.constant 640 : i32
    %mul3A_50 = arith.muli %arg1, %mul3A_49 : i32
    "tpu.region"() ({
      %run_scoped3A = tpu.sem_alloc : memref<!tpu.dma_semaphore, #tpu.memory_space<semaphore_mem>>
      %dma_start3A_51 = arith.constant 0 : i32
      %dma_start3A_52 = tpu.memref_slice %arg6[%arg0, %mul3A_50, %dma_start3A_51] : memref<2x10240x128xf32, #tpu.memory_space<hbm>> -> memref<1x640x128xf32, #tpu.memory_space<hbm>>
      %dma_start3A_53 = tpu.memref_squeeze %dma_start3A_52 : memref<1x640x128xf32, #tpu.memory_space<hbm>> -> memref<640x128xf32, #tpu.memory_space<hbm>>
      %dma_start3A_54 = arith.constant 0 : i32
      %dma_start3A_55 = tpu.memref_slice %arg16[%mul3A_48, %dma_start3A_54] : memref<10248x128xf32, #tpu.memory_space<vmem_shared>> -> memref<640x128xf32, #tpu.memory_space<vmem_shared>>
      tpu.enqueue_dma source(%dma_start3A_55 : memref<640x128xf32, #tpu.memory_space<vmem_shared>>) target(%dma_start3A_53 : memref<640x128xf32, #tpu.memory_space<hbm>>) target_semaphore(%run_scoped3A : memref<!tpu.dma_semaphore, #tpu.memory_space<semaphore_mem>>)
      %dma_wait3A_56 = arith.constant 0 : i32
      %dma_wait3A_57 = tpu.memref_slice %arg6[%arg0, %mul3A_50, %dma_wait3A_56] : memref<2x10240x128xf32, #tpu.memory_space<hbm>> -> memref<1x640x128xf32, #tpu.memory_space<hbm>>
      %dma_wait3A_58 = tpu.memref_squeeze %dma_wait3A_57 : memref<1x640x128xf32, #tpu.memory_space<hbm>> -> memref<640x128xf32, #tpu.memory_space<hbm>>
      %dma_wait3A_59 = arith.constant 0 : i32
      %dma_wait3A_60 = tpu.memref_slice %arg16[%mul3A_48, %dma_wait3A_59] : memref<10248x128xf32, #tpu.memory_space<vmem_shared>> -> memref<640x128xf32, #tpu.memory_space<vmem_shared>>
      tpu.wait_dma2 semaphore(%run_scoped3A : memref<!tpu.dma_semaphore, #tpu.memory_space<semaphore_mem>>) src(%dma_wait3A_60 : memref<640x128xf32, #tpu.memory_space<vmem_shared>>) dst(%dma_wait3A_58 : memref<640x128xf32, #tpu.memory_space<hbm>>)
      tpu.yield
    }) : () -> ()
    return
  }
}

#map = affine_map<(d0, d1) -> (0, 0)>
#map1 = affine_map<(d0, d1) -> (0)>
#map2 = affine_map<(d0, d1) -> (0, 0, 0)>
module attributes {stable_mosaic.version = 14 : i64} {
  func.func @_sc_agg(%arg0: i32, %arg1: i32, %arg2: memref<10000x128xf32, #tpu.memory_space<hbm>>, %arg3: memref<645632xi32, #tpu.memory_space<hbm>>, %arg4: memref<645632xi32, #tpu.memory_space<hbm>>, %arg5: memref<640x128xf32, #tpu.memory_space<hbm>>, %arg6: memref<2x10240x128xf32, #tpu.memory_space<hbm>>, %arg7: memref<112xi32, #tpu.memory_space<vmem>>, %arg8: memref<112xi32, #tpu.memory_space<vmem>>, %arg9: memref<112xi32, #tpu.memory_space<vmem>>, %arg10: memref<112xi32, #tpu.memory_space<vmem>>, %arg11: memref<112xi32, #tpu.memory_space<vmem>>, %arg12: memref<112xi32, #tpu.memory_space<vmem>>, %arg13: memref<112x128xf32, #tpu.memory_space<vmem>>, %arg14: memref<112x128xf32, #tpu.memory_space<vmem>>, %arg15: memref<112x128xf32, #tpu.memory_space<vmem>>, %arg16: memref<10248x128xf32, #tpu.memory_space<vmem_shared>>, %arg17: memref<!tpu.dma_semaphore, #tpu.memory_space<semaphore_mem>>, %arg18: memref<!tpu.dma_semaphore, #tpu.memory_space<semaphore_mem>>, %arg19: memref<!tpu.dma_semaphore, #tpu.memory_space<semaphore_mem>>, %arg20: memref<!tpu.dma_semaphore, #tpu.memory_space<semaphore_mem>>, %arg21: memref<!tpu.dma_semaphore, #tpu.memory_space<semaphore_mem>>, %arg22: memref<!tpu.dma_semaphore, #tpu.memory_space<semaphore_mem>>) attributes {dimension_semantics = [#tpu.dimension_semantics<core_parallel>, #tpu.dimension_semantics<subcore_parallel>], iteration_bounds = array<i64: 2, 16>, scalar_prefetch = 0 : i64, scratch_operands = 16 : i64, tpu.core_type = #tpu.core_type<sc_vector_subcore>, window_params = [{transform_indices = #map}, {transform_indices = #map1}, {transform_indices = #map1}, {transform_indices = #map}, {transform_indices = #map2}]} {
    %eq3A = arith.constant 0 : i32
    %eq3A_0 = arith.cmpi eq, %arg0, %eq3A : i32
    %mul3A = arith.constant 300 : i32
    %mul3A_1 = arith.muli %arg1, %mul3A : i32
    %mul3A_2 = arith.constant 60 : i32
    %mul3A_3 = arith.muli %arg1, %mul3A_2 : i32
    %add3A = arith.constant 4800 : i32
    %add3A_4 = arith.addi %add3A, %mul3A_3 : i32
    %select_n3A = arith.select %eq3A_0, %mul3A_1, %add3A_4 : i32
    %eq3A_5 = arith.constant 0 : i32
    %eq3A_6 = arith.cmpi eq, %arg0, %eq3A_5 : i32
    %jit3A = arith.constant 100 : i32
    %jit3A_7 = arith.constant 20 : i32
    %select_n3A_8 = arith.select %eq3A_6, %jit3A, %jit3A_7 : i32
    %mul3A_9 = arith.constant 112 : i32
    %mul3A_10 = arith.muli %select_n3A, %mul3A_9 : i32
    %mul3A_11 = arith.constant 640 : i32
    %mul3A_12 = arith.muli %arg1, %mul3A_11 : i32
    "tpu.region"() ({
      %run_scoped3A = tpu.sem_alloc : memref<!tpu.dma_semaphore, #tpu.memory_space<semaphore_mem>>
      %dma_start3A_51 = arith.constant 0 : i32
      %dma_start3A_52 = tpu.memref_slice %arg16[%mul3A_12, %dma_start3A_51] : memref<10248x128xf32, #tpu.memory_space<vmem_shared>> -> memref<640x128xf32, #tpu.memory_space<vmem_shared>>
      tpu.enqueue_dma source(%arg5 : memref<640x128xf32, #tpu.memory_space<hbm>>) target(%dma_start3A_52 : memref<640x128xf32, #tpu.memory_space<vmem_shared>>) target_semaphore(%run_scoped3A : memref<!tpu.dma_semaphore, #tpu.memory_space<semaphore_mem>>)
      %dma_wait3A_53 = arith.constant 0 : i32
      %dma_wait3A_54 = tpu.memref_slice %arg16[%mul3A_12, %dma_wait3A_53] : memref<10248x128xf32, #tpu.memory_space<vmem_shared>> -> memref<640x128xf32, #tpu.memory_space<vmem_shared>>
      tpu.wait_dma2 semaphore(%run_scoped3A : memref<!tpu.dma_semaphore, #tpu.memory_space<semaphore_mem>>) src(%arg5 : memref<640x128xf32, #tpu.memory_space<hbm>>) dst(%dma_wait3A_54 : memref<640x128xf32, #tpu.memory_space<vmem_shared>>)
      tpu.yield
    }) : () -> ()
    %barrier3A = arith.constant 0 : index
    tpu.barrier barrier_id(%barrier3A)
    %add3A_13 = arith.constant 0 : i32
    %add3A_14 = arith.addi %mul3A_10, %add3A_13 : i32
    %multiple_of3A = tpu.assume_multiple %add3A_14, 8 : i32
    "tpu.region"() ({
      %run_scoped3A = tpu.sem_alloc : memref<!tpu.dma_semaphore, #tpu.memory_space<semaphore_mem>>
      %dma_start3A_51 = tpu.memref_slice %arg3[%multiple_of3A] : memref<645632xi32, #tpu.memory_space<hbm>> -> memref<112xi32, #tpu.memory_space<hbm>>
      %dma_start3A_52 = tpu.memref_slice %arg3[%multiple_of3A] : memref<645632xi32, #tpu.memory_space<hbm>> -> memref<112xi32, #tpu.memory_space<hbm>>
      tpu.enqueue_dma source(%dma_start3A_52 : memref<112xi32, #tpu.memory_space<hbm>>) target(%arg7 : memref<112xi32, #tpu.memory_space<vmem>>) target_semaphore(%run_scoped3A : memref<!tpu.dma_semaphore, #tpu.memory_space<semaphore_mem>>)
      %dma_wait3A_53 = tpu.memref_slice %arg3[%multiple_of3A] : memref<645632xi32, #tpu.memory_space<hbm>> -> memref<112xi32, #tpu.memory_space<hbm>>
      %dma_wait3A_54 = tpu.memref_slice %arg3[%multiple_of3A] : memref<645632xi32, #tpu.memory_space<hbm>> -> memref<112xi32, #tpu.memory_space<hbm>>
      tpu.wait_dma2 semaphore(%run_scoped3A : memref<!tpu.dma_semaphore, #tpu.memory_space<semaphore_mem>>) src(%dma_wait3A_54 : memref<112xi32, #tpu.memory_space<hbm>>) dst(%arg7 : memref<112xi32, #tpu.memory_space<vmem>>)
      tpu.yield
    }) : () -> ()
    %dma_start3A = arith.constant 0 : i32
    %dma_start3A_15 = arith.constant 0 : i32
    %dma_start3A_16 = tpu.memref_slice %arg2[%dma_start3A, %dma_start3A_15] : memref<10000x128xf32, #tpu.memory_space<hbm>> -> memref<10000x128xf32, #tpu.memory_space<hbm>>
    tpu.enqueue_indirect_dma source(%dma_start3A_16 : memref<10000x128xf32, #tpu.memory_space<hbm>>) target(%arg13 : memref<112x128xf32, #tpu.memory_space<vmem>>) offsets(%arg7 : memref<112xi32, #tpu.memory_space<vmem>>) semaphore(%arg17 : memref<!tpu.dma_semaphore, #tpu.memory_space<semaphore_mem>>)
    %add3A_17 = arith.constant 112 : i32
    %add3A_18 = arith.addi %mul3A_10, %add3A_17 : i32
    %multiple_of3A_19 = tpu.assume_multiple %add3A_18, 8 : i32
    "tpu.region"() ({
      %run_scoped3A = tpu.sem_alloc : memref<!tpu.dma_semaphore, #tpu.memory_space<semaphore_mem>>
      %dma_start3A_51 = tpu.memref_slice %arg3[%multiple_of3A_19] : memref<645632xi32, #tpu.memory_space<hbm>> -> memref<112xi32, #tpu.memory_space<hbm>>
      %dma_start3A_52 = tpu.memref_slice %arg3[%multiple_of3A_19] : memref<645632xi32, #tpu.memory_space<hbm>> -> memref<112xi32, #tpu.memory_space<hbm>>
      tpu.enqueue_dma source(%dma_start3A_52 : memref<112xi32, #tpu.memory_space<hbm>>) target(%arg8 : memref<112xi32, #tpu.memory_space<vmem>>) target_semaphore(%run_scoped3A : memref<!tpu.dma_semaphore, #tpu.memory_space<semaphore_mem>>)
      %dma_wait3A_53 = tpu.memref_slice %arg3[%multiple_of3A_19] : memref<645632xi32, #tpu.memory_space<hbm>> -> memref<112xi32, #tpu.memory_space<hbm>>
      %dma_wait3A_54 = tpu.memref_slice %arg3[%multiple_of3A_19] : memref<645632xi32, #tpu.memory_space<hbm>> -> memref<112xi32, #tpu.memory_space<hbm>>
      tpu.wait_dma2 semaphore(%run_scoped3A : memref<!tpu.dma_semaphore, #tpu.memory_space<semaphore_mem>>) src(%dma_wait3A_54 : memref<112xi32, #tpu.memory_space<hbm>>) dst(%arg8 : memref<112xi32, #tpu.memory_space<vmem>>)
      tpu.yield
    }) : () -> ()
    %dma_start3A_20 = arith.constant 0 : i32
    %dma_start3A_21 = arith.constant 0 : i32
    %dma_start3A_22 = tpu.memref_slice %arg2[%dma_start3A_20, %dma_start3A_21] : memref<10000x128xf32, #tpu.memory_space<hbm>> -> memref<10000x128xf32, #tpu.memory_space<hbm>>
    tpu.enqueue_indirect_dma source(%dma_start3A_22 : memref<10000x128xf32, #tpu.memory_space<hbm>>) target(%arg14 : memref<112x128xf32, #tpu.memory_space<vmem>>) offsets(%arg8 : memref<112xi32, #tpu.memory_space<vmem>>) semaphore(%arg18 : memref<!tpu.dma_semaphore, #tpu.memory_space<semaphore_mem>>)
    %add3A_23 = arith.constant 224 : i32
    %add3A_24 = arith.addi %mul3A_10, %add3A_23 : i32
    %multiple_of3A_25 = tpu.assume_multiple %add3A_24, 8 : i32
    "tpu.region"() ({
      %run_scoped3A = tpu.sem_alloc : memref<!tpu.dma_semaphore, #tpu.memory_space<semaphore_mem>>
      %dma_start3A_51 = tpu.memref_slice %arg3[%multiple_of3A_25] : memref<645632xi32, #tpu.memory_space<hbm>> -> memref<112xi32, #tpu.memory_space<hbm>>
      %dma_start3A_52 = tpu.memref_slice %arg3[%multiple_of3A_25] : memref<645632xi32, #tpu.memory_space<hbm>> -> memref<112xi32, #tpu.memory_space<hbm>>
      tpu.enqueue_dma source(%dma_start3A_52 : memref<112xi32, #tpu.memory_space<hbm>>) target(%arg9 : memref<112xi32, #tpu.memory_space<vmem>>) target_semaphore(%run_scoped3A : memref<!tpu.dma_semaphore, #tpu.memory_space<semaphore_mem>>)
      %dma_wait3A_53 = tpu.memref_slice %arg3[%multiple_of3A_25] : memref<645632xi32, #tpu.memory_space<hbm>> -> memref<112xi32, #tpu.memory_space<hbm>>
      %dma_wait3A_54 = tpu.memref_slice %arg3[%multiple_of3A_25] : memref<645632xi32, #tpu.memory_space<hbm>> -> memref<112xi32, #tpu.memory_space<hbm>>
      tpu.wait_dma2 semaphore(%run_scoped3A : memref<!tpu.dma_semaphore, #tpu.memory_space<semaphore_mem>>) src(%dma_wait3A_54 : memref<112xi32, #tpu.memory_space<hbm>>) dst(%arg9 : memref<112xi32, #tpu.memory_space<vmem>>)
      tpu.yield
    }) : () -> ()
    %dma_start3A_26 = arith.constant 0 : i32
    %dma_start3A_27 = arith.constant 0 : i32
    %dma_start3A_28 = tpu.memref_slice %arg2[%dma_start3A_26, %dma_start3A_27] : memref<10000x128xf32, #tpu.memory_space<hbm>> -> memref<10000x128xf32, #tpu.memory_space<hbm>>
    tpu.enqueue_indirect_dma source(%dma_start3A_28 : memref<10000x128xf32, #tpu.memory_space<hbm>>) target(%arg15 : memref<112x128xf32, #tpu.memory_space<vmem>>) offsets(%arg9 : memref<112xi32, #tpu.memory_space<vmem>>) semaphore(%arg19 : memref<!tpu.dma_semaphore, #tpu.memory_space<semaphore_mem>>)
    %while3A = arith.constant 0 : i32
    %while3A_29 = arith.constant 0 : i32
    %while3A_30 = arith.subi %select_n3A_8, %while3A_29 : i32
    %while3A_31 = arith.addi %while3A_29, %while3A_30 : i32
    %while3A_32 = arith.constant 1 : i32
    %while3A_33 = arith.divsi %while3A_30, %while3A_32 : i32
    %while3A_34 = arith.muli %while3A_33, %while3A_32 : i32
    %while3A_35 = arith.addi %while3A_29, %while3A_34 : i32
    %while3A_36 = arith.constant 1 : i32
    scf.for %while3A_51 = %while3A_29 to %while3A_35 step %while3A_36  : i32 {
      %mul3A_52 = arith.constant 3 : i32
      %mul3A_53 = arith.muli %while3A_51, %mul3A_52 : i32
      %add3A_54 = arith.constant 0 : i32
      %add3A_55 = arith.addi %mul3A_53, %add3A_54 : i32
      %dma_wait3A_56 = arith.constant 0 : i32
      %dma_wait3A_57 = arith.constant 0 : i32
      %dma_wait3A_58 = tpu.memref_slice %arg2[%dma_wait3A_56, %dma_wait3A_57] : memref<10000x128xf32, #tpu.memory_space<hbm>> -> memref<10000x128xf32, #tpu.memory_space<hbm>>
      tpu.wait_indirect_dma semaphore(%arg17 : memref<!tpu.dma_semaphore, #tpu.memory_space<semaphore_mem>>) src(%dma_wait3A_58 : memref<10000x128xf32, #tpu.memory_space<hbm>>) dst(%arg13 : memref<112x128xf32, #tpu.memory_space<vmem>>)
      %mul3A_59 = arith.constant 112 : i32
      %mul3A_60 = arith.muli %add3A_55, %mul3A_59 : i32
      %add3A_61 = arith.addi %mul3A_10, %mul3A_60 : i32
      %multiple_of3A_62 = tpu.assume_multiple %add3A_61, 8 : i32
      "tpu.region"() ({
        %run_scoped3A = tpu.sem_alloc : memref<!tpu.dma_semaphore, #tpu.memory_space<semaphore_mem>>
        %dma_start3A_130 = tpu.memref_slice %arg4[%multiple_of3A_62] : memref<645632xi32, #tpu.memory_space<hbm>> -> memref<112xi32, #tpu.memory_space<hbm>>
        %dma_start3A_131 = tpu.memref_slice %arg4[%multiple_of3A_62] : memref<645632xi32, #tpu.memory_space<hbm>> -> memref<112xi32, #tpu.memory_space<hbm>>
        tpu.enqueue_dma source(%dma_start3A_131 : memref<112xi32, #tpu.memory_space<hbm>>) target(%arg10 : memref<112xi32, #tpu.memory_space<vmem>>) target_semaphore(%run_scoped3A : memref<!tpu.dma_semaphore, #tpu.memory_space<semaphore_mem>>)
        %dma_wait3A_132 = tpu.memref_slice %arg4[%multiple_of3A_62] : memref<645632xi32, #tpu.memory_space<hbm>> -> memref<112xi32, #tpu.memory_space<hbm>>
        %dma_wait3A_133 = tpu.memref_slice %arg4[%multiple_of3A_62] : memref<645632xi32, #tpu.memory_space<hbm>> -> memref<112xi32, #tpu.memory_space<hbm>>
        tpu.wait_dma2 semaphore(%run_scoped3A : memref<!tpu.dma_semaphore, #tpu.memory_space<semaphore_mem>>) src(%dma_wait3A_133 : memref<112xi32, #tpu.memory_space<hbm>>) dst(%arg10 : memref<112xi32, #tpu.memory_space<vmem>>)
        tpu.yield
      }) : () -> ()
      %dma_start3A_63 = arith.constant 0 : i32
      %dma_start3A_64 = arith.constant 0 : i32
      %dma_start3A_65 = tpu.memref_slice %arg16[%dma_start3A_63, %dma_start3A_64] : memref<10248x128xf32, #tpu.memory_space<vmem_shared>> -> memref<10248x128xf32, #tpu.memory_space<vmem_shared>>
      tpu.enqueue_indirect_dma source(%arg13 : memref<112x128xf32, #tpu.memory_space<vmem>>) target(%dma_start3A_65 : memref<10248x128xf32, #tpu.memory_space<vmem_shared>>) offsets(%arg10 : memref<112xi32, #tpu.memory_space<vmem>>) semaphore(%arg20 : memref<!tpu.dma_semaphore, #tpu.memory_space<semaphore_mem>>) {add = true}
      %add3A_66 = arith.constant 3 : i32
      %add3A_67 = arith.addi %add3A_55, %add3A_66 : i32
      %mul3A_68 = arith.constant 112 : i32
      %mul3A_69 = arith.muli %add3A_67, %mul3A_68 : i32
      %add3A_70 = arith.addi %mul3A_10, %mul3A_69 : i32
      %multiple_of3A_71 = tpu.assume_multiple %add3A_70, 8 : i32
      "tpu.region"() ({
        %run_scoped3A = tpu.sem_alloc : memref<!tpu.dma_semaphore, #tpu.memory_space<semaphore_mem>>
        %dma_start3A_130 = tpu.memref_slice %arg3[%multiple_of3A_71] : memref<645632xi32, #tpu.memory_space<hbm>> -> memref<112xi32, #tpu.memory_space<hbm>>
        %dma_start3A_131 = tpu.memref_slice %arg3[%multiple_of3A_71] : memref<645632xi32, #tpu.memory_space<hbm>> -> memref<112xi32, #tpu.memory_space<hbm>>
        tpu.enqueue_dma source(%dma_start3A_131 : memref<112xi32, #tpu.memory_space<hbm>>) target(%arg7 : memref<112xi32, #tpu.memory_space<vmem>>) target_semaphore(%run_scoped3A : memref<!tpu.dma_semaphore, #tpu.memory_space<semaphore_mem>>)
        %dma_wait3A_132 = tpu.memref_slice %arg3[%multiple_of3A_71] : memref<645632xi32, #tpu.memory_space<hbm>> -> memref<112xi32, #tpu.memory_space<hbm>>
        %dma_wait3A_133 = tpu.memref_slice %arg3[%multiple_of3A_71] : memref<645632xi32, #tpu.memory_space<hbm>> -> memref<112xi32, #tpu.memory_space<hbm>>
        tpu.wait_dma2 semaphore(%run_scoped3A : memref<!tpu.dma_semaphore, #tpu.memory_space<semaphore_mem>>) src(%dma_wait3A_133 : memref<112xi32, #tpu.memory_space<hbm>>) dst(%arg7 : memref<112xi32, #tpu.memory_space<vmem>>)
        tpu.yield
      }) : () -> ()
      %dma_wait3A_72 = arith.constant 0 : i32
      %dma_wait3A_73 = arith.constant 0 : i32
      %dma_wait3A_74 = tpu.memref_slice %arg16[%dma_wait3A_72, %dma_wait3A_73] : memref<10248x128xf32, #tpu.memory_space<vmem_shared>> -> memref<10248x128xf32, #tpu.memory_space<vmem_shared>>
      tpu.wait_indirect_dma semaphore(%arg20 : memref<!tpu.dma_semaphore, #tpu.memory_space<semaphore_mem>>) src(%arg13 : memref<112x128xf32, #tpu.memory_space<vmem>>) dst(%dma_wait3A_74 : memref<10248x128xf32, #tpu.memory_space<vmem_shared>>)
      %dma_start3A_75 = arith.constant 0 : i32
      %dma_start3A_76 = arith.constant 0 : i32
      %dma_start3A_77 = tpu.memref_slice %arg2[%dma_start3A_75, %dma_start3A_76] : memref<10000x128xf32, #tpu.memory_space<hbm>> -> memref<10000x128xf32, #tpu.memory_space<hbm>>
      tpu.enqueue_indirect_dma source(%dma_start3A_77 : memref<10000x128xf32, #tpu.memory_space<hbm>>) target(%arg13 : memref<112x128xf32, #tpu.memory_space<vmem>>) offsets(%arg7 : memref<112xi32, #tpu.memory_space<vmem>>) semaphore(%arg17 : memref<!tpu.dma_semaphore, #tpu.memory_space<semaphore_mem>>)
      %mul3A_78 = arith.constant 3 : i32
      %mul3A_79 = arith.muli %while3A_51, %mul3A_78 : i32
      %add3A_80 = arith.constant 1 : i32
      %add3A_81 = arith.addi %mul3A_79, %add3A_80 : i32
      %dma_wait3A_82 = arith.constant 0 : i32
      %dma_wait3A_83 = arith.constant 0 : i32
      %dma_wait3A_84 = tpu.memref_slice %arg2[%dma_wait3A_82, %dma_wait3A_83] : memref<10000x128xf32, #tpu.memory_space<hbm>> -> memref<10000x128xf32, #tpu.memory_space<hbm>>
      tpu.wait_indirect_dma semaphore(%arg18 : memref<!tpu.dma_semaphore, #tpu.memory_space<semaphore_mem>>) src(%dma_wait3A_84 : memref<10000x128xf32, #tpu.memory_space<hbm>>) dst(%arg14 : memref<112x128xf32, #tpu.memory_space<vmem>>)
      %mul3A_85 = arith.constant 112 : i32
      %mul3A_86 = arith.muli %add3A_81, %mul3A_85 : i32
      %add3A_87 = arith.addi %mul3A_10, %mul3A_86 : i32
      %multiple_of3A_88 = tpu.assume_multiple %add3A_87, 8 : i32
      "tpu.region"() ({
        %run_scoped3A = tpu.sem_alloc : memref<!tpu.dma_semaphore, #tpu.memory_space<semaphore_mem>>
        %dma_start3A_130 = tpu.memref_slice %arg4[%multiple_of3A_88] : memref<645632xi32, #tpu.memory_space<hbm>> -> memref<112xi32, #tpu.memory_space<hbm>>
        %dma_start3A_131 = tpu.memref_slice %arg4[%multiple_of3A_88] : memref<645632xi32, #tpu.memory_space<hbm>> -> memref<112xi32, #tpu.memory_space<hbm>>
        tpu.enqueue_dma source(%dma_start3A_131 : memref<112xi32, #tpu.memory_space<hbm>>) target(%arg11 : memref<112xi32, #tpu.memory_space<vmem>>) target_semaphore(%run_scoped3A : memref<!tpu.dma_semaphore, #tpu.memory_space<semaphore_mem>>)
        %dma_wait3A_132 = tpu.memref_slice %arg4[%multiple_of3A_88] : memref<645632xi32, #tpu.memory_space<hbm>> -> memref<112xi32, #tpu.memory_space<hbm>>
        %dma_wait3A_133 = tpu.memref_slice %arg4[%multiple_of3A_88] : memref<645632xi32, #tpu.memory_space<hbm>> -> memref<112xi32, #tpu.memory_space<hbm>>
        tpu.wait_dma2 semaphore(%run_scoped3A : memref<!tpu.dma_semaphore, #tpu.memory_space<semaphore_mem>>) src(%dma_wait3A_133 : memref<112xi32, #tpu.memory_space<hbm>>) dst(%arg11 : memref<112xi32, #tpu.memory_space<vmem>>)
        tpu.yield
      }) : () -> ()
      %dma_start3A_89 = arith.constant 0 : i32
      %dma_start3A_90 = arith.constant 0 : i32
      %dma_start3A_91 = tpu.memref_slice %arg16[%dma_start3A_89, %dma_start3A_90] : memref<10248x128xf32, #tpu.memory_space<vmem_shared>> -> memref<10248x128xf32, #tpu.memory_space<vmem_shared>>
      tpu.enqueue_indirect_dma source(%arg14 : memref<112x128xf32, #tpu.memory_space<vmem>>) target(%dma_start3A_91 : memref<10248x128xf32, #tpu.memory_space<vmem_shared>>) offsets(%arg11 : memref<112xi32, #tpu.memory_space<vmem>>) semaphore(%arg21 : memref<!tpu.dma_semaphore, #tpu.memory_space<semaphore_mem>>) {add = true}
      %add3A_92 = arith.constant 3 : i32
      %add3A_93 = arith.addi %add3A_81, %add3A_92 : i32
      %mul3A_94 = arith.constant 112 : i32
      %mul3A_95 = arith.muli %add3A_93, %mul3A_94 : i32
      %add3A_96 = arith.addi %mul3A_10, %mul3A_95 : i32
      %multiple_of3A_97 = tpu.assume_multiple %add3A_96, 8 : i32
      "tpu.region"() ({
        %run_scoped3A = tpu.sem_alloc : memref<!tpu.dma_semaphore, #tpu.memory_space<semaphore_mem>>
        %dma_start3A_130 = tpu.memref_slice %arg3[%multiple_of3A_97] : memref<645632xi32, #tpu.memory_space<hbm>> -> memref<112xi32, #tpu.memory_space<hbm>>
        %dma_start3A_131 = tpu.memref_slice %arg3[%multiple_of3A_97] : memref<645632xi32, #tpu.memory_space<hbm>> -> memref<112xi32, #tpu.memory_space<hbm>>
        tpu.enqueue_dma source(%dma_start3A_131 : memref<112xi32, #tpu.memory_space<hbm>>) target(%arg8 : memref<112xi32, #tpu.memory_space<vmem>>) target_semaphore(%run_scoped3A : memref<!tpu.dma_semaphore, #tpu.memory_space<semaphore_mem>>)
        %dma_wait3A_132 = tpu.memref_slice %arg3[%multiple_of3A_97] : memref<645632xi32, #tpu.memory_space<hbm>> -> memref<112xi32, #tpu.memory_space<hbm>>
        %dma_wait3A_133 = tpu.memref_slice %arg3[%multiple_of3A_97] : memref<645632xi32, #tpu.memory_space<hbm>> -> memref<112xi32, #tpu.memory_space<hbm>>
        tpu.wait_dma2 semaphore(%run_scoped3A : memref<!tpu.dma_semaphore, #tpu.memory_space<semaphore_mem>>) src(%dma_wait3A_133 : memref<112xi32, #tpu.memory_space<hbm>>) dst(%arg8 : memref<112xi32, #tpu.memory_space<vmem>>)
        tpu.yield
      }) : () -> ()
      %dma_wait3A_98 = arith.constant 0 : i32
      %dma_wait3A_99 = arith.constant 0 : i32
      %dma_wait3A_100 = tpu.memref_slice %arg16[%dma_wait3A_98, %dma_wait3A_99] : memref<10248x128xf32, #tpu.memory_space<vmem_shared>> -> memref<10248x128xf32, #tpu.memory_space<vmem_shared>>
      tpu.wait_indirect_dma semaphore(%arg21 : memref<!tpu.dma_semaphore, #tpu.memory_space<semaphore_mem>>) src(%arg14 : memref<112x128xf32, #tpu.memory_space<vmem>>) dst(%dma_wait3A_100 : memref<10248x128xf32, #tpu.memory_space<vmem_shared>>)
      %dma_start3A_101 = arith.constant 0 : i32
      %dma_start3A_102 = arith.constant 0 : i32
      %dma_start3A_103 = tpu.memref_slice %arg2[%dma_start3A_101, %dma_start3A_102] : memref<10000x128xf32, #tpu.memory_space<hbm>> -> memref<10000x128xf32, #tpu.memory_space<hbm>>
      tpu.enqueue_indirect_dma source(%dma_start3A_103 : memref<10000x128xf32, #tpu.memory_space<hbm>>) target(%arg14 : memref<112x128xf32, #tpu.memory_space<vmem>>) offsets(%arg8 : memref<112xi32, #tpu.memory_space<vmem>>) semaphore(%arg18 : memref<!tpu.dma_semaphore, #tpu.memory_space<semaphore_mem>>)
      %mul3A_104 = arith.constant 3 : i32
      %mul3A_105 = arith.muli %while3A_51, %mul3A_104 : i32
      %add3A_106 = arith.constant 2 : i32
      %add3A_107 = arith.addi %mul3A_105, %add3A_106 : i32
      %dma_wait3A_108 = arith.constant 0 : i32
      %dma_wait3A_109 = arith.constant 0 : i32
      %dma_wait3A_110 = tpu.memref_slice %arg2[%dma_wait3A_108, %dma_wait3A_109] : memref<10000x128xf32, #tpu.memory_space<hbm>> -> memref<10000x128xf32, #tpu.memory_space<hbm>>
      tpu.wait_indirect_dma semaphore(%arg19 : memref<!tpu.dma_semaphore, #tpu.memory_space<semaphore_mem>>) src(%dma_wait3A_110 : memref<10000x128xf32, #tpu.memory_space<hbm>>) dst(%arg15 : memref<112x128xf32, #tpu.memory_space<vmem>>)
      %mul3A_111 = arith.constant 112 : i32
      %mul3A_112 = arith.muli %add3A_107, %mul3A_111 : i32
      %add3A_113 = arith.addi %mul3A_10, %mul3A_112 : i32
      %multiple_of3A_114 = tpu.assume_multiple %add3A_113, 8 : i32
      "tpu.region"() ({
        %run_scoped3A = tpu.sem_alloc : memref<!tpu.dma_semaphore, #tpu.memory_space<semaphore_mem>>
        %dma_start3A_130 = tpu.memref_slice %arg4[%multiple_of3A_114] : memref<645632xi32, #tpu.memory_space<hbm>> -> memref<112xi32, #tpu.memory_space<hbm>>
        %dma_start3A_131 = tpu.memref_slice %arg4[%multiple_of3A_114] : memref<645632xi32, #tpu.memory_space<hbm>> -> memref<112xi32, #tpu.memory_space<hbm>>
        tpu.enqueue_dma source(%dma_start3A_131 : memref<112xi32, #tpu.memory_space<hbm>>) target(%arg12 : memref<112xi32, #tpu.memory_space<vmem>>) target_semaphore(%run_scoped3A : memref<!tpu.dma_semaphore, #tpu.memory_space<semaphore_mem>>)
        %dma_wait3A_132 = tpu.memref_slice %arg4[%multiple_of3A_114] : memref<645632xi32, #tpu.memory_space<hbm>> -> memref<112xi32, #tpu.memory_space<hbm>>
        %dma_wait3A_133 = tpu.memref_slice %arg4[%multiple_of3A_114] : memref<645632xi32, #tpu.memory_space<hbm>> -> memref<112xi32, #tpu.memory_space<hbm>>
        tpu.wait_dma2 semaphore(%run_scoped3A : memref<!tpu.dma_semaphore, #tpu.memory_space<semaphore_mem>>) src(%dma_wait3A_133 : memref<112xi32, #tpu.memory_space<hbm>>) dst(%arg12 : memref<112xi32, #tpu.memory_space<vmem>>)
        tpu.yield
      }) : () -> ()
      %dma_start3A_115 = arith.constant 0 : i32
      %dma_start3A_116 = arith.constant 0 : i32
      %dma_start3A_117 = tpu.memref_slice %arg16[%dma_start3A_115, %dma_start3A_116] : memref<10248x128xf32, #tpu.memory_space<vmem_shared>> -> memref<10248x128xf32, #tpu.memory_space<vmem_shared>>
      tpu.enqueue_indirect_dma source(%arg15 : memref<112x128xf32, #tpu.memory_space<vmem>>) target(%dma_start3A_117 : memref<10248x128xf32, #tpu.memory_space<vmem_shared>>) offsets(%arg12 : memref<112xi32, #tpu.memory_space<vmem>>) semaphore(%arg22 : memref<!tpu.dma_semaphore, #tpu.memory_space<semaphore_mem>>) {add = true}
      %add3A_118 = arith.constant 3 : i32
      %add3A_119 = arith.addi %add3A_107, %add3A_118 : i32
      %mul3A_120 = arith.constant 112 : i32
      %mul3A_121 = arith.muli %add3A_119, %mul3A_120 : i32
      %add3A_122 = arith.addi %mul3A_10, %mul3A_121 : i32
      %multiple_of3A_123 = tpu.assume_multiple %add3A_122, 8 : i32
      "tpu.region"() ({
        %run_scoped3A = tpu.sem_alloc : memref<!tpu.dma_semaphore, #tpu.memory_space<semaphore_mem>>
        %dma_start3A_130 = tpu.memref_slice %arg3[%multiple_of3A_123] : memref<645632xi32, #tpu.memory_space<hbm>> -> memref<112xi32, #tpu.memory_space<hbm>>
        %dma_start3A_131 = tpu.memref_slice %arg3[%multiple_of3A_123] : memref<645632xi32, #tpu.memory_space<hbm>> -> memref<112xi32, #tpu.memory_space<hbm>>
        tpu.enqueue_dma source(%dma_start3A_131 : memref<112xi32, #tpu.memory_space<hbm>>) target(%arg9 : memref<112xi32, #tpu.memory_space<vmem>>) target_semaphore(%run_scoped3A : memref<!tpu.dma_semaphore, #tpu.memory_space<semaphore_mem>>)
        %dma_wait3A_132 = tpu.memref_slice %arg3[%multiple_of3A_123] : memref<645632xi32, #tpu.memory_space<hbm>> -> memref<112xi32, #tpu.memory_space<hbm>>
        %dma_wait3A_133 = tpu.memref_slice %arg3[%multiple_of3A_123] : memref<645632xi32, #tpu.memory_space<hbm>> -> memref<112xi32, #tpu.memory_space<hbm>>
        tpu.wait_dma2 semaphore(%run_scoped3A : memref<!tpu.dma_semaphore, #tpu.memory_space<semaphore_mem>>) src(%dma_wait3A_133 : memref<112xi32, #tpu.memory_space<hbm>>) dst(%arg9 : memref<112xi32, #tpu.memory_space<vmem>>)
        tpu.yield
      }) : () -> ()
      %dma_wait3A_124 = arith.constant 0 : i32
      %dma_wait3A_125 = arith.constant 0 : i32
      %dma_wait3A_126 = tpu.memref_slice %arg16[%dma_wait3A_124, %dma_wait3A_125] : memref<10248x128xf32, #tpu.memory_space<vmem_shared>> -> memref<10248x128xf32, #tpu.memory_space<vmem_shared>>
      tpu.wait_indirect_dma semaphore(%arg22 : memref<!tpu.dma_semaphore, #tpu.memory_space<semaphore_mem>>) src(%arg15 : memref<112x128xf32, #tpu.memory_space<vmem>>) dst(%dma_wait3A_126 : memref<10248x128xf32, #tpu.memory_space<vmem_shared>>)
      %dma_start3A_127 = arith.constant 0 : i32
      %dma_start3A_128 = arith.constant 0 : i32
      %dma_start3A_129 = tpu.memref_slice %arg2[%dma_start3A_127, %dma_start3A_128] : memref<10000x128xf32, #tpu.memory_space<hbm>> -> memref<10000x128xf32, #tpu.memory_space<hbm>>
      tpu.enqueue_indirect_dma source(%dma_start3A_129 : memref<10000x128xf32, #tpu.memory_space<hbm>>) target(%arg15 : memref<112x128xf32, #tpu.memory_space<vmem>>) offsets(%arg9 : memref<112xi32, #tpu.memory_space<vmem>>) semaphore(%arg19 : memref<!tpu.dma_semaphore, #tpu.memory_space<semaphore_mem>>)
    }
    %while3A_37 = arith.constant 1 : i32
    scf.for %while3A_51 = %while3A_35 to %while3A_31 step %while3A_37  : i32 {
      %mul3A_52 = arith.constant 3 : i32
      %mul3A_53 = arith.muli %while3A_51, %mul3A_52 : i32
      %add3A_54 = arith.constant 0 : i32
      %add3A_55 = arith.addi %mul3A_53, %add3A_54 : i32
      %dma_wait3A_56 = arith.constant 0 : i32
      %dma_wait3A_57 = arith.constant 0 : i32
      %dma_wait3A_58 = tpu.memref_slice %arg2[%dma_wait3A_56, %dma_wait3A_57] : memref<10000x128xf32, #tpu.memory_space<hbm>> -> memref<10000x128xf32, #tpu.memory_space<hbm>>
      tpu.wait_indirect_dma semaphore(%arg17 : memref<!tpu.dma_semaphore, #tpu.memory_space<semaphore_mem>>) src(%dma_wait3A_58 : memref<10000x128xf32, #tpu.memory_space<hbm>>) dst(%arg13 : memref<112x128xf32, #tpu.memory_space<vmem>>)
      %mul3A_59 = arith.constant 112 : i32
      %mul3A_60 = arith.muli %add3A_55, %mul3A_59 : i32
      %add3A_61 = arith.addi %mul3A_10, %mul3A_60 : i32
      %multiple_of3A_62 = tpu.assume_multiple %add3A_61, 8 : i32
      "tpu.region"() ({
        %run_scoped3A = tpu.sem_alloc : memref<!tpu.dma_semaphore, #tpu.memory_space<semaphore_mem>>
        %dma_start3A_130 = tpu.memref_slice %arg4[%multiple_of3A_62] : memref<645632xi32, #tpu.memory_space<hbm>> -> memref<112xi32, #tpu.memory_space<hbm>>
        %dma_start3A_131 = tpu.memref_slice %arg4[%multiple_of3A_62] : memref<645632xi32, #tpu.memory_space<hbm>> -> memref<112xi32, #tpu.memory_space<hbm>>
        tpu.enqueue_dma source(%dma_start3A_131 : memref<112xi32, #tpu.memory_space<hbm>>) target(%arg10 : memref<112xi32, #tpu.memory_space<vmem>>) target_semaphore(%run_scoped3A : memref<!tpu.dma_semaphore, #tpu.memory_space<semaphore_mem>>)
        %dma_wait3A_132 = tpu.memref_slice %arg4[%multiple_of3A_62] : memref<645632xi32, #tpu.memory_space<hbm>> -> memref<112xi32, #tpu.memory_space<hbm>>
        %dma_wait3A_133 = tpu.memref_slice %arg4[%multiple_of3A_62] : memref<645632xi32, #tpu.memory_space<hbm>> -> memref<112xi32, #tpu.memory_space<hbm>>
        tpu.wait_dma2 semaphore(%run_scoped3A : memref<!tpu.dma_semaphore, #tpu.memory_space<semaphore_mem>>) src(%dma_wait3A_133 : memref<112xi32, #tpu.memory_space<hbm>>) dst(%arg10 : memref<112xi32, #tpu.memory_space<vmem>>)
        tpu.yield
      }) : () -> ()
      %dma_start3A_63 = arith.constant 0 : i32
      %dma_start3A_64 = arith.constant 0 : i32
      %dma_start3A_65 = tpu.memref_slice %arg16[%dma_start3A_63, %dma_start3A_64] : memref<10248x128xf32, #tpu.memory_space<vmem_shared>> -> memref<10248x128xf32, #tpu.memory_space<vmem_shared>>
      tpu.enqueue_indirect_dma source(%arg13 : memref<112x128xf32, #tpu.memory_space<vmem>>) target(%dma_start3A_65 : memref<10248x128xf32, #tpu.memory_space<vmem_shared>>) offsets(%arg10 : memref<112xi32, #tpu.memory_space<vmem>>) semaphore(%arg20 : memref<!tpu.dma_semaphore, #tpu.memory_space<semaphore_mem>>) {add = true}
      %add3A_66 = arith.constant 3 : i32
      %add3A_67 = arith.addi %add3A_55, %add3A_66 : i32
      %mul3A_68 = arith.constant 112 : i32
      %mul3A_69 = arith.muli %add3A_67, %mul3A_68 : i32
      %add3A_70 = arith.addi %mul3A_10, %mul3A_69 : i32
      %multiple_of3A_71 = tpu.assume_multiple %add3A_70, 8 : i32
      "tpu.region"() ({
        %run_scoped3A = tpu.sem_alloc : memref<!tpu.dma_semaphore, #tpu.memory_space<semaphore_mem>>
        %dma_start3A_130 = tpu.memref_slice %arg3[%multiple_of3A_71] : memref<645632xi32, #tpu.memory_space<hbm>> -> memref<112xi32, #tpu.memory_space<hbm>>
        %dma_start3A_131 = tpu.memref_slice %arg3[%multiple_of3A_71] : memref<645632xi32, #tpu.memory_space<hbm>> -> memref<112xi32, #tpu.memory_space<hbm>>
        tpu.enqueue_dma source(%dma_start3A_131 : memref<112xi32, #tpu.memory_space<hbm>>) target(%arg7 : memref<112xi32, #tpu.memory_space<vmem>>) target_semaphore(%run_scoped3A : memref<!tpu.dma_semaphore, #tpu.memory_space<semaphore_mem>>)
        %dma_wait3A_132 = tpu.memref_slice %arg3[%multiple_of3A_71] : memref<645632xi32, #tpu.memory_space<hbm>> -> memref<112xi32, #tpu.memory_space<hbm>>
        %dma_wait3A_133 = tpu.memref_slice %arg3[%multiple_of3A_71] : memref<645632xi32, #tpu.memory_space<hbm>> -> memref<112xi32, #tpu.memory_space<hbm>>
        tpu.wait_dma2 semaphore(%run_scoped3A : memref<!tpu.dma_semaphore, #tpu.memory_space<semaphore_mem>>) src(%dma_wait3A_133 : memref<112xi32, #tpu.memory_space<hbm>>) dst(%arg7 : memref<112xi32, #tpu.memory_space<vmem>>)
        tpu.yield
      }) : () -> ()
      %dma_wait3A_72 = arith.constant 0 : i32
      %dma_wait3A_73 = arith.constant 0 : i32
      %dma_wait3A_74 = tpu.memref_slice %arg16[%dma_wait3A_72, %dma_wait3A_73] : memref<10248x128xf32, #tpu.memory_space<vmem_shared>> -> memref<10248x128xf32, #tpu.memory_space<vmem_shared>>
      tpu.wait_indirect_dma semaphore(%arg20 : memref<!tpu.dma_semaphore, #tpu.memory_space<semaphore_mem>>) src(%arg13 : memref<112x128xf32, #tpu.memory_space<vmem>>) dst(%dma_wait3A_74 : memref<10248x128xf32, #tpu.memory_space<vmem_shared>>)
      %dma_start3A_75 = arith.constant 0 : i32
      %dma_start3A_76 = arith.constant 0 : i32
      %dma_start3A_77 = tpu.memref_slice %arg2[%dma_start3A_75, %dma_start3A_76] : memref<10000x128xf32, #tpu.memory_space<hbm>> -> memref<10000x128xf32, #tpu.memory_space<hbm>>
      tpu.enqueue_indirect_dma source(%dma_start3A_77 : memref<10000x128xf32, #tpu.memory_space<hbm>>) target(%arg13 : memref<112x128xf32, #tpu.memory_space<vmem>>) offsets(%arg7 : memref<112xi32, #tpu.memory_space<vmem>>) semaphore(%arg17 : memref<!tpu.dma_semaphore, #tpu.memory_space<semaphore_mem>>)
      %mul3A_78 = arith.constant 3 : i32
      %mul3A_79 = arith.muli %while3A_51, %mul3A_78 : i32
      %add3A_80 = arith.constant 1 : i32
      %add3A_81 = arith.addi %mul3A_79, %add3A_80 : i32
      %dma_wait3A_82 = arith.constant 0 : i32
      %dma_wait3A_83 = arith.constant 0 : i32
      %dma_wait3A_84 = tpu.memref_slice %arg2[%dma_wait3A_82, %dma_wait3A_83] : memref<10000x128xf32, #tpu.memory_space<hbm>> -> memref<10000x128xf32, #tpu.memory_space<hbm>>
      tpu.wait_indirect_dma semaphore(%arg18 : memref<!tpu.dma_semaphore, #tpu.memory_space<semaphore_mem>>) src(%dma_wait3A_84 : memref<10000x128xf32, #tpu.memory_space<hbm>>) dst(%arg14 : memref<112x128xf32, #tpu.memory_space<vmem>>)
      %mul3A_85 = arith.constant 112 : i32
      %mul3A_86 = arith.muli %add3A_81, %mul3A_85 : i32
      %add3A_87 = arith.addi %mul3A_10, %mul3A_86 : i32
      %multiple_of3A_88 = tpu.assume_multiple %add3A_87, 8 : i32
      "tpu.region"() ({
        %run_scoped3A = tpu.sem_alloc : memref<!tpu.dma_semaphore, #tpu.memory_space<semaphore_mem>>
        %dma_start3A_130 = tpu.memref_slice %arg4[%multiple_of3A_88] : memref<645632xi32, #tpu.memory_space<hbm>> -> memref<112xi32, #tpu.memory_space<hbm>>
        %dma_start3A_131 = tpu.memref_slice %arg4[%multiple_of3A_88] : memref<645632xi32, #tpu.memory_space<hbm>> -> memref<112xi32, #tpu.memory_space<hbm>>
        tpu.enqueue_dma source(%dma_start3A_131 : memref<112xi32, #tpu.memory_space<hbm>>) target(%arg11 : memref<112xi32, #tpu.memory_space<vmem>>) target_semaphore(%run_scoped3A : memref<!tpu.dma_semaphore, #tpu.memory_space<semaphore_mem>>)
        %dma_wait3A_132 = tpu.memref_slice %arg4[%multiple_of3A_88] : memref<645632xi32, #tpu.memory_space<hbm>> -> memref<112xi32, #tpu.memory_space<hbm>>
        %dma_wait3A_133 = tpu.memref_slice %arg4[%multiple_of3A_88] : memref<645632xi32, #tpu.memory_space<hbm>> -> memref<112xi32, #tpu.memory_space<hbm>>
        tpu.wait_dma2 semaphore(%run_scoped3A : memref<!tpu.dma_semaphore, #tpu.memory_space<semaphore_mem>>) src(%dma_wait3A_133 : memref<112xi32, #tpu.memory_space<hbm>>) dst(%arg11 : memref<112xi32, #tpu.memory_space<vmem>>)
        tpu.yield
      }) : () -> ()
      %dma_start3A_89 = arith.constant 0 : i32
      %dma_start3A_90 = arith.constant 0 : i32
      %dma_start3A_91 = tpu.memref_slice %arg16[%dma_start3A_89, %dma_start3A_90] : memref<10248x128xf32, #tpu.memory_space<vmem_shared>> -> memref<10248x128xf32, #tpu.memory_space<vmem_shared>>
      tpu.enqueue_indirect_dma source(%arg14 : memref<112x128xf32, #tpu.memory_space<vmem>>) target(%dma_start3A_91 : memref<10248x128xf32, #tpu.memory_space<vmem_shared>>) offsets(%arg11 : memref<112xi32, #tpu.memory_space<vmem>>) semaphore(%arg21 : memref<!tpu.dma_semaphore, #tpu.memory_space<semaphore_mem>>) {add = true}
      %add3A_92 = arith.constant 3 : i32
      %add3A_93 = arith.addi %add3A_81, %add3A_92 : i32
      %mul3A_94 = arith.constant 112 : i32
      %mul3A_95 = arith.muli %add3A_93, %mul3A_94 : i32
      %add3A_96 = arith.addi %mul3A_10, %mul3A_95 : i32
      %multiple_of3A_97 = tpu.assume_multiple %add3A_96, 8 : i32
      "tpu.region"() ({
        %run_scoped3A = tpu.sem_alloc : memref<!tpu.dma_semaphore, #tpu.memory_space<semaphore_mem>>
        %dma_start3A_130 = tpu.memref_slice %arg3[%multiple_of3A_97] : memref<645632xi32, #tpu.memory_space<hbm>> -> memref<112xi32, #tpu.memory_space<hbm>>
        %dma_start3A_131 = tpu.memref_slice %arg3[%multiple_of3A_97] : memref<645632xi32, #tpu.memory_space<hbm>> -> memref<112xi32, #tpu.memory_space<hbm>>
        tpu.enqueue_dma source(%dma_start3A_131 : memref<112xi32, #tpu.memory_space<hbm>>) target(%arg8 : memref<112xi32, #tpu.memory_space<vmem>>) target_semaphore(%run_scoped3A : memref<!tpu.dma_semaphore, #tpu.memory_space<semaphore_mem>>)
        %dma_wait3A_132 = tpu.memref_slice %arg3[%multiple_of3A_97] : memref<645632xi32, #tpu.memory_space<hbm>> -> memref<112xi32, #tpu.memory_space<hbm>>
        %dma_wait3A_133 = tpu.memref_slice %arg3[%multiple_of3A_97] : memref<645632xi32, #tpu.memory_space<hbm>> -> memref<112xi32, #tpu.memory_space<hbm>>
        tpu.wait_dma2 semaphore(%run_scoped3A : memref<!tpu.dma_semaphore, #tpu.memory_space<semaphore_mem>>) src(%dma_wait3A_133 : memref<112xi32, #tpu.memory_space<hbm>>) dst(%arg8 : memref<112xi32, #tpu.memory_space<vmem>>)
        tpu.yield
      }) : () -> ()
      %dma_wait3A_98 = arith.constant 0 : i32
      %dma_wait3A_99 = arith.constant 0 : i32
      %dma_wait3A_100 = tpu.memref_slice %arg16[%dma_wait3A_98, %dma_wait3A_99] : memref<10248x128xf32, #tpu.memory_space<vmem_shared>> -> memref<10248x128xf32, #tpu.memory_space<vmem_shared>>
      tpu.wait_indirect_dma semaphore(%arg21 : memref<!tpu.dma_semaphore, #tpu.memory_space<semaphore_mem>>) src(%arg14 : memref<112x128xf32, #tpu.memory_space<vmem>>) dst(%dma_wait3A_100 : memref<10248x128xf32, #tpu.memory_space<vmem_shared>>)
      %dma_start3A_101 = arith.constant 0 : i32
      %dma_start3A_102 = arith.constant 0 : i32
      %dma_start3A_103 = tpu.memref_slice %arg2[%dma_start3A_101, %dma_start3A_102] : memref<10000x128xf32, #tpu.memory_space<hbm>> -> memref<10000x128xf32, #tpu.memory_space<hbm>>
      tpu.enqueue_indirect_dma source(%dma_start3A_103 : memref<10000x128xf32, #tpu.memory_space<hbm>>) target(%arg14 : memref<112x128xf32, #tpu.memory_space<vmem>>) offsets(%arg8 : memref<112xi32, #tpu.memory_space<vmem>>) semaphore(%arg18 : memref<!tpu.dma_semaphore, #tpu.memory_space<semaphore_mem>>)
      %mul3A_104 = arith.constant 3 : i32
      %mul3A_105 = arith.muli %while3A_51, %mul3A_104 : i32
      %add3A_106 = arith.constant 2 : i32
      %add3A_107 = arith.addi %mul3A_105, %add3A_106 : i32
      %dma_wait3A_108 = arith.constant 0 : i32
      %dma_wait3A_109 = arith.constant 0 : i32
      %dma_wait3A_110 = tpu.memref_slice %arg2[%dma_wait3A_108, %dma_wait3A_109] : memref<10000x128xf32, #tpu.memory_space<hbm>> -> memref<10000x128xf32, #tpu.memory_space<hbm>>
      tpu.wait_indirect_dma semaphore(%arg19 : memref<!tpu.dma_semaphore, #tpu.memory_space<semaphore_mem>>) src(%dma_wait3A_110 : memref<10000x128xf32, #tpu.memory_space<hbm>>) dst(%arg15 : memref<112x128xf32, #tpu.memory_space<vmem>>)
      %mul3A_111 = arith.constant 112 : i32
      %mul3A_112 = arith.muli %add3A_107, %mul3A_111 : i32
      %add3A_113 = arith.addi %mul3A_10, %mul3A_112 : i32
      %multiple_of3A_114 = tpu.assume_multiple %add3A_113, 8 : i32
      "tpu.region"() ({
        %run_scoped3A = tpu.sem_alloc : memref<!tpu.dma_semaphore, #tpu.memory_space<semaphore_mem>>
        %dma_start3A_130 = tpu.memref_slice %arg4[%multiple_of3A_114] : memref<645632xi32, #tpu.memory_space<hbm>> -> memref<112xi32, #tpu.memory_space<hbm>>
        %dma_start3A_131 = tpu.memref_slice %arg4[%multiple_of3A_114] : memref<645632xi32, #tpu.memory_space<hbm>> -> memref<112xi32, #tpu.memory_space<hbm>>
        tpu.enqueue_dma source(%dma_start3A_131 : memref<112xi32, #tpu.memory_space<hbm>>) target(%arg12 : memref<112xi32, #tpu.memory_space<vmem>>) target_semaphore(%run_scoped3A : memref<!tpu.dma_semaphore, #tpu.memory_space<semaphore_mem>>)
        %dma_wait3A_132 = tpu.memref_slice %arg4[%multiple_of3A_114] : memref<645632xi32, #tpu.memory_space<hbm>> -> memref<112xi32, #tpu.memory_space<hbm>>
        %dma_wait3A_133 = tpu.memref_slice %arg4[%multiple_of3A_114] : memref<645632xi32, #tpu.memory_space<hbm>> -> memref<112xi32, #tpu.memory_space<hbm>>
        tpu.wait_dma2 semaphore(%run_scoped3A : memref<!tpu.dma_semaphore, #tpu.memory_space<semaphore_mem>>) src(%dma_wait3A_133 : memref<112xi32, #tpu.memory_space<hbm>>) dst(%arg12 : memref<112xi32, #tpu.memory_space<vmem>>)
        tpu.yield
      }) : () -> ()
      %dma_start3A_115 = arith.constant 0 : i32
      %dma_start3A_116 = arith.constant 0 : i32
      %dma_start3A_117 = tpu.memref_slice %arg16[%dma_start3A_115, %dma_start3A_116] : memref<10248x128xf32, #tpu.memory_space<vmem_shared>> -> memref<10248x128xf32, #tpu.memory_space<vmem_shared>>
      tpu.enqueue_indirect_dma source(%arg15 : memref<112x128xf32, #tpu.memory_space<vmem>>) target(%dma_start3A_117 : memref<10248x128xf32, #tpu.memory_space<vmem_shared>>) offsets(%arg12 : memref<112xi32, #tpu.memory_space<vmem>>) semaphore(%arg22 : memref<!tpu.dma_semaphore, #tpu.memory_space<semaphore_mem>>) {add = true}
      %add3A_118 = arith.constant 3 : i32
      %add3A_119 = arith.addi %add3A_107, %add3A_118 : i32
      %mul3A_120 = arith.constant 112 : i32
      %mul3A_121 = arith.muli %add3A_119, %mul3A_120 : i32
      %add3A_122 = arith.addi %mul3A_10, %mul3A_121 : i32
      %multiple_of3A_123 = tpu.assume_multiple %add3A_122, 8 : i32
      "tpu.region"() ({
        %run_scoped3A = tpu.sem_alloc : memref<!tpu.dma_semaphore, #tpu.memory_space<semaphore_mem>>
        %dma_start3A_130 = tpu.memref_slice %arg3[%multiple_of3A_123] : memref<645632xi32, #tpu.memory_space<hbm>> -> memref<112xi32, #tpu.memory_space<hbm>>
        %dma_start3A_131 = tpu.memref_slice %arg3[%multiple_of3A_123] : memref<645632xi32, #tpu.memory_space<hbm>> -> memref<112xi32, #tpu.memory_space<hbm>>
        tpu.enqueue_dma source(%dma_start3A_131 : memref<112xi32, #tpu.memory_space<hbm>>) target(%arg9 : memref<112xi32, #tpu.memory_space<vmem>>) target_semaphore(%run_scoped3A : memref<!tpu.dma_semaphore, #tpu.memory_space<semaphore_mem>>)
        %dma_wait3A_132 = tpu.memref_slice %arg3[%multiple_of3A_123] : memref<645632xi32, #tpu.memory_space<hbm>> -> memref<112xi32, #tpu.memory_space<hbm>>
        %dma_wait3A_133 = tpu.memref_slice %arg3[%multiple_of3A_123] : memref<645632xi32, #tpu.memory_space<hbm>> -> memref<112xi32, #tpu.memory_space<hbm>>
        tpu.wait_dma2 semaphore(%run_scoped3A : memref<!tpu.dma_semaphore, #tpu.memory_space<semaphore_mem>>) src(%dma_wait3A_133 : memref<112xi32, #tpu.memory_space<hbm>>) dst(%arg9 : memref<112xi32, #tpu.memory_space<vmem>>)
        tpu.yield
      }) : () -> ()
      %dma_wait3A_124 = arith.constant 0 : i32
      %dma_wait3A_125 = arith.constant 0 : i32
      %dma_wait3A_126 = tpu.memref_slice %arg16[%dma_wait3A_124, %dma_wait3A_125] : memref<10248x128xf32, #tpu.memory_space<vmem_shared>> -> memref<10248x128xf32, #tpu.memory_space<vmem_shared>>
      tpu.wait_indirect_dma semaphore(%arg22 : memref<!tpu.dma_semaphore, #tpu.memory_space<semaphore_mem>>) src(%arg15 : memref<112x128xf32, #tpu.memory_space<vmem>>) dst(%dma_wait3A_126 : memref<10248x128xf32, #tpu.memory_space<vmem_shared>>)
      %dma_start3A_127 = arith.constant 0 : i32
      %dma_start3A_128 = arith.constant 0 : i32
      %dma_start3A_129 = tpu.memref_slice %arg2[%dma_start3A_127, %dma_start3A_128] : memref<10000x128xf32, #tpu.memory_space<hbm>> -> memref<10000x128xf32, #tpu.memory_space<hbm>>
      tpu.enqueue_indirect_dma source(%dma_start3A_129 : memref<10000x128xf32, #tpu.memory_space<hbm>>) target(%arg15 : memref<112x128xf32, #tpu.memory_space<vmem>>) offsets(%arg9 : memref<112xi32, #tpu.memory_space<vmem>>) semaphore(%arg19 : memref<!tpu.dma_semaphore, #tpu.memory_space<semaphore_mem>>)
    }
    %dma_wait3A = arith.constant 0 : i32
    %dma_wait3A_38 = arith.constant 0 : i32
    %dma_wait3A_39 = tpu.memref_slice %arg2[%dma_wait3A, %dma_wait3A_38] : memref<10000x128xf32, #tpu.memory_space<hbm>> -> memref<10000x128xf32, #tpu.memory_space<hbm>>
    tpu.wait_indirect_dma semaphore(%arg17 : memref<!tpu.dma_semaphore, #tpu.memory_space<semaphore_mem>>) src(%dma_wait3A_39 : memref<10000x128xf32, #tpu.memory_space<hbm>>) dst(%arg13 : memref<112x128xf32, #tpu.memory_space<vmem>>)
    %dma_wait3A_40 = arith.constant 0 : i32
    %dma_wait3A_41 = arith.constant 0 : i32
    %dma_wait3A_42 = tpu.memref_slice %arg2[%dma_wait3A_40, %dma_wait3A_41] : memref<10000x128xf32, #tpu.memory_space<hbm>> -> memref<10000x128xf32, #tpu.memory_space<hbm>>
    tpu.wait_indirect_dma semaphore(%arg18 : memref<!tpu.dma_semaphore, #tpu.memory_space<semaphore_mem>>) src(%dma_wait3A_42 : memref<10000x128xf32, #tpu.memory_space<hbm>>) dst(%arg14 : memref<112x128xf32, #tpu.memory_space<vmem>>)
    %dma_wait3A_43 = arith.constant 0 : i32
    %dma_wait3A_44 = arith.constant 0 : i32
    %dma_wait3A_45 = tpu.memref_slice %arg2[%dma_wait3A_43, %dma_wait3A_44] : memref<10000x128xf32, #tpu.memory_space<hbm>> -> memref<10000x128xf32, #tpu.memory_space<hbm>>
    tpu.wait_indirect_dma semaphore(%arg19 : memref<!tpu.dma_semaphore, #tpu.memory_space<semaphore_mem>>) src(%dma_wait3A_45 : memref<10000x128xf32, #tpu.memory_space<hbm>>) dst(%arg15 : memref<112x128xf32, #tpu.memory_space<vmem>>)
    %barrier3A_46 = arith.constant 0 : index
    tpu.barrier barrier_id(%barrier3A_46)
    %mul3A_47 = arith.constant 640 : i32
    %mul3A_48 = arith.muli %arg1, %mul3A_47 : i32
    %mul3A_49 = arith.constant 640 : i32
    %mul3A_50 = arith.muli %arg1, %mul3A_49 : i32
    "tpu.region"() ({
      %run_scoped3A = tpu.sem_alloc : memref<!tpu.dma_semaphore, #tpu.memory_space<semaphore_mem>>
      %dma_start3A_51 = arith.constant 0 : i32
      %dma_start3A_52 = tpu.memref_slice %arg6[%arg0, %mul3A_50, %dma_start3A_51] : memref<2x10240x128xf32, #tpu.memory_space<hbm>> -> memref<1x640x128xf32, #tpu.memory_space<hbm>>
      %dma_start3A_53 = tpu.memref_squeeze %dma_start3A_52 : memref<1x640x128xf32, #tpu.memory_space<hbm>> -> memref<640x128xf32, #tpu.memory_space<hbm>>
      %dma_start3A_54 = arith.constant 0 : i32
      %dma_start3A_55 = tpu.memref_slice %arg16[%mul3A_48, %dma_start3A_54] : memref<10248x128xf32, #tpu.memory_space<vmem_shared>> -> memref<640x128xf32, #tpu.memory_space<vmem_shared>>
      tpu.enqueue_dma source(%dma_start3A_55 : memref<640x128xf32, #tpu.memory_space<vmem_shared>>) target(%dma_start3A_53 : memref<640x128xf32, #tpu.memory_space<hbm>>) target_semaphore(%run_scoped3A : memref<!tpu.dma_semaphore, #tpu.memory_space<semaphore_mem>>)
      %dma_wait3A_56 = arith.constant 0 : i32
      %dma_wait3A_57 = tpu.memref_slice %arg6[%arg0, %mul3A_50, %dma_wait3A_56] : memref<2x10240x128xf32, #tpu.memory_space<hbm>> -> memref<1x640x128xf32, #tpu.memory_space<hbm>>
      %dma_wait3A_58 = tpu.memref_squeeze %dma_wait3A_57 : memref<1x640x128xf32, #tpu.memory_space<hbm>> -> memref<640x128xf32, #tpu.memory_space<hbm>>
      %dma_wait3A_59 = arith.constant 0 : i32
      %dma_wait3A_60 = tpu.memref_slice %arg16[%mul3A_48, %dma_wait3A_59] : memref<10248x128xf32, #tpu.memory_space<vmem_shared>> -> memref<640x128xf32, #tpu.memory_space<vmem_shared>>
      tpu.wait_dma2 semaphore(%run_scoped3A : memref<!tpu.dma_semaphore, #tpu.memory_space<semaphore_mem>>) src(%dma_wait3A_60 : memref<640x128xf32, #tpu.memory_space<vmem_shared>>) dst(%dma_wait3A_58 : memref<640x128xf32, #tpu.memory_space<hbm>>)
      tpu.yield
    }) : () -> ()
    return
  }
}

#map = affine_map<(d0, d1) -> (0, 0)>
#map1 = affine_map<(d0, d1) -> (0)>
#map2 = affine_map<(d0, d1) -> (0, 0, 0)>
module attributes {stable_mosaic.version = 14 : i64} {
  func.func @_sc_agg(%arg0: i32, %arg1: i32, %arg2: memref<10000x128xf32, #tpu.memory_space<hbm>>, %arg3: memref<645632xi32, #tpu.memory_space<hbm>>, %arg4: memref<645632xi32, #tpu.memory_space<hbm>>, %arg5: memref<640x128xf32, #tpu.memory_space<hbm>>, %arg6: memref<2x10240x128xf32, #tpu.memory_space<hbm>>, %arg7: memref<112xi32, #tpu.memory_space<vmem>>, %arg8: memref<112xi32, #tpu.memory_space<vmem>>, %arg9: memref<112xi32, #tpu.memory_space<vmem>>, %arg10: memref<112xi32, #tpu.memory_space<vmem>>, %arg11: memref<112xi32, #tpu.memory_space<vmem>>, %arg12: memref<112xi32, #tpu.memory_space<vmem>>, %arg13: memref<112x128xf32, #tpu.memory_space<vmem>>, %arg14: memref<112x128xf32, #tpu.memory_space<vmem>>, %arg15: memref<112x128xf32, #tpu.memory_space<vmem>>, %arg16: memref<10248x128xf32, #tpu.memory_space<vmem_shared>>, %arg17: memref<!tpu.dma_semaphore, #tpu.memory_space<semaphore_mem>>, %arg18: memref<!tpu.dma_semaphore, #tpu.memory_space<semaphore_mem>>, %arg19: memref<!tpu.dma_semaphore, #tpu.memory_space<semaphore_mem>>, %arg20: memref<!tpu.dma_semaphore, #tpu.memory_space<semaphore_mem>>, %arg21: memref<!tpu.dma_semaphore, #tpu.memory_space<semaphore_mem>>, %arg22: memref<!tpu.dma_semaphore, #tpu.memory_space<semaphore_mem>>) attributes {dimension_semantics = [#tpu.dimension_semantics<core_parallel>, #tpu.dimension_semantics<subcore_parallel>], iteration_bounds = array<i64: 2, 16>, scalar_prefetch = 0 : i64, scratch_operands = 16 : i64, tpu.core_type = #tpu.core_type<sc_vector_subcore>, window_params = [{transform_indices = #map}, {transform_indices = #map1}, {transform_indices = #map1}, {transform_indices = #map}, {transform_indices = #map2}]} {
    %eq3A = arith.constant 0 : i32
    %eq3A_0 = arith.cmpi eq, %arg0, %eq3A : i32
    %mul3A = arith.constant 300 : i32
    %mul3A_1 = arith.muli %arg1, %mul3A : i32
    %mul3A_2 = arith.constant 60 : i32
    %mul3A_3 = arith.muli %arg1, %mul3A_2 : i32
    %add3A = arith.constant 4800 : i32
    %add3A_4 = arith.addi %add3A, %mul3A_3 : i32
    %select_n3A = arith.select %eq3A_0, %mul3A_1, %add3A_4 : i32
    %eq3A_5 = arith.constant 0 : i32
    %eq3A_6 = arith.cmpi eq, %arg0, %eq3A_5 : i32
    %jit3A = arith.constant 100 : i32
    %jit3A_7 = arith.constant 20 : i32
    %select_n3A_8 = arith.select %eq3A_6, %jit3A, %jit3A_7 : i32
    %mul3A_9 = arith.constant 112 : i32
    %mul3A_10 = arith.muli %select_n3A, %mul3A_9 : i32
    %mul3A_11 = arith.constant 640 : i32
    %mul3A_12 = arith.muli %arg1, %mul3A_11 : i32
    "tpu.region"() ({
      %run_scoped3A = tpu.sem_alloc : memref<!tpu.dma_semaphore, #tpu.memory_space<semaphore_mem>>
      %dma_start3A_51 = arith.constant 0 : i32
      %dma_start3A_52 = tpu.memref_slice %arg16[%mul3A_12, %dma_start3A_51] : memref<10248x128xf32, #tpu.memory_space<vmem_shared>> -> memref<640x128xf32, #tpu.memory_space<vmem_shared>>
      tpu.enqueue_dma source(%arg5 : memref<640x128xf32, #tpu.memory_space<hbm>>) target(%dma_start3A_52 : memref<640x128xf32, #tpu.memory_space<vmem_shared>>) target_semaphore(%run_scoped3A : memref<!tpu.dma_semaphore, #tpu.memory_space<semaphore_mem>>)
      %dma_wait3A_53 = arith.constant 0 : i32
      %dma_wait3A_54 = tpu.memref_slice %arg16[%mul3A_12, %dma_wait3A_53] : memref<10248x128xf32, #tpu.memory_space<vmem_shared>> -> memref<640x128xf32, #tpu.memory_space<vmem_shared>>
      tpu.wait_dma2 semaphore(%run_scoped3A : memref<!tpu.dma_semaphore, #tpu.memory_space<semaphore_mem>>) src(%arg5 : memref<640x128xf32, #tpu.memory_space<hbm>>) dst(%dma_wait3A_54 : memref<640x128xf32, #tpu.memory_space<vmem_shared>>)
      tpu.yield
    }) : () -> ()
    %barrier3A = arith.constant 0 : index
    tpu.barrier barrier_id(%barrier3A)
    %add3A_13 = arith.constant 0 : i32
    %add3A_14 = arith.addi %mul3A_10, %add3A_13 : i32
    %multiple_of3A = tpu.assume_multiple %add3A_14, 8 : i32
    "tpu.region"() ({
      %run_scoped3A = tpu.sem_alloc : memref<!tpu.dma_semaphore, #tpu.memory_space<semaphore_mem>>
      %dma_start3A_51 = tpu.memref_slice %arg3[%multiple_of3A] : memref<645632xi32, #tpu.memory_space<hbm>> -> memref<112xi32, #tpu.memory_space<hbm>>
      %dma_start3A_52 = tpu.memref_slice %arg3[%multiple_of3A] : memref<645632xi32, #tpu.memory_space<hbm>> -> memref<112xi32, #tpu.memory_space<hbm>>
      tpu.enqueue_dma source(%dma_start3A_52 : memref<112xi32, #tpu.memory_space<hbm>>) target(%arg7 : memref<112xi32, #tpu.memory_space<vmem>>) target_semaphore(%run_scoped3A : memref<!tpu.dma_semaphore, #tpu.memory_space<semaphore_mem>>)
      %dma_wait3A_53 = tpu.memref_slice %arg3[%multiple_of3A] : memref<645632xi32, #tpu.memory_space<hbm>> -> memref<112xi32, #tpu.memory_space<hbm>>
      %dma_wait3A_54 = tpu.memref_slice %arg3[%multiple_of3A] : memref<645632xi32, #tpu.memory_space<hbm>> -> memref<112xi32, #tpu.memory_space<hbm>>
      tpu.wait_dma2 semaphore(%run_scoped3A : memref<!tpu.dma_semaphore, #tpu.memory_space<semaphore_mem>>) src(%dma_wait3A_54 : memref<112xi32, #tpu.memory_space<hbm>>) dst(%arg7 : memref<112xi32, #tpu.memory_space<vmem>>)
      tpu.yield
    }) : () -> ()
    %dma_start3A = arith.constant 0 : i32
    %dma_start3A_15 = arith.constant 0 : i32
    %dma_start3A_16 = tpu.memref_slice %arg2[%dma_start3A, %dma_start3A_15] : memref<10000x128xf32, #tpu.memory_space<hbm>> -> memref<10000x128xf32, #tpu.memory_space<hbm>>
    tpu.enqueue_indirect_dma source(%dma_start3A_16 : memref<10000x128xf32, #tpu.memory_space<hbm>>) target(%arg13 : memref<112x128xf32, #tpu.memory_space<vmem>>) offsets(%arg7 : memref<112xi32, #tpu.memory_space<vmem>>) semaphore(%arg17 : memref<!tpu.dma_semaphore, #tpu.memory_space<semaphore_mem>>)
    %add3A_17 = arith.constant 112 : i32
    %add3A_18 = arith.addi %mul3A_10, %add3A_17 : i32
    %multiple_of3A_19 = tpu.assume_multiple %add3A_18, 8 : i32
    "tpu.region"() ({
      %run_scoped3A = tpu.sem_alloc : memref<!tpu.dma_semaphore, #tpu.memory_space<semaphore_mem>>
      %dma_start3A_51 = tpu.memref_slice %arg3[%multiple_of3A_19] : memref<645632xi32, #tpu.memory_space<hbm>> -> memref<112xi32, #tpu.memory_space<hbm>>
      %dma_start3A_52 = tpu.memref_slice %arg3[%multiple_of3A_19] : memref<645632xi32, #tpu.memory_space<hbm>> -> memref<112xi32, #tpu.memory_space<hbm>>
      tpu.enqueue_dma source(%dma_start3A_52 : memref<112xi32, #tpu.memory_space<hbm>>) target(%arg8 : memref<112xi32, #tpu.memory_space<vmem>>) target_semaphore(%run_scoped3A : memref<!tpu.dma_semaphore, #tpu.memory_space<semaphore_mem>>)
      %dma_wait3A_53 = tpu.memref_slice %arg3[%multiple_of3A_19] : memref<645632xi32, #tpu.memory_space<hbm>> -> memref<112xi32, #tpu.memory_space<hbm>>
      %dma_wait3A_54 = tpu.memref_slice %arg3[%multiple_of3A_19] : memref<645632xi32, #tpu.memory_space<hbm>> -> memref<112xi32, #tpu.memory_space<hbm>>
      tpu.wait_dma2 semaphore(%run_scoped3A : memref<!tpu.dma_semaphore, #tpu.memory_space<semaphore_mem>>) src(%dma_wait3A_54 : memref<112xi32, #tpu.memory_space<hbm>>) dst(%arg8 : memref<112xi32, #tpu.memory_space<vmem>>)
      tpu.yield
    }) : () -> ()
    %dma_start3A_20 = arith.constant 0 : i32
    %dma_start3A_21 = arith.constant 0 : i32
    %dma_start3A_22 = tpu.memref_slice %arg2[%dma_start3A_20, %dma_start3A_21] : memref<10000x128xf32, #tpu.memory_space<hbm>> -> memref<10000x128xf32, #tpu.memory_space<hbm>>
    tpu.enqueue_indirect_dma source(%dma_start3A_22 : memref<10000x128xf32, #tpu.memory_space<hbm>>) target(%arg14 : memref<112x128xf32, #tpu.memory_space<vmem>>) offsets(%arg8 : memref<112xi32, #tpu.memory_space<vmem>>) semaphore(%arg18 : memref<!tpu.dma_semaphore, #tpu.memory_space<semaphore_mem>>)
    %add3A_23 = arith.constant 224 : i32
    %add3A_24 = arith.addi %mul3A_10, %add3A_23 : i32
    %multiple_of3A_25 = tpu.assume_multiple %add3A_24, 8 : i32
    "tpu.region"() ({
      %run_scoped3A = tpu.sem_alloc : memref<!tpu.dma_semaphore, #tpu.memory_space<semaphore_mem>>
      %dma_start3A_51 = tpu.memref_slice %arg3[%multiple_of3A_25] : memref<645632xi32, #tpu.memory_space<hbm>> -> memref<112xi32, #tpu.memory_space<hbm>>
      %dma_start3A_52 = tpu.memref_slice %arg3[%multiple_of3A_25] : memref<645632xi32, #tpu.memory_space<hbm>> -> memref<112xi32, #tpu.memory_space<hbm>>
      tpu.enqueue_dma source(%dma_start3A_52 : memref<112xi32, #tpu.memory_space<hbm>>) target(%arg9 : memref<112xi32, #tpu.memory_space<vmem>>) target_semaphore(%run_scoped3A : memref<!tpu.dma_semaphore, #tpu.memory_space<semaphore_mem>>)
      %dma_wait3A_53 = tpu.memref_slice %arg3[%multiple_of3A_25] : memref<645632xi32, #tpu.memory_space<hbm>> -> memref<112xi32, #tpu.memory_space<hbm>>
      %dma_wait3A_54 = tpu.memref_slice %arg3[%multiple_of3A_25] : memref<645632xi32, #tpu.memory_space<hbm>> -> memref<112xi32, #tpu.memory_space<hbm>>
      tpu.wait_dma2 semaphore(%run_scoped3A : memref<!tpu.dma_semaphore, #tpu.memory_space<semaphore_mem>>) src(%dma_wait3A_54 : memref<112xi32, #tpu.memory_space<hbm>>) dst(%arg9 : memref<112xi32, #tpu.memory_space<vmem>>)
      tpu.yield
    }) : () -> ()
    %dma_start3A_26 = arith.constant 0 : i32
    %dma_start3A_27 = arith.constant 0 : i32
    %dma_start3A_28 = tpu.memref_slice %arg2[%dma_start3A_26, %dma_start3A_27] : memref<10000x128xf32, #tpu.memory_space<hbm>> -> memref<10000x128xf32, #tpu.memory_space<hbm>>
    tpu.enqueue_indirect_dma source(%dma_start3A_28 : memref<10000x128xf32, #tpu.memory_space<hbm>>) target(%arg15 : memref<112x128xf32, #tpu.memory_space<vmem>>) offsets(%arg9 : memref<112xi32, #tpu.memory_space<vmem>>) semaphore(%arg19 : memref<!tpu.dma_semaphore, #tpu.memory_space<semaphore_mem>>)
    %while3A = arith.constant 0 : i32
    %while3A_29 = arith.constant 0 : i32
    %while3A_30 = arith.subi %select_n3A_8, %while3A_29 : i32
    %while3A_31 = arith.addi %while3A_29, %while3A_30 : i32
    %while3A_32 = arith.constant 1 : i32
    %while3A_33 = arith.divsi %while3A_30, %while3A_32 : i32
    %while3A_34 = arith.muli %while3A_33, %while3A_32 : i32
    %while3A_35 = arith.addi %while3A_29, %while3A_34 : i32
    %while3A_36 = arith.constant 1 : i32
    scf.for %while3A_51 = %while3A_29 to %while3A_35 step %while3A_36  : i32 {
      %mul3A_52 = arith.constant 3 : i32
      %mul3A_53 = arith.muli %while3A_51, %mul3A_52 : i32
      %add3A_54 = arith.constant 0 : i32
      %add3A_55 = arith.addi %mul3A_53, %add3A_54 : i32
      %dma_wait3A_56 = arith.constant 0 : i32
      %dma_wait3A_57 = arith.constant 0 : i32
      %dma_wait3A_58 = tpu.memref_slice %arg2[%dma_wait3A_56, %dma_wait3A_57] : memref<10000x128xf32, #tpu.memory_space<hbm>> -> memref<10000x128xf32, #tpu.memory_space<hbm>>
      tpu.wait_indirect_dma semaphore(%arg17 : memref<!tpu.dma_semaphore, #tpu.memory_space<semaphore_mem>>) src(%dma_wait3A_58 : memref<10000x128xf32, #tpu.memory_space<hbm>>) dst(%arg13 : memref<112x128xf32, #tpu.memory_space<vmem>>)
      %mul3A_59 = arith.constant 112 : i32
      %mul3A_60 = arith.muli %add3A_55, %mul3A_59 : i32
      %add3A_61 = arith.addi %mul3A_10, %mul3A_60 : i32
      %multiple_of3A_62 = tpu.assume_multiple %add3A_61, 8 : i32
      "tpu.region"() ({
        %run_scoped3A = tpu.sem_alloc : memref<!tpu.dma_semaphore, #tpu.memory_space<semaphore_mem>>
        %dma_start3A_130 = tpu.memref_slice %arg4[%multiple_of3A_62] : memref<645632xi32, #tpu.memory_space<hbm>> -> memref<112xi32, #tpu.memory_space<hbm>>
        %dma_start3A_131 = tpu.memref_slice %arg4[%multiple_of3A_62] : memref<645632xi32, #tpu.memory_space<hbm>> -> memref<112xi32, #tpu.memory_space<hbm>>
        tpu.enqueue_dma source(%dma_start3A_131 : memref<112xi32, #tpu.memory_space<hbm>>) target(%arg10 : memref<112xi32, #tpu.memory_space<vmem>>) target_semaphore(%run_scoped3A : memref<!tpu.dma_semaphore, #tpu.memory_space<semaphore_mem>>)
        %dma_wait3A_132 = tpu.memref_slice %arg4[%multiple_of3A_62] : memref<645632xi32, #tpu.memory_space<hbm>> -> memref<112xi32, #tpu.memory_space<hbm>>
        %dma_wait3A_133 = tpu.memref_slice %arg4[%multiple_of3A_62] : memref<645632xi32, #tpu.memory_space<hbm>> -> memref<112xi32, #tpu.memory_space<hbm>>
        tpu.wait_dma2 semaphore(%run_scoped3A : memref<!tpu.dma_semaphore, #tpu.memory_space<semaphore_mem>>) src(%dma_wait3A_133 : memref<112xi32, #tpu.memory_space<hbm>>) dst(%arg10 : memref<112xi32, #tpu.memory_space<vmem>>)
        tpu.yield
      }) : () -> ()
      %dma_start3A_63 = arith.constant 0 : i32
      %dma_start3A_64 = arith.constant 0 : i32
      %dma_start3A_65 = tpu.memref_slice %arg16[%dma_start3A_63, %dma_start3A_64] : memref<10248x128xf32, #tpu.memory_space<vmem_shared>> -> memref<10248x128xf32, #tpu.memory_space<vmem_shared>>
      tpu.enqueue_indirect_dma source(%arg13 : memref<112x128xf32, #tpu.memory_space<vmem>>) target(%dma_start3A_65 : memref<10248x128xf32, #tpu.memory_space<vmem_shared>>) offsets(%arg10 : memref<112xi32, #tpu.memory_space<vmem>>) semaphore(%arg20 : memref<!tpu.dma_semaphore, #tpu.memory_space<semaphore_mem>>) {add = true}
      %add3A_66 = arith.constant 3 : i32
      %add3A_67 = arith.addi %add3A_55, %add3A_66 : i32
      %mul3A_68 = arith.constant 112 : i32
      %mul3A_69 = arith.muli %add3A_67, %mul3A_68 : i32
      %add3A_70 = arith.addi %mul3A_10, %mul3A_69 : i32
      %multiple_of3A_71 = tpu.assume_multiple %add3A_70, 8 : i32
      "tpu.region"() ({
        %run_scoped3A = tpu.sem_alloc : memref<!tpu.dma_semaphore, #tpu.memory_space<semaphore_mem>>
        %dma_start3A_130 = tpu.memref_slice %arg3[%multiple_of3A_71] : memref<645632xi32, #tpu.memory_space<hbm>> -> memref<112xi32, #tpu.memory_space<hbm>>
        %dma_start3A_131 = tpu.memref_slice %arg3[%multiple_of3A_71] : memref<645632xi32, #tpu.memory_space<hbm>> -> memref<112xi32, #tpu.memory_space<hbm>>
        tpu.enqueue_dma source(%dma_start3A_131 : memref<112xi32, #tpu.memory_space<hbm>>) target(%arg7 : memref<112xi32, #tpu.memory_space<vmem>>) target_semaphore(%run_scoped3A : memref<!tpu.dma_semaphore, #tpu.memory_space<semaphore_mem>>)
        %dma_wait3A_132 = tpu.memref_slice %arg3[%multiple_of3A_71] : memref<645632xi32, #tpu.memory_space<hbm>> -> memref<112xi32, #tpu.memory_space<hbm>>
        %dma_wait3A_133 = tpu.memref_slice %arg3[%multiple_of3A_71] : memref<645632xi32, #tpu.memory_space<hbm>> -> memref<112xi32, #tpu.memory_space<hbm>>
        tpu.wait_dma2 semaphore(%run_scoped3A : memref<!tpu.dma_semaphore, #tpu.memory_space<semaphore_mem>>) src(%dma_wait3A_133 : memref<112xi32, #tpu.memory_space<hbm>>) dst(%arg7 : memref<112xi32, #tpu.memory_space<vmem>>)
        tpu.yield
      }) : () -> ()
      %dma_wait3A_72 = arith.constant 0 : i32
      %dma_wait3A_73 = arith.constant 0 : i32
      %dma_wait3A_74 = tpu.memref_slice %arg16[%dma_wait3A_72, %dma_wait3A_73] : memref<10248x128xf32, #tpu.memory_space<vmem_shared>> -> memref<10248x128xf32, #tpu.memory_space<vmem_shared>>
      tpu.wait_indirect_dma semaphore(%arg20 : memref<!tpu.dma_semaphore, #tpu.memory_space<semaphore_mem>>) src(%arg13 : memref<112x128xf32, #tpu.memory_space<vmem>>) dst(%dma_wait3A_74 : memref<10248x128xf32, #tpu.memory_space<vmem_shared>>)
      %dma_start3A_75 = arith.constant 0 : i32
      %dma_start3A_76 = arith.constant 0 : i32
      %dma_start3A_77 = tpu.memref_slice %arg2[%dma_start3A_75, %dma_start3A_76] : memref<10000x128xf32, #tpu.memory_space<hbm>> -> memref<10000x128xf32, #tpu.memory_space<hbm>>
      tpu.enqueue_indirect_dma source(%dma_start3A_77 : memref<10000x128xf32, #tpu.memory_space<hbm>>) target(%arg13 : memref<112x128xf32, #tpu.memory_space<vmem>>) offsets(%arg7 : memref<112xi32, #tpu.memory_space<vmem>>) semaphore(%arg17 : memref<!tpu.dma_semaphore, #tpu.memory_space<semaphore_mem>>)
      %mul3A_78 = arith.constant 3 : i32
      %mul3A_79 = arith.muli %while3A_51, %mul3A_78 : i32
      %add3A_80 = arith.constant 1 : i32
      %add3A_81 = arith.addi %mul3A_79, %add3A_80 : i32
      %dma_wait3A_82 = arith.constant 0 : i32
      %dma_wait3A_83 = arith.constant 0 : i32
      %dma_wait3A_84 = tpu.memref_slice %arg2[%dma_wait3A_82, %dma_wait3A_83] : memref<10000x128xf32, #tpu.memory_space<hbm>> -> memref<10000x128xf32, #tpu.memory_space<hbm>>
      tpu.wait_indirect_dma semaphore(%arg18 : memref<!tpu.dma_semaphore, #tpu.memory_space<semaphore_mem>>) src(%dma_wait3A_84 : memref<10000x128xf32, #tpu.memory_space<hbm>>) dst(%arg14 : memref<112x128xf32, #tpu.memory_space<vmem>>)
      %mul3A_85 = arith.constant 112 : i32
      %mul3A_86 = arith.muli %add3A_81, %mul3A_85 : i32
      %add3A_87 = arith.addi %mul3A_10, %mul3A_86 : i32
      %multiple_of3A_88 = tpu.assume_multiple %add3A_87, 8 : i32
      "tpu.region"() ({
        %run_scoped3A = tpu.sem_alloc : memref<!tpu.dma_semaphore, #tpu.memory_space<semaphore_mem>>
        %dma_start3A_130 = tpu.memref_slice %arg4[%multiple_of3A_88] : memref<645632xi32, #tpu.memory_space<hbm>> -> memref<112xi32, #tpu.memory_space<hbm>>
        %dma_start3A_131 = tpu.memref_slice %arg4[%multiple_of3A_88] : memref<645632xi32, #tpu.memory_space<hbm>> -> memref<112xi32, #tpu.memory_space<hbm>>
        tpu.enqueue_dma source(%dma_start3A_131 : memref<112xi32, #tpu.memory_space<hbm>>) target(%arg11 : memref<112xi32, #tpu.memory_space<vmem>>) target_semaphore(%run_scoped3A : memref<!tpu.dma_semaphore, #tpu.memory_space<semaphore_mem>>)
        %dma_wait3A_132 = tpu.memref_slice %arg4[%multiple_of3A_88] : memref<645632xi32, #tpu.memory_space<hbm>> -> memref<112xi32, #tpu.memory_space<hbm>>
        %dma_wait3A_133 = tpu.memref_slice %arg4[%multiple_of3A_88] : memref<645632xi32, #tpu.memory_space<hbm>> -> memref<112xi32, #tpu.memory_space<hbm>>
        tpu.wait_dma2 semaphore(%run_scoped3A : memref<!tpu.dma_semaphore, #tpu.memory_space<semaphore_mem>>) src(%dma_wait3A_133 : memref<112xi32, #tpu.memory_space<hbm>>) dst(%arg11 : memref<112xi32, #tpu.memory_space<vmem>>)
        tpu.yield
      }) : () -> ()
      %dma_start3A_89 = arith.constant 0 : i32
      %dma_start3A_90 = arith.constant 0 : i32
      %dma_start3A_91 = tpu.memref_slice %arg16[%dma_start3A_89, %dma_start3A_90] : memref<10248x128xf32, #tpu.memory_space<vmem_shared>> -> memref<10248x128xf32, #tpu.memory_space<vmem_shared>>
      tpu.enqueue_indirect_dma source(%arg14 : memref<112x128xf32, #tpu.memory_space<vmem>>) target(%dma_start3A_91 : memref<10248x128xf32, #tpu.memory_space<vmem_shared>>) offsets(%arg11 : memref<112xi32, #tpu.memory_space<vmem>>) semaphore(%arg21 : memref<!tpu.dma_semaphore, #tpu.memory_space<semaphore_mem>>) {add = true}
      %add3A_92 = arith.constant 3 : i32
      %add3A_93 = arith.addi %add3A_81, %add3A_92 : i32
      %mul3A_94 = arith.constant 112 : i32
      %mul3A_95 = arith.muli %add3A_93, %mul3A_94 : i32
      %add3A_96 = arith.addi %mul3A_10, %mul3A_95 : i32
      %multiple_of3A_97 = tpu.assume_multiple %add3A_96, 8 : i32
      "tpu.region"() ({
        %run_scoped3A = tpu.sem_alloc : memref<!tpu.dma_semaphore, #tpu.memory_space<semaphore_mem>>
        %dma_start3A_130 = tpu.memref_slice %arg3[%multiple_of3A_97] : memref<645632xi32, #tpu.memory_space<hbm>> -> memref<112xi32, #tpu.memory_space<hbm>>
        %dma_start3A_131 = tpu.memref_slice %arg3[%multiple_of3A_97] : memref<645632xi32, #tpu.memory_space<hbm>> -> memref<112xi32, #tpu.memory_space<hbm>>
        tpu.enqueue_dma source(%dma_start3A_131 : memref<112xi32, #tpu.memory_space<hbm>>) target(%arg8 : memref<112xi32, #tpu.memory_space<vmem>>) target_semaphore(%run_scoped3A : memref<!tpu.dma_semaphore, #tpu.memory_space<semaphore_mem>>)
        %dma_wait3A_132 = tpu.memref_slice %arg3[%multiple_of3A_97] : memref<645632xi32, #tpu.memory_space<hbm>> -> memref<112xi32, #tpu.memory_space<hbm>>
        %dma_wait3A_133 = tpu.memref_slice %arg3[%multiple_of3A_97] : memref<645632xi32, #tpu.memory_space<hbm>> -> memref<112xi32, #tpu.memory_space<hbm>>
        tpu.wait_dma2 semaphore(%run_scoped3A : memref<!tpu.dma_semaphore, #tpu.memory_space<semaphore_mem>>) src(%dma_wait3A_133 : memref<112xi32, #tpu.memory_space<hbm>>) dst(%arg8 : memref<112xi32, #tpu.memory_space<vmem>>)
        tpu.yield
      }) : () -> ()
      %dma_wait3A_98 = arith.constant 0 : i32
      %dma_wait3A_99 = arith.constant 0 : i32
      %dma_wait3A_100 = tpu.memref_slice %arg16[%dma_wait3A_98, %dma_wait3A_99] : memref<10248x128xf32, #tpu.memory_space<vmem_shared>> -> memref<10248x128xf32, #tpu.memory_space<vmem_shared>>
      tpu.wait_indirect_dma semaphore(%arg21 : memref<!tpu.dma_semaphore, #tpu.memory_space<semaphore_mem>>) src(%arg14 : memref<112x128xf32, #tpu.memory_space<vmem>>) dst(%dma_wait3A_100 : memref<10248x128xf32, #tpu.memory_space<vmem_shared>>)
      %dma_start3A_101 = arith.constant 0 : i32
      %dma_start3A_102 = arith.constant 0 : i32
      %dma_start3A_103 = tpu.memref_slice %arg2[%dma_start3A_101, %dma_start3A_102] : memref<10000x128xf32, #tpu.memory_space<hbm>> -> memref<10000x128xf32, #tpu.memory_space<hbm>>
      tpu.enqueue_indirect_dma source(%dma_start3A_103 : memref<10000x128xf32, #tpu.memory_space<hbm>>) target(%arg14 : memref<112x128xf32, #tpu.memory_space<vmem>>) offsets(%arg8 : memref<112xi32, #tpu.memory_space<vmem>>) semaphore(%arg18 : memref<!tpu.dma_semaphore, #tpu.memory_space<semaphore_mem>>)
      %mul3A_104 = arith.constant 3 : i32
      %mul3A_105 = arith.muli %while3A_51, %mul3A_104 : i32
      %add3A_106 = arith.constant 2 : i32
      %add3A_107 = arith.addi %mul3A_105, %add3A_106 : i32
      %dma_wait3A_108 = arith.constant 0 : i32
      %dma_wait3A_109 = arith.constant 0 : i32
      %dma_wait3A_110 = tpu.memref_slice %arg2[%dma_wait3A_108, %dma_wait3A_109] : memref<10000x128xf32, #tpu.memory_space<hbm>> -> memref<10000x128xf32, #tpu.memory_space<hbm>>
      tpu.wait_indirect_dma semaphore(%arg19 : memref<!tpu.dma_semaphore, #tpu.memory_space<semaphore_mem>>) src(%dma_wait3A_110 : memref<10000x128xf32, #tpu.memory_space<hbm>>) dst(%arg15 : memref<112x128xf32, #tpu.memory_space<vmem>>)
      %mul3A_111 = arith.constant 112 : i32
      %mul3A_112 = arith.muli %add3A_107, %mul3A_111 : i32
      %add3A_113 = arith.addi %mul3A_10, %mul3A_112 : i32
      %multiple_of3A_114 = tpu.assume_multiple %add3A_113, 8 : i32
      "tpu.region"() ({
        %run_scoped3A = tpu.sem_alloc : memref<!tpu.dma_semaphore, #tpu.memory_space<semaphore_mem>>
        %dma_start3A_130 = tpu.memref_slice %arg4[%multiple_of3A_114] : memref<645632xi32, #tpu.memory_space<hbm>> -> memref<112xi32, #tpu.memory_space<hbm>>
        %dma_start3A_131 = tpu.memref_slice %arg4[%multiple_of3A_114] : memref<645632xi32, #tpu.memory_space<hbm>> -> memref<112xi32, #tpu.memory_space<hbm>>
        tpu.enqueue_dma source(%dma_start3A_131 : memref<112xi32, #tpu.memory_space<hbm>>) target(%arg12 : memref<112xi32, #tpu.memory_space<vmem>>) target_semaphore(%run_scoped3A : memref<!tpu.dma_semaphore, #tpu.memory_space<semaphore_mem>>)
        %dma_wait3A_132 = tpu.memref_slice %arg4[%multiple_of3A_114] : memref<645632xi32, #tpu.memory_space<hbm>> -> memref<112xi32, #tpu.memory_space<hbm>>
        %dma_wait3A_133 = tpu.memref_slice %arg4[%multiple_of3A_114] : memref<645632xi32, #tpu.memory_space<hbm>> -> memref<112xi32, #tpu.memory_space<hbm>>
        tpu.wait_dma2 semaphore(%run_scoped3A : memref<!tpu.dma_semaphore, #tpu.memory_space<semaphore_mem>>) src(%dma_wait3A_133 : memref<112xi32, #tpu.memory_space<hbm>>) dst(%arg12 : memref<112xi32, #tpu.memory_space<vmem>>)
        tpu.yield
      }) : () -> ()
      %dma_start3A_115 = arith.constant 0 : i32
      %dma_start3A_116 = arith.constant 0 : i32
      %dma_start3A_117 = tpu.memref_slice %arg16[%dma_start3A_115, %dma_start3A_116] : memref<10248x128xf32, #tpu.memory_space<vmem_shared>> -> memref<10248x128xf32, #tpu.memory_space<vmem_shared>>
      tpu.enqueue_indirect_dma source(%arg15 : memref<112x128xf32, #tpu.memory_space<vmem>>) target(%dma_start3A_117 : memref<10248x128xf32, #tpu.memory_space<vmem_shared>>) offsets(%arg12 : memref<112xi32, #tpu.memory_space<vmem>>) semaphore(%arg22 : memref<!tpu.dma_semaphore, #tpu.memory_space<semaphore_mem>>) {add = true}
      %add3A_118 = arith.constant 3 : i32
      %add3A_119 = arith.addi %add3A_107, %add3A_118 : i32
      %mul3A_120 = arith.constant 112 : i32
      %mul3A_121 = arith.muli %add3A_119, %mul3A_120 : i32
      %add3A_122 = arith.addi %mul3A_10, %mul3A_121 : i32
      %multiple_of3A_123 = tpu.assume_multiple %add3A_122, 8 : i32
      "tpu.region"() ({
        %run_scoped3A = tpu.sem_alloc : memref<!tpu.dma_semaphore, #tpu.memory_space<semaphore_mem>>
        %dma_start3A_130 = tpu.memref_slice %arg3[%multiple_of3A_123] : memref<645632xi32, #tpu.memory_space<hbm>> -> memref<112xi32, #tpu.memory_space<hbm>>
        %dma_start3A_131 = tpu.memref_slice %arg3[%multiple_of3A_123] : memref<645632xi32, #tpu.memory_space<hbm>> -> memref<112xi32, #tpu.memory_space<hbm>>
        tpu.enqueue_dma source(%dma_start3A_131 : memref<112xi32, #tpu.memory_space<hbm>>) target(%arg9 : memref<112xi32, #tpu.memory_space<vmem>>) target_semaphore(%run_scoped3A : memref<!tpu.dma_semaphore, #tpu.memory_space<semaphore_mem>>)
        %dma_wait3A_132 = tpu.memref_slice %arg3[%multiple_of3A_123] : memref<645632xi32, #tpu.memory_space<hbm>> -> memref<112xi32, #tpu.memory_space<hbm>>
        %dma_wait3A_133 = tpu.memref_slice %arg3[%multiple_of3A_123] : memref<645632xi32, #tpu.memory_space<hbm>> -> memref<112xi32, #tpu.memory_space<hbm>>
        tpu.wait_dma2 semaphore(%run_scoped3A : memref<!tpu.dma_semaphore, #tpu.memory_space<semaphore_mem>>) src(%dma_wait3A_133 : memref<112xi32, #tpu.memory_space<hbm>>) dst(%arg9 : memref<112xi32, #tpu.memory_space<vmem>>)
        tpu.yield
      }) : () -> ()
      %dma_wait3A_124 = arith.constant 0 : i32
      %dma_wait3A_125 = arith.constant 0 : i32
      %dma_wait3A_126 = tpu.memref_slice %arg16[%dma_wait3A_124, %dma_wait3A_125] : memref<10248x128xf32, #tpu.memory_space<vmem_shared>> -> memref<10248x128xf32, #tpu.memory_space<vmem_shared>>
      tpu.wait_indirect_dma semaphore(%arg22 : memref<!tpu.dma_semaphore, #tpu.memory_space<semaphore_mem>>) src(%arg15 : memref<112x128xf32, #tpu.memory_space<vmem>>) dst(%dma_wait3A_126 : memref<10248x128xf32, #tpu.memory_space<vmem_shared>>)
      %dma_start3A_127 = arith.constant 0 : i32
      %dma_start3A_128 = arith.constant 0 : i32
      %dma_start3A_129 = tpu.memref_slice %arg2[%dma_start3A_127, %dma_start3A_128] : memref<10000x128xf32, #tpu.memory_space<hbm>> -> memref<10000x128xf32, #tpu.memory_space<hbm>>
      tpu.enqueue_indirect_dma source(%dma_start3A_129 : memref<10000x128xf32, #tpu.memory_space<hbm>>) target(%arg15 : memref<112x128xf32, #tpu.memory_space<vmem>>) offsets(%arg9 : memref<112xi32, #tpu.memory_space<vmem>>) semaphore(%arg19 : memref<!tpu.dma_semaphore, #tpu.memory_space<semaphore_mem>>)
    }
    %while3A_37 = arith.constant 1 : i32
    scf.for %while3A_51 = %while3A_35 to %while3A_31 step %while3A_37  : i32 {
      %mul3A_52 = arith.constant 3 : i32
      %mul3A_53 = arith.muli %while3A_51, %mul3A_52 : i32
      %add3A_54 = arith.constant 0 : i32
      %add3A_55 = arith.addi %mul3A_53, %add3A_54 : i32
      %dma_wait3A_56 = arith.constant 0 : i32
      %dma_wait3A_57 = arith.constant 0 : i32
      %dma_wait3A_58 = tpu.memref_slice %arg2[%dma_wait3A_56, %dma_wait3A_57] : memref<10000x128xf32, #tpu.memory_space<hbm>> -> memref<10000x128xf32, #tpu.memory_space<hbm>>
      tpu.wait_indirect_dma semaphore(%arg17 : memref<!tpu.dma_semaphore, #tpu.memory_space<semaphore_mem>>) src(%dma_wait3A_58 : memref<10000x128xf32, #tpu.memory_space<hbm>>) dst(%arg13 : memref<112x128xf32, #tpu.memory_space<vmem>>)
      %mul3A_59 = arith.constant 112 : i32
      %mul3A_60 = arith.muli %add3A_55, %mul3A_59 : i32
      %add3A_61 = arith.addi %mul3A_10, %mul3A_60 : i32
      %multiple_of3A_62 = tpu.assume_multiple %add3A_61, 8 : i32
      "tpu.region"() ({
        %run_scoped3A = tpu.sem_alloc : memref<!tpu.dma_semaphore, #tpu.memory_space<semaphore_mem>>
        %dma_start3A_130 = tpu.memref_slice %arg4[%multiple_of3A_62] : memref<645632xi32, #tpu.memory_space<hbm>> -> memref<112xi32, #tpu.memory_space<hbm>>
        %dma_start3A_131 = tpu.memref_slice %arg4[%multiple_of3A_62] : memref<645632xi32, #tpu.memory_space<hbm>> -> memref<112xi32, #tpu.memory_space<hbm>>
        tpu.enqueue_dma source(%dma_start3A_131 : memref<112xi32, #tpu.memory_space<hbm>>) target(%arg10 : memref<112xi32, #tpu.memory_space<vmem>>) target_semaphore(%run_scoped3A : memref<!tpu.dma_semaphore, #tpu.memory_space<semaphore_mem>>)
        %dma_wait3A_132 = tpu.memref_slice %arg4[%multiple_of3A_62] : memref<645632xi32, #tpu.memory_space<hbm>> -> memref<112xi32, #tpu.memory_space<hbm>>
        %dma_wait3A_133 = tpu.memref_slice %arg4[%multiple_of3A_62] : memref<645632xi32, #tpu.memory_space<hbm>> -> memref<112xi32, #tpu.memory_space<hbm>>
        tpu.wait_dma2 semaphore(%run_scoped3A : memref<!tpu.dma_semaphore, #tpu.memory_space<semaphore_mem>>) src(%dma_wait3A_133 : memref<112xi32, #tpu.memory_space<hbm>>) dst(%arg10 : memref<112xi32, #tpu.memory_space<vmem>>)
        tpu.yield
      }) : () -> ()
      %dma_start3A_63 = arith.constant 0 : i32
      %dma_start3A_64 = arith.constant 0 : i32
      %dma_start3A_65 = tpu.memref_slice %arg16[%dma_start3A_63, %dma_start3A_64] : memref<10248x128xf32, #tpu.memory_space<vmem_shared>> -> memref<10248x128xf32, #tpu.memory_space<vmem_shared>>
      tpu.enqueue_indirect_dma source(%arg13 : memref<112x128xf32, #tpu.memory_space<vmem>>) target(%dma_start3A_65 : memref<10248x128xf32, #tpu.memory_space<vmem_shared>>) offsets(%arg10 : memref<112xi32, #tpu.memory_space<vmem>>) semaphore(%arg20 : memref<!tpu.dma_semaphore, #tpu.memory_space<semaphore_mem>>) {add = true}
      %add3A_66 = arith.constant 3 : i32
      %add3A_67 = arith.addi %add3A_55, %add3A_66 : i32
      %mul3A_68 = arith.constant 112 : i32
      %mul3A_69 = arith.muli %add3A_67, %mul3A_68 : i32
      %add3A_70 = arith.addi %mul3A_10, %mul3A_69 : i32
      %multiple_of3A_71 = tpu.assume_multiple %add3A_70, 8 : i32
      "tpu.region"() ({
        %run_scoped3A = tpu.sem_alloc : memref<!tpu.dma_semaphore, #tpu.memory_space<semaphore_mem>>
        %dma_start3A_130 = tpu.memref_slice %arg3[%multiple_of3A_71] : memref<645632xi32, #tpu.memory_space<hbm>> -> memref<112xi32, #tpu.memory_space<hbm>>
        %dma_start3A_131 = tpu.memref_slice %arg3[%multiple_of3A_71] : memref<645632xi32, #tpu.memory_space<hbm>> -> memref<112xi32, #tpu.memory_space<hbm>>
        tpu.enqueue_dma source(%dma_start3A_131 : memref<112xi32, #tpu.memory_space<hbm>>) target(%arg7 : memref<112xi32, #tpu.memory_space<vmem>>) target_semaphore(%run_scoped3A : memref<!tpu.dma_semaphore, #tpu.memory_space<semaphore_mem>>)
        %dma_wait3A_132 = tpu.memref_slice %arg3[%multiple_of3A_71] : memref<645632xi32, #tpu.memory_space<hbm>> -> memref<112xi32, #tpu.memory_space<hbm>>
        %dma_wait3A_133 = tpu.memref_slice %arg3[%multiple_of3A_71] : memref<645632xi32, #tpu.memory_space<hbm>> -> memref<112xi32, #tpu.memory_space<hbm>>
        tpu.wait_dma2 semaphore(%run_scoped3A : memref<!tpu.dma_semaphore, #tpu.memory_space<semaphore_mem>>) src(%dma_wait3A_133 : memref<112xi32, #tpu.memory_space<hbm>>) dst(%arg7 : memref<112xi32, #tpu.memory_space<vmem>>)
        tpu.yield
      }) : () -> ()
      %dma_wait3A_72 = arith.constant 0 : i32
      %dma_wait3A_73 = arith.constant 0 : i32
      %dma_wait3A_74 = tpu.memref_slice %arg16[%dma_wait3A_72, %dma_wait3A_73] : memref<10248x128xf32, #tpu.memory_space<vmem_shared>> -> memref<10248x128xf32, #tpu.memory_space<vmem_shared>>
      tpu.wait_indirect_dma semaphore(%arg20 : memref<!tpu.dma_semaphore, #tpu.memory_space<semaphore_mem>>) src(%arg13 : memref<112x128xf32, #tpu.memory_space<vmem>>) dst(%dma_wait3A_74 : memref<10248x128xf32, #tpu.memory_space<vmem_shared>>)
      %dma_start3A_75 = arith.constant 0 : i32
      %dma_start3A_76 = arith.constant 0 : i32
      %dma_start3A_77 = tpu.memref_slice %arg2[%dma_start3A_75, %dma_start3A_76] : memref<10000x128xf32, #tpu.memory_space<hbm>> -> memref<10000x128xf32, #tpu.memory_space<hbm>>
      tpu.enqueue_indirect_dma source(%dma_start3A_77 : memref<10000x128xf32, #tpu.memory_space<hbm>>) target(%arg13 : memref<112x128xf32, #tpu.memory_space<vmem>>) offsets(%arg7 : memref<112xi32, #tpu.memory_space<vmem>>) semaphore(%arg17 : memref<!tpu.dma_semaphore, #tpu.memory_space<semaphore_mem>>)
      %mul3A_78 = arith.constant 3 : i32
      %mul3A_79 = arith.muli %while3A_51, %mul3A_78 : i32
      %add3A_80 = arith.constant 1 : i32
      %add3A_81 = arith.addi %mul3A_79, %add3A_80 : i32
      %dma_wait3A_82 = arith.constant 0 : i32
      %dma_wait3A_83 = arith.constant 0 : i32
      %dma_wait3A_84 = tpu.memref_slice %arg2[%dma_wait3A_82, %dma_wait3A_83] : memref<10000x128xf32, #tpu.memory_space<hbm>> -> memref<10000x128xf32, #tpu.memory_space<hbm>>
      tpu.wait_indirect_dma semaphore(%arg18 : memref<!tpu.dma_semaphore, #tpu.memory_space<semaphore_mem>>) src(%dma_wait3A_84 : memref<10000x128xf32, #tpu.memory_space<hbm>>) dst(%arg14 : memref<112x128xf32, #tpu.memory_space<vmem>>)
      %mul3A_85 = arith.constant 112 : i32
      %mul3A_86 = arith.muli %add3A_81, %mul3A_85 : i32
      %add3A_87 = arith.addi %mul3A_10, %mul3A_86 : i32
      %multiple_of3A_88 = tpu.assume_multiple %add3A_87, 8 : i32
      "tpu.region"() ({
        %run_scoped3A = tpu.sem_alloc : memref<!tpu.dma_semaphore, #tpu.memory_space<semaphore_mem>>
        %dma_start3A_130 = tpu.memref_slice %arg4[%multiple_of3A_88] : memref<645632xi32, #tpu.memory_space<hbm>> -> memref<112xi32, #tpu.memory_space<hbm>>
        %dma_start3A_131 = tpu.memref_slice %arg4[%multiple_of3A_88] : memref<645632xi32, #tpu.memory_space<hbm>> -> memref<112xi32, #tpu.memory_space<hbm>>
        tpu.enqueue_dma source(%dma_start3A_131 : memref<112xi32, #tpu.memory_space<hbm>>) target(%arg11 : memref<112xi32, #tpu.memory_space<vmem>>) target_semaphore(%run_scoped3A : memref<!tpu.dma_semaphore, #tpu.memory_space<semaphore_mem>>)
        %dma_wait3A_132 = tpu.memref_slice %arg4[%multiple_of3A_88] : memref<645632xi32, #tpu.memory_space<hbm>> -> memref<112xi32, #tpu.memory_space<hbm>>
        %dma_wait3A_133 = tpu.memref_slice %arg4[%multiple_of3A_88] : memref<645632xi32, #tpu.memory_space<hbm>> -> memref<112xi32, #tpu.memory_space<hbm>>
        tpu.wait_dma2 semaphore(%run_scoped3A : memref<!tpu.dma_semaphore, #tpu.memory_space<semaphore_mem>>) src(%dma_wait3A_133 : memref<112xi32, #tpu.memory_space<hbm>>) dst(%arg11 : memref<112xi32, #tpu.memory_space<vmem>>)
        tpu.yield
      }) : () -> ()
      %dma_start3A_89 = arith.constant 0 : i32
      %dma_start3A_90 = arith.constant 0 : i32
      %dma_start3A_91 = tpu.memref_slice %arg16[%dma_start3A_89, %dma_start3A_90] : memref<10248x128xf32, #tpu.memory_space<vmem_shared>> -> memref<10248x128xf32, #tpu.memory_space<vmem_shared>>
      tpu.enqueue_indirect_dma source(%arg14 : memref<112x128xf32, #tpu.memory_space<vmem>>) target(%dma_start3A_91 : memref<10248x128xf32, #tpu.memory_space<vmem_shared>>) offsets(%arg11 : memref<112xi32, #tpu.memory_space<vmem>>) semaphore(%arg21 : memref<!tpu.dma_semaphore, #tpu.memory_space<semaphore_mem>>) {add = true}
      %add3A_92 = arith.constant 3 : i32
      %add3A_93 = arith.addi %add3A_81, %add3A_92 : i32
      %mul3A_94 = arith.constant 112 : i32
      %mul3A_95 = arith.muli %add3A_93, %mul3A_94 : i32
      %add3A_96 = arith.addi %mul3A_10, %mul3A_95 : i32
      %multiple_of3A_97 = tpu.assume_multiple %add3A_96, 8 : i32
      "tpu.region"() ({
        %run_scoped3A = tpu.sem_alloc : memref<!tpu.dma_semaphore, #tpu.memory_space<semaphore_mem>>
        %dma_start3A_130 = tpu.memref_slice %arg3[%multiple_of3A_97] : memref<645632xi32, #tpu.memory_space<hbm>> -> memref<112xi32, #tpu.memory_space<hbm>>
        %dma_start3A_131 = tpu.memref_slice %arg3[%multiple_of3A_97] : memref<645632xi32, #tpu.memory_space<hbm>> -> memref<112xi32, #tpu.memory_space<hbm>>
        tpu.enqueue_dma source(%dma_start3A_131 : memref<112xi32, #tpu.memory_space<hbm>>) target(%arg8 : memref<112xi32, #tpu.memory_space<vmem>>) target_semaphore(%run_scoped3A : memref<!tpu.dma_semaphore, #tpu.memory_space<semaphore_mem>>)
        %dma_wait3A_132 = tpu.memref_slice %arg3[%multiple_of3A_97] : memref<645632xi32, #tpu.memory_space<hbm>> -> memref<112xi32, #tpu.memory_space<hbm>>
        %dma_wait3A_133 = tpu.memref_slice %arg3[%multiple_of3A_97] : memref<645632xi32, #tpu.memory_space<hbm>> -> memref<112xi32, #tpu.memory_space<hbm>>
        tpu.wait_dma2 semaphore(%run_scoped3A : memref<!tpu.dma_semaphore, #tpu.memory_space<semaphore_mem>>) src(%dma_wait3A_133 : memref<112xi32, #tpu.memory_space<hbm>>) dst(%arg8 : memref<112xi32, #tpu.memory_space<vmem>>)
        tpu.yield
      }) : () -> ()
      %dma_wait3A_98 = arith.constant 0 : i32
      %dma_wait3A_99 = arith.constant 0 : i32
      %dma_wait3A_100 = tpu.memref_slice %arg16[%dma_wait3A_98, %dma_wait3A_99] : memref<10248x128xf32, #tpu.memory_space<vmem_shared>> -> memref<10248x128xf32, #tpu.memory_space<vmem_shared>>
      tpu.wait_indirect_dma semaphore(%arg21 : memref<!tpu.dma_semaphore, #tpu.memory_space<semaphore_mem>>) src(%arg14 : memref<112x128xf32, #tpu.memory_space<vmem>>) dst(%dma_wait3A_100 : memref<10248x128xf32, #tpu.memory_space<vmem_shared>>)
      %dma_start3A_101 = arith.constant 0 : i32
      %dma_start3A_102 = arith.constant 0 : i32
      %dma_start3A_103 = tpu.memref_slice %arg2[%dma_start3A_101, %dma_start3A_102] : memref<10000x128xf32, #tpu.memory_space<hbm>> -> memref<10000x128xf32, #tpu.memory_space<hbm>>
      tpu.enqueue_indirect_dma source(%dma_start3A_103 : memref<10000x128xf32, #tpu.memory_space<hbm>>) target(%arg14 : memref<112x128xf32, #tpu.memory_space<vmem>>) offsets(%arg8 : memref<112xi32, #tpu.memory_space<vmem>>) semaphore(%arg18 : memref<!tpu.dma_semaphore, #tpu.memory_space<semaphore_mem>>)
      %mul3A_104 = arith.constant 3 : i32
      %mul3A_105 = arith.muli %while3A_51, %mul3A_104 : i32
      %add3A_106 = arith.constant 2 : i32
      %add3A_107 = arith.addi %mul3A_105, %add3A_106 : i32
      %dma_wait3A_108 = arith.constant 0 : i32
      %dma_wait3A_109 = arith.constant 0 : i32
      %dma_wait3A_110 = tpu.memref_slice %arg2[%dma_wait3A_108, %dma_wait3A_109] : memref<10000x128xf32, #tpu.memory_space<hbm>> -> memref<10000x128xf32, #tpu.memory_space<hbm>>
      tpu.wait_indirect_dma semaphore(%arg19 : memref<!tpu.dma_semaphore, #tpu.memory_space<semaphore_mem>>) src(%dma_wait3A_110 : memref<10000x128xf32, #tpu.memory_space<hbm>>) dst(%arg15 : memref<112x128xf32, #tpu.memory_space<vmem>>)
      %mul3A_111 = arith.constant 112 : i32
      %mul3A_112 = arith.muli %add3A_107, %mul3A_111 : i32
      %add3A_113 = arith.addi %mul3A_10, %mul3A_112 : i32
      %multiple_of3A_114 = tpu.assume_multiple %add3A_113, 8 : i32
      "tpu.region"() ({
        %run_scoped3A = tpu.sem_alloc : memref<!tpu.dma_semaphore, #tpu.memory_space<semaphore_mem>>
        %dma_start3A_130 = tpu.memref_slice %arg4[%multiple_of3A_114] : memref<645632xi32, #tpu.memory_space<hbm>> -> memref<112xi32, #tpu.memory_space<hbm>>
        %dma_start3A_131 = tpu.memref_slice %arg4[%multiple_of3A_114] : memref<645632xi32, #tpu.memory_space<hbm>> -> memref<112xi32, #tpu.memory_space<hbm>>
        tpu.enqueue_dma source(%dma_start3A_131 : memref<112xi32, #tpu.memory_space<hbm>>) target(%arg12 : memref<112xi32, #tpu.memory_space<vmem>>) target_semaphore(%run_scoped3A : memref<!tpu.dma_semaphore, #tpu.memory_space<semaphore_mem>>)
        %dma_wait3A_132 = tpu.memref_slice %arg4[%multiple_of3A_114] : memref<645632xi32, #tpu.memory_space<hbm>> -> memref<112xi32, #tpu.memory_space<hbm>>
        %dma_wait3A_133 = tpu.memref_slice %arg4[%multiple_of3A_114] : memref<645632xi32, #tpu.memory_space<hbm>> -> memref<112xi32, #tpu.memory_space<hbm>>
        tpu.wait_dma2 semaphore(%run_scoped3A : memref<!tpu.dma_semaphore, #tpu.memory_space<semaphore_mem>>) src(%dma_wait3A_133 : memref<112xi32, #tpu.memory_space<hbm>>) dst(%arg12 : memref<112xi32, #tpu.memory_space<vmem>>)
        tpu.yield
      }) : () -> ()
      %dma_start3A_115 = arith.constant 0 : i32
      %dma_start3A_116 = arith.constant 0 : i32
      %dma_start3A_117 = tpu.memref_slice %arg16[%dma_start3A_115, %dma_start3A_116] : memref<10248x128xf32, #tpu.memory_space<vmem_shared>> -> memref<10248x128xf32, #tpu.memory_space<vmem_shared>>
      tpu.enqueue_indirect_dma source(%arg15 : memref<112x128xf32, #tpu.memory_space<vmem>>) target(%dma_start3A_117 : memref<10248x128xf32, #tpu.memory_space<vmem_shared>>) offsets(%arg12 : memref<112xi32, #tpu.memory_space<vmem>>) semaphore(%arg22 : memref<!tpu.dma_semaphore, #tpu.memory_space<semaphore_mem>>) {add = true}
      %add3A_118 = arith.constant 3 : i32
      %add3A_119 = arith.addi %add3A_107, %add3A_118 : i32
      %mul3A_120 = arith.constant 112 : i32
      %mul3A_121 = arith.muli %add3A_119, %mul3A_120 : i32
      %add3A_122 = arith.addi %mul3A_10, %mul3A_121 : i32
      %multiple_of3A_123 = tpu.assume_multiple %add3A_122, 8 : i32
      "tpu.region"() ({
        %run_scoped3A = tpu.sem_alloc : memref<!tpu.dma_semaphore, #tpu.memory_space<semaphore_mem>>
        %dma_start3A_130 = tpu.memref_slice %arg3[%multiple_of3A_123] : memref<645632xi32, #tpu.memory_space<hbm>> -> memref<112xi32, #tpu.memory_space<hbm>>
        %dma_start3A_131 = tpu.memref_slice %arg3[%multiple_of3A_123] : memref<645632xi32, #tpu.memory_space<hbm>> -> memref<112xi32, #tpu.memory_space<hbm>>
        tpu.enqueue_dma source(%dma_start3A_131 : memref<112xi32, #tpu.memory_space<hbm>>) target(%arg9 : memref<112xi32, #tpu.memory_space<vmem>>) target_semaphore(%run_scoped3A : memref<!tpu.dma_semaphore, #tpu.memory_space<semaphore_mem>>)
        %dma_wait3A_132 = tpu.memref_slice %arg3[%multiple_of3A_123] : memref<645632xi32, #tpu.memory_space<hbm>> -> memref<112xi32, #tpu.memory_space<hbm>>
        %dma_wait3A_133 = tpu.memref_slice %arg3[%multiple_of3A_123] : memref<645632xi32, #tpu.memory_space<hbm>> -> memref<112xi32, #tpu.memory_space<hbm>>
        tpu.wait_dma2 semaphore(%run_scoped3A : memref<!tpu.dma_semaphore, #tpu.memory_space<semaphore_mem>>) src(%dma_wait3A_133 : memref<112xi32, #tpu.memory_space<hbm>>) dst(%arg9 : memref<112xi32, #tpu.memory_space<vmem>>)
        tpu.yield
      }) : () -> ()
      %dma_wait3A_124 = arith.constant 0 : i32
      %dma_wait3A_125 = arith.constant 0 : i32
      %dma_wait3A_126 = tpu.memref_slice %arg16[%dma_wait3A_124, %dma_wait3A_125] : memref<10248x128xf32, #tpu.memory_space<vmem_shared>> -> memref<10248x128xf32, #tpu.memory_space<vmem_shared>>
      tpu.wait_indirect_dma semaphore(%arg22 : memref<!tpu.dma_semaphore, #tpu.memory_space<semaphore_mem>>) src(%arg15 : memref<112x128xf32, #tpu.memory_space<vmem>>) dst(%dma_wait3A_126 : memref<10248x128xf32, #tpu.memory_space<vmem_shared>>)
      %dma_start3A_127 = arith.constant 0 : i32
      %dma_start3A_128 = arith.constant 0 : i32
      %dma_start3A_129 = tpu.memref_slice %arg2[%dma_start3A_127, %dma_start3A_128] : memref<10000x128xf32, #tpu.memory_space<hbm>> -> memref<10000x128xf32, #tpu.memory_space<hbm>>
      tpu.enqueue_indirect_dma source(%dma_start3A_129 : memref<10000x128xf32, #tpu.memory_space<hbm>>) target(%arg15 : memref<112x128xf32, #tpu.memory_space<vmem>>) offsets(%arg9 : memref<112xi32, #tpu.memory_space<vmem>>) semaphore(%arg19 : memref<!tpu.dma_semaphore, #tpu.memory_space<semaphore_mem>>)
    }
    %dma_wait3A = arith.constant 0 : i32
    %dma_wait3A_38 = arith.constant 0 : i32
    %dma_wait3A_39 = tpu.memref_slice %arg2[%dma_wait3A, %dma_wait3A_38] : memref<10000x128xf32, #tpu.memory_space<hbm>> -> memref<10000x128xf32, #tpu.memory_space<hbm>>
    tpu.wait_indirect_dma semaphore(%arg17 : memref<!tpu.dma_semaphore, #tpu.memory_space<semaphore_mem>>) src(%dma_wait3A_39 : memref<10000x128xf32, #tpu.memory_space<hbm>>) dst(%arg13 : memref<112x128xf32, #tpu.memory_space<vmem>>)
    %dma_wait3A_40 = arith.constant 0 : i32
    %dma_wait3A_41 = arith.constant 0 : i32
    %dma_wait3A_42 = tpu.memref_slice %arg2[%dma_wait3A_40, %dma_wait3A_41] : memref<10000x128xf32, #tpu.memory_space<hbm>> -> memref<10000x128xf32, #tpu.memory_space<hbm>>
    tpu.wait_indirect_dma semaphore(%arg18 : memref<!tpu.dma_semaphore, #tpu.memory_space<semaphore_mem>>) src(%dma_wait3A_42 : memref<10000x128xf32, #tpu.memory_space<hbm>>) dst(%arg14 : memref<112x128xf32, #tpu.memory_space<vmem>>)
    %dma_wait3A_43 = arith.constant 0 : i32
    %dma_wait3A_44 = arith.constant 0 : i32
    %dma_wait3A_45 = tpu.memref_slice %arg2[%dma_wait3A_43, %dma_wait3A_44] : memref<10000x128xf32, #tpu.memory_space<hbm>> -> memref<10000x128xf32, #tpu.memory_space<hbm>>
    tpu.wait_indirect_dma semaphore(%arg19 : memref<!tpu.dma_semaphore, #tpu.memory_space<semaphore_mem>>) src(%dma_wait3A_45 : memref<10000x128xf32, #tpu.memory_space<hbm>>) dst(%arg15 : memref<112x128xf32, #tpu.memory_space<vmem>>)
    %barrier3A_46 = arith.constant 0 : index
    tpu.barrier barrier_id(%barrier3A_46)
    %mul3A_47 = arith.constant 640 : i32
    %mul3A_48 = arith.muli %arg1, %mul3A_47 : i32
    %mul3A_49 = arith.constant 640 : i32
    %mul3A_50 = arith.muli %arg1, %mul3A_49 : i32
    "tpu.region"() ({
      %run_scoped3A = tpu.sem_alloc : memref<!tpu.dma_semaphore, #tpu.memory_space<semaphore_mem>>
      %dma_start3A_51 = arith.constant 0 : i32
      %dma_start3A_52 = tpu.memref_slice %arg6[%arg0, %mul3A_50, %dma_start3A_51] : memref<2x10240x128xf32, #tpu.memory_space<hbm>> -> memref<1x640x128xf32, #tpu.memory_space<hbm>>
      %dma_start3A_53 = tpu.memref_squeeze %dma_start3A_52 : memref<1x640x128xf32, #tpu.memory_space<hbm>> -> memref<640x128xf32, #tpu.memory_space<hbm>>
      %dma_start3A_54 = arith.constant 0 : i32
      %dma_start3A_55 = tpu.memref_slice %arg16[%mul3A_48, %dma_start3A_54] : memref<10248x128xf32, #tpu.memory_space<vmem_shared>> -> memref<640x128xf32, #tpu.memory_space<vmem_shared>>
      tpu.enqueue_dma source(%dma_start3A_55 : memref<640x128xf32, #tpu.memory_space<vmem_shared>>) target(%dma_start3A_53 : memref<640x128xf32, #tpu.memory_space<hbm>>) target_semaphore(%run_scoped3A : memref<!tpu.dma_semaphore, #tpu.memory_space<semaphore_mem>>)
      %dma_wait3A_56 = arith.constant 0 : i32
      %dma_wait3A_57 = tpu.memref_slice %arg6[%arg0, %mul3A_50, %dma_wait3A_56] : memref<2x10240x128xf32, #tpu.memory_space<hbm>> -> memref<1x640x128xf32, #tpu.memory_space<hbm>>
      %dma_wait3A_58 = tpu.memref_squeeze %dma_wait3A_57 : memref<1x640x128xf32, #tpu.memory_space<hbm>> -> memref<640x128xf32, #tpu.memory_space<hbm>>
      %dma_wait3A_59 = arith.constant 0 : i32
      %dma_wait3A_60 = tpu.memref_slice %arg16[%mul3A_48, %dma_wait3A_59] : memref<10248x128xf32, #tpu.memory_space<vmem_shared>> -> memref<640x128xf32, #tpu.memory_space<vmem_shared>>
      tpu.wait_dma2 semaphore(%run_scoped3A : memref<!tpu.dma_semaphore, #tpu.memory_space<semaphore_mem>>) src(%dma_wait3A_60 : memref<640x128xf32, #tpu.memory_space<vmem_shared>>) dst(%dma_wait3A_58 : memref<640x128xf32, #tpu.memory_space<hbm>>)
      tpu.yield
    }) : () -> ()
    return
  }
}

module attributes {stable_mosaic.version = 14 : i64} {
  func.func @_mlp_body(%arg0: i32, %arg1: memref<2000x128xf32, #tpu.memory_space<vmem>>, %arg2: memref<2000x128xf32, #tpu.memory_space<vmem>>, %arg3: memref<2000x128xf32, #tpu.memory_space<vmem>>, %arg4: memref<128x128xf32, #tpu.memory_space<vmem>>, %arg5: memref<8x128xf32, #tpu.memory_space<vmem>>, %arg6: memref<128x128xf32, #tpu.memory_space<vmem>>, %arg7: memref<8x128xf32, #tpu.memory_space<vmem>>, %arg8: memref<2000x128xf32, #tpu.memory_space<vmem>>, %arg9: memref<8x128xf32, #tpu.memory_space<vmem>>, %arg10: memref<8x128xf32, #tpu.memory_space<vmem>>) attributes {dimension_semantics = [#tpu.dimension_semantics<arbitrary>], iteration_bounds = array<i64: 5>, scalar_prefetch = 0 : i64, scratch_operands = 0 : i64, tpu.core_type = #tpu.core_type<tc>, window_params = [{transform_indices = @transform_0, window_bounds = array<i64: 2000, 128>}, {transform_indices = @transform_1, window_bounds = array<i64: 2000, 128>}, {transform_indices = @transform_2, window_bounds = array<i64: 2000, 128>}, {pipeline_mode = #tpu.pipeline_mode<synchronous>, transform_indices = @transform_3, window_bounds = array<i64: 128, 128>}, {pipeline_mode = #tpu.pipeline_mode<synchronous>, transform_indices = @transform_4, window_bounds = array<i64: 8, 128>}, {pipeline_mode = #tpu.pipeline_mode<synchronous>, transform_indices = @transform_5, window_bounds = array<i64: 128, 128>}, {pipeline_mode = #tpu.pipeline_mode<synchronous>, transform_indices = @transform_6, window_bounds = array<i64: 8, 128>}, {transform_indices = @transform_7, window_bounds = array<i64: 2000, 128>}, {pipeline_mode = #tpu.pipeline_mode<synchronous>, transform_indices = @transform_8, window_bounds = array<i64: 8, 128>}, {pipeline_mode = #tpu.pipeline_mode<synchronous>, transform_indices = @transform_9, window_bounds = array<i64: 8, 128>}]} {
    %get3A = arith.constant 0 : index
    %get3A_0 = arith.constant 0 : index
    %get3A_1 = vector.load %arg1[%get3A, %get3A_0] : memref<2000x128xf32, #tpu.memory_space<vmem>>, vector<2000x128xf32>
    %get3A_2 = arith.constant 0 : index
    %get3A_3 = arith.constant 0 : index
    %get3A_4 = vector.load %arg2[%get3A_2, %get3A_3] : memref<2000x128xf32, #tpu.memory_space<vmem>>, vector<2000x128xf32>
    %add3A = arith.addf %get3A_1, %get3A_4 : vector<2000x128xf32>
    %get3A_5 = arith.constant 0 : index
    %get3A_6 = arith.constant 0 : index
    %get3A_7 = vector.load %arg3[%get3A_5, %get3A_6] : memref<2000x128xf32, #tpu.memory_space<vmem>>, vector<2000x128xf32>
    %add3A_8 = arith.addf %add3A, %get3A_7 : vector<2000x128xf32>
    %get3A_9 = arith.constant 0 : index
    %get3A_10 = arith.constant 0 : index
    %get3A_11 = vector.load %arg4[%get3A_9, %get3A_10] : memref<128x128xf32, #tpu.memory_space<vmem>>, vector<128x128xf32>
    %dot_general3A = arith.constant dense<0.000000e+00> : vector<2000x128xf32>
    %dot_general3A_12 = tpu.matmul %add3A_8, %get3A_11, %dot_general3A {dimension_numbers = #tpu.dot_dimension_numbers<[1], [0], [0], [1], [0, 0, 1, 1], [], []>, transpose_lhs_hint = false} : vector<2000x128xf32>, vector<128x128xf32>, vector<2000x128xf32> -> vector<2000x128xf32>
    %get3A_13 = arith.constant 0 : index
    %get3A_14 = arith.constant 0 : index
    %get3A_15 = vector.load %arg5[%get3A_13, %get3A_14] : memref<8x128xf32, #tpu.memory_space<vmem>>, vector<1x128xf32>
    %add3A_16 = vector.broadcast %get3A_15 : vector<1x128xf32> to vector<2000x128xf32>
    %add3A_17 = arith.addf %dot_general3A_12, %add3A_16 : vector<2000x128xf32>
    %max3A = arith.constant 0.000000e+00 : f32
    %max3A_18 = vector.broadcast %max3A : f32 to vector<2000x128xf32>
    %max3A_19 = arith.maximumf %add3A_17, %max3A_18 : vector<2000x128xf32>
    %get3A_20 = arith.constant 0 : index
    %get3A_21 = arith.constant 0 : index
    %get3A_22 = vector.load %arg6[%get3A_20, %get3A_21] : memref<128x128xf32, #tpu.memory_space<vmem>>, vector<128x128xf32>
    %dot_general3A_23 = arith.constant dense<0.000000e+00> : vector<2000x128xf32>
    %dot_general3A_24 = tpu.matmul %max3A_19, %get3A_22, %dot_general3A_23 {dimension_numbers = #tpu.dot_dimension_numbers<[1], [0], [0], [1], [0, 0, 1, 1], [], []>, transpose_lhs_hint = false} : vector<2000x128xf32>, vector<128x128xf32>, vector<2000x128xf32> -> vector<2000x128xf32>
    %get3A_25 = arith.constant 0 : index
    %get3A_26 = arith.constant 0 : index
    %get3A_27 = vector.load %arg7[%get3A_25, %get3A_26] : memref<8x128xf32, #tpu.memory_space<vmem>>, vector<1x128xf32>
    %add3A_28 = vector.broadcast %get3A_27 : vector<1x128xf32> to vector<2000x128xf32>
    %add3A_29 = arith.addf %dot_general3A_24, %add3A_28 : vector<2000x128xf32>
    %max3A_30 = arith.constant 0.000000e+00 : f32
    %max3A_31 = vector.broadcast %max3A_30 : f32 to vector<2000x128xf32>
    %max3A_32 = arith.maximumf %add3A_29, %max3A_31 : vector<2000x128xf32>
    %swap3A = arith.constant 0 : index
    %swap3A_33 = arith.constant 0 : index
    %swap3A_34 = vector.load %arg8[%swap3A, %swap3A_33] : memref<2000x128xf32, #tpu.memory_space<vmem>>, vector<2000x128xf32>
    tpu.vector_store %arg8[%swap3A, %swap3A_33], %max3A_32 {strides = array<i32>} : memref<2000x128xf32, #tpu.memory_space<vmem>>, vector<2000x128xf32>,
    %eq3A = arith.constant 0 : i32
    %eq3A_35 = arith.cmpi eq, %arg0, %eq3A : i32
    %convert_element_type3A = arith.extui %eq3A_35 : i1 to i32
    %cond3A = arith.constant 0 : i32
    %cond3A_36 = arith.cmpi ne, %convert_element_type3A, %cond3A : i32
    scf.if %cond3A_36 {
      %broadcast_in_dim3A_59 = arith.constant 0.000000e+00 : f32
      %broadcast_in_dim3A_60 = vector.broadcast %broadcast_in_dim3A_59 : f32 to vector<8x128xf32>
      %swap3A_61 = arith.constant 0 : index
      %swap3A_62 = arith.constant 0 : index
      %swap3A_63 = vector.load %arg9[%swap3A_61, %swap3A_62] : memref<8x128xf32, #tpu.memory_space<vmem>>, vector<8x128xf32>
      tpu.vector_store %arg9[%swap3A_61, %swap3A_62], %broadcast_in_dim3A_60 {strides = array<i32>} : memref<8x128xf32, #tpu.memory_space<vmem>>, vector<8x128xf32>,
      %broadcast_in_dim3A_64 = arith.constant 0.000000e+00 : f32
      %broadcast_in_dim3A_65 = vector.broadcast %broadcast_in_dim3A_64 : f32 to vector<8x128xf32>
      %swap3A_66 = arith.constant 0 : index
      %swap3A_67 = arith.constant 0 : index
      %swap3A_68 = vector.load %arg10[%swap3A_66, %swap3A_67] : memref<8x128xf32, #tpu.memory_space<vmem>>, vector<8x128xf32>
      tpu.vector_store %arg10[%swap3A_66, %swap3A_67], %broadcast_in_dim3A_65 {strides = array<i32>} : memref<8x128xf32, #tpu.memory_space<vmem>>, vector<8x128xf32>,
    } else {
    }
    %get3A_37 = arith.constant 0 : index
    %get3A_38 = arith.constant 0 : index
    %get3A_39 = vector.load %arg9[%get3A_37, %get3A_38] : memref<8x128xf32, #tpu.memory_space<vmem>>, vector<8x128xf32>
    %reduce_sum3A = arith.constant dense<0.000000e+00> : vector<128xf32>
    %reduce_sum3A_40 = vector.multi_reduction <add>, %max3A_32, %reduce_sum3A [0] : vector<2000x128xf32> to vector<128xf32>
    %broadcast_in_dim3A = vector.shape_cast %reduce_sum3A_40 : vector<128xf32> to vector<1x128xf32>
    %broadcast_in_dim3A_41 = vector.shape_cast %broadcast_in_dim3A : vector<1x128xf32> to vector<1x128xf32>
    %broadcast_in_dim3A_42 = vector.broadcast %broadcast_in_dim3A_41 : vector<1x128xf32> to vector<8x128xf32>
    %add3A_43 = arith.addf %get3A_39, %broadcast_in_dim3A_42 : vector<8x128xf32>
    %swap3A_44 = arith.constant 0 : index
    %swap3A_45 = arith.constant 0 : index
    %swap3A_46 = vector.load %arg9[%swap3A_44, %swap3A_45] : memref<8x128xf32, #tpu.memory_space<vmem>>, vector<8x128xf32>
    tpu.vector_store %arg9[%swap3A_44, %swap3A_45], %add3A_43 {strides = array<i32>} : memref<8x128xf32, #tpu.memory_space<vmem>>, vector<8x128xf32>,
    %get3A_47 = arith.constant 0 : index
    %get3A_48 = arith.constant 0 : index
    %get3A_49 = vector.load %arg10[%get3A_47, %get3A_48] : memref<8x128xf32, #tpu.memory_space<vmem>>, vector<8x128xf32>
    %mul3A = arith.mulf %max3A_32, %max3A_32 : vector<2000x128xf32>
    %reduce_sum3A_50 = arith.constant dense<0.000000e+00> : vector<128xf32>
    %reduce_sum3A_51 = vector.multi_reduction <add>, %mul3A, %reduce_sum3A_50 [0] : vector<2000x128xf32> to vector<128xf32>
    %broadcast_in_dim3A_52 = vector.shape_cast %reduce_sum3A_51 : vector<128xf32> to vector<1x128xf32>
    %broadcast_in_dim3A_53 = vector.shape_cast %broadcast_in_dim3A_52 : vector<1x128xf32> to vector<1x128xf32>
    %broadcast_in_dim3A_54 = vector.broadcast %broadcast_in_dim3A_53 : vector<1x128xf32> to vector<8x128xf32>
    %add3A_55 = arith.addf %get3A_49, %broadcast_in_dim3A_54 : vector<8x128xf32>
    %swap3A_56 = arith.constant 0 : index
    %swap3A_57 = arith.constant 0 : index
    %swap3A_58 = vector.load %arg10[%swap3A_56, %swap3A_57] : memref<8x128xf32, #tpu.memory_space<vmem>>, vector<8x128xf32>
    tpu.vector_store %arg10[%swap3A_56, %swap3A_57], %add3A_55 {strides = array<i32>} : memref<8x128xf32, #tpu.memory_space<vmem>>, vector<8x128xf32>,
    return
  }
  func.func @transform_0(%arg0: i32) -> (i32, i32) {
    %c0_i32 = arith.constant 0 : i32
    %c0_i32_0 = arith.constant 0 : i32
    return %arg0, %c0_i32 : i32, i32
  }
  func.func @transform_1(%arg0: i32) -> (i32, i32) {
    %c0_i32 = arith.constant 0 : i32
    %c0_i32_0 = arith.constant 0 : i32
    return %arg0, %c0_i32 : i32, i32
  }
  func.func @transform_2(%arg0: i32) -> (i32, i32) {
    %c0_i32 = arith.constant 0 : i32
    %c0_i32_0 = arith.constant 0 : i32
    return %arg0, %c0_i32 : i32, i32
  }
  func.func @transform_3(%arg0: i32) -> (i32, i32) {
    %c0_i32 = arith.constant 0 : i32
    %c0_i32_0 = arith.constant 0 : i32
    %c0_i32_1 = arith.constant 0 : i32
    return %c0_i32, %c0_i32_0 : i32, i32
  }
  func.func @transform_4(%arg0: i32) -> (i32, i32) {
    %c0_i32 = arith.constant 0 : i32
    %c0_i32_0 = arith.constant 0 : i32
    %c0_i32_1 = arith.constant 0 : i32
    return %c0_i32, %c0_i32_0 : i32, i32
  }
  func.func @transform_5(%arg0: i32) -> (i32, i32) {
    %c0_i32 = arith.constant 0 : i32
    %c0_i32_0 = arith.constant 0 : i32
    %c0_i32_1 = arith.constant 0 : i32
    return %c0_i32, %c0_i32_0 : i32, i32
  }
  func.func @transform_6(%arg0: i32) -> (i32, i32) {
    %c0_i32 = arith.constant 0 : i32
    %c0_i32_0 = arith.constant 0 : i32
    %c0_i32_1 = arith.constant 0 : i32
    return %c0_i32, %c0_i32_0 : i32, i32
  }
  func.func @transform_7(%arg0: i32) -> (i32, i32) {
    %c0_i32 = arith.constant 0 : i32
    %c0_i32_0 = arith.constant 0 : i32
    return %arg0, %c0_i32 : i32, i32
  }
  func.func @transform_8(%arg0: i32) -> (i32, i32) {
    %c0_i32 = arith.constant 0 : i32
    %c0_i32_0 = arith.constant 0 : i32
    %c0_i32_1 = arith.constant 0 : i32
    return %c0_i32, %c0_i32_0 : i32, i32
  }
  func.func @transform_9(%arg0: i32) -> (i32, i32) {
    %c0_i32 = arith.constant 0 : i32
    %c0_i32_0 = arith.constant 0 : i32
    %c0_i32_1 = arith.constant 0 : i32
    return %c0_i32, %c0_i32_0 : i32, i32
  }
}

module attributes {stable_mosaic.version = 14 : i64} {
  func.func @_norm_body(%arg0: i32, %arg1: memref<2000x128xf32, #tpu.memory_space<vmem>>, %arg2: memref<8x128xf32, #tpu.memory_space<vmem>>, %arg3: memref<8x128xf32, #tpu.memory_space<vmem>>, %arg4: memref<8x128xf32, #tpu.memory_space<vmem>>, %arg5: memref<8x128xf32, #tpu.memory_space<vmem>>, %arg6: memref<2000x128xf32, #tpu.memory_space<vmem>>, %arg7: memref<2000x128xf32, #tpu.memory_space<vmem>>) attributes {dimension_semantics = [#tpu.dimension_semantics<arbitrary>], iteration_bounds = array<i64: 5>, scalar_prefetch = 0 : i64, scratch_operands = 0 : i64, tpu.core_type = #tpu.core_type<tc>, window_params = [{transform_indices = @transform_0, window_bounds = array<i64: 2000, 128>}, {pipeline_mode = #tpu.pipeline_mode<synchronous>, transform_indices = @transform_1, window_bounds = array<i64: 8, 128>}, {pipeline_mode = #tpu.pipeline_mode<synchronous>, transform_indices = @transform_2, window_bounds = array<i64: 8, 128>}, {pipeline_mode = #tpu.pipeline_mode<synchronous>, transform_indices = @transform_3, window_bounds = array<i64: 8, 128>}, {pipeline_mode = #tpu.pipeline_mode<synchronous>, transform_indices = @transform_4, window_bounds = array<i64: 8, 128>}, {transform_indices = @transform_5, window_bounds = array<i64: 2000, 128>}, {transform_indices = @transform_6, window_bounds = array<i64: 2000, 128>}]} {
    %get3A = arith.constant 0 : index
    %get3A_0 = arith.constant 0 : index
    %get3A_1 = vector.load %arg2[%get3A, %get3A_0] : memref<8x128xf32, #tpu.memory_space<vmem>>, vector<1x128xf32>
    %mul3A = arith.constant 9.99999974E-5 : f32
    %mul3A_2 = vector.broadcast %mul3A : f32 to vector<1x128xf32>
    %mul3A_3 = arith.mulf %get3A_1, %mul3A_2 : vector<1x128xf32>
    %get3A_4 = arith.constant 0 : index
    %get3A_5 = arith.constant 0 : index
    %get3A_6 = vector.load %arg3[%get3A_4, %get3A_5] : memref<8x128xf32, #tpu.memory_space<vmem>>, vector<1x128xf32>
    %mul3A_7 = arith.constant 9.99999974E-5 : f32
    %mul3A_8 = vector.broadcast %mul3A_7 : f32 to vector<1x128xf32>
    %mul3A_9 = arith.mulf %get3A_6, %mul3A_8 : vector<1x128xf32>
    %mul3A_10 = arith.mulf %mul3A_3, %mul3A_3 : vector<1x128xf32>
    %sub3A = arith.subf %mul3A_9, %mul3A_10 : vector<1x128xf32>
    %add3A = arith.constant 9.99999974E-6 : f32
    %add3A_11 = vector.broadcast %add3A : f32 to vector<1x128xf32>
    %add3A_12 = arith.addf %sub3A, %add3A_11 : vector<1x128xf32>
    %rsqrt3A = math.rsqrt %add3A_12 : vector<1x128xf32>
    %get3A_13 = arith.constant 0 : index
    %get3A_14 = arith.constant 0 : index
    %get3A_15 = vector.load %arg1[%get3A_13, %get3A_14] : memref<2000x128xf32, #tpu.memory_space<vmem>>, vector<2000x128xf32>
    %sub3A_16 = vector.broadcast %mul3A_3 : vector<1x128xf32> to vector<2000x128xf32>
    %sub3A_17 = arith.subf %get3A_15, %sub3A_16 : vector<2000x128xf32>
    %get3A_18 = arith.constant 0 : index
    %get3A_19 = arith.constant 0 : index
    %get3A_20 = vector.load %arg4[%get3A_18, %get3A_19] : memref<8x128xf32, #tpu.memory_space<vmem>>, vector<1x128xf32>
    %mul3A_21 = arith.mulf %rsqrt3A, %get3A_20 : vector<1x128xf32>
    %mul3A_22 = vector.broadcast %mul3A_21 : vector<1x128xf32> to vector<2000x128xf32>
    %mul3A_23 = arith.mulf %sub3A_17, %mul3A_22 : vector<2000x128xf32>
    %get3A_24 = arith.constant 0 : index
    %get3A_25 = arith.constant 0 : index
    %get3A_26 = vector.load %arg5[%get3A_24, %get3A_25] : memref<8x128xf32, #tpu.memory_space<vmem>>, vector<1x128xf32>
    %add3A_27 = vector.broadcast %get3A_26 : vector<1x128xf32> to vector<2000x128xf32>
    %add3A_28 = arith.addf %mul3A_23, %add3A_27 : vector<2000x128xf32>
    %swap3A = arith.constant 0 : index
    %swap3A_29 = arith.constant 0 : index
    %swap3A_30 = vector.load %arg7[%swap3A, %swap3A_29] : memref<2000x128xf32, #tpu.memory_space<vmem>>, vector<2000x128xf32>
    tpu.vector_store %arg7[%swap3A, %swap3A_29], %add3A_28 {strides = array<i32>} : memref<2000x128xf32, #tpu.memory_space<vmem>>, vector<2000x128xf32>,
    return
  }
  func.func @transform_0(%arg0: i32) -> (i32, i32) {
    %c0_i32 = arith.constant 0 : i32
    %c0_i32_0 = arith.constant 0 : i32
    return %arg0, %c0_i32 : i32, i32
  }
  func.func @transform_1(%arg0: i32) -> (i32, i32) {
    %c0_i32 = arith.constant 0 : i32
    %c0_i32_0 = arith.constant 0 : i32
    %c0_i32_1 = arith.constant 0 : i32
    return %c0_i32, %c0_i32_0 : i32, i32
  }
  func.func @transform_2(%arg0: i32) -> (i32, i32) {
    %c0_i32 = arith.constant 0 : i32
    %c0_i32_0 = arith.constant 0 : i32
    %c0_i32_1 = arith.constant 0 : i32
    return %c0_i32, %c0_i32_0 : i32, i32
  }
  func.func @transform_3(%arg0: i32) -> (i32, i32) {
    %c0_i32 = arith.constant 0 : i32
    %c0_i32_0 = arith.constant 0 : i32
    %c0_i32_1 = arith.constant 0 : i32
    return %c0_i32, %c0_i32_0 : i32, i32
  }
  func.func @transform_4(%arg0: i32) -> (i32, i32) {
    %c0_i32 = arith.constant 0 : i32
    %c0_i32_0 = arith.constant 0 : i32
    %c0_i32_1 = arith.constant 0 : i32
    return %c0_i32, %c0_i32_0 : i32, i32
  }
  func.func @transform_5(%arg0: i32) -> (i32, i32) {
    %c0_i32 = arith.constant 0 : i32
    %c0_i32_0 = arith.constant 0 : i32
    return %arg0, %c0_i32 : i32, i32
  }
  func.func @transform_6(%arg0: i32) -> (i32, i32) {
    %c0_i32 = arith.constant 0 : i32
    %c0_i32_0 = arith.constant 0 : i32
    return %arg0, %c0_i32 : i32, i32
  }
}

module attributes {stable_mosaic.version = 14 : i64} {
  func.func @_norm_body(%arg0: i32, %arg1: memref<2000x128xf32, #tpu.memory_space<vmem>>, %arg2: memref<8x128xf32, #tpu.memory_space<vmem>>, %arg3: memref<8x128xf32, #tpu.memory_space<vmem>>, %arg4: memref<8x128xf32, #tpu.memory_space<vmem>>, %arg5: memref<8x128xf32, #tpu.memory_space<vmem>>, %arg6: memref<2000x128xf32, #tpu.memory_space<vmem>>, %arg7: memref<2000x128xf32, #tpu.memory_space<vmem>>) attributes {dimension_semantics = [#tpu.dimension_semantics<arbitrary>], iteration_bounds = array<i64: 5>, scalar_prefetch = 0 : i64, scratch_operands = 0 : i64, tpu.core_type = #tpu.core_type<tc>, window_params = [{transform_indices = @transform_0, window_bounds = array<i64: 2000, 128>}, {pipeline_mode = #tpu.pipeline_mode<synchronous>, transform_indices = @transform_1, window_bounds = array<i64: 8, 128>}, {pipeline_mode = #tpu.pipeline_mode<synchronous>, transform_indices = @transform_2, window_bounds = array<i64: 8, 128>}, {pipeline_mode = #tpu.pipeline_mode<synchronous>, transform_indices = @transform_3, window_bounds = array<i64: 8, 128>}, {pipeline_mode = #tpu.pipeline_mode<synchronous>, transform_indices = @transform_4, window_bounds = array<i64: 8, 128>}, {transform_indices = @transform_5, window_bounds = array<i64: 2000, 128>}, {transform_indices = @transform_6, window_bounds = array<i64: 2000, 128>}]} {
    %get3A = arith.constant 0 : index
    %get3A_0 = arith.constant 0 : index
    %get3A_1 = vector.load %arg2[%get3A, %get3A_0] : memref<8x128xf32, #tpu.memory_space<vmem>>, vector<1x128xf32>
    %mul3A = arith.constant 9.99999974E-5 : f32
    %mul3A_2 = vector.broadcast %mul3A : f32 to vector<1x128xf32>
    %mul3A_3 = arith.mulf %get3A_1, %mul3A_2 : vector<1x128xf32>
    %get3A_4 = arith.constant 0 : index
    %get3A_5 = arith.constant 0 : index
    %get3A_6 = vector.load %arg3[%get3A_4, %get3A_5] : memref<8x128xf32, #tpu.memory_space<vmem>>, vector<1x128xf32>
    %mul3A_7 = arith.constant 9.99999974E-5 : f32
    %mul3A_8 = vector.broadcast %mul3A_7 : f32 to vector<1x128xf32>
    %mul3A_9 = arith.mulf %get3A_6, %mul3A_8 : vector<1x128xf32>
    %mul3A_10 = arith.mulf %mul3A_3, %mul3A_3 : vector<1x128xf32>
    %sub3A = arith.subf %mul3A_9, %mul3A_10 : vector<1x128xf32>
    %add3A = arith.constant 9.99999974E-6 : f32
    %add3A_11 = vector.broadcast %add3A : f32 to vector<1x128xf32>
    %add3A_12 = arith.addf %sub3A, %add3A_11 : vector<1x128xf32>
    %rsqrt3A = math.rsqrt %add3A_12 : vector<1x128xf32>
    %get3A_13 = arith.constant 0 : index
    %get3A_14 = arith.constant 0 : index
    %get3A_15 = vector.load %arg1[%get3A_13, %get3A_14] : memref<2000x128xf32, #tpu.memory_space<vmem>>, vector<2000x128xf32>
    %sub3A_16 = vector.broadcast %mul3A_3 : vector<1x128xf32> to vector<2000x128xf32>
    %sub3A_17 = arith.subf %get3A_15, %sub3A_16 : vector<2000x128xf32>
    %get3A_18 = arith.constant 0 : index
    %get3A_19 = arith.constant 0 : index
    %get3A_20 = vector.load %arg4[%get3A_18, %get3A_19] : memref<8x128xf32, #tpu.memory_space<vmem>>, vector<1x128xf32>
    %mul3A_21 = arith.mulf %rsqrt3A, %get3A_20 : vector<1x128xf32>
    %mul3A_22 = vector.broadcast %mul3A_21 : vector<1x128xf32> to vector<2000x128xf32>
    %mul3A_23 = arith.mulf %sub3A_17, %mul3A_22 : vector<2000x128xf32>
    %get3A_24 = arith.constant 0 : index
    %get3A_25 = arith.constant 0 : index
    %get3A_26 = vector.load %arg5[%get3A_24, %get3A_25] : memref<8x128xf32, #tpu.memory_space<vmem>>, vector<1x128xf32>
    %add3A_27 = vector.broadcast %get3A_26 : vector<1x128xf32> to vector<2000x128xf32>
    %add3A_28 = arith.addf %mul3A_23, %add3A_27 : vector<2000x128xf32>
    %get3A_29 = arith.constant 0 : index
    %get3A_30 = arith.constant 0 : index
    %get3A_31 = vector.load %arg6[%get3A_29, %get3A_30] : memref<2000x128xf32, #tpu.memory_space<vmem>>, vector<2000x128xf32>
    %add3A_32 = arith.addf %get3A_31, %add3A_28 : vector<2000x128xf32>
    %swap3A = arith.constant 0 : index
    %swap3A_33 = arith.constant 0 : index
    %swap3A_34 = vector.load %arg7[%swap3A, %swap3A_33] : memref<2000x128xf32, #tpu.memory_space<vmem>>, vector<2000x128xf32>
    tpu.vector_store %arg7[%swap3A, %swap3A_33], %add3A_32 {strides = array<i32>} : memref<2000x128xf32, #tpu.memory_space<vmem>>, vector<2000x128xf32>,
    return
  }
  func.func @transform_0(%arg0: i32) -> (i32, i32) {
    %c0_i32 = arith.constant 0 : i32
    %c0_i32_0 = arith.constant 0 : i32
    return %arg0, %c0_i32 : i32, i32
  }
  func.func @transform_1(%arg0: i32) -> (i32, i32) {
    %c0_i32 = arith.constant 0 : i32
    %c0_i32_0 = arith.constant 0 : i32
    %c0_i32_1 = arith.constant 0 : i32
    return %c0_i32, %c0_i32_0 : i32, i32
  }
  func.func @transform_2(%arg0: i32) -> (i32, i32) {
    %c0_i32 = arith.constant 0 : i32
    %c0_i32_0 = arith.constant 0 : i32
    %c0_i32_1 = arith.constant 0 : i32
    return %c0_i32, %c0_i32_0 : i32, i32
  }
  func.func @transform_3(%arg0: i32) -> (i32, i32) {
    %c0_i32 = arith.constant 0 : i32
    %c0_i32_0 = arith.constant 0 : i32
    %c0_i32_1 = arith.constant 0 : i32
    return %c0_i32, %c0_i32_0 : i32, i32
  }
  func.func @transform_4(%arg0: i32) -> (i32, i32) {
    %c0_i32 = arith.constant 0 : i32
    %c0_i32_0 = arith.constant 0 : i32
    %c0_i32_1 = arith.constant 0 : i32
    return %c0_i32, %c0_i32_0 : i32, i32
  }
  func.func @transform_5(%arg0: i32) -> (i32, i32) {
    %c0_i32 = arith.constant 0 : i32
    %c0_i32_0 = arith.constant 0 : i32
    return %arg0, %c0_i32 : i32, i32
  }
  func.func @transform_6(%arg0: i32) -> (i32, i32) {
    %c0_i32 = arith.constant 0 : i32
    %c0_i32_0 = arith.constant 0 : i32
    return %arg0, %c0_i32 : i32, i32
  }
}

module attributes {stable_mosaic.version = 14 : i64} {
  func.func @_pool_body(%arg0: i32, %arg1: memref<2000x128xf32, #tpu.memory_space<vmem>>, %arg2: memref<1x1x2000xi32, #tpu.memory_space<vmem>>, %arg3: memref<64x128xf32, #tpu.memory_space<vmem>>, %arg4: memref<64x128xf32, #tpu.memory_space<vmem>>, %arg5: memref<64x128xf32, #tpu.memory_space<vmem>>) attributes {dimension_semantics = [#tpu.dimension_semantics<arbitrary>], iteration_bounds = array<i64: 5>, scalar_prefetch = 0 : i64, scratch_operands = 0 : i64, tpu.core_type = #tpu.core_type<tc>, window_params = [{transform_indices = @transform_0, window_bounds = array<i64: 2000, 128>}, {transform_indices = @transform_1, window_bounds = array<i64: 1, 1, 2000>}, {pipeline_mode = #tpu.pipeline_mode<synchronous>, transform_indices = @transform_2, window_bounds = array<i64: 64, 128>}, {pipeline_mode = #tpu.pipeline_mode<synchronous>, transform_indices = @transform_3, window_bounds = array<i64: 64, 128>}, {pipeline_mode = #tpu.pipeline_mode<synchronous>, transform_indices = @transform_4, window_bounds = array<i64: 64, 128>}]} {
    %eq3A = arith.constant 0 : i32
    %eq3A_0 = arith.cmpi eq, %arg0, %eq3A : i32
    %convert_element_type3A = arith.extui %eq3A_0 : i1 to i32
    %cond3A = arith.constant 0 : i32
    %cond3A_1 = arith.cmpi ne, %convert_element_type3A, %cond3A : i32
    scf.if %cond3A_1 {
      %broadcast_in_dim3A_802 = arith.constant 0.000000e+00 : f32
      %broadcast_in_dim3A_803 = vector.broadcast %broadcast_in_dim3A_802 : f32 to vector<64x128xf32>
      %swap3A_804 = arith.constant 0 : index
      %swap3A_805 = arith.constant 0 : index
      %swap3A_806 = vector.load %arg3[%swap3A_804, %swap3A_805] : memref<64x128xf32, #tpu.memory_space<vmem>>, vector<64x128xf32>
      tpu.vector_store %arg3[%swap3A_804, %swap3A_805], %broadcast_in_dim3A_803 {strides = array<i32>} : memref<64x128xf32, #tpu.memory_space<vmem>>, vector<64x128xf32>,
      %broadcast_in_dim3A_807 = arith.constant 0.000000e+00 : f32
      %broadcast_in_dim3A_808 = vector.broadcast %broadcast_in_dim3A_807 : f32 to vector<64x128xf32>
      %swap3A_809 = arith.constant 0 : index
      %swap3A_810 = arith.constant 0 : index
      %swap3A_811 = vector.load %arg4[%swap3A_809, %swap3A_810] : memref<64x128xf32, #tpu.memory_space<vmem>>, vector<64x128xf32>
      tpu.vector_store %arg4[%swap3A_809, %swap3A_810], %broadcast_in_dim3A_808 {strides = array<i32>} : memref<64x128xf32, #tpu.memory_space<vmem>>, vector<64x128xf32>,
      %broadcast_in_dim3A_812 = arith.constant 0xFF800000 : f32
      %broadcast_in_dim3A_813 = vector.broadcast %broadcast_in_dim3A_812 : f32 to vector<64x128xf32>
      %swap3A_814 = arith.constant 0 : index
      %swap3A_815 = arith.constant 0 : index
      %swap3A_816 = vector.load %arg5[%swap3A_814, %swap3A_815] : memref<64x128xf32, #tpu.memory_space<vmem>>, vector<64x128xf32>
      tpu.vector_store %arg5[%swap3A_814, %swap3A_815], %broadcast_in_dim3A_813 {strides = array<i32>} : memref<64x128xf32, #tpu.memory_space<vmem>>, vector<64x128xf32>,
    } else {
    }
    %get3A = arith.constant 0 : index
    %get3A_2 = arith.constant 0 : index
    %get3A_3 = vector.load %arg1[%get3A, %get3A_2] : memref<2000x128xf32, #tpu.memory_space<vmem>>, vector<2000x128xf32>
    %get3A_4 = arith.constant 0 : index
    %get3A_5 = arith.constant 0 : index
    %get3A_6 = arith.constant 0 : index
    %get3A_7 = vector.load %arg2[%get3A_4, %get3A_5, %get3A_6] : memref<1x1x2000xi32, #tpu.memory_space<vmem>>, vector<1x1x2000xi32>
    %get3A_8 = vector.shape_cast %get3A_7 : vector<1x1x2000xi32> to vector<2000xi32>
    %iota3A = tpu.iota {dimensions = array<i32: 1>} : vector<2000x64xi32>
    %broadcast_in_dim3A = vector.shape_cast %get3A_8 : vector<2000xi32> to vector<2000x1xi32>
    %eq3A_9 = vector.broadcast %broadcast_in_dim3A : vector<2000x1xi32> to vector<2000x64xi32>
    %eq3A_10 = arith.cmpi eq, %eq3A_9, %iota3A : vector<2000x64xi32>
    %convert_element_type3A_11 = arith.extui %eq3A_10 : vector<2000x64xi1> to vector<2000x64xi32>
    %convert_element_type3A_12 = arith.sitofp %convert_element_type3A_11 : vector<2000x64xi32> to vector<2000x64xf32>
    %get3A_13 = arith.constant 0 : index
    %get3A_14 = arith.constant 0 : index
    %get3A_15 = vector.load %arg3[%get3A_13, %get3A_14] : memref<64x128xf32, #tpu.memory_space<vmem>>, vector<64x128xf32>
    %transpose3A = tpu.transpose %convert_element_type3A_12, [1, 0] : vector<2000x64xf32> -> vector<64x2000xf32>
    %dot_general3A = arith.constant dense<0.000000e+00> : vector<64x128xf32>
    %dot_general3A_16 = tpu.matmul %transpose3A, %get3A_3, %dot_general3A {dimension_numbers = #tpu.dot_dimension_numbers<[1], [0], [0], [1], [0, 0, 1, 1], [], []>, transpose_lhs_hint = false} : vector<64x2000xf32>, vector<2000x128xf32>, vector<64x128xf32> -> vector<64x128xf32>
    %add3A = arith.addf %get3A_15, %dot_general3A_16 : vector<64x128xf32>
    %swap3A = arith.constant 0 : index
    %swap3A_17 = arith.constant 0 : index
    %swap3A_18 = vector.load %arg3[%swap3A, %swap3A_17] : memref<64x128xf32, #tpu.memory_space<vmem>>, vector<64x128xf32>
    tpu.vector_store %arg3[%swap3A, %swap3A_17], %add3A {strides = array<i32>} : memref<64x128xf32, #tpu.memory_space<vmem>>, vector<64x128xf32>,
    %get3A_19 = arith.constant 0 : index
    %get3A_20 = arith.constant 0 : index
    %get3A_21 = vector.load %arg4[%get3A_19, %get3A_20] : memref<64x128xf32, #tpu.memory_space<vmem>>, vector<64x128xf32>
    %transpose3A_22 = tpu.transpose %convert_element_type3A_12, [1, 0] : vector<2000x64xf32> -> vector<64x2000xf32>
    %broadcast_in_dim3A_23 = arith.constant 1.000000e+00 : f32
    %broadcast_in_dim3A_24 = vector.broadcast %broadcast_in_dim3A_23 : f32 to vector<2000x128xf32>
    %dot_general3A_25 = arith.constant dense<0.000000e+00> : vector<64x128xf32>
    %dot_general3A_26 = tpu.matmul %transpose3A_22, %broadcast_in_dim3A_24, %dot_general3A_25 {dimension_numbers = #tpu.dot_dimension_numbers<[1], [0], [0], [1], [0, 0, 1, 1], [], []>, transpose_lhs_hint = false} : vector<64x2000xf32>, vector<2000x128xf32>, vector<64x128xf32> -> vector<64x128xf32>
    %add3A_27 = arith.addf %get3A_21, %dot_general3A_26 : vector<64x128xf32>
    %swap3A_28 = arith.constant 0 : index
    %swap3A_29 = arith.constant 0 : index
    %swap3A_30 = vector.load %arg4[%swap3A_28, %swap3A_29] : memref<64x128xf32, #tpu.memory_space<vmem>>, vector<64x128xf32>
    tpu.vector_store %arg4[%swap3A_28, %swap3A_29], %add3A_27 {strides = array<i32>} : memref<64x128xf32, #tpu.memory_space<vmem>>, vector<64x128xf32>,
    %broadcast_in_dim3A_31 = vector.shape_cast %get3A_8 : vector<2000xi32> to vector<2000x1xi32>
    %eq3A_32 = arith.constant 0 : i32
    %eq3A_33 = vector.broadcast %eq3A_32 : i32 to vector<2000x1xi32>
    %eq3A_34 = arith.cmpi eq, %broadcast_in_dim3A_31, %eq3A_33 : vector<2000x1xi32>
    %jit3A = arith.constant 0xFF800000 : f32
    %broadcast_in_dim3A_35 = vector.shape_cast %eq3A_34 : vector<2000x1xi1> to vector<2000x1xi1>
    %broadcast_in_dim3A_36 = vector.broadcast %broadcast_in_dim3A_35 : vector<2000x1xi1> to vector<2000x128xi1>
    %broadcast_in_dim3A_37 = vector.broadcast %jit3A : f32 to vector<2000x128xf32>
    %select_n3A = arith.select %broadcast_in_dim3A_36, %get3A_3, %broadcast_in_dim3A_37 : vector<2000x128xi1>, vector<2000x128xf32>
    %reduce_max3A = arith.constant dense<0xFF800000> : vector<128xf32>
    %reduce_max3A_38 = vector.multi_reduction <maximumf>, %select_n3A, %reduce_max3A [0] : vector<2000x128xf32> to vector<128xf32>
    %broadcast_in_dim3A_39 = vector.shape_cast %get3A_8 : vector<2000xi32> to vector<2000x1xi32>
    %eq3A_40 = arith.constant 1 : i32
    %eq3A_41 = vector.broadcast %eq3A_40 : i32 to vector<2000x1xi32>
    %eq3A_42 = arith.cmpi eq, %broadcast_in_dim3A_39, %eq3A_41 : vector<2000x1xi32>
    %jit3A_43 = arith.constant 0xFF800000 : f32
    %broadcast_in_dim3A_44 = vector.shape_cast %eq3A_42 : vector<2000x1xi1> to vector<2000x1xi1>
    %broadcast_in_dim3A_45 = vector.broadcast %broadcast_in_dim3A_44 : vector<2000x1xi1> to vector<2000x128xi1>
    %broadcast_in_dim3A_46 = vector.broadcast %jit3A_43 : f32 to vector<2000x128xf32>
    %select_n3A_47 = arith.select %broadcast_in_dim3A_45, %get3A_3, %broadcast_in_dim3A_46 : vector<2000x128xi1>, vector<2000x128xf32>
    %reduce_max3A_48 = arith.constant dense<0xFF800000> : vector<128xf32>
    %reduce_max3A_49 = vector.multi_reduction <maximumf>, %select_n3A_47, %reduce_max3A_48 [0] : vector<2000x128xf32> to vector<128xf32>
    %broadcast_in_dim3A_50 = vector.shape_cast %get3A_8 : vector<2000xi32> to vector<2000x1xi32>
    %eq3A_51 = arith.constant 2 : i32
    %eq3A_52 = vector.broadcast %eq3A_51 : i32 to vector<2000x1xi32>
    %eq3A_53 = arith.cmpi eq, %broadcast_in_dim3A_50, %eq3A_52 : vector<2000x1xi32>
    %jit3A_54 = arith.constant 0xFF800000 : f32
    %broadcast_in_dim3A_55 = vector.shape_cast %eq3A_53 : vector<2000x1xi1> to vector<2000x1xi1>
    %broadcast_in_dim3A_56 = vector.broadcast %broadcast_in_dim3A_55 : vector<2000x1xi1> to vector<2000x128xi1>
    %broadcast_in_dim3A_57 = vector.broadcast %jit3A_54 : f32 to vector<2000x128xf32>
    %select_n3A_58 = arith.select %broadcast_in_dim3A_56, %get3A_3, %broadcast_in_dim3A_57 : vector<2000x128xi1>, vector<2000x128xf32>
    %reduce_max3A_59 = arith.constant dense<0xFF800000> : vector<128xf32>
    %reduce_max3A_60 = vector.multi_reduction <maximumf>, %select_n3A_58, %reduce_max3A_59 [0] : vector<2000x128xf32> to vector<128xf32>
    %broadcast_in_dim3A_61 = vector.shape_cast %get3A_8 : vector<2000xi32> to vector<2000x1xi32>
    %eq3A_62 = arith.constant 3 : i32
    %eq3A_63 = vector.broadcast %eq3A_62 : i32 to vector<2000x1xi32>
    %eq3A_64 = arith.cmpi eq, %broadcast_in_dim3A_61, %eq3A_63 : vector<2000x1xi32>
    %jit3A_65 = arith.constant 0xFF800000 : f32
    %broadcast_in_dim3A_66 = vector.shape_cast %eq3A_64 : vector<2000x1xi1> to vector<2000x1xi1>
    %broadcast_in_dim3A_67 = vector.broadcast %broadcast_in_dim3A_66 : vector<2000x1xi1> to vector<2000x128xi1>
    %broadcast_in_dim3A_68 = vector.broadcast %jit3A_65 : f32 to vector<2000x128xf32>
    %select_n3A_69 = arith.select %broadcast_in_dim3A_67, %get3A_3, %broadcast_in_dim3A_68 : vector<2000x128xi1>, vector<2000x128xf32>
    %reduce_max3A_70 = arith.constant dense<0xFF800000> : vector<128xf32>
    %reduce_max3A_71 = vector.multi_reduction <maximumf>, %select_n3A_69, %reduce_max3A_70 [0] : vector<2000x128xf32> to vector<128xf32>
    %broadcast_in_dim3A_72 = vector.shape_cast %get3A_8 : vector<2000xi32> to vector<2000x1xi32>
    %eq3A_73 = arith.constant 4 : i32
    %eq3A_74 = vector.broadcast %eq3A_73 : i32 to vector<2000x1xi32>
    %eq3A_75 = arith.cmpi eq, %broadcast_in_dim3A_72, %eq3A_74 : vector<2000x1xi32>
    %jit3A_76 = arith.constant 0xFF800000 : f32
    %broadcast_in_dim3A_77 = vector.shape_cast %eq3A_75 : vector<2000x1xi1> to vector<2000x1xi1>
    %broadcast_in_dim3A_78 = vector.broadcast %broadcast_in_dim3A_77 : vector<2000x1xi1> to vector<2000x128xi1>
    %broadcast_in_dim3A_79 = vector.broadcast %jit3A_76 : f32 to vector<2000x128xf32>
    %select_n3A_80 = arith.select %broadcast_in_dim3A_78, %get3A_3, %broadcast_in_dim3A_79 : vector<2000x128xi1>, vector<2000x128xf32>
    %reduce_max3A_81 = arith.constant dense<0xFF800000> : vector<128xf32>
    %reduce_max3A_82 = vector.multi_reduction <maximumf>, %select_n3A_80, %reduce_max3A_81 [0] : vector<2000x128xf32> to vector<128xf32>
    %broadcast_in_dim3A_83 = vector.shape_cast %get3A_8 : vector<2000xi32> to vector<2000x1xi32>
    %eq3A_84 = arith.constant 5 : i32
    %eq3A_85 = vector.broadcast %eq3A_84 : i32 to vector<2000x1xi32>
    %eq3A_86 = arith.cmpi eq, %broadcast_in_dim3A_83, %eq3A_85 : vector<2000x1xi32>
    %jit3A_87 = arith.constant 0xFF800000 : f32
    %broadcast_in_dim3A_88 = vector.shape_cast %eq3A_86 : vector<2000x1xi1> to vector<2000x1xi1>
    %broadcast_in_dim3A_89 = vector.broadcast %broadcast_in_dim3A_88 : vector<2000x1xi1> to vector<2000x128xi1>
    %broadcast_in_dim3A_90 = vector.broadcast %jit3A_87 : f32 to vector<2000x128xf32>
    %select_n3A_91 = arith.select %broadcast_in_dim3A_89, %get3A_3, %broadcast_in_dim3A_90 : vector<2000x128xi1>, vector<2000x128xf32>
    %reduce_max3A_92 = arith.constant dense<0xFF800000> : vector<128xf32>
    %reduce_max3A_93 = vector.multi_reduction <maximumf>, %select_n3A_91, %reduce_max3A_92 [0] : vector<2000x128xf32> to vector<128xf32>
    %broadcast_in_dim3A_94 = vector.shape_cast %get3A_8 : vector<2000xi32> to vector<2000x1xi32>
    %eq3A_95 = arith.constant 6 : i32
    %eq3A_96 = vector.broadcast %eq3A_95 : i32 to vector<2000x1xi32>
    %eq3A_97 = arith.cmpi eq, %broadcast_in_dim3A_94, %eq3A_96 : vector<2000x1xi32>
    %jit3A_98 = arith.constant 0xFF800000 : f32
    %broadcast_in_dim3A_99 = vector.shape_cast %eq3A_97 : vector<2000x1xi1> to vector<2000x1xi1>
    %broadcast_in_dim3A_100 = vector.broadcast %broadcast_in_dim3A_99 : vector<2000x1xi1> to vector<2000x128xi1>
    %broadcast_in_dim3A_101 = vector.broadcast %jit3A_98 : f32 to vector<2000x128xf32>
    %select_n3A_102 = arith.select %broadcast_in_dim3A_100, %get3A_3, %broadcast_in_dim3A_101 : vector<2000x128xi1>, vector<2000x128xf32>
    %reduce_max3A_103 = arith.constant dense<0xFF800000> : vector<128xf32>
    %reduce_max3A_104 = vector.multi_reduction <maximumf>, %select_n3A_102, %reduce_max3A_103 [0] : vector<2000x128xf32> to vector<128xf32>
    %broadcast_in_dim3A_105 = vector.shape_cast %get3A_8 : vector<2000xi32> to vector<2000x1xi32>
    %eq3A_106 = arith.constant 7 : i32
    %eq3A_107 = vector.broadcast %eq3A_106 : i32 to vector<2000x1xi32>
    %eq3A_108 = arith.cmpi eq, %broadcast_in_dim3A_105, %eq3A_107 : vector<2000x1xi32>
    %jit3A_109 = arith.constant 0xFF800000 : f32
    %broadcast_in_dim3A_110 = vector.shape_cast %eq3A_108 : vector<2000x1xi1> to vector<2000x1xi1>
    %broadcast_in_dim3A_111 = vector.broadcast %broadcast_in_dim3A_110 : vector<2000x1xi1> to vector<2000x128xi1>
    %broadcast_in_dim3A_112 = vector.broadcast %jit3A_109 : f32 to vector<2000x128xf32>
    %select_n3A_113 = arith.select %broadcast_in_dim3A_111, %get3A_3, %broadcast_in_dim3A_112 : vector<2000x128xi1>, vector<2000x128xf32>
    %reduce_max3A_114 = arith.constant dense<0xFF800000> : vector<128xf32>
    %reduce_max3A_115 = vector.multi_reduction <maximumf>, %select_n3A_113, %reduce_max3A_114 [0] : vector<2000x128xf32> to vector<128xf32>
    %broadcast_in_dim3A_116 = vector.shape_cast %get3A_8 : vector<2000xi32> to vector<2000x1xi32>
    %eq3A_117 = arith.constant 8 : i32
    %eq3A_118 = vector.broadcast %eq3A_117 : i32 to vector<2000x1xi32>
    %eq3A_119 = arith.cmpi eq, %broadcast_in_dim3A_116, %eq3A_118 : vector<2000x1xi32>
    %jit3A_120 = arith.constant 0xFF800000 : f32
    %broadcast_in_dim3A_121 = vector.shape_cast %eq3A_119 : vector<2000x1xi1> to vector<2000x1xi1>
    %broadcast_in_dim3A_122 = vector.broadcast %broadcast_in_dim3A_121 : vector<2000x1xi1> to vector<2000x128xi1>
    %broadcast_in_dim3A_123 = vector.broadcast %jit3A_120 : f32 to vector<2000x128xf32>
    %select_n3A_124 = arith.select %broadcast_in_dim3A_122, %get3A_3, %broadcast_in_dim3A_123 : vector<2000x128xi1>, vector<2000x128xf32>
    %reduce_max3A_125 = arith.constant dense<0xFF800000> : vector<128xf32>
    %reduce_max3A_126 = vector.multi_reduction <maximumf>, %select_n3A_124, %reduce_max3A_125 [0] : vector<2000x128xf32> to vector<128xf32>
    %broadcast_in_dim3A_127 = vector.shape_cast %get3A_8 : vector<2000xi32> to vector<2000x1xi32>
    %eq3A_128 = arith.constant 9 : i32
    %eq3A_129 = vector.broadcast %eq3A_128 : i32 to vector<2000x1xi32>
    %eq3A_130 = arith.cmpi eq, %broadcast_in_dim3A_127, %eq3A_129 : vector<2000x1xi32>
    %jit3A_131 = arith.constant 0xFF800000 : f32
    %broadcast_in_dim3A_132 = vector.shape_cast %eq3A_130 : vector<2000x1xi1> to vector<2000x1xi1>
    %broadcast_in_dim3A_133 = vector.broadcast %broadcast_in_dim3A_132 : vector<2000x1xi1> to vector<2000x128xi1>
    %broadcast_in_dim3A_134 = vector.broadcast %jit3A_131 : f32 to vector<2000x128xf32>
    %select_n3A_135 = arith.select %broadcast_in_dim3A_133, %get3A_3, %broadcast_in_dim3A_134 : vector<2000x128xi1>, vector<2000x128xf32>
    %reduce_max3A_136 = arith.constant dense<0xFF800000> : vector<128xf32>
    %reduce_max3A_137 = vector.multi_reduction <maximumf>, %select_n3A_135, %reduce_max3A_136 [0] : vector<2000x128xf32> to vector<128xf32>
    %broadcast_in_dim3A_138 = vector.shape_cast %get3A_8 : vector<2000xi32> to vector<2000x1xi32>
    %eq3A_139 = arith.constant 10 : i32
    %eq3A_140 = vector.broadcast %eq3A_139 : i32 to vector<2000x1xi32>
    %eq3A_141 = arith.cmpi eq, %broadcast_in_dim3A_138, %eq3A_140 : vector<2000x1xi32>
    %jit3A_142 = arith.constant 0xFF800000 : f32
    %broadcast_in_dim3A_143 = vector.shape_cast %eq3A_141 : vector<2000x1xi1> to vector<2000x1xi1>
    %broadcast_in_dim3A_144 = vector.broadcast %broadcast_in_dim3A_143 : vector<2000x1xi1> to vector<2000x128xi1>
    %broadcast_in_dim3A_145 = vector.broadcast %jit3A_142 : f32 to vector<2000x128xf32>
    %select_n3A_146 = arith.select %broadcast_in_dim3A_144, %get3A_3, %broadcast_in_dim3A_145 : vector<2000x128xi1>, vector<2000x128xf32>
    %reduce_max3A_147 = arith.constant dense<0xFF800000> : vector<128xf32>
    %reduce_max3A_148 = vector.multi_reduction <maximumf>, %select_n3A_146, %reduce_max3A_147 [0] : vector<2000x128xf32> to vector<128xf32>
    %broadcast_in_dim3A_149 = vector.shape_cast %get3A_8 : vector<2000xi32> to vector<2000x1xi32>
    %eq3A_150 = arith.constant 11 : i32
    %eq3A_151 = vector.broadcast %eq3A_150 : i32 to vector<2000x1xi32>
    %eq3A_152 = arith.cmpi eq, %broadcast_in_dim3A_149, %eq3A_151 : vector<2000x1xi32>
    %jit3A_153 = arith.constant 0xFF800000 : f32
    %broadcast_in_dim3A_154 = vector.shape_cast %eq3A_152 : vector<2000x1xi1> to vector<2000x1xi1>
    %broadcast_in_dim3A_155 = vector.broadcast %broadcast_in_dim3A_154 : vector<2000x1xi1> to vector<2000x128xi1>
    %broadcast_in_dim3A_156 = vector.broadcast %jit3A_153 : f32 to vector<2000x128xf32>
    %select_n3A_157 = arith.select %broadcast_in_dim3A_155, %get3A_3, %broadcast_in_dim3A_156 : vector<2000x128xi1>, vector<2000x128xf32>
    %reduce_max3A_158 = arith.constant dense<0xFF800000> : vector<128xf32>
    %reduce_max3A_159 = vector.multi_reduction <maximumf>, %select_n3A_157, %reduce_max3A_158 [0] : vector<2000x128xf32> to vector<128xf32>
    %broadcast_in_dim3A_160 = vector.shape_cast %get3A_8 : vector<2000xi32> to vector<2000x1xi32>
    %eq3A_161 = arith.constant 12 : i32
    %eq3A_162 = vector.broadcast %eq3A_161 : i32 to vector<2000x1xi32>
    %eq3A_163 = arith.cmpi eq, %broadcast_in_dim3A_160, %eq3A_162 : vector<2000x1xi32>
    %jit3A_164 = arith.constant 0xFF800000 : f32
    %broadcast_in_dim3A_165 = vector.shape_cast %eq3A_163 : vector<2000x1xi1> to vector<2000x1xi1>
    %broadcast_in_dim3A_166 = vector.broadcast %broadcast_in_dim3A_165 : vector<2000x1xi1> to vector<2000x128xi1>
    %broadcast_in_dim3A_167 = vector.broadcast %jit3A_164 : f32 to vector<2000x128xf32>
    %select_n3A_168 = arith.select %broadcast_in_dim3A_166, %get3A_3, %broadcast_in_dim3A_167 : vector<2000x128xi1>, vector<2000x128xf32>
    %reduce_max3A_169 = arith.constant dense<0xFF800000> : vector<128xf32>
    %reduce_max3A_170 = vector.multi_reduction <maximumf>, %select_n3A_168, %reduce_max3A_169 [0] : vector<2000x128xf32> to vector<128xf32>
    %broadcast_in_dim3A_171 = vector.shape_cast %get3A_8 : vector<2000xi32> to vector<2000x1xi32>
    %eq3A_172 = arith.constant 13 : i32
    %eq3A_173 = vector.broadcast %eq3A_172 : i32 to vector<2000x1xi32>
    %eq3A_174 = arith.cmpi eq, %broadcast_in_dim3A_171, %eq3A_173 : vector<2000x1xi32>
    %jit3A_175 = arith.constant 0xFF800000 : f32
    %broadcast_in_dim3A_176 = vector.shape_cast %eq3A_174 : vector<2000x1xi1> to vector<2000x1xi1>
    %broadcast_in_dim3A_177 = vector.broadcast %broadcast_in_dim3A_176 : vector<2000x1xi1> to vector<2000x128xi1>
    %broadcast_in_dim3A_178 = vector.broadcast %jit3A_175 : f32 to vector<2000x128xf32>
    %select_n3A_179 = arith.select %broadcast_in_dim3A_177, %get3A_3, %broadcast_in_dim3A_178 : vector<2000x128xi1>, vector<2000x128xf32>
    %reduce_max3A_180 = arith.constant dense<0xFF800000> : vector<128xf32>
    %reduce_max3A_181 = vector.multi_reduction <maximumf>, %select_n3A_179, %reduce_max3A_180 [0] : vector<2000x128xf32> to vector<128xf32>
    %broadcast_in_dim3A_182 = vector.shape_cast %get3A_8 : vector<2000xi32> to vector<2000x1xi32>
    %eq3A_183 = arith.constant 14 : i32
    %eq3A_184 = vector.broadcast %eq3A_183 : i32 to vector<2000x1xi32>
    %eq3A_185 = arith.cmpi eq, %broadcast_in_dim3A_182, %eq3A_184 : vector<2000x1xi32>
    %jit3A_186 = arith.constant 0xFF800000 : f32
    %broadcast_in_dim3A_187 = vector.shape_cast %eq3A_185 : vector<2000x1xi1> to vector<2000x1xi1>
    %broadcast_in_dim3A_188 = vector.broadcast %broadcast_in_dim3A_187 : vector<2000x1xi1> to vector<2000x128xi1>
    %broadcast_in_dim3A_189 = vector.broadcast %jit3A_186 : f32 to vector<2000x128xf32>
    %select_n3A_190 = arith.select %broadcast_in_dim3A_188, %get3A_3, %broadcast_in_dim3A_189 : vector<2000x128xi1>, vector<2000x128xf32>
    %reduce_max3A_191 = arith.constant dense<0xFF800000> : vector<128xf32>
    %reduce_max3A_192 = vector.multi_reduction <maximumf>, %select_n3A_190, %reduce_max3A_191 [0] : vector<2000x128xf32> to vector<128xf32>
    %broadcast_in_dim3A_193 = vector.shape_cast %get3A_8 : vector<2000xi32> to vector<2000x1xi32>
    %eq3A_194 = arith.constant 15 : i32
    %eq3A_195 = vector.broadcast %eq3A_194 : i32 to vector<2000x1xi32>
    %eq3A_196 = arith.cmpi eq, %broadcast_in_dim3A_193, %eq3A_195 : vector<2000x1xi32>
    %jit3A_197 = arith.constant 0xFF800000 : f32
    %broadcast_in_dim3A_198 = vector.shape_cast %eq3A_196 : vector<2000x1xi1> to vector<2000x1xi1>
    %broadcast_in_dim3A_199 = vector.broadcast %broadcast_in_dim3A_198 : vector<2000x1xi1> to vector<2000x128xi1>
    %broadcast_in_dim3A_200 = vector.broadcast %jit3A_197 : f32 to vector<2000x128xf32>
    %select_n3A_201 = arith.select %broadcast_in_dim3A_199, %get3A_3, %broadcast_in_dim3A_200 : vector<2000x128xi1>, vector<2000x128xf32>
    %reduce_max3A_202 = arith.constant dense<0xFF800000> : vector<128xf32>
    %reduce_max3A_203 = vector.multi_reduction <maximumf>, %select_n3A_201, %reduce_max3A_202 [0] : vector<2000x128xf32> to vector<128xf32>
    %broadcast_in_dim3A_204 = vector.shape_cast %get3A_8 : vector<2000xi32> to vector<2000x1xi32>
    %eq3A_205 = arith.constant 16 : i32
    %eq3A_206 = vector.broadcast %eq3A_205 : i32 to vector<2000x1xi32>
    %eq3A_207 = arith.cmpi eq, %broadcast_in_dim3A_204, %eq3A_206 : vector<2000x1xi32>
    %jit3A_208 = arith.constant 0xFF800000 : f32
    %broadcast_in_dim3A_209 = vector.shape_cast %eq3A_207 : vector<2000x1xi1> to vector<2000x1xi1>
    %broadcast_in_dim3A_210 = vector.broadcast %broadcast_in_dim3A_209 : vector<2000x1xi1> to vector<2000x128xi1>
    %broadcast_in_dim3A_211 = vector.broadcast %jit3A_208 : f32 to vector<2000x128xf32>
    %select_n3A_212 = arith.select %broadcast_in_dim3A_210, %get3A_3, %broadcast_in_dim3A_211 : vector<2000x128xi1>, vector<2000x128xf32>
    %reduce_max3A_213 = arith.constant dense<0xFF800000> : vector<128xf32>
    %reduce_max3A_214 = vector.multi_reduction <maximumf>, %select_n3A_212, %reduce_max3A_213 [0] : vector<2000x128xf32> to vector<128xf32>
    %broadcast_in_dim3A_215 = vector.shape_cast %get3A_8 : vector<2000xi32> to vector<2000x1xi32>
    %eq3A_216 = arith.constant 17 : i32
    %eq3A_217 = vector.broadcast %eq3A_216 : i32 to vector<2000x1xi32>
    %eq3A_218 = arith.cmpi eq, %broadcast_in_dim3A_215, %eq3A_217 : vector<2000x1xi32>
    %jit3A_219 = arith.constant 0xFF800000 : f32
    %broadcast_in_dim3A_220 = vector.shape_cast %eq3A_218 : vector<2000x1xi1> to vector<2000x1xi1>
    %broadcast_in_dim3A_221 = vector.broadcast %broadcast_in_dim3A_220 : vector<2000x1xi1> to vector<2000x128xi1>
    %broadcast_in_dim3A_222 = vector.broadcast %jit3A_219 : f32 to vector<2000x128xf32>
    %select_n3A_223 = arith.select %broadcast_in_dim3A_221, %get3A_3, %broadcast_in_dim3A_222 : vector<2000x128xi1>, vector<2000x128xf32>
    %reduce_max3A_224 = arith.constant dense<0xFF800000> : vector<128xf32>
    %reduce_max3A_225 = vector.multi_reduction <maximumf>, %select_n3A_223, %reduce_max3A_224 [0] : vector<2000x128xf32> to vector<128xf32>
    %broadcast_in_dim3A_226 = vector.shape_cast %get3A_8 : vector<2000xi32> to vector<2000x1xi32>
    %eq3A_227 = arith.constant 18 : i32
    %eq3A_228 = vector.broadcast %eq3A_227 : i32 to vector<2000x1xi32>
    %eq3A_229 = arith.cmpi eq, %broadcast_in_dim3A_226, %eq3A_228 : vector<2000x1xi32>
    %jit3A_230 = arith.constant 0xFF800000 : f32
    %broadcast_in_dim3A_231 = vector.shape_cast %eq3A_229 : vector<2000x1xi1> to vector<2000x1xi1>
    %broadcast_in_dim3A_232 = vector.broadcast %broadcast_in_dim3A_231 : vector<2000x1xi1> to vector<2000x128xi1>
    %broadcast_in_dim3A_233 = vector.broadcast %jit3A_230 : f32 to vector<2000x128xf32>
    %select_n3A_234 = arith.select %broadcast_in_dim3A_232, %get3A_3, %broadcast_in_dim3A_233 : vector<2000x128xi1>, vector<2000x128xf32>
    %reduce_max3A_235 = arith.constant dense<0xFF800000> : vector<128xf32>
    %reduce_max3A_236 = vector.multi_reduction <maximumf>, %select_n3A_234, %reduce_max3A_235 [0] : vector<2000x128xf32> to vector<128xf32>
    %broadcast_in_dim3A_237 = vector.shape_cast %get3A_8 : vector<2000xi32> to vector<2000x1xi32>
    %eq3A_238 = arith.constant 19 : i32
    %eq3A_239 = vector.broadcast %eq3A_238 : i32 to vector<2000x1xi32>
    %eq3A_240 = arith.cmpi eq, %broadcast_in_dim3A_237, %eq3A_239 : vector<2000x1xi32>
    %jit3A_241 = arith.constant 0xFF800000 : f32
    %broadcast_in_dim3A_242 = vector.shape_cast %eq3A_240 : vector<2000x1xi1> to vector<2000x1xi1>
    %broadcast_in_dim3A_243 = vector.broadcast %broadcast_in_dim3A_242 : vector<2000x1xi1> to vector<2000x128xi1>
    %broadcast_in_dim3A_244 = vector.broadcast %jit3A_241 : f32 to vector<2000x128xf32>
    %select_n3A_245 = arith.select %broadcast_in_dim3A_243, %get3A_3, %broadcast_in_dim3A_244 : vector<2000x128xi1>, vector<2000x128xf32>
    %reduce_max3A_246 = arith.constant dense<0xFF800000> : vector<128xf32>
    %reduce_max3A_247 = vector.multi_reduction <maximumf>, %select_n3A_245, %reduce_max3A_246 [0] : vector<2000x128xf32> to vector<128xf32>
    %broadcast_in_dim3A_248 = vector.shape_cast %get3A_8 : vector<2000xi32> to vector<2000x1xi32>
    %eq3A_249 = arith.constant 20 : i32
    %eq3A_250 = vector.broadcast %eq3A_249 : i32 to vector<2000x1xi32>
    %eq3A_251 = arith.cmpi eq, %broadcast_in_dim3A_248, %eq3A_250 : vector<2000x1xi32>
    %jit3A_252 = arith.constant 0xFF800000 : f32
    %broadcast_in_dim3A_253 = vector.shape_cast %eq3A_251 : vector<2000x1xi1> to vector<2000x1xi1>
    %broadcast_in_dim3A_254 = vector.broadcast %broadcast_in_dim3A_253 : vector<2000x1xi1> to vector<2000x128xi1>
    %broadcast_in_dim3A_255 = vector.broadcast %jit3A_252 : f32 to vector<2000x128xf32>
    %select_n3A_256 = arith.select %broadcast_in_dim3A_254, %get3A_3, %broadcast_in_dim3A_255 : vector<2000x128xi1>, vector<2000x128xf32>
    %reduce_max3A_257 = arith.constant dense<0xFF800000> : vector<128xf32>
    %reduce_max3A_258 = vector.multi_reduction <maximumf>, %select_n3A_256, %reduce_max3A_257 [0] : vector<2000x128xf32> to vector<128xf32>
    %broadcast_in_dim3A_259 = vector.shape_cast %get3A_8 : vector<2000xi32> to vector<2000x1xi32>
    %eq3A_260 = arith.constant 21 : i32
    %eq3A_261 = vector.broadcast %eq3A_260 : i32 to vector<2000x1xi32>
    %eq3A_262 = arith.cmpi eq, %broadcast_in_dim3A_259, %eq3A_261 : vector<2000x1xi32>
    %jit3A_263 = arith.constant 0xFF800000 : f32
    %broadcast_in_dim3A_264 = vector.shape_cast %eq3A_262 : vector<2000x1xi1> to vector<2000x1xi1>
    %broadcast_in_dim3A_265 = vector.broadcast %broadcast_in_dim3A_264 : vector<2000x1xi1> to vector<2000x128xi1>
    %broadcast_in_dim3A_266 = vector.broadcast %jit3A_263 : f32 to vector<2000x128xf32>
    %select_n3A_267 = arith.select %broadcast_in_dim3A_265, %get3A_3, %broadcast_in_dim3A_266 : vector<2000x128xi1>, vector<2000x128xf32>
    %reduce_max3A_268 = arith.constant dense<0xFF800000> : vector<128xf32>
    %reduce_max3A_269 = vector.multi_reduction <maximumf>, %select_n3A_267, %reduce_max3A_268 [0] : vector<2000x128xf32> to vector<128xf32>
    %broadcast_in_dim3A_270 = vector.shape_cast %get3A_8 : vector<2000xi32> to vector<2000x1xi32>
    %eq3A_271 = arith.constant 22 : i32
    %eq3A_272 = vector.broadcast %eq3A_271 : i32 to vector<2000x1xi32>
    %eq3A_273 = arith.cmpi eq, %broadcast_in_dim3A_270, %eq3A_272 : vector<2000x1xi32>
    %jit3A_274 = arith.constant 0xFF800000 : f32
    %broadcast_in_dim3A_275 = vector.shape_cast %eq3A_273 : vector<2000x1xi1> to vector<2000x1xi1>
    %broadcast_in_dim3A_276 = vector.broadcast %broadcast_in_dim3A_275 : vector<2000x1xi1> to vector<2000x128xi1>
    %broadcast_in_dim3A_277 = vector.broadcast %jit3A_274 : f32 to vector<2000x128xf32>
    %select_n3A_278 = arith.select %broadcast_in_dim3A_276, %get3A_3, %broadcast_in_dim3A_277 : vector<2000x128xi1>, vector<2000x128xf32>
    %reduce_max3A_279 = arith.constant dense<0xFF800000> : vector<128xf32>
    %reduce_max3A_280 = vector.multi_reduction <maximumf>, %select_n3A_278, %reduce_max3A_279 [0] : vector<2000x128xf32> to vector<128xf32>
    %broadcast_in_dim3A_281 = vector.shape_cast %get3A_8 : vector<2000xi32> to vector<2000x1xi32>
    %eq3A_282 = arith.constant 23 : i32
    %eq3A_283 = vector.broadcast %eq3A_282 : i32 to vector<2000x1xi32>
    %eq3A_284 = arith.cmpi eq, %broadcast_in_dim3A_281, %eq3A_283 : vector<2000x1xi32>
    %jit3A_285 = arith.constant 0xFF800000 : f32
    %broadcast_in_dim3A_286 = vector.shape_cast %eq3A_284 : vector<2000x1xi1> to vector<2000x1xi1>
    %broadcast_in_dim3A_287 = vector.broadcast %broadcast_in_dim3A_286 : vector<2000x1xi1> to vector<2000x128xi1>
    %broadcast_in_dim3A_288 = vector.broadcast %jit3A_285 : f32 to vector<2000x128xf32>
    %select_n3A_289 = arith.select %broadcast_in_dim3A_287, %get3A_3, %broadcast_in_dim3A_288 : vector<2000x128xi1>, vector<2000x128xf32>
    %reduce_max3A_290 = arith.constant dense<0xFF800000> : vector<128xf32>
    %reduce_max3A_291 = vector.multi_reduction <maximumf>, %select_n3A_289, %reduce_max3A_290 [0] : vector<2000x128xf32> to vector<128xf32>
    %broadcast_in_dim3A_292 = vector.shape_cast %get3A_8 : vector<2000xi32> to vector<2000x1xi32>
    %eq3A_293 = arith.constant 24 : i32
    %eq3A_294 = vector.broadcast %eq3A_293 : i32 to vector<2000x1xi32>
    %eq3A_295 = arith.cmpi eq, %broadcast_in_dim3A_292, %eq3A_294 : vector<2000x1xi32>
    %jit3A_296 = arith.constant 0xFF800000 : f32
    %broadcast_in_dim3A_297 = vector.shape_cast %eq3A_295 : vector<2000x1xi1> to vector<2000x1xi1>
    %broadcast_in_dim3A_298 = vector.broadcast %broadcast_in_dim3A_297 : vector<2000x1xi1> to vector<2000x128xi1>
    %broadcast_in_dim3A_299 = vector.broadcast %jit3A_296 : f32 to vector<2000x128xf32>
    %select_n3A_300 = arith.select %broadcast_in_dim3A_298, %get3A_3, %broadcast_in_dim3A_299 : vector<2000x128xi1>, vector<2000x128xf32>
    %reduce_max3A_301 = arith.constant dense<0xFF800000> : vector<128xf32>
    %reduce_max3A_302 = vector.multi_reduction <maximumf>, %select_n3A_300, %reduce_max3A_301 [0] : vector<2000x128xf32> to vector<128xf32>
    %broadcast_in_dim3A_303 = vector.shape_cast %get3A_8 : vector<2000xi32> to vector<2000x1xi32>
    %eq3A_304 = arith.constant 25 : i32
    %eq3A_305 = vector.broadcast %eq3A_304 : i32 to vector<2000x1xi32>
    %eq3A_306 = arith.cmpi eq, %broadcast_in_dim3A_303, %eq3A_305 : vector<2000x1xi32>
    %jit3A_307 = arith.constant 0xFF800000 : f32
    %broadcast_in_dim3A_308 = vector.shape_cast %eq3A_306 : vector<2000x1xi1> to vector<2000x1xi1>
    %broadcast_in_dim3A_309 = vector.broadcast %broadcast_in_dim3A_308 : vector<2000x1xi1> to vector<2000x128xi1>
    %broadcast_in_dim3A_310 = vector.broadcast %jit3A_307 : f32 to vector<2000x128xf32>
    %select_n3A_311 = arith.select %broadcast_in_dim3A_309, %get3A_3, %broadcast_in_dim3A_310 : vector<2000x128xi1>, vector<2000x128xf32>
    %reduce_max3A_312 = arith.constant dense<0xFF800000> : vector<128xf32>
    %reduce_max3A_313 = vector.multi_reduction <maximumf>, %select_n3A_311, %reduce_max3A_312 [0] : vector<2000x128xf32> to vector<128xf32>
    %broadcast_in_dim3A_314 = vector.shape_cast %get3A_8 : vector<2000xi32> to vector<2000x1xi32>
    %eq3A_315 = arith.constant 26 : i32
    %eq3A_316 = vector.broadcast %eq3A_315 : i32 to vector<2000x1xi32>
    %eq3A_317 = arith.cmpi eq, %broadcast_in_dim3A_314, %eq3A_316 : vector<2000x1xi32>
    %jit3A_318 = arith.constant 0xFF800000 : f32
    %broadcast_in_dim3A_319 = vector.shape_cast %eq3A_317 : vector<2000x1xi1> to vector<2000x1xi1>
    %broadcast_in_dim3A_320 = vector.broadcast %broadcast_in_dim3A_319 : vector<2000x1xi1> to vector<2000x128xi1>
    %broadcast_in_dim3A_321 = vector.broadcast %jit3A_318 : f32 to vector<2000x128xf32>
    %select_n3A_322 = arith.select %broadcast_in_dim3A_320, %get3A_3, %broadcast_in_dim3A_321 : vector<2000x128xi1>, vector<2000x128xf32>
    %reduce_max3A_323 = arith.constant dense<0xFF800000> : vector<128xf32>
    %reduce_max3A_324 = vector.multi_reduction <maximumf>, %select_n3A_322, %reduce_max3A_323 [0] : vector<2000x128xf32> to vector<128xf32>
    %broadcast_in_dim3A_325 = vector.shape_cast %get3A_8 : vector<2000xi32> to vector<2000x1xi32>
    %eq3A_326 = arith.constant 27 : i32
    %eq3A_327 = vector.broadcast %eq3A_326 : i32 to vector<2000x1xi32>
    %eq3A_328 = arith.cmpi eq, %broadcast_in_dim3A_325, %eq3A_327 : vector<2000x1xi32>
    %jit3A_329 = arith.constant 0xFF800000 : f32
    %broadcast_in_dim3A_330 = vector.shape_cast %eq3A_328 : vector<2000x1xi1> to vector<2000x1xi1>
    %broadcast_in_dim3A_331 = vector.broadcast %broadcast_in_dim3A_330 : vector<2000x1xi1> to vector<2000x128xi1>
    %broadcast_in_dim3A_332 = vector.broadcast %jit3A_329 : f32 to vector<2000x128xf32>
    %select_n3A_333 = arith.select %broadcast_in_dim3A_331, %get3A_3, %broadcast_in_dim3A_332 : vector<2000x128xi1>, vector<2000x128xf32>
    %reduce_max3A_334 = arith.constant dense<0xFF800000> : vector<128xf32>
    %reduce_max3A_335 = vector.multi_reduction <maximumf>, %select_n3A_333, %reduce_max3A_334 [0] : vector<2000x128xf32> to vector<128xf32>
    %broadcast_in_dim3A_336 = vector.shape_cast %get3A_8 : vector<2000xi32> to vector<2000x1xi32>
    %eq3A_337 = arith.constant 28 : i32
    %eq3A_338 = vector.broadcast %eq3A_337 : i32 to vector<2000x1xi32>
    %eq3A_339 = arith.cmpi eq, %broadcast_in_dim3A_336, %eq3A_338 : vector<2000x1xi32>
    %jit3A_340 = arith.constant 0xFF800000 : f32
    %broadcast_in_dim3A_341 = vector.shape_cast %eq3A_339 : vector<2000x1xi1> to vector<2000x1xi1>
    %broadcast_in_dim3A_342 = vector.broadcast %broadcast_in_dim3A_341 : vector<2000x1xi1> to vector<2000x128xi1>
    %broadcast_in_dim3A_343 = vector.broadcast %jit3A_340 : f32 to vector<2000x128xf32>
    %select_n3A_344 = arith.select %broadcast_in_dim3A_342, %get3A_3, %broadcast_in_dim3A_343 : vector<2000x128xi1>, vector<2000x128xf32>
    %reduce_max3A_345 = arith.constant dense<0xFF800000> : vector<128xf32>
    %reduce_max3A_346 = vector.multi_reduction <maximumf>, %select_n3A_344, %reduce_max3A_345 [0] : vector<2000x128xf32> to vector<128xf32>
    %broadcast_in_dim3A_347 = vector.shape_cast %get3A_8 : vector<2000xi32> to vector<2000x1xi32>
    %eq3A_348 = arith.constant 29 : i32
    %eq3A_349 = vector.broadcast %eq3A_348 : i32 to vector<2000x1xi32>
    %eq3A_350 = arith.cmpi eq, %broadcast_in_dim3A_347, %eq3A_349 : vector<2000x1xi32>
    %jit3A_351 = arith.constant 0xFF800000 : f32
    %broadcast_in_dim3A_352 = vector.shape_cast %eq3A_350 : vector<2000x1xi1> to vector<2000x1xi1>
    %broadcast_in_dim3A_353 = vector.broadcast %broadcast_in_dim3A_352 : vector<2000x1xi1> to vector<2000x128xi1>
    %broadcast_in_dim3A_354 = vector.broadcast %jit3A_351 : f32 to vector<2000x128xf32>
    %select_n3A_355 = arith.select %broadcast_in_dim3A_353, %get3A_3, %broadcast_in_dim3A_354 : vector<2000x128xi1>, vector<2000x128xf32>
    %reduce_max3A_356 = arith.constant dense<0xFF800000> : vector<128xf32>
    %reduce_max3A_357 = vector.multi_reduction <maximumf>, %select_n3A_355, %reduce_max3A_356 [0] : vector<2000x128xf32> to vector<128xf32>
    %broadcast_in_dim3A_358 = vector.shape_cast %get3A_8 : vector<2000xi32> to vector<2000x1xi32>
    %eq3A_359 = arith.constant 30 : i32
    %eq3A_360 = vector.broadcast %eq3A_359 : i32 to vector<2000x1xi32>
    %eq3A_361 = arith.cmpi eq, %broadcast_in_dim3A_358, %eq3A_360 : vector<2000x1xi32>
    %jit3A_362 = arith.constant 0xFF800000 : f32
    %broadcast_in_dim3A_363 = vector.shape_cast %eq3A_361 : vector<2000x1xi1> to vector<2000x1xi1>
    %broadcast_in_dim3A_364 = vector.broadcast %broadcast_in_dim3A_363 : vector<2000x1xi1> to vector<2000x128xi1>
    %broadcast_in_dim3A_365 = vector.broadcast %jit3A_362 : f32 to vector<2000x128xf32>
    %select_n3A_366 = arith.select %broadcast_in_dim3A_364, %get3A_3, %broadcast_in_dim3A_365 : vector<2000x128xi1>, vector<2000x128xf32>
    %reduce_max3A_367 = arith.constant dense<0xFF800000> : vector<128xf32>
    %reduce_max3A_368 = vector.multi_reduction <maximumf>, %select_n3A_366, %reduce_max3A_367 [0] : vector<2000x128xf32> to vector<128xf32>
    %broadcast_in_dim3A_369 = vector.shape_cast %get3A_8 : vector<2000xi32> to vector<2000x1xi32>
    %eq3A_370 = arith.constant 31 : i32
    %eq3A_371 = vector.broadcast %eq3A_370 : i32 to vector<2000x1xi32>
    %eq3A_372 = arith.cmpi eq, %broadcast_in_dim3A_369, %eq3A_371 : vector<2000x1xi32>
    %jit3A_373 = arith.constant 0xFF800000 : f32
    %broadcast_in_dim3A_374 = vector.shape_cast %eq3A_372 : vector<2000x1xi1> to vector<2000x1xi1>
    %broadcast_in_dim3A_375 = vector.broadcast %broadcast_in_dim3A_374 : vector<2000x1xi1> to vector<2000x128xi1>
    %broadcast_in_dim3A_376 = vector.broadcast %jit3A_373 : f32 to vector<2000x128xf32>
    %select_n3A_377 = arith.select %broadcast_in_dim3A_375, %get3A_3, %broadcast_in_dim3A_376 : vector<2000x128xi1>, vector<2000x128xf32>
    %reduce_max3A_378 = arith.constant dense<0xFF800000> : vector<128xf32>
    %reduce_max3A_379 = vector.multi_reduction <maximumf>, %select_n3A_377, %reduce_max3A_378 [0] : vector<2000x128xf32> to vector<128xf32>
    %broadcast_in_dim3A_380 = vector.shape_cast %get3A_8 : vector<2000xi32> to vector<2000x1xi32>
    %eq3A_381 = arith.constant 32 : i32
    %eq3A_382 = vector.broadcast %eq3A_381 : i32 to vector<2000x1xi32>
    %eq3A_383 = arith.cmpi eq, %broadcast_in_dim3A_380, %eq3A_382 : vector<2000x1xi32>
    %jit3A_384 = arith.constant 0xFF800000 : f32
    %broadcast_in_dim3A_385 = vector.shape_cast %eq3A_383 : vector<2000x1xi1> to vector<2000x1xi1>
    %broadcast_in_dim3A_386 = vector.broadcast %broadcast_in_dim3A_385 : vector<2000x1xi1> to vector<2000x128xi1>
    %broadcast_in_dim3A_387 = vector.broadcast %jit3A_384 : f32 to vector<2000x128xf32>
    %select_n3A_388 = arith.select %broadcast_in_dim3A_386, %get3A_3, %broadcast_in_dim3A_387 : vector<2000x128xi1>, vector<2000x128xf32>
    %reduce_max3A_389 = arith.constant dense<0xFF800000> : vector<128xf32>
    %reduce_max3A_390 = vector.multi_reduction <maximumf>, %select_n3A_388, %reduce_max3A_389 [0] : vector<2000x128xf32> to vector<128xf32>
    %broadcast_in_dim3A_391 = vector.shape_cast %get3A_8 : vector<2000xi32> to vector<2000x1xi32>
    %eq3A_392 = arith.constant 33 : i32
    %eq3A_393 = vector.broadcast %eq3A_392 : i32 to vector<2000x1xi32>
    %eq3A_394 = arith.cmpi eq, %broadcast_in_dim3A_391, %eq3A_393 : vector<2000x1xi32>
    %jit3A_395 = arith.constant 0xFF800000 : f32
    %broadcast_in_dim3A_396 = vector.shape_cast %eq3A_394 : vector<2000x1xi1> to vector<2000x1xi1>
    %broadcast_in_dim3A_397 = vector.broadcast %broadcast_in_dim3A_396 : vector<2000x1xi1> to vector<2000x128xi1>
    %broadcast_in_dim3A_398 = vector.broadcast %jit3A_395 : f32 to vector<2000x128xf32>
    %select_n3A_399 = arith.select %broadcast_in_dim3A_397, %get3A_3, %broadcast_in_dim3A_398 : vector<2000x128xi1>, vector<2000x128xf32>
    %reduce_max3A_400 = arith.constant dense<0xFF800000> : vector<128xf32>
    %reduce_max3A_401 = vector.multi_reduction <maximumf>, %select_n3A_399, %reduce_max3A_400 [0] : vector<2000x128xf32> to vector<128xf32>
    %broadcast_in_dim3A_402 = vector.shape_cast %get3A_8 : vector<2000xi32> to vector<2000x1xi32>
    %eq3A_403 = arith.constant 34 : i32
    %eq3A_404 = vector.broadcast %eq3A_403 : i32 to vector<2000x1xi32>
    %eq3A_405 = arith.cmpi eq, %broadcast_in_dim3A_402, %eq3A_404 : vector<2000x1xi32>
    %jit3A_406 = arith.constant 0xFF800000 : f32
    %broadcast_in_dim3A_407 = vector.shape_cast %eq3A_405 : vector<2000x1xi1> to vector<2000x1xi1>
    %broadcast_in_dim3A_408 = vector.broadcast %broadcast_in_dim3A_407 : vector<2000x1xi1> to vector<2000x128xi1>
    %broadcast_in_dim3A_409 = vector.broadcast %jit3A_406 : f32 to vector<2000x128xf32>
    %select_n3A_410 = arith.select %broadcast_in_dim3A_408, %get3A_3, %broadcast_in_dim3A_409 : vector<2000x128xi1>, vector<2000x128xf32>
    %reduce_max3A_411 = arith.constant dense<0xFF800000> : vector<128xf32>
    %reduce_max3A_412 = vector.multi_reduction <maximumf>, %select_n3A_410, %reduce_max3A_411 [0] : vector<2000x128xf32> to vector<128xf32>
    %broadcast_in_dim3A_413 = vector.shape_cast %get3A_8 : vector<2000xi32> to vector<2000x1xi32>
    %eq3A_414 = arith.constant 35 : i32
    %eq3A_415 = vector.broadcast %eq3A_414 : i32 to vector<2000x1xi32>
    %eq3A_416 = arith.cmpi eq, %broadcast_in_dim3A_413, %eq3A_415 : vector<2000x1xi32>
    %jit3A_417 = arith.constant 0xFF800000 : f32
    %broadcast_in_dim3A_418 = vector.shape_cast %eq3A_416 : vector<2000x1xi1> to vector<2000x1xi1>
    %broadcast_in_dim3A_419 = vector.broadcast %broadcast_in_dim3A_418 : vector<2000x1xi1> to vector<2000x128xi1>
    %broadcast_in_dim3A_420 = vector.broadcast %jit3A_417 : f32 to vector<2000x128xf32>
    %select_n3A_421 = arith.select %broadcast_in_dim3A_419, %get3A_3, %broadcast_in_dim3A_420 : vector<2000x128xi1>, vector<2000x128xf32>
    %reduce_max3A_422 = arith.constant dense<0xFF800000> : vector<128xf32>
    %reduce_max3A_423 = vector.multi_reduction <maximumf>, %select_n3A_421, %reduce_max3A_422 [0] : vector<2000x128xf32> to vector<128xf32>
    %broadcast_in_dim3A_424 = vector.shape_cast %get3A_8 : vector<2000xi32> to vector<2000x1xi32>
    %eq3A_425 = arith.constant 36 : i32
    %eq3A_426 = vector.broadcast %eq3A_425 : i32 to vector<2000x1xi32>
    %eq3A_427 = arith.cmpi eq, %broadcast_in_dim3A_424, %eq3A_426 : vector<2000x1xi32>
    %jit3A_428 = arith.constant 0xFF800000 : f32
    %broadcast_in_dim3A_429 = vector.shape_cast %eq3A_427 : vector<2000x1xi1> to vector<2000x1xi1>
    %broadcast_in_dim3A_430 = vector.broadcast %broadcast_in_dim3A_429 : vector<2000x1xi1> to vector<2000x128xi1>
    %broadcast_in_dim3A_431 = vector.broadcast %jit3A_428 : f32 to vector<2000x128xf32>
    %select_n3A_432 = arith.select %broadcast_in_dim3A_430, %get3A_3, %broadcast_in_dim3A_431 : vector<2000x128xi1>, vector<2000x128xf32>
    %reduce_max3A_433 = arith.constant dense<0xFF800000> : vector<128xf32>
    %reduce_max3A_434 = vector.multi_reduction <maximumf>, %select_n3A_432, %reduce_max3A_433 [0] : vector<2000x128xf32> to vector<128xf32>
    %broadcast_in_dim3A_435 = vector.shape_cast %get3A_8 : vector<2000xi32> to vector<2000x1xi32>
    %eq3A_436 = arith.constant 37 : i32
    %eq3A_437 = vector.broadcast %eq3A_436 : i32 to vector<2000x1xi32>
    %eq3A_438 = arith.cmpi eq, %broadcast_in_dim3A_435, %eq3A_437 : vector<2000x1xi32>
    %jit3A_439 = arith.constant 0xFF800000 : f32
    %broadcast_in_dim3A_440 = vector.shape_cast %eq3A_438 : vector<2000x1xi1> to vector<2000x1xi1>
    %broadcast_in_dim3A_441 = vector.broadcast %broadcast_in_dim3A_440 : vector<2000x1xi1> to vector<2000x128xi1>
    %broadcast_in_dim3A_442 = vector.broadcast %jit3A_439 : f32 to vector<2000x128xf32>
    %select_n3A_443 = arith.select %broadcast_in_dim3A_441, %get3A_3, %broadcast_in_dim3A_442 : vector<2000x128xi1>, vector<2000x128xf32>
    %reduce_max3A_444 = arith.constant dense<0xFF800000> : vector<128xf32>
    %reduce_max3A_445 = vector.multi_reduction <maximumf>, %select_n3A_443, %reduce_max3A_444 [0] : vector<2000x128xf32> to vector<128xf32>
    %broadcast_in_dim3A_446 = vector.shape_cast %get3A_8 : vector<2000xi32> to vector<2000x1xi32>
    %eq3A_447 = arith.constant 38 : i32
    %eq3A_448 = vector.broadcast %eq3A_447 : i32 to vector<2000x1xi32>
    %eq3A_449 = arith.cmpi eq, %broadcast_in_dim3A_446, %eq3A_448 : vector<2000x1xi32>
    %jit3A_450 = arith.constant 0xFF800000 : f32
    %broadcast_in_dim3A_451 = vector.shape_cast %eq3A_449 : vector<2000x1xi1> to vector<2000x1xi1>
    %broadcast_in_dim3A_452 = vector.broadcast %broadcast_in_dim3A_451 : vector<2000x1xi1> to vector<2000x128xi1>
    %broadcast_in_dim3A_453 = vector.broadcast %jit3A_450 : f32 to vector<2000x128xf32>
    %select_n3A_454 = arith.select %broadcast_in_dim3A_452, %get3A_3, %broadcast_in_dim3A_453 : vector<2000x128xi1>, vector<2000x128xf32>
    %reduce_max3A_455 = arith.constant dense<0xFF800000> : vector<128xf32>
    %reduce_max3A_456 = vector.multi_reduction <maximumf>, %select_n3A_454, %reduce_max3A_455 [0] : vector<2000x128xf32> to vector<128xf32>
    %broadcast_in_dim3A_457 = vector.shape_cast %get3A_8 : vector<2000xi32> to vector<2000x1xi32>
    %eq3A_458 = arith.constant 39 : i32
    %eq3A_459 = vector.broadcast %eq3A_458 : i32 to vector<2000x1xi32>
    %eq3A_460 = arith.cmpi eq, %broadcast_in_dim3A_457, %eq3A_459 : vector<2000x1xi32>
    %jit3A_461 = arith.constant 0xFF800000 : f32
    %broadcast_in_dim3A_462 = vector.shape_cast %eq3A_460 : vector<2000x1xi1> to vector<2000x1xi1>
    %broadcast_in_dim3A_463 = vector.broadcast %broadcast_in_dim3A_462 : vector<2000x1xi1> to vector<2000x128xi1>
    %broadcast_in_dim3A_464 = vector.broadcast %jit3A_461 : f32 to vector<2000x128xf32>
    %select_n3A_465 = arith.select %broadcast_in_dim3A_463, %get3A_3, %broadcast_in_dim3A_464 : vector<2000x128xi1>, vector<2000x128xf32>
    %reduce_max3A_466 = arith.constant dense<0xFF800000> : vector<128xf32>
    %reduce_max3A_467 = vector.multi_reduction <maximumf>, %select_n3A_465, %reduce_max3A_466 [0] : vector<2000x128xf32> to vector<128xf32>
    %broadcast_in_dim3A_468 = vector.shape_cast %get3A_8 : vector<2000xi32> to vector<2000x1xi32>
    %eq3A_469 = arith.constant 40 : i32
    %eq3A_470 = vector.broadcast %eq3A_469 : i32 to vector<2000x1xi32>
    %eq3A_471 = arith.cmpi eq, %broadcast_in_dim3A_468, %eq3A_470 : vector<2000x1xi32>
    %jit3A_472 = arith.constant 0xFF800000 : f32
    %broadcast_in_dim3A_473 = vector.shape_cast %eq3A_471 : vector<2000x1xi1> to vector<2000x1xi1>
    %broadcast_in_dim3A_474 = vector.broadcast %broadcast_in_dim3A_473 : vector<2000x1xi1> to vector<2000x128xi1>
    %broadcast_in_dim3A_475 = vector.broadcast %jit3A_472 : f32 to vector<2000x128xf32>
    %select_n3A_476 = arith.select %broadcast_in_dim3A_474, %get3A_3, %broadcast_in_dim3A_475 : vector<2000x128xi1>, vector<2000x128xf32>
    %reduce_max3A_477 = arith.constant dense<0xFF800000> : vector<128xf32>
    %reduce_max3A_478 = vector.multi_reduction <maximumf>, %select_n3A_476, %reduce_max3A_477 [0] : vector<2000x128xf32> to vector<128xf32>
    %broadcast_in_dim3A_479 = vector.shape_cast %get3A_8 : vector<2000xi32> to vector<2000x1xi32>
    %eq3A_480 = arith.constant 41 : i32
    %eq3A_481 = vector.broadcast %eq3A_480 : i32 to vector<2000x1xi32>
    %eq3A_482 = arith.cmpi eq, %broadcast_in_dim3A_479, %eq3A_481 : vector<2000x1xi32>
    %jit3A_483 = arith.constant 0xFF800000 : f32
    %broadcast_in_dim3A_484 = vector.shape_cast %eq3A_482 : vector<2000x1xi1> to vector<2000x1xi1>
    %broadcast_in_dim3A_485 = vector.broadcast %broadcast_in_dim3A_484 : vector<2000x1xi1> to vector<2000x128xi1>
    %broadcast_in_dim3A_486 = vector.broadcast %jit3A_483 : f32 to vector<2000x128xf32>
    %select_n3A_487 = arith.select %broadcast_in_dim3A_485, %get3A_3, %broadcast_in_dim3A_486 : vector<2000x128xi1>, vector<2000x128xf32>
    %reduce_max3A_488 = arith.constant dense<0xFF800000> : vector<128xf32>
    %reduce_max3A_489 = vector.multi_reduction <maximumf>, %select_n3A_487, %reduce_max3A_488 [0] : vector<2000x128xf32> to vector<128xf32>
    %broadcast_in_dim3A_490 = vector.shape_cast %get3A_8 : vector<2000xi32> to vector<2000x1xi32>
    %eq3A_491 = arith.constant 42 : i32
    %eq3A_492 = vector.broadcast %eq3A_491 : i32 to vector<2000x1xi32>
    %eq3A_493 = arith.cmpi eq, %broadcast_in_dim3A_490, %eq3A_492 : vector<2000x1xi32>
    %jit3A_494 = arith.constant 0xFF800000 : f32
    %broadcast_in_dim3A_495 = vector.shape_cast %eq3A_493 : vector<2000x1xi1> to vector<2000x1xi1>
    %broadcast_in_dim3A_496 = vector.broadcast %broadcast_in_dim3A_495 : vector<2000x1xi1> to vector<2000x128xi1>
    %broadcast_in_dim3A_497 = vector.broadcast %jit3A_494 : f32 to vector<2000x128xf32>
    %select_n3A_498 = arith.select %broadcast_in_dim3A_496, %get3A_3, %broadcast_in_dim3A_497 : vector<2000x128xi1>, vector<2000x128xf32>
    %reduce_max3A_499 = arith.constant dense<0xFF800000> : vector<128xf32>
    %reduce_max3A_500 = vector.multi_reduction <maximumf>, %select_n3A_498, %reduce_max3A_499 [0] : vector<2000x128xf32> to vector<128xf32>
    %broadcast_in_dim3A_501 = vector.shape_cast %get3A_8 : vector<2000xi32> to vector<2000x1xi32>
    %eq3A_502 = arith.constant 43 : i32
    %eq3A_503 = vector.broadcast %eq3A_502 : i32 to vector<2000x1xi32>
    %eq3A_504 = arith.cmpi eq, %broadcast_in_dim3A_501, %eq3A_503 : vector<2000x1xi32>
    %jit3A_505 = arith.constant 0xFF800000 : f32
    %broadcast_in_dim3A_506 = vector.shape_cast %eq3A_504 : vector<2000x1xi1> to vector<2000x1xi1>
    %broadcast_in_dim3A_507 = vector.broadcast %broadcast_in_dim3A_506 : vector<2000x1xi1> to vector<2000x128xi1>
    %broadcast_in_dim3A_508 = vector.broadcast %jit3A_505 : f32 to vector<2000x128xf32>
    %select_n3A_509 = arith.select %broadcast_in_dim3A_507, %get3A_3, %broadcast_in_dim3A_508 : vector<2000x128xi1>, vector<2000x128xf32>
    %reduce_max3A_510 = arith.constant dense<0xFF800000> : vector<128xf32>
    %reduce_max3A_511 = vector.multi_reduction <maximumf>, %select_n3A_509, %reduce_max3A_510 [0] : vector<2000x128xf32> to vector<128xf32>
    %broadcast_in_dim3A_512 = vector.shape_cast %get3A_8 : vector<2000xi32> to vector<2000x1xi32>
    %eq3A_513 = arith.constant 44 : i32
    %eq3A_514 = vector.broadcast %eq3A_513 : i32 to vector<2000x1xi32>
    %eq3A_515 = arith.cmpi eq, %broadcast_in_dim3A_512, %eq3A_514 : vector<2000x1xi32>
    %jit3A_516 = arith.constant 0xFF800000 : f32
    %broadcast_in_dim3A_517 = vector.shape_cast %eq3A_515 : vector<2000x1xi1> to vector<2000x1xi1>
    %broadcast_in_dim3A_518 = vector.broadcast %broadcast_in_dim3A_517 : vector<2000x1xi1> to vector<2000x128xi1>
    %broadcast_in_dim3A_519 = vector.broadcast %jit3A_516 : f32 to vector<2000x128xf32>
    %select_n3A_520 = arith.select %broadcast_in_dim3A_518, %get3A_3, %broadcast_in_dim3A_519 : vector<2000x128xi1>, vector<2000x128xf32>
    %reduce_max3A_521 = arith.constant dense<0xFF800000> : vector<128xf32>
    %reduce_max3A_522 = vector.multi_reduction <maximumf>, %select_n3A_520, %reduce_max3A_521 [0] : vector<2000x128xf32> to vector<128xf32>
    %broadcast_in_dim3A_523 = vector.shape_cast %get3A_8 : vector<2000xi32> to vector<2000x1xi32>
    %eq3A_524 = arith.constant 45 : i32
    %eq3A_525 = vector.broadcast %eq3A_524 : i32 to vector<2000x1xi32>
    %eq3A_526 = arith.cmpi eq, %broadcast_in_dim3A_523, %eq3A_525 : vector<2000x1xi32>
    %jit3A_527 = arith.constant 0xFF800000 : f32
    %broadcast_in_dim3A_528 = vector.shape_cast %eq3A_526 : vector<2000x1xi1> to vector<2000x1xi1>
    %broadcast_in_dim3A_529 = vector.broadcast %broadcast_in_dim3A_528 : vector<2000x1xi1> to vector<2000x128xi1>
    %broadcast_in_dim3A_530 = vector.broadcast %jit3A_527 : f32 to vector<2000x128xf32>
    %select_n3A_531 = arith.select %broadcast_in_dim3A_529, %get3A_3, %broadcast_in_dim3A_530 : vector<2000x128xi1>, vector<2000x128xf32>
    %reduce_max3A_532 = arith.constant dense<0xFF800000> : vector<128xf32>
    %reduce_max3A_533 = vector.multi_reduction <maximumf>, %select_n3A_531, %reduce_max3A_532 [0] : vector<2000x128xf32> to vector<128xf32>
    %broadcast_in_dim3A_534 = vector.shape_cast %get3A_8 : vector<2000xi32> to vector<2000x1xi32>
    %eq3A_535 = arith.constant 46 : i32
    %eq3A_536 = vector.broadcast %eq3A_535 : i32 to vector<2000x1xi32>
    %eq3A_537 = arith.cmpi eq, %broadcast_in_dim3A_534, %eq3A_536 : vector<2000x1xi32>
    %jit3A_538 = arith.constant 0xFF800000 : f32
    %broadcast_in_dim3A_539 = vector.shape_cast %eq3A_537 : vector<2000x1xi1> to vector<2000x1xi1>
    %broadcast_in_dim3A_540 = vector.broadcast %broadcast_in_dim3A_539 : vector<2000x1xi1> to vector<2000x128xi1>
    %broadcast_in_dim3A_541 = vector.broadcast %jit3A_538 : f32 to vector<2000x128xf32>
    %select_n3A_542 = arith.select %broadcast_in_dim3A_540, %get3A_3, %broadcast_in_dim3A_541 : vector<2000x128xi1>, vector<2000x128xf32>
    %reduce_max3A_543 = arith.constant dense<0xFF800000> : vector<128xf32>
    %reduce_max3A_544 = vector.multi_reduction <maximumf>, %select_n3A_542, %reduce_max3A_543 [0] : vector<2000x128xf32> to vector<128xf32>
    %broadcast_in_dim3A_545 = vector.shape_cast %get3A_8 : vector<2000xi32> to vector<2000x1xi32>
    %eq3A_546 = arith.constant 47 : i32
    %eq3A_547 = vector.broadcast %eq3A_546 : i32 to vector<2000x1xi32>
    %eq3A_548 = arith.cmpi eq, %broadcast_in_dim3A_545, %eq3A_547 : vector<2000x1xi32>
    %jit3A_549 = arith.constant 0xFF800000 : f32
    %broadcast_in_dim3A_550 = vector.shape_cast %eq3A_548 : vector<2000x1xi1> to vector<2000x1xi1>
    %broadcast_in_dim3A_551 = vector.broadcast %broadcast_in_dim3A_550 : vector<2000x1xi1> to vector<2000x128xi1>
    %broadcast_in_dim3A_552 = vector.broadcast %jit3A_549 : f32 to vector<2000x128xf32>
    %select_n3A_553 = arith.select %broadcast_in_dim3A_551, %get3A_3, %broadcast_in_dim3A_552 : vector<2000x128xi1>, vector<2000x128xf32>
    %reduce_max3A_554 = arith.constant dense<0xFF800000> : vector<128xf32>
    %reduce_max3A_555 = vector.multi_reduction <maximumf>, %select_n3A_553, %reduce_max3A_554 [0] : vector<2000x128xf32> to vector<128xf32>
    %broadcast_in_dim3A_556 = vector.shape_cast %get3A_8 : vector<2000xi32> to vector<2000x1xi32>
    %eq3A_557 = arith.constant 48 : i32
    %eq3A_558 = vector.broadcast %eq3A_557 : i32 to vector<2000x1xi32>
    %eq3A_559 = arith.cmpi eq, %broadcast_in_dim3A_556, %eq3A_558 : vector<2000x1xi32>
    %jit3A_560 = arith.constant 0xFF800000 : f32
    %broadcast_in_dim3A_561 = vector.shape_cast %eq3A_559 : vector<2000x1xi1> to vector<2000x1xi1>
    %broadcast_in_dim3A_562 = vector.broadcast %broadcast_in_dim3A_561 : vector<2000x1xi1> to vector<2000x128xi1>
    %broadcast_in_dim3A_563 = vector.broadcast %jit3A_560 : f32 to vector<2000x128xf32>
    %select_n3A_564 = arith.select %broadcast_in_dim3A_562, %get3A_3, %broadcast_in_dim3A_563 : vector<2000x128xi1>, vector<2000x128xf32>
    %reduce_max3A_565 = arith.constant dense<0xFF800000> : vector<128xf32>
    %reduce_max3A_566 = vector.multi_reduction <maximumf>, %select_n3A_564, %reduce_max3A_565 [0] : vector<2000x128xf32> to vector<128xf32>
    %broadcast_in_dim3A_567 = vector.shape_cast %get3A_8 : vector<2000xi32> to vector<2000x1xi32>
    %eq3A_568 = arith.constant 49 : i32
    %eq3A_569 = vector.broadcast %eq3A_568 : i32 to vector<2000x1xi32>
    %eq3A_570 = arith.cmpi eq, %broadcast_in_dim3A_567, %eq3A_569 : vector<2000x1xi32>
    %jit3A_571 = arith.constant 0xFF800000 : f32
    %broadcast_in_dim3A_572 = vector.shape_cast %eq3A_570 : vector<2000x1xi1> to vector<2000x1xi1>
    %broadcast_in_dim3A_573 = vector.broadcast %broadcast_in_dim3A_572 : vector<2000x1xi1> to vector<2000x128xi1>
    %broadcast_in_dim3A_574 = vector.broadcast %jit3A_571 : f32 to vector<2000x128xf32>
    %select_n3A_575 = arith.select %broadcast_in_dim3A_573, %get3A_3, %broadcast_in_dim3A_574 : vector<2000x128xi1>, vector<2000x128xf32>
    %reduce_max3A_576 = arith.constant dense<0xFF800000> : vector<128xf32>
    %reduce_max3A_577 = vector.multi_reduction <maximumf>, %select_n3A_575, %reduce_max3A_576 [0] : vector<2000x128xf32> to vector<128xf32>
    %broadcast_in_dim3A_578 = vector.shape_cast %get3A_8 : vector<2000xi32> to vector<2000x1xi32>
    %eq3A_579 = arith.constant 50 : i32
    %eq3A_580 = vector.broadcast %eq3A_579 : i32 to vector<2000x1xi32>
    %eq3A_581 = arith.cmpi eq, %broadcast_in_dim3A_578, %eq3A_580 : vector<2000x1xi32>
    %jit3A_582 = arith.constant 0xFF800000 : f32
    %broadcast_in_dim3A_583 = vector.shape_cast %eq3A_581 : vector<2000x1xi1> to vector<2000x1xi1>
    %broadcast_in_dim3A_584 = vector.broadcast %broadcast_in_dim3A_583 : vector<2000x1xi1> to vector<2000x128xi1>
    %broadcast_in_dim3A_585 = vector.broadcast %jit3A_582 : f32 to vector<2000x128xf32>
    %select_n3A_586 = arith.select %broadcast_in_dim3A_584, %get3A_3, %broadcast_in_dim3A_585 : vector<2000x128xi1>, vector<2000x128xf32>
    %reduce_max3A_587 = arith.constant dense<0xFF800000> : vector<128xf32>
    %reduce_max3A_588 = vector.multi_reduction <maximumf>, %select_n3A_586, %reduce_max3A_587 [0] : vector<2000x128xf32> to vector<128xf32>
    %broadcast_in_dim3A_589 = vector.shape_cast %get3A_8 : vector<2000xi32> to vector<2000x1xi32>
    %eq3A_590 = arith.constant 51 : i32
    %eq3A_591 = vector.broadcast %eq3A_590 : i32 to vector<2000x1xi32>
    %eq3A_592 = arith.cmpi eq, %broadcast_in_dim3A_589, %eq3A_591 : vector<2000x1xi32>
    %jit3A_593 = arith.constant 0xFF800000 : f32
    %broadcast_in_dim3A_594 = vector.shape_cast %eq3A_592 : vector<2000x1xi1> to vector<2000x1xi1>
    %broadcast_in_dim3A_595 = vector.broadcast %broadcast_in_dim3A_594 : vector<2000x1xi1> to vector<2000x128xi1>
    %broadcast_in_dim3A_596 = vector.broadcast %jit3A_593 : f32 to vector<2000x128xf32>
    %select_n3A_597 = arith.select %broadcast_in_dim3A_595, %get3A_3, %broadcast_in_dim3A_596 : vector<2000x128xi1>, vector<2000x128xf32>
    %reduce_max3A_598 = arith.constant dense<0xFF800000> : vector<128xf32>
    %reduce_max3A_599 = vector.multi_reduction <maximumf>, %select_n3A_597, %reduce_max3A_598 [0] : vector<2000x128xf32> to vector<128xf32>
    %broadcast_in_dim3A_600 = vector.shape_cast %get3A_8 : vector<2000xi32> to vector<2000x1xi32>
    %eq3A_601 = arith.constant 52 : i32
    %eq3A_602 = vector.broadcast %eq3A_601 : i32 to vector<2000x1xi32>
    %eq3A_603 = arith.cmpi eq, %broadcast_in_dim3A_600, %eq3A_602 : vector<2000x1xi32>
    %jit3A_604 = arith.constant 0xFF800000 : f32
    %broadcast_in_dim3A_605 = vector.shape_cast %eq3A_603 : vector<2000x1xi1> to vector<2000x1xi1>
    %broadcast_in_dim3A_606 = vector.broadcast %broadcast_in_dim3A_605 : vector<2000x1xi1> to vector<2000x128xi1>
    %broadcast_in_dim3A_607 = vector.broadcast %jit3A_604 : f32 to vector<2000x128xf32>
    %select_n3A_608 = arith.select %broadcast_in_dim3A_606, %get3A_3, %broadcast_in_dim3A_607 : vector<2000x128xi1>, vector<2000x128xf32>
    %reduce_max3A_609 = arith.constant dense<0xFF800000> : vector<128xf32>
    %reduce_max3A_610 = vector.multi_reduction <maximumf>, %select_n3A_608, %reduce_max3A_609 [0] : vector<2000x128xf32> to vector<128xf32>
    %broadcast_in_dim3A_611 = vector.shape_cast %get3A_8 : vector<2000xi32> to vector<2000x1xi32>
    %eq3A_612 = arith.constant 53 : i32
    %eq3A_613 = vector.broadcast %eq3A_612 : i32 to vector<2000x1xi32>
    %eq3A_614 = arith.cmpi eq, %broadcast_in_dim3A_611, %eq3A_613 : vector<2000x1xi32>
    %jit3A_615 = arith.constant 0xFF800000 : f32
    %broadcast_in_dim3A_616 = vector.shape_cast %eq3A_614 : vector<2000x1xi1> to vector<2000x1xi1>
    %broadcast_in_dim3A_617 = vector.broadcast %broadcast_in_dim3A_616 : vector<2000x1xi1> to vector<2000x128xi1>
    %broadcast_in_dim3A_618 = vector.broadcast %jit3A_615 : f32 to vector<2000x128xf32>
    %select_n3A_619 = arith.select %broadcast_in_dim3A_617, %get3A_3, %broadcast_in_dim3A_618 : vector<2000x128xi1>, vector<2000x128xf32>
    %reduce_max3A_620 = arith.constant dense<0xFF800000> : vector<128xf32>
    %reduce_max3A_621 = vector.multi_reduction <maximumf>, %select_n3A_619, %reduce_max3A_620 [0] : vector<2000x128xf32> to vector<128xf32>
    %broadcast_in_dim3A_622 = vector.shape_cast %get3A_8 : vector<2000xi32> to vector<2000x1xi32>
    %eq3A_623 = arith.constant 54 : i32
    %eq3A_624 = vector.broadcast %eq3A_623 : i32 to vector<2000x1xi32>
    %eq3A_625 = arith.cmpi eq, %broadcast_in_dim3A_622, %eq3A_624 : vector<2000x1xi32>
    %jit3A_626 = arith.constant 0xFF800000 : f32
    %broadcast_in_dim3A_627 = vector.shape_cast %eq3A_625 : vector<2000x1xi1> to vector<2000x1xi1>
    %broadcast_in_dim3A_628 = vector.broadcast %broadcast_in_dim3A_627 : vector<2000x1xi1> to vector<2000x128xi1>
    %broadcast_in_dim3A_629 = vector.broadcast %jit3A_626 : f32 to vector<2000x128xf32>
    %select_n3A_630 = arith.select %broadcast_in_dim3A_628, %get3A_3, %broadcast_in_dim3A_629 : vector<2000x128xi1>, vector<2000x128xf32>
    %reduce_max3A_631 = arith.constant dense<0xFF800000> : vector<128xf32>
    %reduce_max3A_632 = vector.multi_reduction <maximumf>, %select_n3A_630, %reduce_max3A_631 [0] : vector<2000x128xf32> to vector<128xf32>
    %broadcast_in_dim3A_633 = vector.shape_cast %get3A_8 : vector<2000xi32> to vector<2000x1xi32>
    %eq3A_634 = arith.constant 55 : i32
    %eq3A_635 = vector.broadcast %eq3A_634 : i32 to vector<2000x1xi32>
    %eq3A_636 = arith.cmpi eq, %broadcast_in_dim3A_633, %eq3A_635 : vector<2000x1xi32>
    %jit3A_637 = arith.constant 0xFF800000 : f32
    %broadcast_in_dim3A_638 = vector.shape_cast %eq3A_636 : vector<2000x1xi1> to vector<2000x1xi1>
    %broadcast_in_dim3A_639 = vector.broadcast %broadcast_in_dim3A_638 : vector<2000x1xi1> to vector<2000x128xi1>
    %broadcast_in_dim3A_640 = vector.broadcast %jit3A_637 : f32 to vector<2000x128xf32>
    %select_n3A_641 = arith.select %broadcast_in_dim3A_639, %get3A_3, %broadcast_in_dim3A_640 : vector<2000x128xi1>, vector<2000x128xf32>
    %reduce_max3A_642 = arith.constant dense<0xFF800000> : vector<128xf32>
    %reduce_max3A_643 = vector.multi_reduction <maximumf>, %select_n3A_641, %reduce_max3A_642 [0] : vector<2000x128xf32> to vector<128xf32>
    %broadcast_in_dim3A_644 = vector.shape_cast %get3A_8 : vector<2000xi32> to vector<2000x1xi32>
    %eq3A_645 = arith.constant 56 : i32
    %eq3A_646 = vector.broadcast %eq3A_645 : i32 to vector<2000x1xi32>
    %eq3A_647 = arith.cmpi eq, %broadcast_in_dim3A_644, %eq3A_646 : vector<2000x1xi32>
    %jit3A_648 = arith.constant 0xFF800000 : f32
    %broadcast_in_dim3A_649 = vector.shape_cast %eq3A_647 : vector<2000x1xi1> to vector<2000x1xi1>
    %broadcast_in_dim3A_650 = vector.broadcast %broadcast_in_dim3A_649 : vector<2000x1xi1> to vector<2000x128xi1>
    %broadcast_in_dim3A_651 = vector.broadcast %jit3A_648 : f32 to vector<2000x128xf32>
    %select_n3A_652 = arith.select %broadcast_in_dim3A_650, %get3A_3, %broadcast_in_dim3A_651 : vector<2000x128xi1>, vector<2000x128xf32>
    %reduce_max3A_653 = arith.constant dense<0xFF800000> : vector<128xf32>
    %reduce_max3A_654 = vector.multi_reduction <maximumf>, %select_n3A_652, %reduce_max3A_653 [0] : vector<2000x128xf32> to vector<128xf32>
    %broadcast_in_dim3A_655 = vector.shape_cast %get3A_8 : vector<2000xi32> to vector<2000x1xi32>
    %eq3A_656 = arith.constant 57 : i32
    %eq3A_657 = vector.broadcast %eq3A_656 : i32 to vector<2000x1xi32>
    %eq3A_658 = arith.cmpi eq, %broadcast_in_dim3A_655, %eq3A_657 : vector<2000x1xi32>
    %jit3A_659 = arith.constant 0xFF800000 : f32
    %broadcast_in_dim3A_660 = vector.shape_cast %eq3A_658 : vector<2000x1xi1> to vector<2000x1xi1>
    %broadcast_in_dim3A_661 = vector.broadcast %broadcast_in_dim3A_660 : vector<2000x1xi1> to vector<2000x128xi1>
    %broadcast_in_dim3A_662 = vector.broadcast %jit3A_659 : f32 to vector<2000x128xf32>
    %select_n3A_663 = arith.select %broadcast_in_dim3A_661, %get3A_3, %broadcast_in_dim3A_662 : vector<2000x128xi1>, vector<2000x128xf32>
    %reduce_max3A_664 = arith.constant dense<0xFF800000> : vector<128xf32>
    %reduce_max3A_665 = vector.multi_reduction <maximumf>, %select_n3A_663, %reduce_max3A_664 [0] : vector<2000x128xf32> to vector<128xf32>
    %broadcast_in_dim3A_666 = vector.shape_cast %get3A_8 : vector<2000xi32> to vector<2000x1xi32>
    %eq3A_667 = arith.constant 58 : i32
    %eq3A_668 = vector.broadcast %eq3A_667 : i32 to vector<2000x1xi32>
    %eq3A_669 = arith.cmpi eq, %broadcast_in_dim3A_666, %eq3A_668 : vector<2000x1xi32>
    %jit3A_670 = arith.constant 0xFF800000 : f32
    %broadcast_in_dim3A_671 = vector.shape_cast %eq3A_669 : vector<2000x1xi1> to vector<2000x1xi1>
    %broadcast_in_dim3A_672 = vector.broadcast %broadcast_in_dim3A_671 : vector<2000x1xi1> to vector<2000x128xi1>
    %broadcast_in_dim3A_673 = vector.broadcast %jit3A_670 : f32 to vector<2000x128xf32>
    %select_n3A_674 = arith.select %broadcast_in_dim3A_672, %get3A_3, %broadcast_in_dim3A_673 : vector<2000x128xi1>, vector<2000x128xf32>
    %reduce_max3A_675 = arith.constant dense<0xFF800000> : vector<128xf32>
    %reduce_max3A_676 = vector.multi_reduction <maximumf>, %select_n3A_674, %reduce_max3A_675 [0] : vector<2000x128xf32> to vector<128xf32>
    %broadcast_in_dim3A_677 = vector.shape_cast %get3A_8 : vector<2000xi32> to vector<2000x1xi32>
    %eq3A_678 = arith.constant 59 : i32
    %eq3A_679 = vector.broadcast %eq3A_678 : i32 to vector<2000x1xi32>
    %eq3A_680 = arith.cmpi eq, %broadcast_in_dim3A_677, %eq3A_679 : vector<2000x1xi32>
    %jit3A_681 = arith.constant 0xFF800000 : f32
    %broadcast_in_dim3A_682 = vector.shape_cast %eq3A_680 : vector<2000x1xi1> to vector<2000x1xi1>
    %broadcast_in_dim3A_683 = vector.broadcast %broadcast_in_dim3A_682 : vector<2000x1xi1> to vector<2000x128xi1>
    %broadcast_in_dim3A_684 = vector.broadcast %jit3A_681 : f32 to vector<2000x128xf32>
    %select_n3A_685 = arith.select %broadcast_in_dim3A_683, %get3A_3, %broadcast_in_dim3A_684 : vector<2000x128xi1>, vector<2000x128xf32>
    %reduce_max3A_686 = arith.constant dense<0xFF800000> : vector<128xf32>
    %reduce_max3A_687 = vector.multi_reduction <maximumf>, %select_n3A_685, %reduce_max3A_686 [0] : vector<2000x128xf32> to vector<128xf32>
    %broadcast_in_dim3A_688 = vector.shape_cast %get3A_8 : vector<2000xi32> to vector<2000x1xi32>
    %eq3A_689 = arith.constant 60 : i32
    %eq3A_690 = vector.broadcast %eq3A_689 : i32 to vector<2000x1xi32>
    %eq3A_691 = arith.cmpi eq, %broadcast_in_dim3A_688, %eq3A_690 : vector<2000x1xi32>
    %jit3A_692 = arith.constant 0xFF800000 : f32
    %broadcast_in_dim3A_693 = vector.shape_cast %eq3A_691 : vector<2000x1xi1> to vector<2000x1xi1>
    %broadcast_in_dim3A_694 = vector.broadcast %broadcast_in_dim3A_693 : vector<2000x1xi1> to vector<2000x128xi1>
    %broadcast_in_dim3A_695 = vector.broadcast %jit3A_692 : f32 to vector<2000x128xf32>
    %select_n3A_696 = arith.select %broadcast_in_dim3A_694, %get3A_3, %broadcast_in_dim3A_695 : vector<2000x128xi1>, vector<2000x128xf32>
    %reduce_max3A_697 = arith.constant dense<0xFF800000> : vector<128xf32>
    %reduce_max3A_698 = vector.multi_reduction <maximumf>, %select_n3A_696, %reduce_max3A_697 [0] : vector<2000x128xf32> to vector<128xf32>
    %broadcast_in_dim3A_699 = vector.shape_cast %get3A_8 : vector<2000xi32> to vector<2000x1xi32>
    %eq3A_700 = arith.constant 61 : i32
    %eq3A_701 = vector.broadcast %eq3A_700 : i32 to vector<2000x1xi32>
    %eq3A_702 = arith.cmpi eq, %broadcast_in_dim3A_699, %eq3A_701 : vector<2000x1xi32>
    %jit3A_703 = arith.constant 0xFF800000 : f32
    %broadcast_in_dim3A_704 = vector.shape_cast %eq3A_702 : vector<2000x1xi1> to vector<2000x1xi1>
    %broadcast_in_dim3A_705 = vector.broadcast %broadcast_in_dim3A_704 : vector<2000x1xi1> to vector<2000x128xi1>
    %broadcast_in_dim3A_706 = vector.broadcast %jit3A_703 : f32 to vector<2000x128xf32>
    %select_n3A_707 = arith.select %broadcast_in_dim3A_705, %get3A_3, %broadcast_in_dim3A_706 : vector<2000x128xi1>, vector<2000x128xf32>
    %reduce_max3A_708 = arith.constant dense<0xFF800000> : vector<128xf32>
    %reduce_max3A_709 = vector.multi_reduction <maximumf>, %select_n3A_707, %reduce_max3A_708 [0] : vector<2000x128xf32> to vector<128xf32>
    %broadcast_in_dim3A_710 = vector.shape_cast %get3A_8 : vector<2000xi32> to vector<2000x1xi32>
    %eq3A_711 = arith.constant 62 : i32
    %eq3A_712 = vector.broadcast %eq3A_711 : i32 to vector<2000x1xi32>
    %eq3A_713 = arith.cmpi eq, %broadcast_in_dim3A_710, %eq3A_712 : vector<2000x1xi32>
    %jit3A_714 = arith.constant 0xFF800000 : f32
    %broadcast_in_dim3A_715 = vector.shape_cast %eq3A_713 : vector<2000x1xi1> to vector<2000x1xi1>
    %broadcast_in_dim3A_716 = vector.broadcast %broadcast_in_dim3A_715 : vector<2000x1xi1> to vector<2000x128xi1>
    %broadcast_in_dim3A_717 = vector.broadcast %jit3A_714 : f32 to vector<2000x128xf32>
    %select_n3A_718 = arith.select %broadcast_in_dim3A_716, %get3A_3, %broadcast_in_dim3A_717 : vector<2000x128xi1>, vector<2000x128xf32>
    %reduce_max3A_719 = arith.constant dense<0xFF800000> : vector<128xf32>
    %reduce_max3A_720 = vector.multi_reduction <maximumf>, %select_n3A_718, %reduce_max3A_719 [0] : vector<2000x128xf32> to vector<128xf32>
    %broadcast_in_dim3A_721 = vector.shape_cast %get3A_8 : vector<2000xi32> to vector<2000x1xi32>
    %eq3A_722 = arith.constant 63 : i32
    %eq3A_723 = vector.broadcast %eq3A_722 : i32 to vector<2000x1xi32>
    %eq3A_724 = arith.cmpi eq, %broadcast_in_dim3A_721, %eq3A_723 : vector<2000x1xi32>
    %jit3A_725 = arith.constant 0xFF800000 : f32
    %broadcast_in_dim3A_726 = vector.shape_cast %eq3A_724 : vector<2000x1xi1> to vector<2000x1xi1>
    %broadcast_in_dim3A_727 = vector.broadcast %broadcast_in_dim3A_726 : vector<2000x1xi1> to vector<2000x128xi1>
    %broadcast_in_dim3A_728 = vector.broadcast %jit3A_725 : f32 to vector<2000x128xf32>
    %select_n3A_729 = arith.select %broadcast_in_dim3A_727, %get3A_3, %broadcast_in_dim3A_728 : vector<2000x128xi1>, vector<2000x128xf32>
    %reduce_max3A_730 = arith.constant dense<0xFF800000> : vector<128xf32>
    %reduce_max3A_731 = vector.multi_reduction <maximumf>, %select_n3A_729, %reduce_max3A_730 [0] : vector<2000x128xf32> to vector<128xf32>
    %get3A_732 = arith.constant 0 : index
    %get3A_733 = arith.constant 0 : index
    %get3A_734 = vector.load %arg5[%get3A_732, %get3A_733] : memref<64x128xf32, #tpu.memory_space<vmem>>, vector<64x128xf32>
    %stack3A = vector.shape_cast %reduce_max3A_38 : vector<128xf32> to vector<1x128xf32>
    %stack3A_735 = vector.shape_cast %reduce_max3A_49 : vector<128xf32> to vector<1x128xf32>
    %stack3A_736 = vector.shape_cast %reduce_max3A_60 : vector<128xf32> to vector<1x128xf32>
    %stack3A_737 = vector.shape_cast %reduce_max3A_71 : vector<128xf32> to vector<1x128xf32>
    %stack3A_738 = vector.shape_cast %reduce_max3A_82 : vector<128xf32> to vector<1x128xf32>
    %stack3A_739 = vector.shape_cast %reduce_max3A_93 : vector<128xf32> to vector<1x128xf32>
    %stack3A_740 = vector.shape_cast %reduce_max3A_104 : vector<128xf32> to vector<1x128xf32>
    %stack3A_741 = vector.shape_cast %reduce_max3A_115 : vector<128xf32> to vector<1x128xf32>
    %stack3A_742 = vector.shape_cast %reduce_max3A_126 : vector<128xf32> to vector<1x128xf32>
    %stack3A_743 = vector.shape_cast %reduce_max3A_137 : vector<128xf32> to vector<1x128xf32>
    %stack3A_744 = vector.shape_cast %reduce_max3A_148 : vector<128xf32> to vector<1x128xf32>
    %stack3A_745 = vector.shape_cast %reduce_max3A_159 : vector<128xf32> to vector<1x128xf32>
    %stack3A_746 = vector.shape_cast %reduce_max3A_170 : vector<128xf32> to vector<1x128xf32>
    %stack3A_747 = vector.shape_cast %reduce_max3A_181 : vector<128xf32> to vector<1x128xf32>
    %stack3A_748 = vector.shape_cast %reduce_max3A_192 : vector<128xf32> to vector<1x128xf32>
    %stack3A_749 = vector.shape_cast %reduce_max3A_203 : vector<128xf32> to vector<1x128xf32>
    %stack3A_750 = vector.shape_cast %reduce_max3A_214 : vector<128xf32> to vector<1x128xf32>
    %stack3A_751 = vector.shape_cast %reduce_max3A_225 : vector<128xf32> to vector<1x128xf32>
    %stack3A_752 = vector.shape_cast %reduce_max3A_236 : vector<128xf32> to vector<1x128xf32>
    %stack3A_753 = vector.shape_cast %reduce_max3A_247 : vector<128xf32> to vector<1x128xf32>
    %stack3A_754 = vector.shape_cast %reduce_max3A_258 : vector<128xf32> to vector<1x128xf32>
    %stack3A_755 = vector.shape_cast %reduce_max3A_269 : vector<128xf32> to vector<1x128xf32>
    %stack3A_756 = vector.shape_cast %reduce_max3A_280 : vector<128xf32> to vector<1x128xf32>
    %stack3A_757 = vector.shape_cast %reduce_max3A_291 : vector<128xf32> to vector<1x128xf32>
    %stack3A_758 = vector.shape_cast %reduce_max3A_302 : vector<128xf32> to vector<1x128xf32>
    %stack3A_759 = vector.shape_cast %reduce_max3A_313 : vector<128xf32> to vector<1x128xf32>
    %stack3A_760 = vector.shape_cast %reduce_max3A_324 : vector<128xf32> to vector<1x128xf32>
    %stack3A_761 = vector.shape_cast %reduce_max3A_335 : vector<128xf32> to vector<1x128xf32>
    %stack3A_762 = vector.shape_cast %reduce_max3A_346 : vector<128xf32> to vector<1x128xf32>
    %stack3A_763 = vector.shape_cast %reduce_max3A_357 : vector<128xf32> to vector<1x128xf32>
    %stack3A_764 = vector.shape_cast %reduce_max3A_368 : vector<128xf32> to vector<1x128xf32>
    %stack3A_765 = vector.shape_cast %reduce_max3A_379 : vector<128xf32> to vector<1x128xf32>
    %stack3A_766 = vector.shape_cast %reduce_max3A_390 : vector<128xf32> to vector<1x128xf32>
    %stack3A_767 = vector.shape_cast %reduce_max3A_401 : vector<128xf32> to vector<1x128xf32>
    %stack3A_768 = vector.shape_cast %reduce_max3A_412 : vector<128xf32> to vector<1x128xf32>
    %stack3A_769 = vector.shape_cast %reduce_max3A_423 : vector<128xf32> to vector<1x128xf32>
    %stack3A_770 = vector.shape_cast %reduce_max3A_434 : vector<128xf32> to vector<1x128xf32>
    %stack3A_771 = vector.shape_cast %reduce_max3A_445 : vector<128xf32> to vector<1x128xf32>
    %stack3A_772 = vector.shape_cast %reduce_max3A_456 : vector<128xf32> to vector<1x128xf32>
    %stack3A_773 = vector.shape_cast %reduce_max3A_467 : vector<128xf32> to vector<1x128xf32>
    %stack3A_774 = vector.shape_cast %reduce_max3A_478 : vector<128xf32> to vector<1x128xf32>
    %stack3A_775 = vector.shape_cast %reduce_max3A_489 : vector<128xf32> to vector<1x128xf32>
    %stack3A_776 = vector.shape_cast %reduce_max3A_500 : vector<128xf32> to vector<1x128xf32>
    %stack3A_777 = vector.shape_cast %reduce_max3A_511 : vector<128xf32> to vector<1x128xf32>
    %stack3A_778 = vector.shape_cast %reduce_max3A_522 : vector<128xf32> to vector<1x128xf32>
    %stack3A_779 = vector.shape_cast %reduce_max3A_533 : vector<128xf32> to vector<1x128xf32>
    %stack3A_780 = vector.shape_cast %reduce_max3A_544 : vector<128xf32> to vector<1x128xf32>
    %stack3A_781 = vector.shape_cast %reduce_max3A_555 : vector<128xf32> to vector<1x128xf32>
    %stack3A_782 = vector.shape_cast %reduce_max3A_566 : vector<128xf32> to vector<1x128xf32>
    %stack3A_783 = vector.shape_cast %reduce_max3A_577 : vector<128xf32> to vector<1x128xf32>
    %stack3A_784 = vector.shape_cast %reduce_max3A_588 : vector<128xf32> to vector<1x128xf32>
    %stack3A_785 = vector.shape_cast %reduce_max3A_599 : vector<128xf32> to vector<1x128xf32>
    %stack3A_786 = vector.shape_cast %reduce_max3A_610 : vector<128xf32> to vector<1x128xf32>
    %stack3A_787 = vector.shape_cast %reduce_max3A_621 : vector<128xf32> to vector<1x128xf32>
    %stack3A_788 = vector.shape_cast %reduce_max3A_632 : vector<128xf32> to vector<1x128xf32>
    %stack3A_789 = vector.shape_cast %reduce_max3A_643 : vector<128xf32> to vector<1x128xf32>
    %stack3A_790 = vector.shape_cast %reduce_max3A_654 : vector<128xf32> to vector<1x128xf32>
    %stack3A_791 = vector.shape_cast %reduce_max3A_665 : vector<128xf32> to vector<1x128xf32>
    %stack3A_792 = vector.shape_cast %reduce_max3A_676 : vector<128xf32> to vector<1x128xf32>
    %stack3A_793 = vector.shape_cast %reduce_max3A_687 : vector<128xf32> to vector<1x128xf32>
    %stack3A_794 = vector.shape_cast %reduce_max3A_698 : vector<128xf32> to vector<1x128xf32>
    %stack3A_795 = vector.shape_cast %reduce_max3A_709 : vector<128xf32> to vector<1x128xf32>
    %stack3A_796 = vector.shape_cast %reduce_max3A_720 : vector<128xf32> to vector<1x128xf32>
    %stack3A_797 = vector.shape_cast %reduce_max3A_731 : vector<128xf32> to vector<1x128xf32>
    %stack3A_798 = tpu.concatenate %stack3A, %stack3A_735, %stack3A_736, %stack3A_737, %stack3A_738, %stack3A_739, %stack3A_740, %stack3A_741, %stack3A_742, %stack3A_743, %stack3A_744, %stack3A_745, %stack3A_746, %stack3A_747, %stack3A_748, %stack3A_749, %stack3A_750, %stack3A_751, %stack3A_752, %stack3A_753, %stack3A_754, %stack3A_755, %stack3A_756, %stack3A_757, %stack3A_758, %stack3A_759, %stack3A_760, %stack3A_761, %stack3A_762, %stack3A_763, %stack3A_764, %stack3A_765, %stack3A_766, %stack3A_767, %stack3A_768, %stack3A_769, %stack3A_770, %stack3A_771, %stack3A_772, %stack3A_773, %stack3A_774, %stack3A_775, %stack3A_776, %stack3A_777, %stack3A_778, %stack3A_779, %stack3A_780, %stack3A_781, %stack3A_782, %stack3A_783, %stack3A_784, %stack3A_785, %stack3A_786, %stack3A_787, %stack3A_788, %stack3A_789, %stack3A_790, %stack3A_791, %stack3A_792, %stack3A_793, %stack3A_794, %stack3A_795, %stack3A_796, %stack3A_797 in 0 : vector<1x128xf32>, vector<1x128xf32>, vector<1x128xf32>, vector<1x128xf32>, vector<1x128xf32>, vector<1x128xf32>, vector<1x128xf32>, vector<1x128xf32>, vector<1x128xf32>, vector<1x128xf32>, vector<1x128xf32>, vector<1x128xf32>, vector<1x128xf32>, vector<1x128xf32>, vector<1x128xf32>, vector<1x128xf32>, vector<1x128xf32>, vector<1x128xf32>, vector<1x128xf32>, vector<1x128xf32>, vector<1x128xf32>, vector<1x128xf32>, vector<1x128xf32>, vector<1x128xf32>, vector<1x128xf32>, vector<1x128xf32>, vector<1x128xf32>, vector<1x128xf32>, vector<1x128xf32>, vector<1x128xf32>, vector<1x128xf32>, vector<1x128xf32>, vector<1x128xf32>, vector<1x128xf32>, vector<1x128xf32>, vector<1x128xf32>, vector<1x128xf32>, vector<1x128xf32>, vector<1x128xf32>, vector<1x128xf32>, vector<1x128xf32>, vector<1x128xf32>, vector<1x128xf32>, vector<1x128xf32>, vector<1x128xf32>, vector<1x128xf32>, vector<1x128xf32>, vector<1x128xf32>, vector<1x128xf32>, vector<1x128xf32>, vector<1x128xf32>, vector<1x128xf32>, vector<1x128xf32>, vector<1x128xf32>, vector<1x128xf32>, vector<1x128xf32>, vector<1x128xf32>, vector<1x128xf32>, vector<1x128xf32>, vector<1x128xf32>, vector<1x128xf32>, vector<1x128xf32>, vector<1x128xf32>, vector<1x128xf32> -> vector<64x128xf32>
    %max3A = arith.maximumf %get3A_734, %stack3A_798 : vector<64x128xf32>
    %swap3A_799 = arith.constant 0 : index
    %swap3A_800 = arith.constant 0 : index
    %swap3A_801 = vector.load %arg5[%swap3A_799, %swap3A_800] : memref<64x128xf32, #tpu.memory_space<vmem>>, vector<64x128xf32>
    tpu.vector_store %arg5[%swap3A_799, %swap3A_800], %max3A {strides = array<i32>} : memref<64x128xf32, #tpu.memory_space<vmem>>, vector<64x128xf32>,
    return
  }
  func.func @transform_0(%arg0: i32) -> (i32, i32) {
    %c0_i32 = arith.constant 0 : i32
    %c0_i32_0 = arith.constant 0 : i32
    return %arg0, %c0_i32 : i32, i32
  }
  func.func @transform_1(%arg0: i32) -> (i32, i32, i32) {
    %c0_i32 = arith.constant 0 : i32
    %c0_i32_0 = arith.constant 0 : i32
    %c0_i32_1 = arith.constant 0 : i32
    return %arg0, %c0_i32, %c0_i32_0 : i32, i32, i32
  }
  func.func @transform_2(%arg0: i32) -> (i32, i32) {
    %c0_i32 = arith.constant 0 : i32
    %c0_i32_0 = arith.constant 0 : i32
    %c0_i32_1 = arith.constant 0 : i32
    return %c0_i32, %c0_i32_0 : i32, i32
  }
  func.func @transform_3(%arg0: i32) -> (i32, i32) {
    %c0_i32 = arith.constant 0 : i32
    %c0_i32_0 = arith.constant 0 : i32
    %c0_i32_1 = arith.constant 0 : i32
    return %c0_i32, %c0_i32_0 : i32, i32
  }
  func.func @transform_4(%arg0: i32) -> (i32, i32) {
    %c0_i32 = arith.constant 0 : i32
    %c0_i32_0 = arith.constant 0 : i32
    %c0_i32_1 = arith.constant 0 : i32
    return %c0_i32, %c0_i32_0 : i32, i32
  }
}

module attributes {stable_mosaic.version = 14 : i64} {
  func.func @_final_body(%arg0: memref<64x128xf32, #tpu.memory_space<vmem>>, %arg1: memref<64x128xf32, #tpu.memory_space<vmem>>, %arg2: memref<64x128xf32, #tpu.memory_space<vmem>>, %arg3: memref<256x128xf32, #tpu.memory_space<vmem>>, %arg4: memref<8x128xf32, #tpu.memory_space<vmem>>, %arg5: memref<64x128xf32, #tpu.memory_space<vmem>>) attributes {dimension_semantics = [], scalar_prefetch = 0 : i64, scratch_operands = 0 : i64, tpu.core_type = #tpu.core_type<tc>} {
    %get3A = arith.constant 0 : index
    %get3A_0 = arith.constant 0 : index
    %get3A_1 = vector.load %arg0[%get3A, %get3A_0] : memref<64x128xf32, #tpu.memory_space<vmem>>, vector<64x128xf32>
    %get3A_2 = arith.constant 0 : index
    %get3A_3 = arith.constant 0 : index
    %get3A_4 = vector.load %arg1[%get3A_2, %get3A_3] : memref<64x128xf32, #tpu.memory_space<vmem>>, vector<64x128xf32>
    %max3A = arith.constant 1.000000e+00 : f32
    %max3A_5 = vector.broadcast %max3A : f32 to vector<64x128xf32>
    %max3A_6 = arith.maximumf %get3A_4, %max3A_5 : vector<64x128xf32>
    %div3A = arith.divf %get3A_1, %max3A_6 : vector<64x128xf32>
    %get3A_7 = arith.constant 0 : index
    %get3A_8 = arith.constant 0 : index
    %get3A_9 = vector.load %arg3[%get3A_7, %get3A_8] : memref<256x128xf32, #tpu.memory_space<vmem>>, vector<256x128xf32>
    %slice3A = vector.extract_strided_slice %get3A_9 {offsets = [0, 0], sizes = [128, 128], strides = [1, 1]} : vector<256x128xf32> to vector<128x128xf32>
    %dot_general3A = arith.constant dense<0.000000e+00> : vector<64x128xf32>
    %dot_general3A_10 = tpu.matmul %div3A, %slice3A, %dot_general3A {dimension_numbers = #tpu.dot_dimension_numbers<[1], [0], [0], [1], [0, 0, 1, 1], [], []>, transpose_lhs_hint = false} : vector<64x128xf32>, vector<128x128xf32>, vector<64x128xf32> -> vector<64x128xf32>
    %get3A_11 = arith.constant 0 : index
    %get3A_12 = arith.constant 0 : index
    %get3A_13 = vector.load %arg2[%get3A_11, %get3A_12] : memref<64x128xf32, #tpu.memory_space<vmem>>, vector<64x128xf32>
    %slice3A_14 = vector.extract_strided_slice %get3A_9 {offsets = [128, 0], sizes = [128, 128], strides = [1, 1]} : vector<256x128xf32> to vector<128x128xf32>
    %dot_general3A_15 = arith.constant dense<0.000000e+00> : vector<64x128xf32>
    %dot_general3A_16 = tpu.matmul %get3A_13, %slice3A_14, %dot_general3A_15 {dimension_numbers = #tpu.dot_dimension_numbers<[1], [0], [0], [1], [0, 0, 1, 1], [], []>, transpose_lhs_hint = false} : vector<64x128xf32>, vector<128x128xf32>, vector<64x128xf32> -> vector<64x128xf32>
    %add3A = arith.addf %dot_general3A_10, %dot_general3A_16 : vector<64x128xf32>
    %get3A_17 = arith.constant 0 : index
    %get3A_18 = arith.constant 0 : index
    %get3A_19 = vector.load %arg4[%get3A_17, %get3A_18] : memref<8x128xf32, #tpu.memory_space<vmem>>, vector<1x128xf32>
    %add3A_20 = vector.broadcast %get3A_19 : vector<1x128xf32> to vector<64x128xf32>
    %add3A_21 = arith.addf %add3A, %add3A_20 : vector<64x128xf32>
    %swap3A = arith.constant 0 : index
    %swap3A_22 = arith.constant 0 : index
    %swap3A_23 = vector.load %arg5[%swap3A, %swap3A_22] : memref<64x128xf32, #tpu.memory_space<vmem>>, vector<64x128xf32>
    tpu.vector_store %arg5[%swap3A, %swap3A_22], %add3A_21 {strides = array<i32>} : memref<64x128xf32, #tpu.memory_space<vmem>>, vector<64x128xf32>,
    return
  }
}

</mosaic_0001>

<sc_bundles>
// kernel: kernel.19.cloned.1.call-start
scs
__scs_entry_jumppad:
0x0: {  	(pc) =	sbr.rel $0x88, $3  }
0x1: {  	(tag) =	ssettag $0x0;
	lr =	simm.s32 $0x1  }
0x2: {  	[smem:$0x3F96] =	sst lr;
	_ =	strace $0xD0000000  }
0x3: {  	_ = 	snop  }
0x4: {  	_ = 	snop  }
0x5: {  	_ = 	snop  }
0x6: {  	_ = 	snop  }
0x7: {  	_ = 	snop  }
__scs_overlays_trampoline_lowered:
0x8: {  	[smem:$0x3FA5] =	sst s0  }
0x9: {  	[smem:$0x3FA6] =	sst s1  }
0xa: {  	[smem:$0x3FA7] =	sst s2  }
0xb: {  	[smem:$0x3FA8] =	sst s3  }
0xc: {  	[smem:$0x3FA9] =	sst s4  }
0xd: {  	[smem:$0x3FAA] =	sst s5  }
0xe: {  	[smem:$0x3FAB] =	sst s6  }
0xf: {  	[smem:$0x3FAC] =	sst s7  }
0x10: {  	[smem:$0x3FAD] =	sst s8  }
0x11: {  	[smem:$0x3FAE] =	sst s9;
	s0 =	simm.s32 @!p0 $0x0  }
0x12: {  	s1 =	sld [smem:$0x3F94];
	s0 =	simm.s32 @p0 $0x1  }
0x13: {  	[smem:$0x3FAF] =	sst s0;
	s0 =	simm.s32 @!p1 $0x0  }
0x14: {  	s2 =	sld [smem:$0x3F93];
	s0 =	simm.s32 @p1 $0x1  }
0x15: {  	[smem:$0x3FB0] =	sst s0;
	s0 =	simm.s32 @!p2 $0x0  }
0x16: {  	s3 =	sld [smem:$0x3FDB];
	s0 =	simm.s32 @p2 $0x1  }
0x17: {  	s4 =	simm.s32 $0x1BF5;
	[smem:$0x3FB2] =	sst s0  }
0x18: {  	s0 =	sld [smem:$0x3F95];
	_ =	swait.ge [sflag:s4], $0x0  }
0x19: {  	s7 =	sld [smem:$0x3F96]  }
0x1a: {  	s8 =	sadd.s32 $0xFFFFE003, lr  }
0x1b: {  	s9 =	sadd.s32 $0xFFFFFEF7, lr;
	s5 =	simm.s32 $0xFFFFFFFF;
	p2 =	slt.u32 s8, $0xFFFFF086  }
0x1c: {  	p1 =	slt.u32 s9, $0xF7A;
	s5 =	simm.s32 @!p2 $0x0  }
0x1d: {  	s5 =	simm.s32 @p1 $0x1;
	p0 =	seq.s32 s7, s2  }
0x1e: {  	s7 =	smul.u32 @!p0 $0xF7A, s2;
	p2 =	seq.s32 @!p0 s5, $0x0  }
0x1f: {  	s9 =	smul.u32 $0xF7A, s1;
	s8 =	simm.s32 @!p0 $0x1BF5;
	p2 =	por !p2, p0  }
0x20: {  	[sflag:s8] =	ssyncset.s32 @!p0 $0xFFFFF086;
	s6 =	sadd.s32 @!p0 s3, s7;
	s7 =	simm.s32 @!p0 $0x108  }
0x21: {  	s3 =	sadd.s32 s3, s9;
	s6 =	sadd.s32 @!p0 $0x88, s6;
	s7 =	simm.s32 @p2 $0x1082  }
0x22: {  	[simem:s7], [sflag:s8] =	dma.local @!p0 [hbm:s6], $0xF7A  }
0x23: {  	s9 =	sor.u32 $0xD0000000, s2;
	s6 =	simm.s32 $0x108;
	_ =	swait.ge @!p0 [sflag:s8], $0x0  }
0x24: {  	s3 =	sadd.s32 $0x88, s3;
	s6 =	simm.s32 @!p1 $0x1082;
	[sflag:s4] =	ssyncset.s32 $0xFFFFF086  }
0x25: {  	[simem:s6], [sflag:s4] =	dma.local [hbm:s3], $0xF7A  }
0x26: {  	[smem:$0x3F96] =	sst s1;
	(tag) =	ssettag s2;
	_ =	strace s9  }
0x27: {  	s1 =	sld [smem:$0x3FA6]  }
0x28: {  	s2 =	sld [smem:$0x3FA7]  }
0x29: {  	s4 =	sld [smem:$0x3FA9]  }
0x2a: {  	p0 =	seq.s32 s5, $0x0;
	s5 =	sld [smem:$0x3FAA]  }
0x2b: {  	s6 =	sld [smem:$0x3FAB]  }
0x2c: {  	s7 =	sld [smem:$0x3FAC]  }
0x2d: {  	s3 =	simm.s32 $0x108;
	s8 =	sld [smem:$0x3FAD]  }
0x2e: {  	s3 =	simm.s32 @!p0 $0x1082;
	s9 =	sld [smem:$0x3FAE]  }
0x2f: {  	lr =	sadd.s32 s0, s3;
	s0 =	sld [smem:$0x3FA5]  }
0x30: {  	s3 =	sld [smem:$0x3FA8]  }
0x31: {  	[smem:$0x3FB1] =	sst s10  }
0x32: {  	s10 =	sld [smem:$0x3FAF];
	_ =	sdelay $0x3  }
0x33: {  	p0 =	seq.s32 s10, $0x1;
	s10 =	sld [smem:$0x3FB1];
	_ =	sdelay $0x3  }
0x34: {  	[smem:$0x3FB1] =	sst s10  }
0x35: {  	s10 =	sld [smem:$0x3FB0];
	_ =	sdelay $0x3  }
0x36: {  	p1 =	seq.s32 s10, $0x1;
	s10 =	sld [smem:$0x3FB1];
	_ =	sdelay $0x3  }
0x37: {  	[smem:$0x3FB1] =	sst s10  }
0x38: {  	s10 =	sld [smem:$0x3FB2]  }
0x39: {  	_ = 	snop;
	(pc) =	sbr.ind lr, $3  }
0x3a: {  	_ = 	snop  }
0x3b: {  	_ = 	snop  }
0x3c: {  	p2 =	seq.s32 s10, $0x1;
	s10 =	sld [smem:$0x3FB1]  }
0x3d: {  	_ =	shalt  }
0x3e: {  	_ =	shalt  }
0x3f: {  	_ =	shalt  }
0x40: {  	_ =	shalt  }
0x41: {  	_ =	shalt  }
0x42: {  	_ =	shalt  }
0x43: {  	_ =	shalt  }
0x44: {  	_ =	shalt  }
0x45: {  	_ =	shalt  }
0x46: {  	_ =	shalt  }
0x47: {  	_ =	shalt  }
0x48: {  	_ =	shalt  }
0x49: {  	_ =	shalt  }
0x4a: {  	_ =	shalt  }
0x4b: {  	_ =	shalt  }
0x4c: {  	_ =	shalt  }
0x4d: {  	_ =	shalt  }
0x4e: {  	_ =	shalt  }
0x4f: {  	_ =	shalt  }
0x50: {  	_ =	shalt  }
0x51: {  	_ =	shalt  }
0x52: {  	_ =	shalt  }
0x53: {  	_ =	shalt  }
0x54: {  	_ =	shalt  }
0x55: {  	_ =	shalt  }
0x56: {  	_ =	shalt  }
0x57: {  	_ =	shalt  }
0x58: {  	_ =	shalt  }
0x59: {  	_ =	shalt  }
0x5a: {  	_ =	shalt  }
0x5b: {  	_ =	shalt  }
0x5c: {  	_ =	shalt  }
0x5d: {  	_ =	shalt  }
0x5e: {  	_ =	shalt  }
0x5f: {  	_ =	shalt  }
0x60: {  	_ =	shalt  }
0x61: {  	_ =	shalt  }
0x62: {  	_ =	shalt  }
0x63: {  	_ =	shalt  }
0x64: {  	_ =	shalt  }
0x65: {  	_ =	shalt  }
0x66: {  	_ =	shalt  }
0x67: {  	_ =	shalt  }
0x68: {  	_ =	shalt  }
0x69: {  	_ =	shalt  }
0x6a: {  	_ =	shalt  }
0x6b: {  	_ =	shalt  }
0x6c: {  	_ =	shalt  }
0x6d: {  	_ =	shalt  }
0x6e: {  	_ =	shalt  }
0x6f: {  	_ =	shalt  }
0x70: {  	_ =	shalt  }
0x71: {  	_ =	shalt  }
0x72: {  	_ =	shalt  }
0x73: {  	_ =	shalt  }
0x74: {  	_ =	shalt  }
0x75: {  	_ =	shalt  }
0x76: {  	_ =	shalt  }
0x77: {  	_ =	shalt  }
0x78: {  	_ =	shalt  }
0x79: {  	_ =	shalt  }
0x7a: {  	_ =	shalt  }
0x7b: {  	_ =	shalt  }
0x7c: {  	_ =	shalt  }
0x7d: {  	_ =	shalt  }
0x7e: {  	_ =	shalt  }
0x7f: {  	_ =	shalt  }
0x80: {  	_ =	shalt  }
0x81: {  	_ =	shalt  }
0x82: {  	_ =	shalt  }
0x83: {  	_ =	shalt  }
0x84: {  	_ =	shalt  }
0x85: {  	_ =	shalt  }
0x86: {  	_ =	shalt  }
0x87: {  	_ =	shalt  }
.Lfunc_end0:
.L_simem_size_0:
called_computation_lowered:
.L_overlay_start_0:
0x88: {  	s2 =	sld [smem:$0x3FD9]  }
0x89: {  	s3 =	sld [smem:$0x3FFE];
	_ =	sdelay $0x1  }
0x8a: {  	s1 =	srdreg.scid  }
0x8b: {  	s0 =	sand.u32 $0x1, s1  }
0x8c: {  	s17 =	sshll.u32 s0, $0xA;
	s2 =	sadd.s32 s3, s2  }
0x8d: {  	s2 =	sadd.s32 s2, s17  }
0x8e: {  	[smem:$0x3FBD] =	sst s2  }
0x8f: {  	_ = 	snop  }
0x90: {  	s2 =	sld [smem:$0x3FC9];
	(tm) =	ssettm $0x1  }
0x91: {  	s18 =	sld [smem:$0x3FFB];
	_ =	sdelay $0x3  }
0x92: {  	_ =	strace s18  }
0x93: {  	s3 =	sld [smem:$0x3FFC];
	_ =	sdelay $0x3  }
0x94: {  	_ =	strace s3  }
0x95: {  	s3 =	sld [smem:$0x3FFD];
	_ =	sdelay $0x3  }
0x96: {  	_ =	strace s3  }
0x97: {  	_ =	strace $0x8FFFFFFF  }
0x98: {  	s19 =	sld [smem:$0x3FDB];
	_ =	sdelay $0x1  }
0x99: {  	s4 =	simm.s32 $_scs_section_size  }
0x9a: {  	s5 =	simm.s32 $_size__tile_overlayer_lowered;
	s6 =	simm.s32 $_tile_overlayer_lowered  }
0x9b: {  	s22 =	simm.s32 $0x1BFF;
	s21 =	sshll.u32 s6, $0x1;
	s3 =	sadd.s32 s4, s19  }
0x9c: {  	s7 =	simm.s32 $0x0;
	s20 =	sshll.u32 s5, $0x1;
	s5 =	sadd.s32 s21, s3  }
0x9d: {  	[timem:s7], [sflag:s22] =	dma.local [hbm:s5], s20  }
0x9e: {  	_ =	swait.ge [sflag:s22], s20  }
0x9f: {  	s4 =	ssub.s32 $0x0, s20;
	[sflag:s22] =	ssyncset.done $0x0  }
0xa0: {  	[sflag:s22] =	ssyncadd.s32 s4;
	_ =	sdelay $0x1  }
0xa1: {  	s23 =	simm.s32 $0x1B8B  }
0xa2: {  	_ =	swait.ge [sflag:s23], $0x1  }
0xa3: {  	[sflag:s23] =	ssyncset.done $0x0  }
0xa4: {  	s25 =	simm.s32 $0x1B8E;
	s24 =	sld [smem:$0x3FFE];
	[sflag:s23] =	ssyncadd.s32 $0xFFFFFFFF  }
0xa5: {  	s26 =	simm.s32 $execute0_lowered;
	[smem:$0x3FD2] =	sst s25  }
0xa6: {  	s5 =	sshll.u32 s26, $0x1;
	_ =	strace $0x80000046;
	[dreg:$0x1] =	wrdreg $0xFFFFFFFF  }
0xa7: {  	s28 =	simm.s32 $_size_execute0_lowered;
	s3 =	sadd.s32 s3, s5;
	[dreg:$0x0] =	wrdreg $0x0  }
0xa8: {  	s5 =	sshll.u32 s28, $0x1;
	[dreg:$0x2] =	wrdreg s3  }
0xa9: {  	[dreg:$0x3] =	wrdreg s5  }
0xaa: {  	[dreg:$0x4] =	wrdreg $0xC0  }
0xab: {  	_ =	task [dreg:s7], $0x5FFFF  }
0xac: {  	[dreg:$0x1] =	wrdreg $0xFFFFFFFF  }
0xad: {  	[dreg:$0x0] =	wrdreg $0x60  }
0xae: {  	[dreg:$0x2] =	wrdreg s2  }
0xaf: {  	[dreg:$0x3] =	wrdreg s24  }
0xb0: {  	[dreg:$0x4] =	wrdreg $0xAB000  }
0xb1: {  	[dreg:$0x5] =	wrdreg $0x9  }
0xb2: {  	_ =	task.clear_ibuf [dreg:s7], $0x6FFFF;
	_ =	strace $0x90000046  }
0xb3: {  	s29 =	simm.s32 $0x9;
	_ =	strace $0x80000048  }
0xb4: {  	_ =	swait.ge [sflag:s29], $0x1  }
0xb5: {  	[sflag:s29] =	ssyncadd.s32 $0xFFFFFFFF  }
0xb6: {  	_ =	strace $0x90000048  }
0xb7: {  	_ =	sfence  }
0xb8: {  	s30 =	sld [smem:$0x0];
	_ =	sdelay $0x2  }
0xb9: {  	s31 =	sshll.u32 s1, $0xD;
	s1 =	sshrl.u32 s1, $0x2  }
0xba: {  	s3 =	sand.u32 $0x4000, s31;
	s1 =	sadd.s32 s1, s30  }
0xbb: {  	s0 =	sor.u32 s3, s0;
	s1 =	sshll.u32 s1, $0x11  }
0xbc: {  	s0 =	sor.u32 s1, s0  }
0xbd: {  	s0 =	sadd.s32 $0x8F2B, s0  }
0xbe: {  	[sflag:s0] =	ssyncadd.remote.s32 $0x1  }
0xbf: {  	_ =	sfence.sel $0xFFFF  }
0xc0: {  	[dreg:$0x0] =	wrdreg $0xFFFFFFFF;
	(pc) =	sbr.abs _section_cstart, $3  }
0xc1: {  	[dreg:$0x1] =	wrdreg $0xFFFFFFFF  }
0xc2: {  	_ =	task.clear_ibuf [dreg:s7], $0x2FFFF;
	_ =	strace $0x9FFFFFFF  }
0xc3: {  	(tm) =	ssettm $0x7FFFFFFF  }
tec
execute0_lowered:
.L_overlay_start_1:
0x0: {  	(tag) =	ssettag $0x1  }
0x1: {  	s12 =	stileid.u32;
	s1 =	rddreg [dreg:$0x0]  }
0x2: {  	s0 =	srdreg.scid;
	s5 =	rddreg [dreg:$0x1]  }
0x3: {  	s4 =	simm.s32 $0x0;
	s16 =	simm.s32 $0x7;
	s17 =	simm.s32 $0x70  }
0x4: {  	s18 =	simm.s32 $0x300;
	s19 =	simm.s32 $0x80;
	s20 =	simm.s32 $0x3B00  }
0x5: {  	s21 =	simm.s32 $0x100;
	s28 =	simm.s32 $0x200;
	s29 =	simm.s32 $0x5  }
0x6: {  	s30 =	simm.s32 $0x3;
	s31 =	simm.s32 $0x280;
	s2 =	smul.u32 $0x3C, s12  }
0x7: {  	s0 =	sand.u32 $0x1, s0;
	s3 =	smul.u32 $0x12C, s12;
	[smem:$0x7FF] =	sst s4  }
0x8: {  	s7 =	smul.u32 $0x14000, s12;
	s10 =	sadd.s32 $0x7C00, s5;
	s8 =	sadd.s32 $0x2F400, s5  }
0x9: {  	s11 =	smul.u32 $0x50000, s12;
	s24 =	sshll.u32 s12, $0x6;
	p0 =	seq.s32 s0, $0x0  }
0xa: {  	s6 =	smul.u32 $0x140000, s0;
	s0 =	ssub.s32 $0x2, s0;
	s2 =	sadd.s32 $0x12C0, s2  }
0xb: {  	s22 =	sshrl.u32 s0, $0x1;
	s2 =	smov.u32 @p0 s3;
	s3 =	rddreg [dreg:$0x2]  }
0xc: {  	s23 =	sshrl.u32 s11, $0x2;
	_ =	strace $0x80000047;
	[dreg:$0x4] =	wrdreg s8  }
0xd: {  	s6 =	sadd.s32 s7, s6;
	s0 =	ssub.s32 s0, s22;
	s9 =	smul.u32 $0xE, s2  }
0xe: {  	s22 =	simm.s32 $0x7300;
	s7 =	sshrl.u32 s6, $0x3;
	s2 =	smul.u32 $0x70, s2  }
0xf: {  	s6 =	simm.s32 $0x1068;
	s15 =	sadd.s32 s23, s3;
	s12 =	smax.u32 s0, $0x1  }
0x10: {  	s23 =	simm.s32 $0x1;
	s0 =	simm.s32 $0x0;
	s6 =	simm.s32 @!p0 $0x348  }
0x11: {  	s15 =	sshrl.u32 s15, $0x3;
	s14 =	sadd.s32 s9, s5;
	s5 =	sadd.s32 s7, s5  }
0x12: {  	s2 =	sshrl.u32 s2, $0x3;
	s7 =	sor.u32 $0x1C07, s24;
	s13 =	sadd.s32 s9, s10  }
0x13: {  	s24 =	simm.s32 $0x180;
	s8 =	sadd.s32 s10, s2;
	s26 =	sadd.s32 $0x31C00, s5  }
0x14: {  	s14 =	sadd.s32 $0x1B800, s14;
	s2 =	sadd.s32 $0xE, s8;
	[dreg:$0x7] =	wrdreg s26  }
0x15: {  	s25 =	sadd.s32 $0x1C, s8;
	s26 =	simm.s32 $0x2;
	[dreg:$0x5] =	wrdreg s2  }
0x16: {  	[dreg:$0x6] =	wrdreg s25;
	s25 =	simm.s32 $0x4;
	s2 =	simm.s32 $0x6  }
.LBB2_1:
0x17: {  	s5 =	rddreg [dreg:$0x4]  }
0x18: {  	[spmem:s15], [sflag:s7] =	dma.local [hbm:s5], $0x2800  }
0x19: {  	_ =	swait.ge [sflag:s16], $0x2800  }
0x1a: {  	[sflag:s16] =	ssyncset.done $0x0  }
0x1b: {  	[sflag:s16] =	ssyncadd.s32 $0xFFFFD800  }
0x1c: {  	[bflag:$0x0] =	sbarrier.arrive $0xFFFF  }
0x1d: {  	[tilespmem:s4], [sflag:$0x7] =	stream.linear.gather [hbm4b:s8+s4], $0x70, $0x38;
	[tilespmem:$0x1EB40] =	vst v63  }
0x1e: {  	_ =	swait.ge [sflag:s16], $0x70  }
0x1f: {  	[sflag:s16] =	ssyncset.done $0x0  }
0x20: {  	[sflag:s16] =	ssyncadd.s32 $0xFFFFFF90  }
0x21: {  	[tilespmem:s18], [sflag:$0x1] =	stream.indirect.gather [hbm4b:s1+s17], $0x80, s4, s17, $0xb8;
	[tilespmem:$0x1EB40] =	vst v63  }
0x22: {  	s9 =	rddreg [dreg:$0x5]  }
0x23: {  	[tilespmem:s19], [sflag:$0x7] =	stream.linear.gather [hbm4b:s9+s4], $0x70, $0x38;
	[tilespmem:$0x1EB40] =	vst v63  }
0x24: {  	_ =	swait.ge [sflag:s16], $0x70  }
0x25: {  	[sflag:s16] =	ssyncset.done $0x0  }
0x26: {  	[sflag:s16] =	ssyncadd.s32 $0xFFFFFF90  }
0x27: {  	[tilespmem:s20], [sflag:$0x2] =	stream.indirect.gather [hbm4b:s1+s17], $0x80, s19, s17, $0xb8;
	[tilespmem:$0x1EB40] =	vst v63  }
0x28: {  	s10 =	rddreg [dreg:$0x6]  }
0x29: {  	[tilespmem:s21], [sflag:$0x7] =	stream.linear.gather [hbm4b:s10+s4], $0x70, $0x38;
	[tilespmem:$0x1EB40] =	vst v63  }
0x2a: {  	_ =	swait.ge [sflag:s16], $0x70  }
0x2b: {  	[sflag:s16] =	ssyncset.done $0x0  }
0x2c: {  	[sflag:s16] =	ssyncadd.s32 $0xFFFFFF90  }
0x2d: {  	[tilespmem:s22], [sflag:$0x3] =	stream.indirect.gather [hbm4b:s1+s17], $0x80, s21, s17, $0xb8;
	[tilespmem:$0x1EB40] =	vst v63  }
0x2e: {  	_ =	swait.ge [sflag:s23], $0x3800  }
0x2f: {  	[sflag:s23] =	ssyncset.done $0x0  }
0x30: {  	s5 =	sadd.s32 $0x0, s14;
	[sflag:s23] =	ssyncadd.s32 $0xFFFFC800  }
0x31: {  	[tilespmem:s24], [sflag:$0x7] =	stream.linear.gather [hbm4b:s5+s4], $0x70, $0x38;
	[tilespmem:$0x1EB40] =	vst v63  }
0x32: {  	_ =	swait.ge [sflag:s16], $0x70  }
0x33: {  	[sflag:s16] =	ssyncset.done $0x0  }
0x34: {  	s9 =	sadd.s32 $0x0, s13;
	[sflag:s16] =	ssyncadd.s32 $0xFFFFFF90  }
0x35: {  	[spmem:s3] =	stream.indirect.scatter.add.f32 [tilespmem:s18], [sflag:$0x4], $0x80, s24, s17, $0xb8;
	[tilespmem:$0x1EB40] =	vst v63  }
0x36: {  	s10 =	sadd.s32 $0x2A, s9  }
0x37: {  	[tilespmem:s4], [sflag:$0x7] =	stream.linear.gather [hbm4b:s10+s4], $0x70, $0x38;
	[tilespmem:$0x1EB40] =	vst v63  }
0x38: {  	_ =	swait.ge [sflag:s16], $0x70  }
0x39: {  	[sflag:s16] =	ssyncset.done $0x0  }
0x3a: {  	[sflag:s16] =	ssyncadd.s32 $0xFFFFFF90  }
0x3b: {  	_ =	swait.ge [sflag:s25], $0x3800  }
0x3c: {  	[sflag:s25] =	ssyncset.done $0x0  }
0x3d: {  	[sflag:s25] =	ssyncadd.s32 $0xFFFFC800  }
0x3e: {  	[tilespmem:s18], [sflag:$0x1] =	stream.indirect.gather [hbm4b:s1+s17], $0x80, s4, s17, $0xb8;
	[tilespmem:$0x1EB40] =	vst v63  }
0x3f: {  	_ =	swait.ge [sflag:s26], $0x3800  }
0x40: {  	[sflag:s26] =	ssyncset.done $0x0  }
0x41: {  	s11 =	sadd.s32 $0xE, s5;
	[sflag:s26] =	ssyncadd.s32 $0xFFFFC800  }
0x42: {  	[tilespmem:s28], [sflag:$0x7] =	stream.linear.gather [hbm4b:s11+s4], $0x70, $0x38;
	[tilespmem:$0x1EB40] =	vst v63  }
0x43: {  	_ =	swait.ge [sflag:s16], $0x70  }
0x44: {  	[sflag:s16] =	ssyncset.done $0x0  }
0x45: {  	[sflag:s16] =	ssyncadd.s32 $0xFFFFFF90  }
0x46: {  	[spmem:s3] =	stream.indirect.scatter.add.f32 [tilespmem:s20], [sflag:$0x5], $0x80, s28, s17, $0xb8;
	[tilespmem:$0x1EB40] =	vst v63  }
0x47: {  	s11 =	sadd.s32 $0x38, s9  }
0x48: {  	[tilespmem:s19], [sflag:$0x7] =	stream.linear.gather [hbm4b:s11+s4], $0x70, $0x38;
	[tilespmem:$0x1EB40] =	vst v63  }
0x49: {  	_ =	swait.ge [sflag:s16], $0x70  }
0x4a: {  	[sflag:s16] =	ssyncset.done $0x0  }
0x4b: {  	[sflag:s16] =	ssyncadd.s32 $0xFFFFFF90  }
0x4c: {  	_ =	swait.ge [sflag:s29], $0x3800  }
0x4d: {  	[sflag:s29] =	ssyncset.done $0x0  }
0x4e: {  	[sflag:s29] =	ssyncadd.s32 $0xFFFFC800  }
0x4f: {  	[tilespmem:s20], [sflag:$0x2] =	stream.indirect.gather [hbm4b:s1+s17], $0x80, s19, s17, $0xb8;
	[tilespmem:$0x1EB40] =	vst v63  }
0x50: {  	_ =	swait.ge [sflag:s30], $0x3800  }
0x51: {  	[sflag:s30] =	ssyncset.done $0x0  }
0x52: {  	s5 =	sadd.s32 $0x1C, s5;
	[sflag:s30] =	ssyncadd.s32 $0xFFFFC800  }
0x53: {  	[tilespmem:s31], [sflag:$0x7] =	stream.linear.gather [hbm4b:s5+s4], $0x70, $0x38;
	[tilespmem:$0x1EB40] =	vst v63  }
0x54: {  	_ =	swait.ge [sflag:s16], $0x70  }
0x55: {  	[sflag:s16] =	ssyncset.done $0x0  }
0x56: {  	[sflag:s16] =	ssyncadd.s32 $0xFFFFFF90  }
0x57: {  	[spmem:s3] =	stream.indirect.scatter.add.f32 [tilespmem:s22], [sflag:$0x6], $0x80, s31, s17, $0xb8;
	[tilespmem:$0x1EB40] =	vst v63  }
0x58: {  	s11 =	sadd.s32 $0x46, s9  }
0x59: {  	[tilespmem:s21], [sflag:$0x7] =	stream.linear.gather [hbm4b:s11+s4], $0x70, $0x38;
	[tilespmem:$0x1EB40] =	vst v63  }
0x5a: {  	p0 =	sne.s32 s6, $0x2A;
	_ =	swait.ge [sflag:s16], $0x70  }
.Ltmp0:
0x5b: {  	[sflag:s16] =	ssyncset.done $0x0;
	(pc) =	sbr.rel @!p0 .LBB2_3-.Ltmp0, $4  }
0x5c: {  	[sflag:s16] =	ssyncadd.s32 $0xFFFFFF90  }
0x5d: {  	_ =	swait.ge [sflag:s2], $0x3800  }
0x5e: {  	[sflag:s2] =	ssyncset.done $0x0  }
0x5f: {  	s5 =	simm.s32 $0x2A;
	[sflag:s2] =	ssyncadd.s32 $0xFFFFC800  }
.LBB2_2:
0x60: {  	[tilespmem:s22], [sflag:$0x3] =	stream.indirect.gather [hbm4b:s1+s17], $0x80, s21, s17, $0xb8;
	[tilespmem:$0x1EB40] =	vst v63  }
0x61: {  	s9 =	smov.u32 s5;
	s5 =	sadd.s32 $0x2A, s5;
	_ =	swait.ge [sflag:s23], $0x3800  }
0x62: {  	p0 =	sne.s32 s6, s5;
	[sflag:s23] =	ssyncset.done $0x0  }
0x63: {  	s10 =	sadd.s32 s9, s14;
	[sflag:s23] =	ssyncadd.s32 $0xFFFFC800  }
0x64: {  	[tilespmem:s24], [sflag:$0x7] =	stream.linear.gather [hbm4b:s10+s4], $0x70, $0x38;
	[tilespmem:$0x1EB40] =	vst v63  }
0x65: {  	_ =	swait.ge [sflag:s16], $0x70  }
0x66: {  	[sflag:s16] =	ssyncset.done $0x0  }
0x67: {  	s9 =	sadd.s32 s9, s13;
	[sflag:s16] =	ssyncadd.s32 $0xFFFFFF90  }
0x68: {  	[spmem:s3] =	stream.indirect.scatter.add.f32 [tilespmem:s18], [sflag:$0x4], $0x80, s24, s17, $0xb8;
	[tilespmem:$0x1EB40] =	vst v63  }
0x69: {  	s11 =	sadd.s32 $0x2A, s9  }
0x6a: {  	[tilespmem:s4], [sflag:$0x7] =	stream.linear.gather [hbm4b:s11+s4], $0x70, $0x38;
	[tilespmem:$0x1EB40] =	vst v63  }
0x6b: {  	_ =	swait.ge [sflag:s16], $0x70  }
0x6c: {  	[sflag:s16] =	ssyncset.done $0x0  }
0x6d: {  	[sflag:s16] =	ssyncadd.s32 $0xFFFFFF90  }
0x6e: {  	_ =	swait.ge [sflag:s25], $0x3800  }
0x6f: {  	[sflag:s25] =	ssyncset.done $0x0  }
0x70: {  	[sflag:s25] =	ssyncadd.s32 $0xFFFFC800  }
0x71: {  	[tilespmem:s18], [sflag:$0x1] =	stream.indirect.gather [hbm4b:s1+s17], $0x80, s4, s17, $0xb8;
	[tilespmem:$0x1EB40] =	vst v63  }
0x72: {  	_ =	swait.ge [sflag:s26], $0x3800  }
0x73: {  	[sflag:s26] =	ssyncset.done $0x0  }
0x74: {  	s11 =	sadd.s32 $0xE, s10;
	[sflag:s26] =	ssyncadd.s32 $0xFFFFC800  }
0x75: {  	[tilespmem:s28], [sflag:$0x7] =	stream.linear.gather [hbm4b:s11+s4], $0x70, $0x38;
	[tilespmem:$0x1EB40] =	vst v63  }
0x76: {  	_ =	swait.ge [sflag:s16], $0x70  }
0x77: {  	[sflag:s16] =	ssyncset.done $0x0  }
0x78: {  	[sflag:s16] =	ssyncadd.s32 $0xFFFFFF90  }
0x79: {  	[spmem:s3] =	stream.indirect.scatter.add.f32 [tilespmem:s20], [sflag:$0x5], $0x80, s28, s17, $0xb8;
	[tilespmem:$0x1EB40] =	vst v63  }
0x7a: {  	s11 =	sadd.s32 $0x38, s9  }
0x7b: {  	[tilespmem:s19], [sflag:$0x7] =	stream.linear.gather [hbm4b:s11+s4], $0x70, $0x38;
	[tilespmem:$0x1EB40] =	vst v63  }
0x7c: {  	_ =	swait.ge [sflag:s16], $0x70  }
0x7d: {  	[sflag:s16] =	ssyncset.done $0x0  }
0x7e: {  	[sflag:s16] =	ssyncadd.s32 $0xFFFFFF90  }
0x7f: {  	_ =	swait.ge [sflag:s29], $0x3800  }
0x80: {  	[sflag:s29] =	ssyncset.done $0x0  }
0x81: {  	[sflag:s29] =	ssyncadd.s32 $0xFFFFC800  }
0x82: {  	[tilespmem:s20], [sflag:$0x2] =	stream.indirect.gather [hbm4b:s1+s17], $0x80, s19, s17, $0xb8;
	[tilespmem:$0x1EB40] =	vst v63  }
0x83: {  	_ =	swait.ge [sflag:s30], $0x3800  }
0x84: {  	[sflag:s30] =	ssyncset.done $0x0  }
0x85: {  	s10 =	sadd.s32 $0x1C, s10;
	[sflag:s30] =	ssyncadd.s32 $0xFFFFC800  }
0x86: {  	[tilespmem:s31], [sflag:$0x7] =	stream.linear.gather [hbm4b:s10+s4], $0x70, $0x38;
	[tilespmem:$0x1EB40] =	vst v63  }
0x87: {  	_ =	swait.ge [sflag:s16], $0x70  }
0x88: {  	[sflag:s16] =	ssyncset.done $0x0  }
0x89: {  	[sflag:s16] =	ssyncadd.s32 $0xFFFFFF90  }
0x8a: {  	[spmem:s3] =	stream.indirect.scatter.add.f32 [tilespmem:s22], [sflag:$0x6], $0x80, s31, s17, $0xb8;
	[tilespmem:$0x1EB40] =	vst v63  }
0x8b: {  	s9 =	sadd.s32 $0x46, s9  }
0x8c: {  	[tilespmem:s21], [sflag:$0x7] =	stream.linear.gather [hbm4b:s9+s4], $0x70, $0x38;
	[tilespmem:$0x1EB40] =	vst v63  }
0x8d: {  	_ =	swait.ge [sflag:s16], $0x70  }
.Ltmp1:
0x8e: {  	[sflag:s16] =	ssyncset.done $0x0;
	(pc) =	sbr.rel @p0 .LBB2_2-.Ltmp1, $4  }
0x8f: {  	[sflag:s16] =	ssyncadd.s32 $0xFFFFFF90  }
0x90: {  	_ =	swait.ge [sflag:s2], $0x3800  }
0x91: {  	[sflag:s2] =	ssyncset.done $0x0  }
0x92: {  	[sflag:s2] =	ssyncadd.s32 $0xFFFFC800  }
.LBB2_3:
0x93: {  	[tilespmem:s22], [sflag:$0x3] =	stream.indirect.gather [hbm4b:s1+s17], $0x80, s21, s17, $0xb8;
	[tilespmem:$0x1EB40] =	vst v63  }
0x94: {  	_ =	swait.ge [sflag:s23], $0x3800  }
0x95: {  	[sflag:s23] =	ssyncset.done $0x0  }
0x96: {  	[sflag:s23] =	ssyncadd.s32 $0xFFFFC800  }
0x97: {  	_ =	swait.ge [sflag:s26], $0x3800  }
0x98: {  	[sflag:s26] =	ssyncset.done $0x0  }
0x99: {  	[sflag:s26] =	ssyncadd.s32 $0xFFFFC800  }
0x9a: {  	_ =	swait.ge [sflag:s30], $0x3800  }
0x9b: {  	[sflag:s30] =	ssyncset.done $0x0  }
0x9c: {  	s0 =	sadd.s32 $0x1, s0;
	[sflag:s30] =	ssyncadd.s32 $0xFFFFC800  }
0x9d: {  	p0 =	sne.s32 s0, s12;
	[bflag:$0x0] =	sbarrier.arrive $0xFFFF  }
.Ltmp2:
0x9e: {  	s5 =	rddreg [dreg:$0x7];
	(pc) =	sbr.rel @p0 .LBB2_1-.Ltmp2, $4  }
0x9f: {  	[hbm:s5], [sflag:s7] =	dma.local [spmem:s15], $0x2800  }
0xa0: {  	_ =	swait.ge [sflag:s16], $0x2800  }
0xa1: {  	[sflag:s16] =	ssyncset.done $0x0  }
0xa2: {  	[sflag:s16] =	ssyncadd.s32 $0xFFFFD800  }
0xa3: {  	_ =	sfence.sel $0x180000  }
0xa4: {  	[bflag:$0x0] =	sbarrier.arrive $0xFFFF  }
0xa5: {  	_ =	strace $0x90000047  }
0xa6: {  	s0 =	stileid.u32;
	[bflag:$0x2] =	sbarrier.arrive $0xFFFF  }
0xa7: {  	p0 =	sne.s32 s0, $0x0;
	s0 =	rddreg [dreg:$0x3]  }
0xa8: {  	s0 =	sadd.s32 @!p0 $0x100000, s0  }
0xa9: {  	[sflag:s0] =	ssyncadd.tile.s32 @!p0 $0x1;
	_ =	shalt  }
.Lfunc_end2:
_tile_overlayer_lowered:
.L_overlay_start_2:
0xaa: {  	(tag) =	ssettag $0x2  }
0xab: {  	s0 =	rddreg [dreg:$0x0];
	s2 =	stileid.u32  }
0xac: {  	s1 =	rddreg [dreg:$0x1];
	p0 =	sne.s32 s2, $0x0  }
0xad: {  	s3 =	rddreg [dreg:$0x2];
	[bflag:$0x3] =	sbarrier.arrive $0xFFFF;
	s2 =	simm.s32 @!p0 $0x1C07  }
0xae: {  	[timem:s3], [sflag:s2] =	dma.local @!p0 [hbm:s0], s1  }
0xaf: {  	s0 =	simm.s32 @!p0 $0x7  }
0xb0: {  	_ =	swait.ge @!p0 [sflag:s0], s1  }
0xb1: {  	s1 =	ssub.s32 @!p0 $0x0, s1;
	[sflag:s0] =	ssyncset.done @!p0 $0x0  }
0xb2: {  	[sflag:s0] =	ssyncadd.s32 @!p0 s1  }
0xb3: {  	[bflag:$0x3] =	sbarrier.arrive $0xFFFF  }
0xb4: {  	_ =	shalt  }

// kernel: kernel.22.cloned.1.call-start
scs
__scs_entry_jumppad:
0x0: {  	(pc) =	sbr.rel $0x88, $3  }
0x1: {  	(tag) =	ssettag $0x0;
	lr =	simm.s32 $0x1  }
0x2: {  	[smem:$0x3F96] =	sst lr;
	_ =	strace $0xD0000000  }
0x3: {  	_ = 	snop  }
0x4: {  	_ = 	snop  }
0x5: {  	_ = 	snop  }
0x6: {  	_ = 	snop  }
0x7: {  	_ = 	snop  }
__scs_overlays_trampoline_lowered:
0x8: {  	[smem:$0x3FA5] =	sst s0  }
0x9: {  	[smem:$0x3FA6] =	sst s1  }
0xa: {  	[smem:$0x3FA7] =	sst s2  }
0xb: {  	[smem:$0x3FA8] =	sst s3  }
0xc: {  	[smem:$0x3FA9] =	sst s4  }
0xd: {  	[smem:$0x3FAA] =	sst s5  }
0xe: {  	[smem:$0x3FAB] =	sst s6  }
0xf: {  	[smem:$0x3FAC] =	sst s7  }
0x10: {  	[smem:$0x3FAD] =	sst s8  }
0x11: {  	[smem:$0x3FAE] =	sst s9;
	s0 =	simm.s32 @!p0 $0x0  }
0x12: {  	s1 =	sld [smem:$0x3F94];
	s0 =	simm.s32 @p0 $0x1  }
0x13: {  	[smem:$0x3FAF] =	sst s0;
	s0 =	simm.s32 @!p1 $0x0  }
0x14: {  	s2 =	sld [smem:$0x3F93];
	s0 =	simm.s32 @p1 $0x1  }
0x15: {  	[smem:$0x3FB0] =	sst s0;
	s0 =	simm.s32 @!p2 $0x0  }
0x16: {  	s3 =	sld [smem:$0x3FDB];
	s0 =	simm.s32 @p2 $0x1  }
0x17: {  	s4 =	simm.s32 $0x1BF5;
	[smem:$0x3FB2] =	sst s0  }
0x18: {  	s0 =	sld [smem:$0x3F95];
	_ =	swait.ge [sflag:s4], $0x0  }
0x19: {  	s7 =	sld [smem:$0x3F96]  }
0x1a: {  	s8 =	sadd.s32 $0xFFFFE003, lr  }
0x1b: {  	s9 =	sadd.s32 $0xFFFFFEF7, lr;
	s5 =	simm.s32 $0xFFFFFFFF;
	p2 =	slt.u32 s8, $0xFFFFF086  }
0x1c: {  	p1 =	slt.u32 s9, $0xF7A;
	s5 =	simm.s32 @!p2 $0x0  }
0x1d: {  	s5 =	simm.s32 @p1 $0x1;
	p0 =	seq.s32 s7, s2  }
0x1e: {  	s7 =	smul.u32 @!p0 $0xF7A, s2;
	p2 =	seq.s32 @!p0 s5, $0x0  }
0x1f: {  	s9 =	smul.u32 $0xF7A, s1;
	s8 =	simm.s32 @!p0 $0x1BF5;
	p2 =	por !p2, p0  }
0x20: {  	[sflag:s8] =	ssyncset.s32 @!p0 $0xFFFFF086;
	s6 =	sadd.s32 @!p0 s3, s7;
	s7 =	simm.s32 @!p0 $0x108  }
0x21: {  	s3 =	sadd.s32 s3, s9;
	s6 =	sadd.s32 @!p0 $0x88, s6;
	s7 =	simm.s32 @p2 $0x1082  }
0x22: {  	[simem:s7], [sflag:s8] =	dma.local @!p0 [hbm:s6], $0xF7A  }
0x23: {  	s9 =	sor.u32 $0xD0000000, s2;
	s6 =	simm.s32 $0x108;
	_ =	swait.ge @!p0 [sflag:s8], $0x0  }
0x24: {  	s3 =	sadd.s32 $0x88, s3;
	s6 =	simm.s32 @!p1 $0x1082;
	[sflag:s4] =	ssyncset.s32 $0xFFFFF086  }
0x25: {  	[simem:s6], [sflag:s4] =	dma.local [hbm:s3], $0xF7A  }
0x26: {  	[smem:$0x3F96] =	sst s1;
	(tag) =	ssettag s2;
	_ =	strace s9  }
0x27: {  	s1 =	sld [smem:$0x3FA6]  }
0x28: {  	s2 =	sld [smem:$0x3FA7]  }
0x29: {  	s4 =	sld [smem:$0x3FA9]  }
0x2a: {  	p0 =	seq.s32 s5, $0x0;
	s5 =	sld [smem:$0x3FAA]  }
0x2b: {  	s6 =	sld [smem:$0x3FAB]  }
0x2c: {  	s7 =	sld [smem:$0x3FAC]  }
0x2d: {  	s3 =	simm.s32 $0x108;
	s8 =	sld [smem:$0x3FAD]  }
0x2e: {  	s3 =	simm.s32 @!p0 $0x1082;
	s9 =	sld [smem:$0x3FAE]  }
0x2f: {  	lr =	sadd.s32 s0, s3;
	s0 =	sld [smem:$0x3FA5]  }
0x30: {  	s3 =	sld [smem:$0x3FA8]  }
0x31: {  	[smem:$0x3FB1] =	sst s10  }
0x32: {  	s10 =	sld [smem:$0x3FAF];
	_ =	sdelay $0x3  }
0x33: {  	p0 =	seq.s32 s10, $0x1;
	s10 =	sld [smem:$0x3FB1];
	_ =	sdelay $0x3  }
0x34: {  	[smem:$0x3FB1] =	sst s10  }
0x35: {  	s10 =	sld [smem:$0x3FB0];
	_ =	sdelay $0x3  }
0x36: {  	p1 =	seq.s32 s10, $0x1;
	s10 =	sld [smem:$0x3FB1];
	_ =	sdelay $0x3  }
0x37: {  	[smem:$0x3FB1] =	sst s10  }
0x38: {  	s10 =	sld [smem:$0x3FB2]  }
0x39: {  	_ = 	snop;
	(pc) =	sbr.ind lr, $3  }
0x3a: {  	_ = 	snop  }
0x3b: {  	_ = 	snop  }
0x3c: {  	p2 =	seq.s32 s10, $0x1;
	s10 =	sld [smem:$0x3FB1]  }
0x3d: {  	_ =	shalt  }
0x3e: {  	_ =	shalt  }
0x3f: {  	_ =	shalt  }
0x40: {  	_ =	shalt  }
0x41: {  	_ =	shalt  }
0x42: {  	_ =	shalt  }
0x43: {  	_ =	shalt  }
0x44: {  	_ =	shalt  }
0x45: {  	_ =	shalt  }
0x46: {  	_ =	shalt  }
0x47: {  	_ =	shalt  }
0x48: {  	_ =	shalt  }
0x49: {  	_ =	shalt  }
0x4a: {  	_ =	shalt  }
0x4b: {  	_ =	shalt  }
0x4c: {  	_ =	shalt  }
0x4d: {  	_ =	shalt  }
0x4e: {  	_ =	shalt  }
0x4f: {  	_ =	shalt  }
0x50: {  	_ =	shalt  }
0x51: {  	_ =	shalt  }
0x52: {  	_ =	shalt  }
0x53: {  	_ =	shalt  }
0x54: {  	_ =	shalt  }
0x55: {  	_ =	shalt  }
0x56: {  	_ =	shalt  }
0x57: {  	_ =	shalt  }
0x58: {  	_ =	shalt  }
0x59: {  	_ =	shalt  }
0x5a: {  	_ =	shalt  }
0x5b: {  	_ =	shalt  }
0x5c: {  	_ =	shalt  }
0x5d: {  	_ =	shalt  }
0x5e: {  	_ =	shalt  }
0x5f: {  	_ =	shalt  }
0x60: {  	_ =	shalt  }
0x61: {  	_ =	shalt  }
0x62: {  	_ =	shalt  }
0x63: {  	_ =	shalt  }
0x64: {  	_ =	shalt  }
0x65: {  	_ =	shalt  }
0x66: {  	_ =	shalt  }
0x67: {  	_ =	shalt  }
0x68: {  	_ =	shalt  }
0x69: {  	_ =	shalt  }
0x6a: {  	_ =	shalt  }
0x6b: {  	_ =	shalt  }
0x6c: {  	_ =	shalt  }
0x6d: {  	_ =	shalt  }
0x6e: {  	_ =	shalt  }
0x6f: {  	_ =	shalt  }
0x70: {  	_ =	shalt  }
0x71: {  	_ =	shalt  }
0x72: {  	_ =	shalt  }
0x73: {  	_ =	shalt  }
0x74: {  	_ =	shalt  }
0x75: {  	_ =	shalt  }
0x76: {  	_ =	shalt  }
0x77: {  	_ =	shalt  }
0x78: {  	_ =	shalt  }
0x79: {  	_ =	shalt  }
0x7a: {  	_ =	shalt  }
0x7b: {  	_ =	shalt  }
0x7c: {  	_ =	shalt  }
0x7d: {  	_ =	shalt  }
0x7e: {  	_ =	shalt  }
0x7f: {  	_ =	shalt  }
0x80: {  	_ =	shalt  }
0x81: {  	_ =	shalt  }
0x82: {  	_ =	shalt  }
0x83: {  	_ =	shalt  }
0x84: {  	_ =	shalt  }
0x85: {  	_ =	shalt  }
0x86: {  	_ =	shalt  }
0x87: {  	_ =	shalt  }
.Lfunc_end0:
.L_simem_size_0:
called_computation.1_lowered:
.L_overlay_start_0:
0x88: {  	s2 =	sld [smem:$0x3FD9]  }
0x89: {  	s3 =	sld [smem:$0x3FFE];
	_ =	sdelay $0x1  }
0x8a: {  	s1 =	srdreg.scid  }
0x8b: {  	s0 =	sand.u32 $0x1, s1  }
0x8c: {  	s16 =	sshll.u32 s0, $0xA;
	s2 =	sadd.s32 s3, s2  }
0x8d: {  	s2 =	sadd.s32 s2, s16  }
0x8e: {  	[smem:$0x3FBD] =	sst s2  }
0x8f: {  	_ = 	snop  }
0x90: {  	(tm) =	ssettm $0x1  }
0x91: {  	s17 =	sld [smem:$0x3FFB];
	_ =	sdelay $0x3  }
0x92: {  	_ =	strace s17  }
0x93: {  	s2 =	sld [smem:$0x3FFC];
	_ =	sdelay $0x3  }
0x94: {  	_ =	strace s2  }
0x95: {  	s2 =	sld [smem:$0x3FFD];
	_ =	sdelay $0x3  }
0x96: {  	_ =	strace s2  }
0x97: {  	_ =	strace $0x8FFFFFFF  }
0x98: {  	s18 =	sld [smem:$0x3FDB];
	_ =	sdelay $0x1  }
0x99: {  	s19 =	simm.s32 $_scs_section_size  }
0x9a: {  	s4 =	simm.s32 $_size__tile_overlayer_lowered;
	s5 =	simm.s32 $_tile_overlayer_lowered  }
0x9b: {  	s22 =	simm.s32 $0x1BFF;
	s21 =	sshll.u32 s5, $0x1;
	s2 =	sadd.s32 s19, s18  }
0x9c: {  	s6 =	simm.s32 $0x0;
	s20 =	sshll.u32 s4, $0x1;
	s4 =	sadd.s32 s21, s2  }
0x9d: {  	[timem:s6], [sflag:s22] =	dma.local [hbm:s4], s20  }
0x9e: {  	_ =	swait.ge [sflag:s22], s20  }
0x9f: {  	s3 =	ssub.s32 $0x0, s20;
	[sflag:s22] =	ssyncset.done $0x0  }
0xa0: {  	[sflag:s22] =	ssyncadd.s32 s3;
	_ =	sdelay $0x1  }
0xa1: {  	s23 =	simm.s32 $0x1B8B  }
0xa2: {  	_ =	swait.ge [sflag:s23], $0x1  }
0xa3: {  	[sflag:s23] =	ssyncset.done $0x0  }
0xa4: {  	s25 =	simm.s32 $0x1B8E;
	s24 =	sld [smem:$0x3FFE];
	[sflag:s23] =	ssyncadd.s32 $0xFFFFFFFF  }
0xa5: {  	s26 =	simm.s32 $execute0_lowered;
	[smem:$0x3FD2] =	sst s25  }
0xa6: {  	s4 =	sshll.u32 s26, $0x1;
	_ =	strace $0x80000049;
	[dreg:$0x1] =	wrdreg $0xFFFFFFFF  }
0xa7: {  	s28 =	simm.s32 $_size_execute0_lowered;
	s2 =	sadd.s32 s2, s4;
	[dreg:$0x0] =	wrdreg $0x0  }
0xa8: {  	s4 =	sshll.u32 s28, $0x1;
	[dreg:$0x2] =	wrdreg s2  }
0xa9: {  	[dreg:$0x3] =	wrdreg s4  }
0xaa: {  	[dreg:$0x4] =	wrdreg $0xC0  }
0xab: {  	_ =	task [dreg:s6], $0x5FFFF  }
0xac: {  	[dreg:$0x1] =	wrdreg $0xFFFFFFFF  }
0xad: {  	[dreg:$0x0] =	wrdreg $0x60  }
0xae: {  	[dreg:$0x2] =	wrdreg s24  }
0xaf: {  	[dreg:$0x3] =	wrdreg $0xAB000  }
0xb0: {  	[dreg:$0x4] =	wrdreg $0x9  }
0xb1: {  	_ =	task.clear_ibuf [dreg:s6], $0x5FFFF;
	_ =	strace $0x90000049  }
0xb2: {  	s29 =	simm.s32 $0x9;
	_ =	strace $0x8000004B  }
0xb3: {  	_ =	swait.ge [sflag:s29], $0x1  }
0xb4: {  	[sflag:s29] =	ssyncadd.s32 $0xFFFFFFFF  }
0xb5: {  	_ =	strace $0x9000004B  }
0xb6: {  	_ =	sfence  }
0xb7: {  	s30 =	sld [smem:$0x0];
	_ =	sdelay $0x2  }
0xb8: {  	s31 =	sshll.u32 s1, $0xD;
	s1 =	sshrl.u32 s1, $0x2  }
0xb9: {  	s3 =	sand.u32 $0x4000, s31;
	s1 =	sadd.s32 s1, s30  }
0xba: {  	s0 =	sor.u32 s3, s0;
	s1 =	sshll.u32 s1, $0x11  }
0xbb: {  	s0 =	sor.u32 s1, s0  }
0xbc: {  	s0 =	sadd.s32 $0x8F2B, s0  }
0xbd: {  	[sflag:s0] =	ssyncadd.remote.s32 $0x1  }
0xbe: {  	_ =	sfence.sel $0xFFFF  }
0xbf: {  	[dreg:$0x0] =	wrdreg $0xFFFFFFFF;
	(pc) =	sbr.abs _section_cstart, $3  }
0xc0: {  	[dreg:$0x1] =	wrdreg $0xFFFFFFFF  }
0xc1: {  	_ =	task.clear_ibuf [dreg:s6], $0x2FFFF;
	_ =	strace $0x9FFFFFFF  }
0xc2: {  	(tm) =	ssettm $0x7FFFFFFF  }
0xc3: {  	_ =	shalt  }
tec
execute0_lowered:
.L_overlay_start_1:
0x0: {  	(tag) =	ssettag $0x1  }
0x1: {  	s12 =	stileid.u32  }
0x2: {  	s0 =	srdreg.scid;
	s5 =	rddreg [dreg:$0x0];
	s3 =	simm.s32 $0x0  }
0x3: {  	s16 =	simm.s32 $0x7;
	s17 =	simm.s32 $0x70;
	s18 =	simm.s32 $0x300  }
0x4: {  	s19 =	simm.s32 $0x80;
	s20 =	simm.s32 $0x3B00;
	s21 =	simm.s32 $0x100  }
0x5: {  	s28 =	simm.s32 $0x200;
	s29 =	simm.s32 $0x5;
	s1 =	smul.u32 $0x3C, s12  }
0x6: {  	s30 =	simm.s32 $0x3;
	s31 =	simm.s32 $0x280;
	s2 =	smul.u32 $0x12C, s12  }
0x7: {  	s0 =	sand.u32 $0x1, s0;
	[smem:$0x7FF] =	sst s3;
	s7 =	smul.u32 $0x14000, s12  }
0x8: {  	s4 =	sadd.s32 $0x31C00, s5;
	s10 =	sadd.s32 $0x7C00, s5;
	s8 =	sadd.s32 $0x2F400, s5  }
0x9: {  	s11 =	smul.u32 $0x50000, s12;
	s24 =	sshll.u32 s12, $0x6;
	p0 =	seq.s32 s0, $0x0  }
0xa: {  	s6 =	smul.u32 $0x140000, s0;
	s0 =	ssub.s32 $0x2, s0;
	s1 =	sadd.s32 $0x12C0, s1  }
0xb: {  	s22 =	sshrl.u32 s0, $0x1;
	s1 =	smov.u32 @p0 s2;
	s2 =	rddreg [dreg:$0x1]  }
0xc: {  	s23 =	sshrl.u32 s11, $0x2;
	_ =	strace $0x8000004A;
	[dreg:$0x3] =	wrdreg s8  }
0xd: {  	s6 =	sadd.s32 s7, s6;
	s0 =	ssub.s32 s0, s22;
	s9 =	smul.u32 $0xE, s1  }
0xe: {  	s22 =	simm.s32 $0x7300;
	s7 =	sshrl.u32 s6, $0x3;
	s1 =	smul.u32 $0x70, s1  }
0xf: {  	s6 =	simm.s32 $0x1068;
	s15 =	sadd.s32 s23, s2;
	s12 =	smax.u32 s0, $0x1  }
0x10: {  	s23 =	simm.s32 $0x1;
	s0 =	simm.s32 $0x0;
	s6 =	simm.s32 @!p0 $0x348  }
0x11: {  	s15 =	sshrl.u32 s15, $0x3;
	s14 =	sadd.s32 s9, s5;
	s5 =	sadd.s32 s7, s5  }
0x12: {  	s1 =	sshrl.u32 s1, $0x3;
	s7 =	sor.u32 $0x1C07, s24;
	s13 =	sadd.s32 s9, s10  }
0x13: {  	s24 =	simm.s32 $0x180;
	s8 =	sadd.s32 s10, s1;
	s26 =	sadd.s32 $0x81E00, s5  }
0x14: {  	s14 =	sadd.s32 $0x1B800, s14;
	s1 =	sadd.s32 $0xE, s8;
	[dreg:$0x6] =	wrdreg s26  }
0x15: {  	s25 =	sadd.s32 $0x1C, s8;
	s26 =	simm.s32 $0x2;
	[dreg:$0x4] =	wrdreg s1  }
0x16: {  	[dreg:$0x5] =	wrdreg s25;
	s25 =	simm.s32 $0x4;
	s1 =	simm.s32 $0x6  }
.LBB2_1:
0x17: {  	s5 =	rddreg [dreg:$0x3]  }
0x18: {  	[spmem:s15], [sflag:s7] =	dma.local [hbm:s5], $0x2800  }
0x19: {  	_ =	swait.ge [sflag:s16], $0x2800  }
0x1a: {  	[sflag:s16] =	ssyncset.done $0x0  }
0x1b: {  	[sflag:s16] =	ssyncadd.s32 $0xFFFFD800  }
0x1c: {  	[bflag:$0x0] =	sbarrier.arrive $0xFFFF  }
0x1d: {  	[tilespmem:s3], [sflag:$0x7] =	stream.linear.gather [hbm4b:s8+s3], $0x70, $0x38;
	[tilespmem:$0x1EB40] =	vst v63  }
0x1e: {  	_ =	swait.ge [sflag:s16], $0x70  }
0x1f: {  	[sflag:s16] =	ssyncset.done $0x0  }
0x20: {  	[sflag:s16] =	ssyncadd.s32 $0xFFFFFF90  }
0x21: {  	[tilespmem:s18], [sflag:$0x1] =	stream.indirect.gather [hbm4b:s4+s17], $0x80, s3, s17, $0xb8;
	[tilespmem:$0x1EB40] =	vst v63  }
0x22: {  	s9 =	rddreg [dreg:$0x4]  }
0x23: {  	[tilespmem:s19], [sflag:$0x7] =	stream.linear.gather [hbm4b:s9+s3], $0x70, $0x38;
	[tilespmem:$0x1EB40] =	vst v63  }
0x24: {  	_ =	swait.ge [sflag:s16], $0x70  }
0x25: {  	[sflag:s16] =	ssyncset.done $0x0  }
0x26: {  	[sflag:s16] =	ssyncadd.s32 $0xFFFFFF90  }
0x27: {  	[tilespmem:s20], [sflag:$0x2] =	stream.indirect.gather [hbm4b:s4+s17], $0x80, s19, s17, $0xb8;
	[tilespmem:$0x1EB40] =	vst v63  }
0x28: {  	s10 =	rddreg [dreg:$0x5]  }
0x29: {  	[tilespmem:s21], [sflag:$0x7] =	stream.linear.gather [hbm4b:s10+s3], $0x70, $0x38;
	[tilespmem:$0x1EB40] =	vst v63  }
0x2a: {  	_ =	swait.ge [sflag:s16], $0x70  }
0x2b: {  	[sflag:s16] =	ssyncset.done $0x0  }
0x2c: {  	[sflag:s16] =	ssyncadd.s32 $0xFFFFFF90  }
0x2d: {  	[tilespmem:s22], [sflag:$0x3] =	stream.indirect.gather [hbm4b:s4+s17], $0x80, s21, s17, $0xb8;
	[tilespmem:$0x1EB40] =	vst v63  }
0x2e: {  	_ =	swait.ge [sflag:s23], $0x3800  }
0x2f: {  	[sflag:s23] =	ssyncset.done $0x0  }
0x30: {  	s5 =	sadd.s32 $0x0, s14;
	[sflag:s23] =	ssyncadd.s32 $0xFFFFC800  }
0x31: {  	[tilespmem:s24], [sflag:$0x7] =	stream.linear.gather [hbm4b:s5+s3], $0x70, $0x38;
	[tilespmem:$0x1EB40] =	vst v63  }
0x32: {  	_ =	swait.ge [sflag:s16], $0x70  }
0x33: {  	[sflag:s16] =	ssyncset.done $0x0  }
0x34: {  	s9 =	sadd.s32 $0x0, s13;
	[sflag:s16] =	ssyncadd.s32 $0xFFFFFF90  }
0x35: {  	[spmem:s2] =	stream.indirect.scatter.add.f32 [tilespmem:s18], [sflag:$0x4], $0x80, s24, s17, $0xb8;
	[tilespmem:$0x1EB40] =	vst v63  }
0x36: {  	s10 =	sadd.s32 $0x2A, s9  }
0x37: {  	[tilespmem:s3], [sflag:$0x7] =	stream.linear.gather [hbm4b:s10+s3], $0x70, $0x38;
	[tilespmem:$0x1EB40] =	vst v63  }
0x38: {  	_ =	swait.ge [sflag:s16], $0x70  }
0x39: {  	[sflag:s16] =	ssyncset.done $0x0  }
0x3a: {  	[sflag:s16] =	ssyncadd.s32 $0xFFFFFF90  }
0x3b: {  	_ =	swait.ge [sflag:s25], $0x3800  }
0x3c: {  	[sflag:s25] =	ssyncset.done $0x0  }
0x3d: {  	[sflag:s25] =	ssyncadd.s32 $0xFFFFC800  }
0x3e: {  	[tilespmem:s18], [sflag:$0x1] =	stream.indirect.gather [hbm4b:s4+s17], $0x80, s3, s17, $0xb8;
	[tilespmem:$0x1EB40] =	vst v63  }
0x3f: {  	_ =	swait.ge [sflag:s26], $0x3800  }
0x40: {  	[sflag:s26] =	ssyncset.done $0x0  }
0x41: {  	s11 =	sadd.s32 $0xE, s5;
	[sflag:s26] =	ssyncadd.s32 $0xFFFFC800  }
0x42: {  	[tilespmem:s28], [sflag:$0x7] =	stream.linear.gather [hbm4b:s11+s3], $0x70, $0x38;
	[tilespmem:$0x1EB40] =	vst v63  }
0x43: {  	_ =	swait.ge [sflag:s16], $0x70  }
0x44: {  	[sflag:s16] =	ssyncset.done $0x0  }
0x45: {  	[sflag:s16] =	ssyncadd.s32 $0xFFFFFF90  }
0x46: {  	[spmem:s2] =	stream.indirect.scatter.add.f32 [tilespmem:s20], [sflag:$0x5], $0x80, s28, s17, $0xb8;
	[tilespmem:$0x1EB40] =	vst v63  }
0x47: {  	s11 =	sadd.s32 $0x38, s9  }
0x48: {  	[tilespmem:s19], [sflag:$0x7] =	stream.linear.gather [hbm4b:s11+s3], $0x70, $0x38;
	[tilespmem:$0x1EB40] =	vst v63  }
0x49: {  	_ =	swait.ge [sflag:s16], $0x70  }
0x4a: {  	[sflag:s16] =	ssyncset.done $0x0  }
0x4b: {  	[sflag:s16] =	ssyncadd.s32 $0xFFFFFF90  }
0x4c: {  	_ =	swait.ge [sflag:s29], $0x3800  }
0x4d: {  	[sflag:s29] =	ssyncset.done $0x0  }
0x4e: {  	[sflag:s29] =	ssyncadd.s32 $0xFFFFC800  }
0x4f: {  	[tilespmem:s20], [sflag:$0x2] =	stream.indirect.gather [hbm4b:s4+s17], $0x80, s19, s17, $0xb8;
	[tilespmem:$0x1EB40] =	vst v63  }
0x50: {  	_ =	swait.ge [sflag:s30], $0x3800  }
0x51: {  	[sflag:s30] =	ssyncset.done $0x0  }
0x52: {  	s5 =	sadd.s32 $0x1C, s5;
	[sflag:s30] =	ssyncadd.s32 $0xFFFFC800  }
0x53: {  	[tilespmem:s31], [sflag:$0x7] =	stream.linear.gather [hbm4b:s5+s3], $0x70, $0x38;
	[tilespmem:$0x1EB40] =	vst v63  }
0x54: {  	_ =	swait.ge [sflag:s16], $0x70  }
0x55: {  	[sflag:s16] =	ssyncset.done $0x0  }
0x56: {  	[sflag:s16] =	ssyncadd.s32 $0xFFFFFF90  }
0x57: {  	[spmem:s2] =	stream.indirect.scatter.add.f32 [tilespmem:s22], [sflag:$0x6], $0x80, s31, s17, $0xb8;
	[tilespmem:$0x1EB40] =	vst v63  }
0x58: {  	s11 =	sadd.s32 $0x46, s9  }
0x59: {  	[tilespmem:s21], [sflag:$0x7] =	stream.linear.gather [hbm4b:s11+s3], $0x70, $0x38;
	[tilespmem:$0x1EB40] =	vst v63  }
0x5a: {  	p0 =	sne.s32 s6, $0x2A;
	_ =	swait.ge [sflag:s16], $0x70  }
.Ltmp0:
0x5b: {  	[sflag:s16] =	ssyncset.done $0x0;
	(pc) =	sbr.rel @!p0 .LBB2_3-.Ltmp0, $4  }
0x5c: {  	[sflag:s16] =	ssyncadd.s32 $0xFFFFFF90  }
0x5d: {  	_ =	swait.ge [sflag:s1], $0x3800  }
0x5e: {  	[sflag:s1] =	ssyncset.done $0x0  }
0x5f: {  	s5 =	simm.s32 $0x2A;
	[sflag:s1] =	ssyncadd.s32 $0xFFFFC800  }
.LBB2_2:
0x60: {  	[tilespmem:s22], [sflag:$0x3] =	stream.indirect.gather [hbm4b:s4+s17], $0x80, s21, s17, $0xb8;
	[tilespmem:$0x1EB40] =	vst v63  }
0x61: {  	s9 =	smov.u32 s5;
	s5 =	sadd.s32 $0x2A, s5;
	_ =	swait.ge [sflag:s23], $0x3800  }
0x62: {  	p0 =	sne.s32 s6, s5;
	[sflag:s23] =	ssyncset.done $0x0  }
0x63: {  	s10 =	sadd.s32 s9, s14;
	[sflag:s23] =	ssyncadd.s32 $0xFFFFC800  }
0x64: {  	[tilespmem:s24], [sflag:$0x7] =	stream.linear.gather [hbm4b:s10+s3], $0x70, $0x38;
	[tilespmem:$0x1EB40] =	vst v63  }
0x65: {  	_ =	swait.ge [sflag:s16], $0x70  }
0x66: {  	[sflag:s16] =	ssyncset.done $0x0  }
0x67: {  	s9 =	sadd.s32 s9, s13;
	[sflag:s16] =	ssyncadd.s32 $0xFFFFFF90  }
0x68: {  	[spmem:s2] =	stream.indirect.scatter.add.f32 [tilespmem:s18], [sflag:$0x4], $0x80, s24, s17, $0xb8;
	[tilespmem:$0x1EB40] =	vst v63  }
0x69: {  	s11 =	sadd.s32 $0x2A, s9  }
0x6a: {  	[tilespmem:s3], [sflag:$0x7] =	stream.linear.gather [hbm4b:s11+s3], $0x70, $0x38;
	[tilespmem:$0x1EB40] =	vst v63  }
0x6b: {  	_ =	swait.ge [sflag:s16], $0x70  }
0x6c: {  	[sflag:s16] =	ssyncset.done $0x0  }
0x6d: {  	[sflag:s16] =	ssyncadd.s32 $0xFFFFFF90  }
0x6e: {  	_ =	swait.ge [sflag:s25], $0x3800  }
0x6f: {  	[sflag:s25] =	ssyncset.done $0x0  }
0x70: {  	[sflag:s25] =	ssyncadd.s32 $0xFFFFC800  }
0x71: {  	[tilespmem:s18], [sflag:$0x1] =	stream.indirect.gather [hbm4b:s4+s17], $0x80, s3, s17, $0xb8;
	[tilespmem:$0x1EB40] =	vst v63  }
0x72: {  	_ =	swait.ge [sflag:s26], $0x3800  }
0x73: {  	[sflag:s26] =	ssyncset.done $0x0  }
0x74: {  	s11 =	sadd.s32 $0xE, s10;
	[sflag:s26] =	ssyncadd.s32 $0xFFFFC800  }
0x75: {  	[tilespmem:s28], [sflag:$0x7] =	stream.linear.gather [hbm4b:s11+s3], $0x70, $0x38;
	[tilespmem:$0x1EB40] =	vst v63  }
0x76: {  	_ =	swait.ge [sflag:s16], $0x70  }
0x77: {  	[sflag:s16] =	ssyncset.done $0x0  }
0x78: {  	[sflag:s16] =	ssyncadd.s32 $0xFFFFFF90  }
0x79: {  	[spmem:s2] =	stream.indirect.scatter.add.f32 [tilespmem:s20], [sflag:$0x5], $0x80, s28, s17, $0xb8;
	[tilespmem:$0x1EB40] =	vst v63  }
0x7a: {  	s11 =	sadd.s32 $0x38, s9  }
0x7b: {  	[tilespmem:s19], [sflag:$0x7] =	stream.linear.gather [hbm4b:s11+s3], $0x70, $0x38;
	[tilespmem:$0x1EB40] =	vst v63  }
0x7c: {  	_ =	swait.ge [sflag:s16], $0x70  }
0x7d: {  	[sflag:s16] =	ssyncset.done $0x0  }
0x7e: {  	[sflag:s16] =	ssyncadd.s32 $0xFFFFFF90  }
0x7f: {  	_ =	swait.ge [sflag:s29], $0x3800  }
0x80: {  	[sflag:s29] =	ssyncset.done $0x0  }
0x81: {  	[sflag:s29] =	ssyncadd.s32 $0xFFFFC800  }
0x82: {  	[tilespmem:s20], [sflag:$0x2] =	stream.indirect.gather [hbm4b:s4+s17], $0x80, s19, s17, $0xb8;
	[tilespmem:$0x1EB40] =	vst v63  }
0x83: {  	_ =	swait.ge [sflag:s30], $0x3800  }
0x84: {  	[sflag:s30] =	ssyncset.done $0x0  }
0x85: {  	s10 =	sadd.s32 $0x1C, s10;
	[sflag:s30] =	ssyncadd.s32 $0xFFFFC800  }
0x86: {  	[tilespmem:s31], [sflag:$0x7] =	stream.linear.gather [hbm4b:s10+s3], $0x70, $0x38;
	[tilespmem:$0x1EB40] =	vst v63  }
0x87: {  	_ =	swait.ge [sflag:s16], $0x70  }
0x88: {  	[sflag:s16] =	ssyncset.done $0x0  }
0x89: {  	[sflag:s16] =	ssyncadd.s32 $0xFFFFFF90  }
0x8a: {  	[spmem:s2] =	stream.indirect.scatter.add.f32 [tilespmem:s22], [sflag:$0x6], $0x80, s31, s17, $0xb8;
	[tilespmem:$0x1EB40] =	vst v63  }
0x8b: {  	s9 =	sadd.s32 $0x46, s9  }
0x8c: {  	[tilespmem:s21], [sflag:$0x7] =	stream.linear.gather [hbm4b:s9+s3], $0x70, $0x38;
	[tilespmem:$0x1EB40] =	vst v63  }
0x8d: {  	_ =	swait.ge [sflag:s16], $0x70  }
.Ltmp1:
0x8e: {  	[sflag:s16] =	ssyncset.done $0x0;
	(pc) =	sbr.rel @p0 .LBB2_2-.Ltmp1, $4  }
0x8f: {  	[sflag:s16] =	ssyncadd.s32 $0xFFFFFF90  }
0x90: {  	_ =	swait.ge [sflag:s1], $0x3800  }
0x91: {  	[sflag:s1] =	ssyncset.done $0x0  }
0x92: {  	[sflag:s1] =	ssyncadd.s32 $0xFFFFC800  }
.LBB2_3:
0x93: {  	[tilespmem:s22], [sflag:$0x3] =	stream.indirect.gather [hbm4b:s4+s17], $0x80, s21, s17, $0xb8;
	[tilespmem:$0x1EB40] =	vst v63  }
0x94: {  	_ =	swait.ge [sflag:s23], $0x3800  }
0x95: {  	[sflag:s23] =	ssyncset.done $0x0  }
0x96: {  	[sflag:s23] =	ssyncadd.s32 $0xFFFFC800  }
0x97: {  	_ =	swait.ge [sflag:s26], $0x3800  }
0x98: {  	[sflag:s26] =	ssyncset.done $0x0  }
0x99: {  	[sflag:s26] =	ssyncadd.s32 $0xFFFFC800  }
0x9a: {  	_ =	swait.ge [sflag:s30], $0x3800  }
0x9b: {  	[sflag:s30] =	ssyncset.done $0x0  }
0x9c: {  	s0 =	sadd.s32 $0x1, s0;
	[sflag:s30] =	ssyncadd.s32 $0xFFFFC800  }
0x9d: {  	p0 =	sne.s32 s0, s12;
	[bflag:$0x0] =	sbarrier.arrive $0xFFFF  }
.Ltmp2:
0x9e: {  	s5 =	rddreg [dreg:$0x6];
	(pc) =	sbr.rel @p0 .LBB2_1-.Ltmp2, $4  }
0x9f: {  	[hbm:s5], [sflag:s7] =	dma.local [spmem:s15], $0x2800  }
0xa0: {  	_ =	swait.ge [sflag:s16], $0x2800  }
0xa1: {  	[sflag:s16] =	ssyncset.done $0x0  }
0xa2: {  	[sflag:s16] =	ssyncadd.s32 $0xFFFFD800  }
0xa3: {  	_ =	sfence.sel $0x180000  }
0xa4: {  	[bflag:$0x0] =	sbarrier.arrive $0xFFFF  }
0xa5: {  	_ =	strace $0x9000004A  }
0xa6: {  	s0 =	stileid.u32;
	[bflag:$0x2] =	sbarrier.arrive $0xFFFF  }
0xa7: {  	p0 =	sne.s32 s0, $0x0;
	s0 =	rddreg [dreg:$0x2]  }
0xa8: {  	s0 =	sadd.s32 @!p0 $0x100000, s0  }
0xa9: {  	[sflag:s0] =	ssyncadd.tile.s32 @!p0 $0x1;
	_ =	shalt  }
.Lfunc_end2:
_tile_overlayer_lowered:
.L_overlay_start_2:
0xaa: {  	(tag) =	ssettag $0x2  }
0xab: {  	s0 =	rddreg [dreg:$0x0];
	s2 =	stileid.u32  }
0xac: {  	s1 =	rddreg [dreg:$0x1];
	p0 =	sne.s32 s2, $0x0  }
0xad: {  	s3 =	rddreg [dreg:$0x2];
	[bflag:$0x3] =	sbarrier.arrive $0xFFFF;
	s2 =	simm.s32 @!p0 $0x1C07  }
0xae: {  	[timem:s3], [sflag:s2] =	dma.local @!p0 [hbm:s0], s1  }
0xaf: {  	s0 =	simm.s32 @!p0 $0x7  }
0xb0: {  	_ =	swait.ge @!p0 [sflag:s0], s1  }
0xb1: {  	s1 =	ssub.s32 @!p0 $0x0, s1;
	[sflag:s0] =	ssyncset.done @!p0 $0x0  }
0xb2: {  	[sflag:s0] =	ssyncadd.s32 @!p0 s1  }
0xb3: {  	[bflag:$0x3] =	sbarrier.arrive $0xFFFF  }
0xb4: {  	_ =	shalt  }

// kernel: kernel.25.cloned.1.call-start
scs
__scs_entry_jumppad:
0x0: {  	(pc) =	sbr.rel $0x88, $3  }
0x1: {  	(tag) =	ssettag $0x0;
	lr =	simm.s32 $0x1  }
0x2: {  	[smem:$0x3F96] =	sst lr;
	_ =	strace $0xD0000000  }
0x3: {  	_ = 	snop  }
0x4: {  	_ = 	snop  }
0x5: {  	_ = 	snop  }
0x6: {  	_ = 	snop  }
0x7: {  	_ = 	snop  }
__scs_overlays_trampoline_lowered:
0x8: {  	[smem:$0x3FA5] =	sst s0  }
0x9: {  	[smem:$0x3FA6] =	sst s1  }
0xa: {  	[smem:$0x3FA7] =	sst s2  }
0xb: {  	[smem:$0x3FA8] =	sst s3  }
0xc: {  	[smem:$0x3FA9] =	sst s4  }
0xd: {  	[smem:$0x3FAA] =	sst s5  }
0xe: {  	[smem:$0x3FAB] =	sst s6  }
0xf: {  	[smem:$0x3FAC] =	sst s7  }
0x10: {  	[smem:$0x3FAD] =	sst s8  }
0x11: {  	[smem:$0x3FAE] =	sst s9;
	s0 =	simm.s32 @!p0 $0x0  }
0x12: {  	s1 =	sld [smem:$0x3F94];
	s0 =	simm.s32 @p0 $0x1  }
0x13: {  	[smem:$0x3FAF] =	sst s0;
	s0 =	simm.s32 @!p1 $0x0  }
0x14: {  	s2 =	sld [smem:$0x3F93];
	s0 =	simm.s32 @p1 $0x1  }
0x15: {  	[smem:$0x3FB0] =	sst s0;
	s0 =	simm.s32 @!p2 $0x0  }
0x16: {  	s3 =	sld [smem:$0x3FDB];
	s0 =	simm.s32 @p2 $0x1  }
0x17: {  	s4 =	simm.s32 $0x1BF5;
	[smem:$0x3FB2] =	sst s0  }
0x18: {  	s0 =	sld [smem:$0x3F95];
	_ =	swait.ge [sflag:s4], $0x0  }
0x19: {  	s7 =	sld [smem:$0x3F96]  }
0x1a: {  	s8 =	sadd.s32 $0xFFFFE003, lr  }
0x1b: {  	s9 =	sadd.s32 $0xFFFFFEF7, lr;
	s5 =	simm.s32 $0xFFFFFFFF;
	p2 =	slt.u32 s8, $0xFFFFF086  }
0x1c: {  	p1 =	slt.u32 s9, $0xF7A;
	s5 =	simm.s32 @!p2 $0x0  }
0x1d: {  	s5 =	simm.s32 @p1 $0x1;
	p0 =	seq.s32 s7, s2  }
0x1e: {  	s7 =	smul.u32 @!p0 $0xF7A, s2;
	p2 =	seq.s32 @!p0 s5, $0x0  }
0x1f: {  	s9 =	smul.u32 $0xF7A, s1;
	s8 =	simm.s32 @!p0 $0x1BF5;
	p2 =	por !p2, p0  }
0x20: {  	[sflag:s8] =	ssyncset.s32 @!p0 $0xFFFFF086;
	s6 =	sadd.s32 @!p0 s3, s7;
	s7 =	simm.s32 @!p0 $0x108  }
0x21: {  	s3 =	sadd.s32 s3, s9;
	s6 =	sadd.s32 @!p0 $0x88, s6;
	s7 =	simm.s32 @p2 $0x1082  }
0x22: {  	[simem:s7], [sflag:s8] =	dma.local @!p0 [hbm:s6], $0xF7A  }
0x23: {  	s9 =	sor.u32 $0xD0000000, s2;
	s6 =	simm.s32 $0x108;
	_ =	swait.ge @!p0 [sflag:s8], $0x0  }
0x24: {  	s3 =	sadd.s32 $0x88, s3;
	s6 =	simm.s32 @!p1 $0x1082;
	[sflag:s4] =	ssyncset.s32 $0xFFFFF086  }
0x25: {  	[simem:s6], [sflag:s4] =	dma.local [hbm:s3], $0xF7A  }
0x26: {  	[smem:$0x3F96] =	sst s1;
	(tag) =	ssettag s2;
	_ =	strace s9  }
0x27: {  	s1 =	sld [smem:$0x3FA6]  }
0x28: {  	s2 =	sld [smem:$0x3FA7]  }
0x29: {  	s4 =	sld [smem:$0x3FA9]  }
0x2a: {  	p0 =	seq.s32 s5, $0x0;
	s5 =	sld [smem:$0x3FAA]  }
0x2b: {  	s6 =	sld [smem:$0x3FAB]  }
0x2c: {  	s7 =	sld [smem:$0x3FAC]  }
0x2d: {  	s3 =	simm.s32 $0x108;
	s8 =	sld [smem:$0x3FAD]  }
0x2e: {  	s3 =	simm.s32 @!p0 $0x1082;
	s9 =	sld [smem:$0x3FAE]  }
0x2f: {  	lr =	sadd.s32 s0, s3;
	s0 =	sld [smem:$0x3FA5]  }
0x30: {  	s3 =	sld [smem:$0x3FA8]  }
0x31: {  	[smem:$0x3FB1] =	sst s10  }
0x32: {  	s10 =	sld [smem:$0x3FAF];
	_ =	sdelay $0x3  }
0x33: {  	p0 =	seq.s32 s10, $0x1;
	s10 =	sld [smem:$0x3FB1];
	_ =	sdelay $0x3  }
0x34: {  	[smem:$0x3FB1] =	sst s10  }
0x35: {  	s10 =	sld [smem:$0x3FB0];
	_ =	sdelay $0x3  }
0x36: {  	p1 =	seq.s32 s10, $0x1;
	s10 =	sld [smem:$0x3FB1];
	_ =	sdelay $0x3  }
0x37: {  	[smem:$0x3FB1] =	sst s10  }
0x38: {  	s10 =	sld [smem:$0x3FB2]  }
0x39: {  	_ = 	snop;
	(pc) =	sbr.ind lr, $3  }
0x3a: {  	_ = 	snop  }
0x3b: {  	_ = 	snop  }
0x3c: {  	p2 =	seq.s32 s10, $0x1;
	s10 =	sld [smem:$0x3FB1]  }
0x3d: {  	_ =	shalt  }
0x3e: {  	_ =	shalt  }
0x3f: {  	_ =	shalt  }
0x40: {  	_ =	shalt  }
0x41: {  	_ =	shalt  }
0x42: {  	_ =	shalt  }
0x43: {  	_ =	shalt  }
0x44: {  	_ =	shalt  }
0x45: {  	_ =	shalt  }
0x46: {  	_ =	shalt  }
0x47: {  	_ =	shalt  }
0x48: {  	_ =	shalt  }
0x49: {  	_ =	shalt  }
0x4a: {  	_ =	shalt  }
0x4b: {  	_ =	shalt  }
0x4c: {  	_ =	shalt  }
0x4d: {  	_ =	shalt  }
0x4e: {  	_ =	shalt  }
0x4f: {  	_ =	shalt  }
0x50: {  	_ =	shalt  }
0x51: {  	_ =	shalt  }
0x52: {  	_ =	shalt  }
0x53: {  	_ =	shalt  }
0x54: {  	_ =	shalt  }
0x55: {  	_ =	shalt  }
0x56: {  	_ =	shalt  }
0x57: {  	_ =	shalt  }
0x58: {  	_ =	shalt  }
0x59: {  	_ =	shalt  }
0x5a: {  	_ =	shalt  }
0x5b: {  	_ =	shalt  }
0x5c: {  	_ =	shalt  }
0x5d: {  	_ =	shalt  }
0x5e: {  	_ =	shalt  }
0x5f: {  	_ =	shalt  }
0x60: {  	_ =	shalt  }
0x61: {  	_ =	shalt  }
0x62: {  	_ =	shalt  }
0x63: {  	_ =	shalt  }
0x64: {  	_ =	shalt  }
0x65: {  	_ =	shalt  }
0x66: {  	_ =	shalt  }
0x67: {  	_ =	shalt  }
0x68: {  	_ =	shalt  }
0x69: {  	_ =	shalt  }
0x6a: {  	_ =	shalt  }
0x6b: {  	_ =	shalt  }
0x6c: {  	_ =	shalt  }
0x6d: {  	_ =	shalt  }
0x6e: {  	_ =	shalt  }
0x6f: {  	_ =	shalt  }
0x70: {  	_ =	shalt  }
0x71: {  	_ =	shalt  }
0x72: {  	_ =	shalt  }
0x73: {  	_ =	shalt  }
0x74: {  	_ =	shalt  }
0x75: {  	_ =	shalt  }
0x76: {  	_ =	shalt  }
0x77: {  	_ =	shalt  }
0x78: {  	_ =	shalt  }
0x79: {  	_ =	shalt  }
0x7a: {  	_ =	shalt  }
0x7b: {  	_ =	shalt  }
0x7c: {  	_ =	shalt  }
0x7d: {  	_ =	shalt  }
0x7e: {  	_ =	shalt  }
0x7f: {  	_ =	shalt  }
0x80: {  	_ =	shalt  }
0x81: {  	_ =	shalt  }
0x82: {  	_ =	shalt  }
0x83: {  	_ =	shalt  }
0x84: {  	_ =	shalt  }
0x85: {  	_ =	shalt  }
0x86: {  	_ =	shalt  }
0x87: {  	_ =	shalt  }
.Lfunc_end0:
.L_simem_size_0:
called_computation.2_lowered:
.L_overlay_start_0:
0x88: {  	s2 =	sld [smem:$0x3FD9]  }
0x89: {  	s3 =	sld [smem:$0x3FFE];
	_ =	sdelay $0x1  }
0x8a: {  	s1 =	srdreg.scid  }
0x8b: {  	s0 =	sand.u32 $0x1, s1  }
0x8c: {  	s16 =	sshll.u32 s0, $0xA;
	s2 =	sadd.s32 s3, s2  }
0x8d: {  	s2 =	sadd.s32 s2, s16  }
0x8e: {  	[smem:$0x3FBD] =	sst s2  }
0x8f: {  	_ = 	snop  }
0x90: {  	(tm) =	ssettm $0x1  }
0x91: {  	s17 =	sld [smem:$0x3FFB];
	_ =	sdelay $0x3  }
0x92: {  	_ =	strace s17  }
0x93: {  	s2 =	sld [smem:$0x3FFC];
	_ =	sdelay $0x3  }
0x94: {  	_ =	strace s2  }
0x95: {  	s2 =	sld [smem:$0x3FFD];
	_ =	sdelay $0x3  }
0x96: {  	_ =	strace s2  }
0x97: {  	_ =	strace $0x8FFFFFFF  }
0x98: {  	s18 =	sld [smem:$0x3FDB];
	_ =	sdelay $0x1  }
0x99: {  	s19 =	simm.s32 $_scs_section_size  }
0x9a: {  	s4 =	simm.s32 $_size__tile_overlayer_lowered;
	s5 =	simm.s32 $_tile_overlayer_lowered  }
0x9b: {  	s22 =	simm.s32 $0x1BFF;
	s21 =	sshll.u32 s5, $0x1;
	s2 =	sadd.s32 s19, s18  }
0x9c: {  	s6 =	simm.s32 $0x0;
	s20 =	sshll.u32 s4, $0x1;
	s4 =	sadd.s32 s21, s2  }
0x9d: {  	[timem:s6], [sflag:s22] =	dma.local [hbm:s4], s20  }
0x9e: {  	_ =	swait.ge [sflag:s22], s20  }
0x9f: {  	s3 =	ssub.s32 $0x0, s20;
	[sflag:s22] =	ssyncset.done $0x0  }
0xa0: {  	[sflag:s22] =	ssyncadd.s32 s3;
	_ =	sdelay $0x1  }
0xa1: {  	s23 =	simm.s32 $0x1B8B  }
0xa2: {  	_ =	swait.ge [sflag:s23], $0x1  }
0xa3: {  	[sflag:s23] =	ssyncset.done $0x0  }
0xa4: {  	s25 =	simm.s32 $0x1B8E;
	s24 =	sld [smem:$0x3FFE];
	[sflag:s23] =	ssyncadd.s32 $0xFFFFFFFF  }
0xa5: {  	s26 =	simm.s32 $execute0_lowered;
	[smem:$0x3FD2] =	sst s25  }
0xa6: {  	s4 =	sshll.u32 s26, $0x1;
	_ =	strace $0x8000004C;
	[dreg:$0x1] =	wrdreg $0xFFFFFFFF  }
0xa7: {  	s28 =	simm.s32 $_size_execute0_lowered;
	s2 =	sadd.s32 s2, s4;
	[dreg:$0x0] =	wrdreg $0x0  }
0xa8: {  	s4 =	sshll.u32 s28, $0x1;
	[dreg:$0x2] =	wrdreg s2  }
0xa9: {  	[dreg:$0x3] =	wrdreg s4  }
0xaa: {  	[dreg:$0x4] =	wrdreg $0xC0  }
0xab: {  	_ =	task [dreg:s6], $0x5FFFF  }
0xac: {  	[dreg:$0x1] =	wrdreg $0xFFFFFFFF  }
0xad: {  	[dreg:$0x0] =	wrdreg $0x60  }
0xae: {  	[dreg:$0x2] =	wrdreg s24  }
0xaf: {  	[dreg:$0x3] =	wrdreg $0xAB000  }
0xb0: {  	[dreg:$0x4] =	wrdreg $0x9  }
0xb1: {  	_ =	task.clear_ibuf [dreg:s6], $0x5FFFF;
	_ =	strace $0x9000004C  }
0xb2: {  	s29 =	simm.s32 $0x9;
	_ =	strace $0x8000004E  }
0xb3: {  	_ =	swait.ge [sflag:s29], $0x1  }
0xb4: {  	[sflag:s29] =	ssyncadd.s32 $0xFFFFFFFF  }
0xb5: {  	_ =	strace $0x9000004E  }
0xb6: {  	_ =	sfence  }
0xb7: {  	s30 =	sld [smem:$0x0];
	_ =	sdelay $0x2  }
0xb8: {  	s31 =	sshll.u32 s1, $0xD;
	s1 =	sshrl.u32 s1, $0x2  }
0xb9: {  	s3 =	sand.u32 $0x4000, s31;
	s1 =	sadd.s32 s1, s30  }
0xba: {  	s0 =	sor.u32 s3, s0;
	s1 =	sshll.u32 s1, $0x11  }
0xbb: {  	s0 =	sor.u32 s1, s0  }
0xbc: {  	s0 =	sadd.s32 $0x8F2B, s0  }
0xbd: {  	[sflag:s0] =	ssyncadd.remote.s32 $0x1  }
0xbe: {  	_ =	sfence.sel $0xFFFF  }
0xbf: {  	[dreg:$0x0] =	wrdreg $0xFFFFFFFF;
	(pc) =	sbr.abs _section_cstart, $3  }
0xc0: {  	[dreg:$0x1] =	wrdreg $0xFFFFFFFF  }
0xc1: {  	_ =	task.clear_ibuf [dreg:s6], $0x2FFFF;
	_ =	strace $0x9FFFFFFF  }
0xc2: {  	(tm) =	ssettm $0x7FFFFFFF  }
0xc3: {  	_ =	shalt  }
tec
execute0_lowered:
.L_overlay_start_1:
0x0: {  	(tag) =	ssettag $0x1  }
0x1: {  	s12 =	stileid.u32  }
0x2: {  	s0 =	srdreg.scid;
	s5 =	rddreg [dreg:$0x0];
	s3 =	simm.s32 $0x0  }
0x3: {  	s16 =	simm.s32 $0x7;
	s17 =	simm.s32 $0x70;
	s18 =	simm.s32 $0x300  }
0x4: {  	s19 =	simm.s32 $0x80;
	s20 =	simm.s32 $0x3B00;
	s21 =	simm.s32 $0x100  }
0x5: {  	s28 =	simm.s32 $0x200;
	s29 =	simm.s32 $0x5;
	s1 =	smul.u32 $0x3C, s12  }
0x6: {  	s30 =	simm.s32 $0x3;
	s31 =	simm.s32 $0x280;
	s2 =	smul.u32 $0x12C, s12  }
0x7: {  	s0 =	sand.u32 $0x1, s0;
	[smem:$0x7FF] =	sst s3;
	s7 =	smul.u32 $0x14000, s12  }
0x8: {  	s4 =	sadd.s32 $0x31C00, s5;
	s10 =	sadd.s32 $0x7C00, s5;
	s8 =	sadd.s32 $0x2F400, s5  }
0x9: {  	s11 =	smul.u32 $0x50000, s12;
	s24 =	sshll.u32 s12, $0x6;
	p0 =	seq.s32 s0, $0x0  }
0xa: {  	s6 =	smul.u32 $0x140000, s0;
	s0 =	ssub.s32 $0x2, s0;
	s1 =	sadd.s32 $0x12C0, s1  }
0xb: {  	s22 =	sshrl.u32 s0, $0x1;
	s1 =	smov.u32 @p0 s2;
	s2 =	rddreg [dreg:$0x1]  }
0xc: {  	s23 =	sshrl.u32 s11, $0x2;
	_ =	strace $0x8000004D;
	[dreg:$0x3] =	wrdreg s8  }
0xd: {  	s6 =	sadd.s32 s7, s6;
	s0 =	ssub.s32 s0, s22;
	s9 =	smul.u32 $0xE, s1  }
0xe: {  	s22 =	simm.s32 $0x7300;
	s7 =	sshrl.u32 s6, $0x3;
	s1 =	smul.u32 $0x70, s1  }
0xf: {  	s6 =	simm.s32 $0x1068;
	s15 =	sadd.s32 s23, s2;
	s12 =	smax.u32 s0, $0x1  }
0x10: {  	s23 =	simm.s32 $0x1;
	s0 =	simm.s32 $0x0;
	s6 =	simm.s32 @!p0 $0x348  }
0x11: {  	s15 =	sshrl.u32 s15, $0x3;
	s14 =	sadd.s32 s9, s5;
	s5 =	sadd.s32 s7, s5  }
0x12: {  	s1 =	sshrl.u32 s1, $0x3;
	s7 =	sor.u32 $0x1C07, s24;
	s13 =	sadd.s32 s9, s10  }
0x13: {  	s24 =	simm.s32 $0x180;
	s8 =	sadd.s32 s10, s1;
	s26 =	sadd.s32 $0x81E00, s5  }
0x14: {  	s14 =	sadd.s32 $0x1B800, s14;
	s1 =	sadd.s32 $0xE, s8;
	[dreg:$0x6] =	wrdreg s26  }
0x15: {  	s25 =	sadd.s32 $0x1C, s8;
	s26 =	simm.s32 $0x2;
	[dreg:$0x4] =	wrdreg s1  }
0x16: {  	[dreg:$0x5] =	wrdreg s25;
	s25 =	simm.s32 $0x4;
	s1 =	simm.s32 $0x6  }
.LBB2_1:
0x17: {  	s5 =	rddreg [dreg:$0x3]  }
0x18: {  	[spmem:s15], [sflag:s7] =	dma.local [hbm:s5], $0x2800  }
0x19: {  	_ =	swait.ge [sflag:s16], $0x2800  }
0x1a: {  	[sflag:s16] =	ssyncset.done $0x0  }
0x1b: {  	[sflag:s16] =	ssyncadd.s32 $0xFFFFD800  }
0x1c: {  	[bflag:$0x0] =	sbarrier.arrive $0xFFFF  }
0x1d: {  	[tilespmem:s3], [sflag:$0x7] =	stream.linear.gather [hbm4b:s8+s3], $0x70, $0x38;
	[tilespmem:$0x1EB40] =	vst v63  }
0x1e: {  	_ =	swait.ge [sflag:s16], $0x70  }
0x1f: {  	[sflag:s16] =	ssyncset.done $0x0  }
0x20: {  	[sflag:s16] =	ssyncadd.s32 $0xFFFFFF90  }
0x21: {  	[tilespmem:s18], [sflag:$0x1] =	stream.indirect.gather [hbm4b:s4+s17], $0x80, s3, s17, $0xb8;
	[tilespmem:$0x1EB40] =	vst v63  }
0x22: {  	s9 =	rddreg [dreg:$0x4]  }
0x23: {  	[tilespmem:s19], [sflag:$0x7] =	stream.linear.gather [hbm4b:s9+s3], $0x70, $0x38;
	[tilespmem:$0x1EB40] =	vst v63  }
0x24: {  	_ =	swait.ge [sflag:s16], $0x70  }
0x25: {  	[sflag:s16] =	ssyncset.done $0x0  }
0x26: {  	[sflag:s16] =	ssyncadd.s32 $0xFFFFFF90  }
0x27: {  	[tilespmem:s20], [sflag:$0x2] =	stream.indirect.gather [hbm4b:s4+s17], $0x80, s19, s17, $0xb8;
	[tilespmem:$0x1EB40] =	vst v63  }
0x28: {  	s10 =	rddreg [dreg:$0x5]  }
0x29: {  	[tilespmem:s21], [sflag:$0x7] =	stream.linear.gather [hbm4b:s10+s3], $0x70, $0x38;
	[tilespmem:$0x1EB40] =	vst v63  }
0x2a: {  	_ =	swait.ge [sflag:s16], $0x70  }
0x2b: {  	[sflag:s16] =	ssyncset.done $0x0  }
0x2c: {  	[sflag:s16] =	ssyncadd.s32 $0xFFFFFF90  }
0x2d: {  	[tilespmem:s22], [sflag:$0x3] =	stream.indirect.gather [hbm4b:s4+s17], $0x80, s21, s17, $0xb8;
	[tilespmem:$0x1EB40] =	vst v63  }
0x2e: {  	_ =	swait.ge [sflag:s23], $0x3800  }
0x2f: {  	[sflag:s23] =	ssyncset.done $0x0  }
0x30: {  	s5 =	sadd.s32 $0x0, s14;
	[sflag:s23] =	ssyncadd.s32 $0xFFFFC800  }
0x31: {  	[tilespmem:s24], [sflag:$0x7] =	stream.linear.gather [hbm4b:s5+s3], $0x70, $0x38;
	[tilespmem:$0x1EB40] =	vst v63  }
0x32: {  	_ =	swait.ge [sflag:s16], $0x70  }
0x33: {  	[sflag:s16] =	ssyncset.done $0x0  }
0x34: {  	s9 =	sadd.s32 $0x0, s13;
	[sflag:s16] =	ssyncadd.s32 $0xFFFFFF90  }
0x35: {  	[spmem:s2] =	stream.indirect.scatter.add.f32 [tilespmem:s18], [sflag:$0x4], $0x80, s24, s17, $0xb8;
	[tilespmem:$0x1EB40] =	vst v63  }
0x36: {  	s10 =	sadd.s32 $0x2A, s9  }
0x37: {  	[tilespmem:s3], [sflag:$0x7] =	stream.linear.gather [hbm4b:s10+s3], $0x70, $0x38;
	[tilespmem:$0x1EB40] =	vst v63  }
0x38: {  	_ =	swait.ge [sflag:s16], $0x70  }
0x39: {  	[sflag:s16] =	ssyncset.done $0x0  }
0x3a: {  	[sflag:s16] =	ssyncadd.s32 $0xFFFFFF90  }
0x3b: {  	_ =	swait.ge [sflag:s25], $0x3800  }
0x3c: {  	[sflag:s25] =	ssyncset.done $0x0  }
0x3d: {  	[sflag:s25] =	ssyncadd.s32 $0xFFFFC800  }
0x3e: {  	[tilespmem:s18], [sflag:$0x1] =	stream.indirect.gather [hbm4b:s4+s17], $0x80, s3, s17, $0xb8;
	[tilespmem:$0x1EB40] =	vst v63  }
0x3f: {  	_ =	swait.ge [sflag:s26], $0x3800  }
0x40: {  	[sflag:s26] =	ssyncset.done $0x0  }
0x41: {  	s11 =	sadd.s32 $0xE, s5;
	[sflag:s26] =	ssyncadd.s32 $0xFFFFC800  }
0x42: {  	[tilespmem:s28], [sflag:$0x7] =	stream.linear.gather [hbm4b:s11+s3], $0x70, $0x38;
	[tilespmem:$0x1EB40] =	vst v63  }
0x43: {  	_ =	swait.ge [sflag:s16], $0x70  }
0x44: {  	[sflag:s16] =	ssyncset.done $0x0  }
0x45: {  	[sflag:s16] =	ssyncadd.s32 $0xFFFFFF90  }
0x46: {  	[spmem:s2] =	stream.indirect.scatter.add.f32 [tilespmem:s20], [sflag:$0x5], $0x80, s28, s17, $0xb8;
	[tilespmem:$0x1EB40] =	vst v63  }
0x47: {  	s11 =	sadd.s32 $0x38, s9  }
0x48: {  	[tilespmem:s19], [sflag:$0x7] =	stream.linear.gather [hbm4b:s11+s3], $0x70, $0x38;
	[tilespmem:$0x1EB40] =	vst v63  }
0x49: {  	_ =	swait.ge [sflag:s16], $0x70  }
0x4a: {  	[sflag:s16] =	ssyncset.done $0x0  }
0x4b: {  	[sflag:s16] =	ssyncadd.s32 $0xFFFFFF90  }
0x4c: {  	_ =	swait.ge [sflag:s29], $0x3800  }
0x4d: {  	[sflag:s29] =	ssyncset.done $0x0  }
0x4e: {  	[sflag:s29] =	ssyncadd.s32 $0xFFFFC800  }
0x4f: {  	[tilespmem:s20], [sflag:$0x2] =	stream.indirect.gather [hbm4b:s4+s17], $0x80, s19, s17, $0xb8;
	[tilespmem:$0x1EB40] =	vst v63  }
0x50: {  	_ =	swait.ge [sflag:s30], $0x3800  }
0x51: {  	[sflag:s30] =	ssyncset.done $0x0  }
0x52: {  	s5 =	sadd.s32 $0x1C, s5;
	[sflag:s30] =	ssyncadd.s32 $0xFFFFC800  }
0x53: {  	[tilespmem:s31], [sflag:$0x7] =	stream.linear.gather [hbm4b:s5+s3], $0x70, $0x38;
	[tilespmem:$0x1EB40] =	vst v63  }
0x54: {  	_ =	swait.ge [sflag:s16], $0x70  }
0x55: {  	[sflag:s16] =	ssyncset.done $0x0  }
0x56: {  	[sflag:s16] =	ssyncadd.s32 $0xFFFFFF90  }
0x57: {  	[spmem:s2] =	stream.indirect.scatter.add.f32 [tilespmem:s22], [sflag:$0x6], $0x80, s31, s17, $0xb8;
	[tilespmem:$0x1EB40] =	vst v63  }
0x58: {  	s11 =	sadd.s32 $0x46, s9  }
0x59: {  	[tilespmem:s21], [sflag:$0x7] =	stream.linear.gather [hbm4b:s11+s3], $0x70, $0x38;
	[tilespmem:$0x1EB40] =	vst v63  }
0x5a: {  	p0 =	sne.s32 s6, $0x2A;
	_ =	swait.ge [sflag:s16], $0x70  }
.Ltmp0:
0x5b: {  	[sflag:s16] =	ssyncset.done $0x0;
	(pc) =	sbr.rel @!p0 .LBB2_3-.Ltmp0, $4  }
0x5c: {  	[sflag:s16] =	ssyncadd.s32 $0xFFFFFF90  }
0x5d: {  	_ =	swait.ge [sflag:s1], $0x3800  }
0x5e: {  	[sflag:s1] =	ssyncset.done $0x0  }
0x5f: {  	s5 =	simm.s32 $0x2A;
	[sflag:s1] =	ssyncadd.s32 $0xFFFFC800  }
.LBB2_2:
0x60: {  	[tilespmem:s22], [sflag:$0x3] =	stream.indirect.gather [hbm4b:s4+s17], $0x80, s21, s17, $0xb8;
	[tilespmem:$0x1EB40] =	vst v63  }
0x61: {  	s9 =	smov.u32 s5;
	s5 =	sadd.s32 $0x2A, s5;
	_ =	swait.ge [sflag:s23], $0x3800  }
0x62: {  	p0 =	sne.s32 s6, s5;
	[sflag:s23] =	ssyncset.done $0x0  }
0x63: {  	s10 =	sadd.s32 s9, s14;
	[sflag:s23] =	ssyncadd.s32 $0xFFFFC800  }
0x64: {  	[tilespmem:s24], [sflag:$0x7] =	stream.linear.gather [hbm4b:s10+s3], $0x70, $0x38;
	[tilespmem:$0x1EB40] =	vst v63  }
0x65: {  	_ =	swait.ge [sflag:s16], $0x70  }
0x66: {  	[sflag:s16] =	ssyncset.done $0x0  }
0x67: {  	s9 =	sadd.s32 s9, s13;
	[sflag:s16] =	ssyncadd.s32 $0xFFFFFF90  }
0x68: {  	[spmem:s2] =	stream.indirect.scatter.add.f32 [tilespmem:s18], [sflag:$0x4], $0x80, s24, s17, $0xb8;
	[tilespmem:$0x1EB40] =	vst v63  }
0x69: {  	s11 =	sadd.s32 $0x2A, s9  }
0x6a: {  	[tilespmem:s3], [sflag:$0x7] =	stream.linear.gather [hbm4b:s11+s3], $0x70, $0x38;
	[tilespmem:$0x1EB40] =	vst v63  }
0x6b: {  	_ =	swait.ge [sflag:s16], $0x70  }
0x6c: {  	[sflag:s16] =	ssyncset.done $0x0  }
0x6d: {  	[sflag:s16] =	ssyncadd.s32 $0xFFFFFF90  }
0x6e: {  	_ =	swait.ge [sflag:s25], $0x3800  }
0x6f: {  	[sflag:s25] =	ssyncset.done $0x0  }
0x70: {  	[sflag:s25] =	ssyncadd.s32 $0xFFFFC800  }
0x71: {  	[tilespmem:s18], [sflag:$0x1] =	stream.indirect.gather [hbm4b:s4+s17], $0x80, s3, s17, $0xb8;
	[tilespmem:$0x1EB40] =	vst v63  }
0x72: {  	_ =	swait.ge [sflag:s26], $0x3800  }
0x73: {  	[sflag:s26] =	ssyncset.done $0x0  }
0x74: {  	s11 =	sadd.s32 $0xE, s10;
	[sflag:s26] =	ssyncadd.s32 $0xFFFFC800  }
0x75: {  	[tilespmem:s28], [sflag:$0x7] =	stream.linear.gather [hbm4b:s11+s3], $0x70, $0x38;
	[tilespmem:$0x1EB40] =	vst v63  }
0x76: {  	_ =	swait.ge [sflag:s16], $0x70  }
0x77: {  	[sflag:s16] =	ssyncset.done $0x0  }
0x78: {  	[sflag:s16] =	ssyncadd.s32 $0xFFFFFF90  }
0x79: {  	[spmem:s2] =	stream.indirect.scatter.add.f32 [tilespmem:s20], [sflag:$0x5], $0x80, s28, s17, $0xb8;
	[tilespmem:$0x1EB40] =	vst v63  }
0x7a: {  	s11 =	sadd.s32 $0x38, s9  }
0x7b: {  	[tilespmem:s19], [sflag:$0x7] =	stream.linear.gather [hbm4b:s11+s3], $0x70, $0x38;
	[tilespmem:$0x1EB40] =	vst v63  }
0x7c: {  	_ =	swait.ge [sflag:s16], $0x70  }
0x7d: {  	[sflag:s16] =	ssyncset.done $0x0  }
0x7e: {  	[sflag:s16] =	ssyncadd.s32 $0xFFFFFF90  }
0x7f: {  	_ =	swait.ge [sflag:s29], $0x3800  }
0x80: {  	[sflag:s29] =	ssyncset.done $0x0  }
0x81: {  	[sflag:s29] =	ssyncadd.s32 $0xFFFFC800  }
0x82: {  	[tilespmem:s20], [sflag:$0x2] =	stream.indirect.gather [hbm4b:s4+s17], $0x80, s19, s17, $0xb8;
	[tilespmem:$0x1EB40] =	vst v63  }
0x83: {  	_ =	swait.ge [sflag:s30], $0x3800  }
0x84: {  	[sflag:s30] =	ssyncset.done $0x0  }
0x85: {  	s10 =	sadd.s32 $0x1C, s10;
	[sflag:s30] =	ssyncadd.s32 $0xFFFFC800  }
0x86: {  	[tilespmem:s31], [sflag:$0x7] =	stream.linear.gather [hbm4b:s10+s3], $0x70, $0x38;
	[tilespmem:$0x1EB40] =	vst v63  }
0x87: {  	_ =	swait.ge [sflag:s16], $0x70  }
0x88: {  	[sflag:s16] =	ssyncset.done $0x0  }
0x89: {  	[sflag:s16] =	ssyncadd.s32 $0xFFFFFF90  }
0x8a: {  	[spmem:s2] =	stream.indirect.scatter.add.f32 [tilespmem:s22], [sflag:$0x6], $0x80, s31, s17, $0xb8;
	[tilespmem:$0x1EB40] =	vst v63  }
0x8b: {  	s9 =	sadd.s32 $0x46, s9  }
0x8c: {  	[tilespmem:s21], [sflag:$0x7] =	stream.linear.gather [hbm4b:s9+s3], $0x70, $0x38;
	[tilespmem:$0x1EB40] =	vst v63  }
0x8d: {  	_ =	swait.ge [sflag:s16], $0x70  }
.Ltmp1:
0x8e: {  	[sflag:s16] =	ssyncset.done $0x0;
	(pc) =	sbr.rel @p0 .LBB2_2-.Ltmp1, $4  }
0x8f: {  	[sflag:s16] =	ssyncadd.s32 $0xFFFFFF90  }
0x90: {  	_ =	swait.ge [sflag:s1], $0x3800  }
0x91: {  	[sflag:s1] =	ssyncset.done $0x0  }
0x92: {  	[sflag:s1] =	ssyncadd.s32 $0xFFFFC800  }
.LBB2_3:
0x93: {  	[tilespmem:s22], [sflag:$0x3] =	stream.indirect.gather [hbm4b:s4+s17], $0x80, s21, s17, $0xb8;
	[tilespmem:$0x1EB40] =	vst v63  }
0x94: {  	_ =	swait.ge [sflag:s23], $0x3800  }
0x95: {  	[sflag:s23] =	ssyncset.done $0x0  }
0x96: {  	[sflag:s23] =	ssyncadd.s32 $0xFFFFC800  }
0x97: {  	_ =	swait.ge [sflag:s26], $0x3800  }
0x98: {  	[sflag:s26] =	ssyncset.done $0x0  }
0x99: {  	[sflag:s26] =	ssyncadd.s32 $0xFFFFC800  }
0x9a: {  	_ =	swait.ge [sflag:s30], $0x3800  }
0x9b: {  	[sflag:s30] =	ssyncset.done $0x0  }
0x9c: {  	s0 =	sadd.s32 $0x1, s0;
	[sflag:s30] =	ssyncadd.s32 $0xFFFFC800  }
0x9d: {  	p0 =	sne.s32 s0, s12;
	[bflag:$0x0] =	sbarrier.arrive $0xFFFF  }
.Ltmp2:
0x9e: {  	s5 =	rddreg [dreg:$0x6];
	(pc) =	sbr.rel @p0 .LBB2_1-.Ltmp2, $4  }
0x9f: {  	[hbm:s5], [sflag:s7] =	dma.local [spmem:s15], $0x2800  }
0xa0: {  	_ =	swait.ge [sflag:s16], $0x2800  }
0xa1: {  	[sflag:s16] =	ssyncset.done $0x0  }
0xa2: {  	[sflag:s16] =	ssyncadd.s32 $0xFFFFD800  }
0xa3: {  	_ =	sfence.sel $0x180000  }
0xa4: {  	[bflag:$0x0] =	sbarrier.arrive $0xFFFF  }
0xa5: {  	_ =	strace $0x9000004D  }
0xa6: {  	s0 =	stileid.u32;
	[bflag:$0x2] =	sbarrier.arrive $0xFFFF  }
0xa7: {  	p0 =	sne.s32 s0, $0x0;
	s0 =	rddreg [dreg:$0x2]  }
0xa8: {  	s0 =	sadd.s32 @!p0 $0x100000, s0  }
0xa9: {  	[sflag:s0] =	ssyncadd.tile.s32 @!p0 $0x1;
	_ =	shalt  }
.Lfunc_end2:
_tile_overlayer_lowered:
.L_overlay_start_2:
0xaa: {  	(tag) =	ssettag $0x2  }
0xab: {  	s0 =	rddreg [dreg:$0x0];
	s2 =	stileid.u32  }
0xac: {  	s1 =	rddreg [dreg:$0x1];
	p0 =	sne.s32 s2, $0x0  }
0xad: {  	s3 =	rddreg [dreg:$0x2];
	[bflag:$0x3] =	sbarrier.arrive $0xFFFF;
	s2 =	simm.s32 @!p0 $0x1C07  }
0xae: {  	[timem:s3], [sflag:s2] =	dma.local @!p0 [hbm:s0], s1  }
0xaf: {  	s0 =	simm.s32 @!p0 $0x7  }
0xb0: {  	_ =	swait.ge @!p0 [sflag:s0], s1  }
0xb1: {  	s1 =	ssub.s32 @!p0 $0x0, s1;
	[sflag:s0] =	ssyncset.done @!p0 $0x0  }
0xb2: {  	[sflag:s0] =	ssyncadd.s32 @!p0 s1  }
0xb3: {  	[bflag:$0x3] =	sbarrier.arrive $0xFFFF  }
0xb4: {  	_ =	shalt  }

// kernel: kernel.28.cloned.1.call-start
scs
__scs_entry_jumppad:
0x0: {  	(pc) =	sbr.rel $0x88, $3  }
0x1: {  	(tag) =	ssettag $0x0;
	lr =	simm.s32 $0x1  }
0x2: {  	[smem:$0x3F96] =	sst lr;
	_ =	strace $0xD0000000  }
0x3: {  	_ = 	snop  }
0x4: {  	_ = 	snop  }
0x5: {  	_ = 	snop  }
0x6: {  	_ = 	snop  }
0x7: {  	_ = 	snop  }
__scs_overlays_trampoline_lowered:
0x8: {  	[smem:$0x3FA5] =	sst s0  }
0x9: {  	[smem:$0x3FA6] =	sst s1  }
0xa: {  	[smem:$0x3FA7] =	sst s2  }
0xb: {  	[smem:$0x3FA8] =	sst s3  }
0xc: {  	[smem:$0x3FA9] =	sst s4  }
0xd: {  	[smem:$0x3FAA] =	sst s5  }
0xe: {  	[smem:$0x3FAB] =	sst s6  }
0xf: {  	[smem:$0x3FAC] =	sst s7  }
0x10: {  	[smem:$0x3FAD] =	sst s8  }
0x11: {  	[smem:$0x3FAE] =	sst s9;
	s0 =	simm.s32 @!p0 $0x0  }
0x12: {  	s1 =	sld [smem:$0x3F94];
	s0 =	simm.s32 @p0 $0x1  }
0x13: {  	[smem:$0x3FAF] =	sst s0;
	s0 =	simm.s32 @!p1 $0x0  }
0x14: {  	s2 =	sld [smem:$0x3F93];
	s0 =	simm.s32 @p1 $0x1  }
0x15: {  	[smem:$0x3FB0] =	sst s0;
	s0 =	simm.s32 @!p2 $0x0  }
0x16: {  	s3 =	sld [smem:$0x3FDB];
	s0 =	simm.s32 @p2 $0x1  }
0x17: {  	s4 =	simm.s32 $0x1BF5;
	[smem:$0x3FB2] =	sst s0  }
0x18: {  	s0 =	sld [smem:$0x3F95];
	_ =	swait.ge [sflag:s4], $0x0  }
0x19: {  	s7 =	sld [smem:$0x3F96]  }
0x1a: {  	s8 =	sadd.s32 $0xFFFFE003, lr  }
0x1b: {  	s9 =	sadd.s32 $0xFFFFFEF7, lr;
	s5 =	simm.s32 $0xFFFFFFFF;
	p2 =	slt.u32 s8, $0xFFFFF086  }
0x1c: {  	p1 =	slt.u32 s9, $0xF7A;
	s5 =	simm.s32 @!p2 $0x0  }
0x1d: {  	s5 =	simm.s32 @p1 $0x1;
	p0 =	seq.s32 s7, s2  }
0x1e: {  	s7 =	smul.u32 @!p0 $0xF7A, s2;
	p2 =	seq.s32 @!p0 s5, $0x0  }
0x1f: {  	s9 =	smul.u32 $0xF7A, s1;
	s8 =	simm.s32 @!p0 $0x1BF5;
	p2 =	por !p2, p0  }
0x20: {  	[sflag:s8] =	ssyncset.s32 @!p0 $0xFFFFF086;
	s6 =	sadd.s32 @!p0 s3, s7;
	s7 =	simm.s32 @!p0 $0x108  }
0x21: {  	s3 =	sadd.s32 s3, s9;
	s6 =	sadd.s32 @!p0 $0x88, s6;
	s7 =	simm.s32 @p2 $0x1082  }
0x22: {  	[simem:s7], [sflag:s8] =	dma.local @!p0 [hbm:s6], $0xF7A  }
0x23: {  	s9 =	sor.u32 $0xD0000000, s2;
	s6 =	simm.s32 $0x108;
	_ =	swait.ge @!p0 [sflag:s8], $0x0  }
0x24: {  	s3 =	sadd.s32 $0x88, s3;
	s6 =	simm.s32 @!p1 $0x1082;
	[sflag:s4] =	ssyncset.s32 $0xFFFFF086  }
0x25: {  	[simem:s6], [sflag:s4] =	dma.local [hbm:s3], $0xF7A  }
0x26: {  	[smem:$0x3F96] =	sst s1;
	(tag) =	ssettag s2;
	_ =	strace s9  }
0x27: {  	s1 =	sld [smem:$0x3FA6]  }
0x28: {  	s2 =	sld [smem:$0x3FA7]  }
0x29: {  	s4 =	sld [smem:$0x3FA9]  }
0x2a: {  	p0 =	seq.s32 s5, $0x0;
	s5 =	sld [smem:$0x3FAA]  }
0x2b: {  	s6 =	sld [smem:$0x3FAB]  }
0x2c: {  	s7 =	sld [smem:$0x3FAC]  }
0x2d: {  	s3 =	simm.s32 $0x108;
	s8 =	sld [smem:$0x3FAD]  }
0x2e: {  	s3 =	simm.s32 @!p0 $0x1082;
	s9 =	sld [smem:$0x3FAE]  }
0x2f: {  	lr =	sadd.s32 s0, s3;
	s0 =	sld [smem:$0x3FA5]  }
0x30: {  	s3 =	sld [smem:$0x3FA8]  }
0x31: {  	[smem:$0x3FB1] =	sst s10  }
0x32: {  	s10 =	sld [smem:$0x3FAF];
	_ =	sdelay $0x3  }
0x33: {  	p0 =	seq.s32 s10, $0x1;
	s10 =	sld [smem:$0x3FB1];
	_ =	sdelay $0x3  }
0x34: {  	[smem:$0x3FB1] =	sst s10  }
0x35: {  	s10 =	sld [smem:$0x3FB0];
	_ =	sdelay $0x3  }
0x36: {  	p1 =	seq.s32 s10, $0x1;
	s10 =	sld [smem:$0x3FB1];
	_ =	sdelay $0x3  }
0x37: {  	[smem:$0x3FB1] =	sst s10  }
0x38: {  	s10 =	sld [smem:$0x3FB2]  }
0x39: {  	_ = 	snop;
	(pc) =	sbr.ind lr, $3  }
0x3a: {  	_ = 	snop  }
0x3b: {  	_ = 	snop  }
0x3c: {  	p2 =	seq.s32 s10, $0x1;
	s10 =	sld [smem:$0x3FB1]  }
0x3d: {  	_ =	shalt  }
0x3e: {  	_ =	shalt  }
0x3f: {  	_ =	shalt  }
0x40: {  	_ =	shalt  }
0x41: {  	_ =	shalt  }
0x42: {  	_ =	shalt  }
0x43: {  	_ =	shalt  }
0x44: {  	_ =	shalt  }
0x45: {  	_ =	shalt  }
0x46: {  	_ =	shalt  }
0x47: {  	_ =	shalt  }
0x48: {  	_ =	shalt  }
0x49: {  	_ =	shalt  }
0x4a: {  	_ =	shalt  }
0x4b: {  	_ =	shalt  }
0x4c: {  	_ =	shalt  }
0x4d: {  	_ =	shalt  }
0x4e: {  	_ =	shalt  }
0x4f: {  	_ =	shalt  }
0x50: {  	_ =	shalt  }
0x51: {  	_ =	shalt  }
0x52: {  	_ =	shalt  }
0x53: {  	_ =	shalt  }
0x54: {  	_ =	shalt  }
0x55: {  	_ =	shalt  }
0x56: {  	_ =	shalt  }
0x57: {  	_ =	shalt  }
0x58: {  	_ =	shalt  }
0x59: {  	_ =	shalt  }
0x5a: {  	_ =	shalt  }
0x5b: {  	_ =	shalt  }
0x5c: {  	_ =	shalt  }
0x5d: {  	_ =	shalt  }
0x5e: {  	_ =	shalt  }
0x5f: {  	_ =	shalt  }
0x60: {  	_ =	shalt  }
0x61: {  	_ =	shalt  }
0x62: {  	_ =	shalt  }
0x63: {  	_ =	shalt  }
0x64: {  	_ =	shalt  }
0x65: {  	_ =	shalt  }
0x66: {  	_ =	shalt  }
0x67: {  	_ =	shalt  }
0x68: {  	_ =	shalt  }
0x69: {  	_ =	shalt  }
0x6a: {  	_ =	shalt  }
0x6b: {  	_ =	shalt  }
0x6c: {  	_ =	shalt  }
0x6d: {  	_ =	shalt  }
0x6e: {  	_ =	shalt  }
0x6f: {  	_ =	shalt  }
0x70: {  	_ =	shalt  }
0x71: {  	_ =	shalt  }
0x72: {  	_ =	shalt  }
0x73: {  	_ =	shalt  }
0x74: {  	_ =	shalt  }
0x75: {  	_ =	shalt  }
0x76: {  	_ =	shalt  }
0x77: {  	_ =	shalt  }
0x78: {  	_ =	shalt  }
0x79: {  	_ =	shalt  }
0x7a: {  	_ =	shalt  }
0x7b: {  	_ =	shalt  }
0x7c: {  	_ =	shalt  }
0x7d: {  	_ =	shalt  }
0x7e: {  	_ =	shalt  }
0x7f: {  	_ =	shalt  }
0x80: {  	_ =	shalt  }
0x81: {  	_ =	shalt  }
0x82: {  	_ =	shalt  }
0x83: {  	_ =	shalt  }
0x84: {  	_ =	shalt  }
0x85: {  	_ =	shalt  }
0x86: {  	_ =	shalt  }
0x87: {  	_ =	shalt  }
.Lfunc_end0:
.L_simem_size_0:
called_computation.3_lowered:
.L_overlay_start_0:
0x88: {  	s2 =	sld [smem:$0x3FD9]  }
0x89: {  	s3 =	sld [smem:$0x3FFE];
	_ =	sdelay $0x1  }
0x8a: {  	s1 =	srdreg.scid  }
0x8b: {  	s0 =	sand.u32 $0x1, s1  }
0x8c: {  	s16 =	sshll.u32 s0, $0xA;
	s2 =	sadd.s32 s3, s2  }
0x8d: {  	s2 =	sadd.s32 s2, s16  }
0x8e: {  	[smem:$0x3FBD] =	sst s2  }
0x8f: {  	_ = 	snop  }
0x90: {  	(tm) =	ssettm $0x1  }
0x91: {  	s17 =	sld [smem:$0x3FFB];
	_ =	sdelay $0x3  }
0x92: {  	_ =	strace s17  }
0x93: {  	s2 =	sld [smem:$0x3FFC];
	_ =	sdelay $0x3  }
0x94: {  	_ =	strace s2  }
0x95: {  	s2 =	sld [smem:$0x3FFD];
	_ =	sdelay $0x3  }
0x96: {  	_ =	strace s2  }
0x97: {  	_ =	strace $0x8FFFFFFF  }
0x98: {  	s18 =	sld [smem:$0x3FDB];
	_ =	sdelay $0x1  }
0x99: {  	s19 =	simm.s32 $_scs_section_size  }
0x9a: {  	s4 =	simm.s32 $_size__tile_overlayer_lowered;
	s5 =	simm.s32 $_tile_overlayer_lowered  }
0x9b: {  	s22 =	simm.s32 $0x1BFF;
	s21 =	sshll.u32 s5, $0x1;
	s2 =	sadd.s32 s19, s18  }
0x9c: {  	s6 =	simm.s32 $0x0;
	s20 =	sshll.u32 s4, $0x1;
	s4 =	sadd.s32 s21, s2  }
0x9d: {  	[timem:s6], [sflag:s22] =	dma.local [hbm:s4], s20  }
0x9e: {  	_ =	swait.ge [sflag:s22], s20  }
0x9f: {  	s3 =	ssub.s32 $0x0, s20;
	[sflag:s22] =	ssyncset.done $0x0  }
0xa0: {  	[sflag:s22] =	ssyncadd.s32 s3;
	_ =	sdelay $0x1  }
0xa1: {  	s23 =	simm.s32 $0x1B8B  }
0xa2: {  	_ =	swait.ge [sflag:s23], $0x1  }
0xa3: {  	[sflag:s23] =	ssyncset.done $0x0  }
0xa4: {  	s25 =	simm.s32 $0x1B8E;
	s24 =	sld [smem:$0x3FFE];
	[sflag:s23] =	ssyncadd.s32 $0xFFFFFFFF  }
0xa5: {  	s26 =	simm.s32 $execute0_lowered;
	[smem:$0x3FD2] =	sst s25  }
0xa6: {  	s4 =	sshll.u32 s26, $0x1;
	_ =	strace $0x8000004F;
	[dreg:$0x1] =	wrdreg $0xFFFFFFFF  }
0xa7: {  	s28 =	simm.s32 $_size_execute0_lowered;
	s2 =	sadd.s32 s2, s4;
	[dreg:$0x0] =	wrdreg $0x0  }
0xa8: {  	s4 =	sshll.u32 s28, $0x1;
	[dreg:$0x2] =	wrdreg s2  }
0xa9: {  	[dreg:$0x3] =	wrdreg s4  }
0xaa: {  	[dreg:$0x4] =	wrdreg $0xC0  }
0xab: {  	_ =	task [dreg:s6], $0x5FFFF  }
0xac: {  	[dreg:$0x1] =	wrdreg $0xFFFFFFFF  }
0xad: {  	[dreg:$0x0] =	wrdreg $0x60  }
0xae: {  	[dreg:$0x2] =	wrdreg s24  }
0xaf: {  	[dreg:$0x3] =	wrdreg $0xAB000  }
0xb0: {  	[dreg:$0x4] =	wrdreg $0x9  }
0xb1: {  	_ =	task.clear_ibuf [dreg:s6], $0x5FFFF;
	_ =	strace $0x9000004F  }
0xb2: {  	s29 =	simm.s32 $0x9;
	_ =	strace $0x80000051  }
0xb3: {  	_ =	swait.ge [sflag:s29], $0x1  }
0xb4: {  	[sflag:s29] =	ssyncadd.s32 $0xFFFFFFFF  }
0xb5: {  	_ =	strace $0x90000051  }
0xb6: {  	_ =	sfence  }
0xb7: {  	s30 =	sld [smem:$0x0];
	_ =	sdelay $0x2  }
0xb8: {  	s31 =	sshll.u32 s1, $0xD;
	s1 =	sshrl.u32 s1, $0x2  }
0xb9: {  	s3 =	sand.u32 $0x4000, s31;
	s1 =	sadd.s32 s1, s30  }
0xba: {  	s0 =	sor.u32 s3, s0;
	s1 =	sshll.u32 s1, $0x11  }
0xbb: {  	s0 =	sor.u32 s1, s0  }
0xbc: {  	s0 =	sadd.s32 $0x8F2B, s0  }
0xbd: {  	[sflag:s0] =	ssyncadd.remote.s32 $0x1  }
0xbe: {  	_ =	sfence.sel $0xFFFF  }
0xbf: {  	[dreg:$0x0] =	wrdreg $0xFFFFFFFF;
	(pc) =	sbr.abs _section_cstart, $3  }
0xc0: {  	[dreg:$0x1] =	wrdreg $0xFFFFFFFF  }
0xc1: {  	_ =	task.clear_ibuf [dreg:s6], $0x2FFFF;
	_ =	strace $0x9FFFFFFF  }
0xc2: {  	(tm) =	ssettm $0x7FFFFFFF  }
0xc3: {  	_ =	shalt  }
tec
execute0_lowered:
.L_overlay_start_1:
0x0: {  	(tag) =	ssettag $0x1  }
0x1: {  	s12 =	stileid.u32  }
0x2: {  	s0 =	srdreg.scid;
	s5 =	rddreg [dreg:$0x0];
	s3 =	simm.s32 $0x0  }
0x3: {  	s16 =	simm.s32 $0x7;
	s17 =	simm.s32 $0x70;
	s18 =	simm.s32 $0x300  }
0x4: {  	s19 =	simm.s32 $0x80;
	s20 =	simm.s32 $0x3B00;
	s21 =	simm.s32 $0x100  }
0x5: {  	s28 =	simm.s32 $0x200;
	s29 =	simm.s32 $0x5;
	s1 =	smul.u32 $0x3C, s12  }
0x6: {  	s30 =	simm.s32 $0x3;
	s31 =	simm.s32 $0x280;
	s2 =	smul.u32 $0x12C, s12  }
0x7: {  	s0 =	sand.u32 $0x1, s0;
	[smem:$0x7FF] =	sst s3;
	s7 =	smul.u32 $0x14000, s12  }
0x8: {  	s4 =	sadd.s32 $0x31C00, s5;
	s10 =	sadd.s32 $0x7C00, s5;
	s8 =	sadd.s32 $0x2F400, s5  }
0x9: {  	s11 =	smul.u32 $0x50000, s12;
	s24 =	sshll.u32 s12, $0x6;
	p0 =	seq.s32 s0, $0x0  }
0xa: {  	s6 =	smul.u32 $0x140000, s0;
	s0 =	ssub.s32 $0x2, s0;
	s1 =	sadd.s32 $0x12C0, s1  }
0xb: {  	s22 =	sshrl.u32 s0, $0x1;
	s1 =	smov.u32 @p0 s2;
	s2 =	rddreg [dreg:$0x1]  }
0xc: {  	s23 =	sshrl.u32 s11, $0x2;
	_ =	strace $0x80000050;
	[dreg:$0x3] =	wrdreg s8  }
0xd: {  	s6 =	sadd.s32 s7, s6;
	s0 =	ssub.s32 s0, s22;
	s9 =	smul.u32 $0xE, s1  }
0xe: {  	s22 =	simm.s32 $0x7300;
	s7 =	sshrl.u32 s6, $0x3;
	s1 =	smul.u32 $0x70, s1  }
0xf: {  	s6 =	simm.s32 $0x1068;
	s15 =	sadd.s32 s23, s2;
	s12 =	smax.u32 s0, $0x1  }
0x10: {  	s23 =	simm.s32 $0x1;
	s0 =	simm.s32 $0x0;
	s6 =	simm.s32 @!p0 $0x348  }
0x11: {  	s15 =	sshrl.u32 s15, $0x3;
	s14 =	sadd.s32 s9, s5;
	s5 =	sadd.s32 s7, s5  }
0x12: {  	s1 =	sshrl.u32 s1, $0x3;
	s7 =	sor.u32 $0x1C07, s24;
	s13 =	sadd.s32 s9, s10  }
0x13: {  	s24 =	simm.s32 $0x180;
	s8 =	sadd.s32 s10, s1;
	s26 =	sadd.s32 $0x81E00, s5  }
0x14: {  	s14 =	sadd.s32 $0x1B800, s14;
	s1 =	sadd.s32 $0xE, s8;
	[dreg:$0x6] =	wrdreg s26  }
0x15: {  	s25 =	sadd.s32 $0x1C, s8;
	s26 =	simm.s32 $0x2;
	[dreg:$0x4] =	wrdreg s1  }
0x16: {  	[dreg:$0x5] =	wrdreg s25;
	s25 =	simm.s32 $0x4;
	s1 =	simm.s32 $0x6  }
.LBB2_1:
0x17: {  	s5 =	rddreg [dreg:$0x3]  }
0x18: {  	[spmem:s15], [sflag:s7] =	dma.local [hbm:s5], $0x2800  }
0x19: {  	_ =	swait.ge [sflag:s16], $0x2800  }
0x1a: {  	[sflag:s16] =	ssyncset.done $0x0  }
0x1b: {  	[sflag:s16] =	ssyncadd.s32 $0xFFFFD800  }
0x1c: {  	[bflag:$0x0] =	sbarrier.arrive $0xFFFF  }
0x1d: {  	[tilespmem:s3], [sflag:$0x7] =	stream.linear.gather [hbm4b:s8+s3], $0x70, $0x38;
	[tilespmem:$0x1EB40] =	vst v63  }
0x1e: {  	_ =	swait.ge [sflag:s16], $0x70  }
0x1f: {  	[sflag:s16] =	ssyncset.done $0x0  }
0x20: {  	[sflag:s16] =	ssyncadd.s32 $0xFFFFFF90  }
0x21: {  	[tilespmem:s18], [sflag:$0x1] =	stream.indirect.gather [hbm4b:s4+s17], $0x80, s3, s17, $0xb8;
	[tilespmem:$0x1EB40] =	vst v63  }
0x22: {  	s9 =	rddreg [dreg:$0x4]  }
0x23: {  	[tilespmem:s19], [sflag:$0x7] =	stream.linear.gather [hbm4b:s9+s3], $0x70, $0x38;
	[tilespmem:$0x1EB40] =	vst v63  }
0x24: {  	_ =	swait.ge [sflag:s16], $0x70  }
0x25: {  	[sflag:s16] =	ssyncset.done $0x0  }
0x26: {  	[sflag:s16] =	ssyncadd.s32 $0xFFFFFF90  }
0x27: {  	[tilespmem:s20], [sflag:$0x2] =	stream.indirect.gather [hbm4b:s4+s17], $0x80, s19, s17, $0xb8;
	[tilespmem:$0x1EB40] =	vst v63  }
0x28: {  	s10 =	rddreg [dreg:$0x5]  }
0x29: {  	[tilespmem:s21], [sflag:$0x7] =	stream.linear.gather [hbm4b:s10+s3], $0x70, $0x38;
	[tilespmem:$0x1EB40] =	vst v63  }
0x2a: {  	_ =	swait.ge [sflag:s16], $0x70  }
0x2b: {  	[sflag:s16] =	ssyncset.done $0x0  }
0x2c: {  	[sflag:s16] =	ssyncadd.s32 $0xFFFFFF90  }
0x2d: {  	[tilespmem:s22], [sflag:$0x3] =	stream.indirect.gather [hbm4b:s4+s17], $0x80, s21, s17, $0xb8;
	[tilespmem:$0x1EB40] =	vst v63  }
0x2e: {  	_ =	swait.ge [sflag:s23], $0x3800  }
0x2f: {  	[sflag:s23] =	ssyncset.done $0x0  }
0x30: {  	s5 =	sadd.s32 $0x0, s14;
	[sflag:s23] =	ssyncadd.s32 $0xFFFFC800  }
0x31: {  	[tilespmem:s24], [sflag:$0x7] =	stream.linear.gather [hbm4b:s5+s3], $0x70, $0x38;
	[tilespmem:$0x1EB40] =	vst v63  }
0x32: {  	_ =	swait.ge [sflag:s16], $0x70  }
0x33: {  	[sflag:s16] =	ssyncset.done $0x0  }
0x34: {  	s9 =	sadd.s32 $0x0, s13;
	[sflag:s16] =	ssyncadd.s32 $0xFFFFFF90  }
0x35: {  	[spmem:s2] =	stream.indirect.scatter.add.f32 [tilespmem:s18], [sflag:$0x4], $0x80, s24, s17, $0xb8;
	[tilespmem:$0x1EB40] =	vst v63  }
0x36: {  	s10 =	sadd.s32 $0x2A, s9  }
0x37: {  	[tilespmem:s3], [sflag:$0x7] =	stream.linear.gather [hbm4b:s10+s3], $0x70, $0x38;
	[tilespmem:$0x1EB40] =	vst v63  }
0x38: {  	_ =	swait.ge [sflag:s16], $0x70  }
0x39: {  	[sflag:s16] =	ssyncset.done $0x0  }
0x3a: {  	[sflag:s16] =	ssyncadd.s32 $0xFFFFFF90  }
0x3b: {  	_ =	swait.ge [sflag:s25], $0x3800  }
0x3c: {  	[sflag:s25] =	ssyncset.done $0x0  }
0x3d: {  	[sflag:s25] =	ssyncadd.s32 $0xFFFFC800  }
0x3e: {  	[tilespmem:s18], [sflag:$0x1] =	stream.indirect.gather [hbm4b:s4+s17], $0x80, s3, s17, $0xb8;
	[tilespmem:$0x1EB40] =	vst v63  }
0x3f: {  	_ =	swait.ge [sflag:s26], $0x3800  }
0x40: {  	[sflag:s26] =	ssyncset.done $0x0  }
0x41: {  	s11 =	sadd.s32 $0xE, s5;
	[sflag:s26] =	ssyncadd.s32 $0xFFFFC800  }
0x42: {  	[tilespmem:s28], [sflag:$0x7] =	stream.linear.gather [hbm4b:s11+s3], $0x70, $0x38;
	[tilespmem:$0x1EB40] =	vst v63  }
0x43: {  	_ =	swait.ge [sflag:s16], $0x70  }
0x44: {  	[sflag:s16] =	ssyncset.done $0x0  }
0x45: {  	[sflag:s16] =	ssyncadd.s32 $0xFFFFFF90  }
0x46: {  	[spmem:s2] =	stream.indirect.scatter.add.f32 [tilespmem:s20], [sflag:$0x5], $0x80, s28, s17, $0xb8;
	[tilespmem:$0x1EB40] =	vst v63  }
0x47: {  	s11 =	sadd.s32 $0x38, s9  }
0x48: {  	[tilespmem:s19], [sflag:$0x7] =	stream.linear.gather [hbm4b:s11+s3], $0x70, $0x38;
	[tilespmem:$0x1EB40] =	vst v63  }
0x49: {  	_ =	swait.ge [sflag:s16], $0x70  }
0x4a: {  	[sflag:s16] =	ssyncset.done $0x0  }
0x4b: {  	[sflag:s16] =	ssyncadd.s32 $0xFFFFFF90  }
0x4c: {  	_ =	swait.ge [sflag:s29], $0x3800  }
0x4d: {  	[sflag:s29] =	ssyncset.done $0x0  }
0x4e: {  	[sflag:s29] =	ssyncadd.s32 $0xFFFFC800  }
0x4f: {  	[tilespmem:s20], [sflag:$0x2] =	stream.indirect.gather [hbm4b:s4+s17], $0x80, s19, s17, $0xb8;
	[tilespmem:$0x1EB40] =	vst v63  }
0x50: {  	_ =	swait.ge [sflag:s30], $0x3800  }
0x51: {  	[sflag:s30] =	ssyncset.done $0x0  }
0x52: {  	s5 =	sadd.s32 $0x1C, s5;
	[sflag:s30] =	ssyncadd.s32 $0xFFFFC800  }
0x53: {  	[tilespmem:s31], [sflag:$0x7] =	stream.linear.gather [hbm4b:s5+s3], $0x70, $0x38;
	[tilespmem:$0x1EB40] =	vst v63  }
0x54: {  	_ =	swait.ge [sflag:s16], $0x70  }
0x55: {  	[sflag:s16] =	ssyncset.done $0x0  }
0x56: {  	[sflag:s16] =	ssyncadd.s32 $0xFFFFFF90  }
0x57: {  	[spmem:s2] =	stream.indirect.scatter.add.f32 [tilespmem:s22], [sflag:$0x6], $0x80, s31, s17, $0xb8;
	[tilespmem:$0x1EB40] =	vst v63  }
0x58: {  	s11 =	sadd.s32 $0x46, s9  }
0x59: {  	[tilespmem:s21], [sflag:$0x7] =	stream.linear.gather [hbm4b:s11+s3], $0x70, $0x38;
	[tilespmem:$0x1EB40] =	vst v63  }
0x5a: {  	p0 =	sne.s32 s6, $0x2A;
	_ =	swait.ge [sflag:s16], $0x70  }
.Ltmp0:
0x5b: {  	[sflag:s16] =	ssyncset.done $0x0;
	(pc) =	sbr.rel @!p0 .LBB2_3-.Ltmp0, $4  }
0x5c: {  	[sflag:s16] =	ssyncadd.s32 $0xFFFFFF90  }
0x5d: {  	_ =	swait.ge [sflag:s1], $0x3800  }
0x5e: {  	[sflag:s1] =	ssyncset.done $0x0  }
0x5f: {  	s5 =	simm.s32 $0x2A;
	[sflag:s1] =	ssyncadd.s32 $0xFFFFC800  }
.LBB2_2:
0x60: {  	[tilespmem:s22], [sflag:$0x3] =	stream.indirect.gather [hbm4b:s4+s17], $0x80, s21, s17, $0xb8;
	[tilespmem:$0x1EB40] =	vst v63  }
0x61: {  	s9 =	smov.u32 s5;
	s5 =	sadd.s32 $0x2A, s5;
	_ =	swait.ge [sflag:s23], $0x3800  }
0x62: {  	p0 =	sne.s32 s6, s5;
	[sflag:s23] =	ssyncset.done $0x0  }
0x63: {  	s10 =	sadd.s32 s9, s14;
	[sflag:s23] =	ssyncadd.s32 $0xFFFFC800  }
0x64: {  	[tilespmem:s24], [sflag:$0x7] =	stream.linear.gather [hbm4b:s10+s3], $0x70, $0x38;
	[tilespmem:$0x1EB40] =	vst v63  }
0x65: {  	_ =	swait.ge [sflag:s16], $0x70  }
0x66: {  	[sflag:s16] =	ssyncset.done $0x0  }
0x67: {  	s9 =	sadd.s32 s9, s13;
	[sflag:s16] =	ssyncadd.s32 $0xFFFFFF90  }
0x68: {  	[spmem:s2] =	stream.indirect.scatter.add.f32 [tilespmem:s18], [sflag:$0x4], $0x80, s24, s17, $0xb8;
	[tilespmem:$0x1EB40] =	vst v63  }
0x69: {  	s11 =	sadd.s32 $0x2A, s9  }
0x6a: {  	[tilespmem:s3], [sflag:$0x7] =	stream.linear.gather [hbm4b:s11+s3], $0x70, $0x38;
	[tilespmem:$0x1EB40] =	vst v63  }
0x6b: {  	_ =	swait.ge [sflag:s16], $0x70  }
0x6c: {  	[sflag:s16] =	ssyncset.done $0x0  }
0x6d: {  	[sflag:s16] =	ssyncadd.s32 $0xFFFFFF90  }
0x6e: {  	_ =	swait.ge [sflag:s25], $0x3800  }
0x6f: {  	[sflag:s25] =	ssyncset.done $0x0  }
0x70: {  	[sflag:s25] =	ssyncadd.s32 $0xFFFFC800  }
0x71: {  	[tilespmem:s18], [sflag:$0x1] =	stream.indirect.gather [hbm4b:s4+s17], $0x80, s3, s17, $0xb8;
	[tilespmem:$0x1EB40] =	vst v63  }
0x72: {  	_ =	swait.ge [sflag:s26], $0x3800  }
0x73: {  	[sflag:s26] =	ssyncset.done $0x0  }
0x74: {  	s11 =	sadd.s32 $0xE, s10;
	[sflag:s26] =	ssyncadd.s32 $0xFFFFC800  }
0x75: {  	[tilespmem:s28], [sflag:$0x7] =	stream.linear.gather [hbm4b:s11+s3], $0x70, $0x38;
	[tilespmem:$0x1EB40] =	vst v63  }
0x76: {  	_ =	swait.ge [sflag:s16], $0x70  }
0x77: {  	[sflag:s16] =	ssyncset.done $0x0  }
0x78: {  	[sflag:s16] =	ssyncadd.s32 $0xFFFFFF90  }
0x79: {  	[spmem:s2] =	stream.indirect.scatter.add.f32 [tilespmem:s20], [sflag:$0x5], $0x80, s28, s17, $0xb8;
	[tilespmem:$0x1EB40] =	vst v63  }
0x7a: {  	s11 =	sadd.s32 $0x38, s9  }
0x7b: {  	[tilespmem:s19], [sflag:$0x7] =	stream.linear.gather [hbm4b:s11+s3], $0x70, $0x38;
	[tilespmem:$0x1EB40] =	vst v63  }
0x7c: {  	_ =	swait.ge [sflag:s16], $0x70  }
0x7d: {  	[sflag:s16] =	ssyncset.done $0x0  }
0x7e: {  	[sflag:s16] =	ssyncadd.s32 $0xFFFFFF90  }
0x7f: {  	_ =	swait.ge [sflag:s29], $0x3800  }
0x80: {  	[sflag:s29] =	ssyncset.done $0x0  }
0x81: {  	[sflag:s29] =	ssyncadd.s32 $0xFFFFC800  }
0x82: {  	[tilespmem:s20], [sflag:$0x2] =	stream.indirect.gather [hbm4b:s4+s17], $0x80, s19, s17, $0xb8;
	[tilespmem:$0x1EB40] =	vst v63  }
0x83: {  	_ =	swait.ge [sflag:s30], $0x3800  }
0x84: {  	[sflag:s30] =	ssyncset.done $0x0  }
0x85: {  	s10 =	sadd.s32 $0x1C, s10;
	[sflag:s30] =	ssyncadd.s32 $0xFFFFC800  }
0x86: {  	[tilespmem:s31], [sflag:$0x7] =	stream.linear.gather [hbm4b:s10+s3], $0x70, $0x38;
	[tilespmem:$0x1EB40] =	vst v63  }
0x87: {  	_ =	swait.ge [sflag:s16], $0x70  }
0x88: {  	[sflag:s16] =	ssyncset.done $0x0  }
0x89: {  	[sflag:s16] =	ssyncadd.s32 $0xFFFFFF90  }
0x8a: {  	[spmem:s2] =	stream.indirect.scatter.add.f32 [tilespmem:s22], [sflag:$0x6], $0x80, s31, s17, $0xb8;
	[tilespmem:$0x1EB40] =	vst v63  }
0x8b: {  	s9 =	sadd.s32 $0x46, s9  }
0x8c: {  	[tilespmem:s21], [sflag:$0x7] =	stream.linear.gather [hbm4b:s9+s3], $0x70, $0x38;
	[tilespmem:$0x1EB40] =	vst v63  }
0x8d: {  	_ =	swait.ge [sflag:s16], $0x70  }
.Ltmp1:
0x8e: {  	[sflag:s16] =	ssyncset.done $0x0;
	(pc) =	sbr.rel @p0 .LBB2_2-.Ltmp1, $4  }
0x8f: {  	[sflag:s16] =	ssyncadd.s32 $0xFFFFFF90  }
0x90: {  	_ =	swait.ge [sflag:s1], $0x3800  }
0x91: {  	[sflag:s1] =	ssyncset.done $0x0  }
0x92: {  	[sflag:s1] =	ssyncadd.s32 $0xFFFFC800  }
.LBB2_3:
0x93: {  	[tilespmem:s22], [sflag:$0x3] =	stream.indirect.gather [hbm4b:s4+s17], $0x80, s21, s17, $0xb8;
	[tilespmem:$0x1EB40] =	vst v63  }
0x94: {  	_ =	swait.ge [sflag:s23], $0x3800  }
0x95: {  	[sflag:s23] =	ssyncset.done $0x0  }
0x96: {  	[sflag:s23] =	ssyncadd.s32 $0xFFFFC800  }
0x97: {  	_ =	swait.ge [sflag:s26], $0x3800  }
0x98: {  	[sflag:s26] =	ssyncset.done $0x0  }
0x99: {  	[sflag:s26] =	ssyncadd.s32 $0xFFFFC800  }
0x9a: {  	_ =	swait.ge [sflag:s30], $0x3800  }
0x9b: {  	[sflag:s30] =	ssyncset.done $0x0  }
0x9c: {  	s0 =	sadd.s32 $0x1, s0;
	[sflag:s30] =	ssyncadd.s32 $0xFFFFC800  }
0x9d: {  	p0 =	sne.s32 s0, s12;
	[bflag:$0x0] =	sbarrier.arrive $0xFFFF  }
.Ltmp2:
0x9e: {  	s5 =	rddreg [dreg:$0x6];
	(pc) =	sbr.rel @p0 .LBB2_1-.Ltmp2, $4  }
0x9f: {  	[hbm:s5], [sflag:s7] =	dma.local [spmem:s15], $0x2800  }
0xa0: {  	_ =	swait.ge [sflag:s16], $0x2800  }
0xa1: {  	[sflag:s16] =	ssyncset.done $0x0  }
0xa2: {  	[sflag:s16] =	ssyncadd.s32 $0xFFFFD800  }
0xa3: {  	_ =	sfence.sel $0x180000  }
0xa4: {  	[bflag:$0x0] =	sbarrier.arrive $0xFFFF  }
0xa5: {  	_ =	strace $0x90000050  }
0xa6: {  	s0 =	stileid.u32;
	[bflag:$0x2] =	sbarrier.arrive $0xFFFF  }
0xa7: {  	p0 =	sne.s32 s0, $0x0;
	s0 =	rddreg [dreg:$0x2]  }
0xa8: {  	s0 =	sadd.s32 @!p0 $0x100000, s0  }
0xa9: {  	[sflag:s0] =	ssyncadd.tile.s32 @!p0 $0x1;
	_ =	shalt  }
.Lfunc_end2:
_tile_overlayer_lowered:
.L_overlay_start_2:
0xaa: {  	(tag) =	ssettag $0x2  }
0xab: {  	s0 =	rddreg [dreg:$0x0];
	s2 =	stileid.u32  }
0xac: {  	s1 =	rddreg [dreg:$0x1];
	p0 =	sne.s32 s2, $0x0  }
0xad: {  	s3 =	rddreg [dreg:$0x2];
	[bflag:$0x3] =	sbarrier.arrive $0xFFFF;
	s2 =	simm.s32 @!p0 $0x1C07  }
0xae: {  	[timem:s3], [sflag:s2] =	dma.local @!p0 [hbm:s0], s1  }
0xaf: {  	s0 =	simm.s32 @!p0 $0x7  }
0xb0: {  	_ =	swait.ge @!p0 [sflag:s0], s1  }
0xb1: {  	s1 =	ssub.s32 @!p0 $0x0, s1;
	[sflag:s0] =	ssyncset.done @!p0 $0x0  }
0xb2: {  	[sflag:s0] =	ssyncadd.s32 @!p0 s1  }
0xb3: {  	[bflag:$0x3] =	sbarrier.arrive $0xFFFF  }
0xb4: {  	_ =	shalt  }

// kernel: kernel.31.cloned.1.call-start
scs
__scs_entry_jumppad:
0x0: {  	(pc) =	sbr.rel $0x88, $3  }
0x1: {  	(tag) =	ssettag $0x0;
	lr =	simm.s32 $0x1  }
0x2: {  	[smem:$0x3F96] =	sst lr;
	_ =	strace $0xD0000000  }
0x3: {  	_ = 	snop  }
0x4: {  	_ = 	snop  }
0x5: {  	_ = 	snop  }
0x6: {  	_ = 	snop  }
0x7: {  	_ = 	snop  }
__scs_overlays_trampoline_lowered:
0x8: {  	[smem:$0x3FA5] =	sst s0  }
0x9: {  	[smem:$0x3FA6] =	sst s1  }
0xa: {  	[smem:$0x3FA7] =	sst s2  }
0xb: {  	[smem:$0x3FA8] =	sst s3  }
0xc: {  	[smem:$0x3FA9] =	sst s4  }
0xd: {  	[smem:$0x3FAA] =	sst s5  }
0xe: {  	[smem:$0x3FAB] =	sst s6  }
0xf: {  	[smem:$0x3FAC] =	sst s7  }
0x10: {  	[smem:$0x3FAD] =	sst s8  }
0x11: {  	[smem:$0x3FAE] =	sst s9;
	s0 =	simm.s32 @!p0 $0x0  }
0x12: {  	s1 =	sld [smem:$0x3F94];
	s0 =	simm.s32 @p0 $0x1  }
0x13: {  	[smem:$0x3FAF] =	sst s0;
	s0 =	simm.s32 @!p1 $0x0  }
0x14: {  	s2 =	sld [smem:$0x3F93];
	s0 =	simm.s32 @p1 $0x1  }
0x15: {  	[smem:$0x3FB0] =	sst s0;
	s0 =	simm.s32 @!p2 $0x0  }
0x16: {  	s3 =	sld [smem:$0x3FDB];
	s0 =	simm.s32 @p2 $0x1  }
0x17: {  	s4 =	simm.s32 $0x1BF5;
	[smem:$0x3FB2] =	sst s0  }
0x18: {  	s0 =	sld [smem:$0x3F95];
	_ =	swait.ge [sflag:s4], $0x0  }
0x19: {  	s7 =	sld [smem:$0x3F96]  }
0x1a: {  	s8 =	sadd.s32 $0xFFFFE003, lr  }
0x1b: {  	s9 =	sadd.s32 $0xFFFFFEF7, lr;
	s5 =	simm.s32 $0xFFFFFFFF;
	p2 =	slt.u32 s8, $0xFFFFF086  }
0x1c: {  	p1 =	slt.u32 s9, $0xF7A;
	s5 =	simm.s32 @!p2 $0x0  }
0x1d: {  	s5 =	simm.s32 @p1 $0x1;
	p0 =	seq.s32 s7, s2  }
0x1e: {  	s7 =	smul.u32 @!p0 $0xF7A, s2;
	p2 =	seq.s32 @!p0 s5, $0x0  }
0x1f: {  	s9 =	smul.u32 $0xF7A, s1;
	s8 =	simm.s32 @!p0 $0x1BF5;
	p2 =	por !p2, p0  }
0x20: {  	[sflag:s8] =	ssyncset.s32 @!p0 $0xFFFFF086;
	s6 =	sadd.s32 @!p0 s3, s7;
	s7 =	simm.s32 @!p0 $0x108  }
0x21: {  	s3 =	sadd.s32 s3, s9;
	s6 =	sadd.s32 @!p0 $0x88, s6;
	s7 =	simm.s32 @p2 $0x1082  }
0x22: {  	[simem:s7], [sflag:s8] =	dma.local @!p0 [hbm:s6], $0xF7A  }
0x23: {  	s9 =	sor.u32 $0xD0000000, s2;
	s6 =	simm.s32 $0x108;
	_ =	swait.ge @!p0 [sflag:s8], $0x0  }
0x24: {  	s3 =	sadd.s32 $0x88, s3;
	s6 =	simm.s32 @!p1 $0x1082;
	[sflag:s4] =	ssyncset.s32 $0xFFFFF086  }
0x25: {  	[simem:s6], [sflag:s4] =	dma.local [hbm:s3], $0xF7A  }
0x26: {  	[smem:$0x3F96] =	sst s1;
	(tag) =	ssettag s2;
	_ =	strace s9  }
0x27: {  	s1 =	sld [smem:$0x3FA6]  }
0x28: {  	s2 =	sld [smem:$0x3FA7]  }
0x29: {  	s4 =	sld [smem:$0x3FA9]  }
0x2a: {  	p0 =	seq.s32 s5, $0x0;
	s5 =	sld [smem:$0x3FAA]  }
0x2b: {  	s6 =	sld [smem:$0x3FAB]  }
0x2c: {  	s7 =	sld [smem:$0x3FAC]  }
0x2d: {  	s3 =	simm.s32 $0x108;
	s8 =	sld [smem:$0x3FAD]  }
0x2e: {  	s3 =	simm.s32 @!p0 $0x1082;
	s9 =	sld [smem:$0x3FAE]  }
0x2f: {  	lr =	sadd.s32 s0, s3;
	s0 =	sld [smem:$0x3FA5]  }
0x30: {  	s3 =	sld [smem:$0x3FA8]  }
0x31: {  	[smem:$0x3FB1] =	sst s10  }
0x32: {  	s10 =	sld [smem:$0x3FAF];
	_ =	sdelay $0x3  }
0x33: {  	p0 =	seq.s32 s10, $0x1;
	s10 =	sld [smem:$0x3FB1];
	_ =	sdelay $0x3  }
0x34: {  	[smem:$0x3FB1] =	sst s10  }
0x35: {  	s10 =	sld [smem:$0x3FB0];
	_ =	sdelay $0x3  }
0x36: {  	p1 =	seq.s32 s10, $0x1;
	s10 =	sld [smem:$0x3FB1];
	_ =	sdelay $0x3  }
0x37: {  	[smem:$0x3FB1] =	sst s10  }
0x38: {  	s10 =	sld [smem:$0x3FB2]  }
0x39: {  	_ = 	snop;
	(pc) =	sbr.ind lr, $3  }
0x3a: {  	_ = 	snop  }
0x3b: {  	_ = 	snop  }
0x3c: {  	p2 =	seq.s32 s10, $0x1;
	s10 =	sld [smem:$0x3FB1]  }
0x3d: {  	_ =	shalt  }
0x3e: {  	_ =	shalt  }
0x3f: {  	_ =	shalt  }
0x40: {  	_ =	shalt  }
0x41: {  	_ =	shalt  }
0x42: {  	_ =	shalt  }
0x43: {  	_ =	shalt  }
0x44: {  	_ =	shalt  }
0x45: {  	_ =	shalt  }
0x46: {  	_ =	shalt  }
0x47: {  	_ =	shalt  }
0x48: {  	_ =	shalt  }
0x49: {  	_ =	shalt  }
0x4a: {  	_ =	shalt  }
0x4b: {  	_ =	shalt  }
0x4c: {  	_ =	shalt  }
0x4d: {  	_ =	shalt  }
0x4e: {  	_ =	shalt  }
0x4f: {  	_ =	shalt  }
0x50: {  	_ =	shalt  }
0x51: {  	_ =	shalt  }
0x52: {  	_ =	shalt  }
0x53: {  	_ =	shalt  }
0x54: {  	_ =	shalt  }
0x55: {  	_ =	shalt  }
0x56: {  	_ =	shalt  }
0x57: {  	_ =	shalt  }
0x58: {  	_ =	shalt  }
0x59: {  	_ =	shalt  }
0x5a: {  	_ =	shalt  }
0x5b: {  	_ =	shalt  }
0x5c: {  	_ =	shalt  }
0x5d: {  	_ =	shalt  }
0x5e: {  	_ =	shalt  }
0x5f: {  	_ =	shalt  }
0x60: {  	_ =	shalt  }
0x61: {  	_ =	shalt  }
0x62: {  	_ =	shalt  }
0x63: {  	_ =	shalt  }
0x64: {  	_ =	shalt  }
0x65: {  	_ =	shalt  }
0x66: {  	_ =	shalt  }
0x67: {  	_ =	shalt  }
0x68: {  	_ =	shalt  }
0x69: {  	_ =	shalt  }
0x6a: {  	_ =	shalt  }
0x6b: {  	_ =	shalt  }
0x6c: {  	_ =	shalt  }
0x6d: {  	_ =	shalt  }
0x6e: {  	_ =	shalt  }
0x6f: {  	_ =	shalt  }
0x70: {  	_ =	shalt  }
0x71: {  	_ =	shalt  }
0x72: {  	_ =	shalt  }
0x73: {  	_ =	shalt  }
0x74: {  	_ =	shalt  }
0x75: {  	_ =	shalt  }
0x76: {  	_ =	shalt  }
0x77: {  	_ =	shalt  }
0x78: {  	_ =	shalt  }
0x79: {  	_ =	shalt  }
0x7a: {  	_ =	shalt  }
0x7b: {  	_ =	shalt  }
0x7c: {  	_ =	shalt  }
0x7d: {  	_ =	shalt  }
0x7e: {  	_ =	shalt  }
0x7f: {  	_ =	shalt  }
0x80: {  	_ =	shalt  }
0x81: {  	_ =	shalt  }
0x82: {  	_ =	shalt  }
0x83: {  	_ =	shalt  }
0x84: {  	_ =	shalt  }
0x85: {  	_ =	shalt  }
0x86: {  	_ =	shalt  }
0x87: {  	_ =	shalt  }
.Lfunc_end0:
.L_simem_size_0:
called_computation.4_lowered:
.L_overlay_start_0:
0x88: {  	s2 =	sld [smem:$0x3FD9]  }
0x89: {  	s3 =	sld [smem:$0x3FFE];
	_ =	sdelay $0x1  }
0x8a: {  	s1 =	srdreg.scid  }
0x8b: {  	s0 =	sand.u32 $0x1, s1  }
0x8c: {  	s16 =	sshll.u32 s0, $0xA;
	s2 =	sadd.s32 s3, s2  }
0x8d: {  	s2 =	sadd.s32 s2, s16  }
0x8e: {  	[smem:$0x3FBD] =	sst s2  }
0x8f: {  	_ = 	snop  }
0x90: {  	(tm) =	ssettm $0x1  }
0x91: {  	s17 =	sld [smem:$0x3FFB];
	_ =	sdelay $0x3  }
0x92: {  	_ =	strace s17  }
0x93: {  	s2 =	sld [smem:$0x3FFC];
	_ =	sdelay $0x3  }
0x94: {  	_ =	strace s2  }
0x95: {  	s2 =	sld [smem:$0x3FFD];
	_ =	sdelay $0x3  }
0x96: {  	_ =	strace s2  }
0x97: {  	_ =	strace $0x8FFFFFFF  }
0x98: {  	s18 =	sld [smem:$0x3FDB];
	_ =	sdelay $0x1  }
0x99: {  	s19 =	simm.s32 $_scs_section_size  }
0x9a: {  	s4 =	simm.s32 $_size__tile_overlayer_lowered;
	s5 =	simm.s32 $_tile_overlayer_lowered  }
0x9b: {  	s22 =	simm.s32 $0x1BFF;
	s21 =	sshll.u32 s5, $0x1;
	s2 =	sadd.s32 s19, s18  }
0x9c: {  	s6 =	simm.s32 $0x0;
	s20 =	sshll.u32 s4, $0x1;
	s4 =	sadd.s32 s21, s2  }
0x9d: {  	[timem:s6], [sflag:s22] =	dma.local [hbm:s4], s20  }
0x9e: {  	_ =	swait.ge [sflag:s22], s20  }
0x9f: {  	s3 =	ssub.s32 $0x0, s20;
	[sflag:s22] =	ssyncset.done $0x0  }
0xa0: {  	[sflag:s22] =	ssyncadd.s32 s3;
	_ =	sdelay $0x1  }
0xa1: {  	s23 =	simm.s32 $0x1B8B  }
0xa2: {  	_ =	swait.ge [sflag:s23], $0x1  }
0xa3: {  	[sflag:s23] =	ssyncset.done $0x0  }
0xa4: {  	s25 =	simm.s32 $0x1B8E;
	s24 =	sld [smem:$0x3FFE];
	[sflag:s23] =	ssyncadd.s32 $0xFFFFFFFF  }
0xa5: {  	s26 =	simm.s32 $execute0_lowered;
	[smem:$0x3FD2] =	sst s25  }
0xa6: {  	s4 =	sshll.u32 s26, $0x1;
	_ =	strace $0x80000052;
	[dreg:$0x1] =	wrdreg $0xFFFFFFFF  }
0xa7: {  	s28 =	simm.s32 $_size_execute0_lowered;
	s2 =	sadd.s32 s2, s4;
	[dreg:$0x0] =	wrdreg $0x0  }
0xa8: {  	s4 =	sshll.u32 s28, $0x1;
	[dreg:$0x2] =	wrdreg s2  }
0xa9: {  	[dreg:$0x3] =	wrdreg s4  }
0xaa: {  	[dreg:$0x4] =	wrdreg $0xC0  }
0xab: {  	_ =	task [dreg:s6], $0x5FFFF  }
0xac: {  	[dreg:$0x1] =	wrdreg $0xFFFFFFFF  }
0xad: {  	[dreg:$0x0] =	wrdreg $0x60  }
0xae: {  	[dreg:$0x2] =	wrdreg s24  }
0xaf: {  	[dreg:$0x3] =	wrdreg $0xAB000  }
0xb0: {  	[dreg:$0x4] =	wrdreg $0x9  }
0xb1: {  	_ =	task.clear_ibuf [dreg:s6], $0x5FFFF;
	_ =	strace $0x90000052  }
0xb2: {  	s29 =	simm.s32 $0x9;
	_ =	strace $0x80000054  }
0xb3: {  	_ =	swait.ge [sflag:s29], $0x1  }
0xb4: {  	[sflag:s29] =	ssyncadd.s32 $0xFFFFFFFF  }
0xb5: {  	_ =	strace $0x90000054  }
0xb6: {  	_ =	sfence  }
0xb7: {  	s30 =	sld [smem:$0x0];
	_ =	sdelay $0x2  }
0xb8: {  	s31 =	sshll.u32 s1, $0xD;
	s1 =	sshrl.u32 s1, $0x2  }
0xb9: {  	s3 =	sand.u32 $0x4000, s31;
	s1 =	sadd.s32 s1, s30  }
0xba: {  	s0 =	sor.u32 s3, s0;
	s1 =	sshll.u32 s1, $0x11  }
0xbb: {  	s0 =	sor.u32 s1, s0  }
0xbc: {  	s0 =	sadd.s32 $0x8F2B, s0  }
0xbd: {  	[sflag:s0] =	ssyncadd.remote.s32 $0x1  }
0xbe: {  	_ =	sfence.sel $0xFFFF  }
0xbf: {  	[dreg:$0x0] =	wrdreg $0xFFFFFFFF;
	(pc) =	sbr.abs _section_cstart, $3  }
0xc0: {  	[dreg:$0x1] =	wrdreg $0xFFFFFFFF  }
0xc1: {  	_ =	task.clear_ibuf [dreg:s6], $0x2FFFF;
	_ =	strace $0x9FFFFFFF  }
0xc2: {  	(tm) =	ssettm $0x7FFFFFFF  }
0xc3: {  	_ =	shalt  }
tec
execute0_lowered:
.L_overlay_start_1:
0x0: {  	(tag) =	ssettag $0x1  }
0x1: {  	s12 =	stileid.u32  }
0x2: {  	s0 =	srdreg.scid;
	s5 =	rddreg [dreg:$0x0];
	s3 =	simm.s32 $0x0  }
0x3: {  	s16 =	simm.s32 $0x7;
	s17 =	simm.s32 $0x70;
	s18 =	simm.s32 $0x300  }
0x4: {  	s19 =	simm.s32 $0x80;
	s20 =	simm.s32 $0x3B00;
	s21 =	simm.s32 $0x100  }
0x5: {  	s28 =	simm.s32 $0x200;
	s29 =	simm.s32 $0x5;
	s1 =	smul.u32 $0x3C, s12  }
0x6: {  	s30 =	simm.s32 $0x3;
	s31 =	simm.s32 $0x280;
	s2 =	smul.u32 $0x12C, s12  }
0x7: {  	s0 =	sand.u32 $0x1, s0;
	[smem:$0x7FF] =	sst s3;
	s7 =	smul.u32 $0x14000, s12  }
0x8: {  	s4 =	sadd.s32 $0x31C00, s5;
	s10 =	sadd.s32 $0x7C00, s5;
	s8 =	sadd.s32 $0x2F400, s5  }
0x9: {  	s11 =	smul.u32 $0x50000, s12;
	s24 =	sshll.u32 s12, $0x6;
	p0 =	seq.s32 s0, $0x0  }
0xa: {  	s6 =	smul.u32 $0x140000, s0;
	s0 =	ssub.s32 $0x2, s0;
	s1 =	sadd.s32 $0x12C0, s1  }
0xb: {  	s22 =	sshrl.u32 s0, $0x1;
	s1 =	smov.u32 @p0 s2;
	s2 =	rddreg [dreg:$0x1]  }
0xc: {  	s23 =	sshrl.u32 s11, $0x2;
	_ =	strace $0x80000053;
	[dreg:$0x3] =	wrdreg s8  }
0xd: {  	s6 =	sadd.s32 s7, s6;
	s0 =	ssub.s32 s0, s22;
	s9 =	smul.u32 $0xE, s1  }
0xe: {  	s22 =	simm.s32 $0x7300;
	s7 =	sshrl.u32 s6, $0x3;
	s1 =	smul.u32 $0x70, s1  }
0xf: {  	s6 =	simm.s32 $0x1068;
	s15 =	sadd.s32 s23, s2;
	s12 =	smax.u32 s0, $0x1  }
0x10: {  	s23 =	simm.s32 $0x1;
	s0 =	simm.s32 $0x0;
	s6 =	simm.s32 @!p0 $0x348  }
0x11: {  	s15 =	sshrl.u32 s15, $0x3;
	s14 =	sadd.s32 s9, s5;
	s5 =	sadd.s32 s7, s5  }
0x12: {  	s1 =	sshrl.u32 s1, $0x3;
	s7 =	sor.u32 $0x1C07, s24;
	s13 =	sadd.s32 s9, s10  }
0x13: {  	s24 =	simm.s32 $0x180;
	s8 =	sadd.s32 s10, s1;
	s26 =	sadd.s32 $0x81E00, s5  }
0x14: {  	s14 =	sadd.s32 $0x1B800, s14;
	s1 =	sadd.s32 $0xE, s8;
	[dreg:$0x6] =	wrdreg s26  }
0x15: {  	s25 =	sadd.s32 $0x1C, s8;
	s26 =	simm.s32 $0x2;
	[dreg:$0x4] =	wrdreg s1  }
0x16: {  	[dreg:$0x5] =	wrdreg s25;
	s25 =	simm.s32 $0x4;
	s1 =	simm.s32 $0x6  }
.LBB2_1:
0x17: {  	s5 =	rddreg [dreg:$0x3]  }
0x18: {  	[spmem:s15], [sflag:s7] =	dma.local [hbm:s5], $0x2800  }
0x19: {  	_ =	swait.ge [sflag:s16], $0x2800  }
0x1a: {  	[sflag:s16] =	ssyncset.done $0x0  }
0x1b: {  	[sflag:s16] =	ssyncadd.s32 $0xFFFFD800  }
0x1c: {  	[bflag:$0x0] =	sbarrier.arrive $0xFFFF  }
0x1d: {  	[tilespmem:s3], [sflag:$0x7] =	stream.linear.gather [hbm4b:s8+s3], $0x70, $0x38;
	[tilespmem:$0x1EB40] =	vst v63  }
0x1e: {  	_ =	swait.ge [sflag:s16], $0x70  }
0x1f: {  	[sflag:s16] =	ssyncset.done $0x0  }
0x20: {  	[sflag:s16] =	ssyncadd.s32 $0xFFFFFF90  }
0x21: {  	[tilespmem:s18], [sflag:$0x1] =	stream.indirect.gather [hbm4b:s4+s17], $0x80, s3, s17, $0xb8;
	[tilespmem:$0x1EB40] =	vst v63  }
0x22: {  	s9 =	rddreg [dreg:$0x4]  }
0x23: {  	[tilespmem:s19], [sflag:$0x7] =	stream.linear.gather [hbm4b:s9+s3], $0x70, $0x38;
	[tilespmem:$0x1EB40] =	vst v63  }
0x24: {  	_ =	swait.ge [sflag:s16], $0x70  }
0x25: {  	[sflag:s16] =	ssyncset.done $0x0  }
0x26: {  	[sflag:s16] =	ssyncadd.s32 $0xFFFFFF90  }
0x27: {  	[tilespmem:s20], [sflag:$0x2] =	stream.indirect.gather [hbm4b:s4+s17], $0x80, s19, s17, $0xb8;
	[tilespmem:$0x1EB40] =	vst v63  }
0x28: {  	s10 =	rddreg [dreg:$0x5]  }
0x29: {  	[tilespmem:s21], [sflag:$0x7] =	stream.linear.gather [hbm4b:s10+s3], $0x70, $0x38;
	[tilespmem:$0x1EB40] =	vst v63  }
0x2a: {  	_ =	swait.ge [sflag:s16], $0x70  }
0x2b: {  	[sflag:s16] =	ssyncset.done $0x0  }
0x2c: {  	[sflag:s16] =	ssyncadd.s32 $0xFFFFFF90  }
0x2d: {  	[tilespmem:s22], [sflag:$0x3] =	stream.indirect.gather [hbm4b:s4+s17], $0x80, s21, s17, $0xb8;
	[tilespmem:$0x1EB40] =	vst v63  }
0x2e: {  	_ =	swait.ge [sflag:s23], $0x3800  }
0x2f: {  	[sflag:s23] =	ssyncset.done $0x0  }
0x30: {  	s5 =	sadd.s32 $0x0, s14;
	[sflag:s23] =	ssyncadd.s32 $0xFFFFC800  }
0x31: {  	[tilespmem:s24], [sflag:$0x7] =	stream.linear.gather [hbm4b:s5+s3], $0x70, $0x38;
	[tilespmem:$0x1EB40] =	vst v63  }
0x32: {  	_ =	swait.ge [sflag:s16], $0x70  }
0x33: {  	[sflag:s16] =	ssyncset.done $0x0  }
0x34: {  	s9 =	sadd.s32 $0x0, s13;
	[sflag:s16] =	ssyncadd.s32 $0xFFFFFF90  }
0x35: {  	[spmem:s2] =	stream.indirect.scatter.add.f32 [tilespmem:s18], [sflag:$0x4], $0x80, s24, s17, $0xb8;
	[tilespmem:$0x1EB40] =	vst v63  }
0x36: {  	s10 =	sadd.s32 $0x2A, s9  }
0x37: {  	[tilespmem:s3], [sflag:$0x7] =	stream.linear.gather [hbm4b:s10+s3], $0x70, $0x38;
	[tilespmem:$0x1EB40] =	vst v63  }
0x38: {  	_ =	swait.ge [sflag:s16], $0x70  }
0x39: {  	[sflag:s16] =	ssyncset.done $0x0  }
0x3a: {  	[sflag:s16] =	ssyncadd.s32 $0xFFFFFF90  }
0x3b: {  	_ =	swait.ge [sflag:s25], $0x3800  }
0x3c: {  	[sflag:s25] =	ssyncset.done $0x0  }
0x3d: {  	[sflag:s25] =	ssyncadd.s32 $0xFFFFC800  }
0x3e: {  	[tilespmem:s18], [sflag:$0x1] =	stream.indirect.gather [hbm4b:s4+s17], $0x80, s3, s17, $0xb8;
	[tilespmem:$0x1EB40] =	vst v63  }
0x3f: {  	_ =	swait.ge [sflag:s26], $0x3800  }
0x40: {  	[sflag:s26] =	ssyncset.done $0x0  }
0x41: {  	s11 =	sadd.s32 $0xE, s5;
	[sflag:s26] =	ssyncadd.s32 $0xFFFFC800  }
0x42: {  	[tilespmem:s28], [sflag:$0x7] =	stream.linear.gather [hbm4b:s11+s3], $0x70, $0x38;
	[tilespmem:$0x1EB40] =	vst v63  }
0x43: {  	_ =	swait.ge [sflag:s16], $0x70  }
0x44: {  	[sflag:s16] =	ssyncset.done $0x0  }
0x45: {  	[sflag:s16] =	ssyncadd.s32 $0xFFFFFF90  }
0x46: {  	[spmem:s2] =	stream.indirect.scatter.add.f32 [tilespmem:s20], [sflag:$0x5], $0x80, s28, s17, $0xb8;
	[tilespmem:$0x1EB40] =	vst v63  }
0x47: {  	s11 =	sadd.s32 $0x38, s9  }
0x48: {  	[tilespmem:s19], [sflag:$0x7] =	stream.linear.gather [hbm4b:s11+s3], $0x70, $0x38;
	[tilespmem:$0x1EB40] =	vst v63  }
0x49: {  	_ =	swait.ge [sflag:s16], $0x70  }
0x4a: {  	[sflag:s16] =	ssyncset.done $0x0  }
0x4b: {  	[sflag:s16] =	ssyncadd.s32 $0xFFFFFF90  }
0x4c: {  	_ =	swait.ge [sflag:s29], $0x3800  }
0x4d: {  	[sflag:s29] =	ssyncset.done $0x0  }
0x4e: {  	[sflag:s29] =	ssyncadd.s32 $0xFFFFC800  }
0x4f: {  	[tilespmem:s20], [sflag:$0x2] =	stream.indirect.gather [hbm4b:s4+s17], $0x80, s19, s17, $0xb8;
	[tilespmem:$0x1EB40] =	vst v63  }
0x50: {  	_ =	swait.ge [sflag:s30], $0x3800  }
0x51: {  	[sflag:s30] =	ssyncset.done $0x0  }
0x52: {  	s5 =	sadd.s32 $0x1C, s5;
	[sflag:s30] =	ssyncadd.s32 $0xFFFFC800  }
0x53: {  	[tilespmem:s31], [sflag:$0x7] =	stream.linear.gather [hbm4b:s5+s3], $0x70, $0x38;
	[tilespmem:$0x1EB40] =	vst v63  }
0x54: {  	_ =	swait.ge [sflag:s16], $0x70  }
0x55: {  	[sflag:s16] =	ssyncset.done $0x0  }
0x56: {  	[sflag:s16] =	ssyncadd.s32 $0xFFFFFF90  }
0x57: {  	[spmem:s2] =	stream.indirect.scatter.add.f32 [tilespmem:s22], [sflag:$0x6], $0x80, s31, s17, $0xb8;
	[tilespmem:$0x1EB40] =	vst v63  }
0x58: {  	s11 =	sadd.s32 $0x46, s9  }
0x59: {  	[tilespmem:s21], [sflag:$0x7] =	stream.linear.gather [hbm4b:s11+s3], $0x70, $0x38;
	[tilespmem:$0x1EB40] =	vst v63  }
0x5a: {  	p0 =	sne.s32 s6, $0x2A;
	_ =	swait.ge [sflag:s16], $0x70  }
.Ltmp0:
0x5b: {  	[sflag:s16] =	ssyncset.done $0x0;
	(pc) =	sbr.rel @!p0 .LBB2_3-.Ltmp0, $4  }
0x5c: {  	[sflag:s16] =	ssyncadd.s32 $0xFFFFFF90  }
0x5d: {  	_ =	swait.ge [sflag:s1], $0x3800  }
0x5e: {  	[sflag:s1] =	ssyncset.done $0x0  }
0x5f: {  	s5 =	simm.s32 $0x2A;
	[sflag:s1] =	ssyncadd.s32 $0xFFFFC800  }
.LBB2_2:
0x60: {  	[tilespmem:s22], [sflag:$0x3] =	stream.indirect.gather [hbm4b:s4+s17], $0x80, s21, s17, $0xb8;
	[tilespmem:$0x1EB40] =	vst v63  }
0x61: {  	s9 =	smov.u32 s5;
	s5 =	sadd.s32 $0x2A, s5;
	_ =	swait.ge [sflag:s23], $0x3800  }
0x62: {  	p0 =	sne.s32 s6, s5;
	[sflag:s23] =	ssyncset.done $0x0  }
0x63: {  	s10 =	sadd.s32 s9, s14;
	[sflag:s23] =	ssyncadd.s32 $0xFFFFC800  }
0x64: {  	[tilespmem:s24], [sflag:$0x7] =	stream.linear.gather [hbm4b:s10+s3], $0x70, $0x38;
	[tilespmem:$0x1EB40] =	vst v63  }
0x65: {  	_ =	swait.ge [sflag:s16], $0x70  }
0x66: {  	[sflag:s16] =	ssyncset.done $0x0  }
0x67: {  	s9 =	sadd.s32 s9, s13;
	[sflag:s16] =	ssyncadd.s32 $0xFFFFFF90  }
0x68: {  	[spmem:s2] =	stream.indirect.scatter.add.f32 [tilespmem:s18], [sflag:$0x4], $0x80, s24, s17, $0xb8;
	[tilespmem:$0x1EB40] =	vst v63  }
0x69: {  	s11 =	sadd.s32 $0x2A, s9  }
0x6a: {  	[tilespmem:s3], [sflag:$0x7] =	stream.linear.gather [hbm4b:s11+s3], $0x70, $0x38;
	[tilespmem:$0x1EB40] =	vst v63  }
0x6b: {  	_ =	swait.ge [sflag:s16], $0x70  }
0x6c: {  	[sflag:s16] =	ssyncset.done $0x0  }
0x6d: {  	[sflag:s16] =	ssyncadd.s32 $0xFFFFFF90  }
0x6e: {  	_ =	swait.ge [sflag:s25], $0x3800  }
0x6f: {  	[sflag:s25] =	ssyncset.done $0x0  }
0x70: {  	[sflag:s25] =	ssyncadd.s32 $0xFFFFC800  }
0x71: {  	[tilespmem:s18], [sflag:$0x1] =	stream.indirect.gather [hbm4b:s4+s17], $0x80, s3, s17, $0xb8;
	[tilespmem:$0x1EB40] =	vst v63  }
0x72: {  	_ =	swait.ge [sflag:s26], $0x3800  }
0x73: {  	[sflag:s26] =	ssyncset.done $0x0  }
0x74: {  	s11 =	sadd.s32 $0xE, s10;
	[sflag:s26] =	ssyncadd.s32 $0xFFFFC800  }
0x75: {  	[tilespmem:s28], [sflag:$0x7] =	stream.linear.gather [hbm4b:s11+s3], $0x70, $0x38;
	[tilespmem:$0x1EB40] =	vst v63  }
0x76: {  	_ =	swait.ge [sflag:s16], $0x70  }
0x77: {  	[sflag:s16] =	ssyncset.done $0x0  }
0x78: {  	[sflag:s16] =	ssyncadd.s32 $0xFFFFFF90  }
0x79: {  	[spmem:s2] =	stream.indirect.scatter.add.f32 [tilespmem:s20], [sflag:$0x5], $0x80, s28, s17, $0xb8;
	[tilespmem:$0x1EB40] =	vst v63  }
0x7a: {  	s11 =	sadd.s32 $0x38, s9  }
0x7b: {  	[tilespmem:s19], [sflag:$0x7] =	stream.linear.gather [hbm4b:s11+s3], $0x70, $0x38;
	[tilespmem:$0x1EB40] =	vst v63  }
0x7c: {  	_ =	swait.ge [sflag:s16], $0x70  }
0x7d: {  	[sflag:s16] =	ssyncset.done $0x0  }
0x7e: {  	[sflag:s16] =	ssyncadd.s32 $0xFFFFFF90  }
0x7f: {  	_ =	swait.ge [sflag:s29], $0x3800  }
0x80: {  	[sflag:s29] =	ssyncset.done $0x0  }
0x81: {  	[sflag:s29] =	ssyncadd.s32 $0xFFFFC800  }
0x82: {  	[tilespmem:s20], [sflag:$0x2] =	stream.indirect.gather [hbm4b:s4+s17], $0x80, s19, s17, $0xb8;
	[tilespmem:$0x1EB40] =	vst v63  }
0x83: {  	_ =	swait.ge [sflag:s30], $0x3800  }
0x84: {  	[sflag:s30] =	ssyncset.done $0x0  }
0x85: {  	s10 =	sadd.s32 $0x1C, s10;
	[sflag:s30] =	ssyncadd.s32 $0xFFFFC800  }
0x86: {  	[tilespmem:s31], [sflag:$0x7] =	stream.linear.gather [hbm4b:s10+s3], $0x70, $0x38;
	[tilespmem:$0x1EB40] =	vst v63  }
0x87: {  	_ =	swait.ge [sflag:s16], $0x70  }
0x88: {  	[sflag:s16] =	ssyncset.done $0x0  }
0x89: {  	[sflag:s16] =	ssyncadd.s32 $0xFFFFFF90  }
0x8a: {  	[spmem:s2] =	stream.indirect.scatter.add.f32 [tilespmem:s22], [sflag:$0x6], $0x80, s31, s17, $0xb8;
	[tilespmem:$0x1EB40] =	vst v63  }
0x8b: {  	s9 =	sadd.s32 $0x46, s9  }
0x8c: {  	[tilespmem:s21], [sflag:$0x7] =	stream.linear.gather [hbm4b:s9+s3], $0x70, $0x38;
	[tilespmem:$0x1EB40] =	vst v63  }
0x8d: {  	_ =	swait.ge [sflag:s16], $0x70  }
.Ltmp1:
0x8e: {  	[sflag:s16] =	ssyncset.done $0x0;
	(pc) =	sbr.rel @p0 .LBB2_2-.Ltmp1, $4  }
0x8f: {  	[sflag:s16] =	ssyncadd.s32 $0xFFFFFF90  }
0x90: {  	_ =	swait.ge [sflag:s1], $0x3800  }
0x91: {  	[sflag:s1] =	ssyncset.done $0x0  }
0x92: {  	[sflag:s1] =	ssyncadd.s32 $0xFFFFC800  }
.LBB2_3:
0x93: {  	[tilespmem:s22], [sflag:$0x3] =	stream.indirect.gather [hbm4b:s4+s17], $0x80, s21, s17, $0xb8;
	[tilespmem:$0x1EB40] =	vst v63  }
0x94: {  	_ =	swait.ge [sflag:s23], $0x3800  }
0x95: {  	[sflag:s23] =	ssyncset.done $0x0  }
0x96: {  	[sflag:s23] =	ssyncadd.s32 $0xFFFFC800  }
0x97: {  	_ =	swait.ge [sflag:s26], $0x3800  }
0x98: {  	[sflag:s26] =	ssyncset.done $0x0  }
0x99: {  	[sflag:s26] =	ssyncadd.s32 $0xFFFFC800  }
0x9a: {  	_ =	swait.ge [sflag:s30], $0x3800  }
0x9b: {  	[sflag:s30] =	ssyncset.done $0x0  }
0x9c: {  	s0 =	sadd.s32 $0x1, s0;
	[sflag:s30] =	ssyncadd.s32 $0xFFFFC800  }
0x9d: {  	p0 =	sne.s32 s0, s12;
	[bflag:$0x0] =	sbarrier.arrive $0xFFFF  }
.Ltmp2:
0x9e: {  	s5 =	rddreg [dreg:$0x6];
	(pc) =	sbr.rel @p0 .LBB2_1-.Ltmp2, $4  }
0x9f: {  	[hbm:s5], [sflag:s7] =	dma.local [spmem:s15], $0x2800  }
0xa0: {  	_ =	swait.ge [sflag:s16], $0x2800  }
0xa1: {  	[sflag:s16] =	ssyncset.done $0x0  }
0xa2: {  	[sflag:s16] =	ssyncadd.s32 $0xFFFFD800  }
0xa3: {  	_ =	sfence.sel $0x180000  }
0xa4: {  	[bflag:$0x0] =	sbarrier.arrive $0xFFFF  }
0xa5: {  	_ =	strace $0x90000053  }
0xa6: {  	s0 =	stileid.u32;
	[bflag:$0x2] =	sbarrier.arrive $0xFFFF  }
0xa7: {  	p0 =	sne.s32 s0, $0x0;
	s0 =	rddreg [dreg:$0x2]  }
0xa8: {  	s0 =	sadd.s32 @!p0 $0x100000, s0  }
0xa9: {  	[sflag:s0] =	ssyncadd.tile.s32 @!p0 $0x1;
	_ =	shalt  }
.Lfunc_end2:
_tile_overlayer_lowered:
.L_overlay_start_2:
0xaa: {  	(tag) =	ssettag $0x2  }
0xab: {  	s0 =	rddreg [dreg:$0x0];
	s2 =	stileid.u32  }
0xac: {  	s1 =	rddreg [dreg:$0x1];
	p0 =	sne.s32 s2, $0x0  }
0xad: {  	s3 =	rddreg [dreg:$0x2];
	[bflag:$0x3] =	sbarrier.arrive $0xFFFF;
	s2 =	simm.s32 @!p0 $0x1C07  }
0xae: {  	[timem:s3], [sflag:s2] =	dma.local @!p0 [hbm:s0], s1  }
0xaf: {  	s0 =	simm.s32 @!p0 $0x7  }
0xb0: {  	_ =	swait.ge @!p0 [sflag:s0], s1  }
0xb1: {  	s1 =	ssub.s32 @!p0 $0x0, s1;
	[sflag:s0] =	ssyncset.done @!p0 $0x0  }
0xb2: {  	[sflag:s0] =	ssyncadd.s32 @!p0 s1  }
0xb3: {  	[bflag:$0x3] =	sbarrier.arrive $0xFFFF  }
0xb4: {  	_ =	shalt  }

</sc_bundles>
